<compile_context>
chip_gen: v7x
topology: tpu7x:2x2x1
jax: 0.10.2.dev20260603
libtpu: 0.0.44.dev20260713+nightly
codegen_flags: <defaults>
</compile_context>

<pallas_src>
import functools

import jax
import jax.numpy as jnp
from jax import lax
from jax.experimental import pallas as pl
from jax.experimental.pallas import tpu as pltpu
from jax.experimental.pallas import tpu_sc as plsc

NEG_INIT = -3.0e38
LANES = 16
UNROLL = 5


def _take(v, idx):
    return lax.gather(
        v, idx[:, None],
        dimension_numbers=lax.GatherDimensionNumbers(
            offset_dims=(), collapsed_slice_dims=(0,),
            start_index_map=(0,)),
        slice_sizes=(1,),
        mode=lax.GatherScatterMode.PROMISE_IN_BOUNDS)


def _splat(v, j):
    return _take(v, jnp.zeros((LANES,), jnp.int32) + j)


def _matvec_body(f_ref, w_ref, as_ref, ad_ref, o_ref):
    n = f_ref.shape[0]
    o_ref[pl.ds(0, n), :] = jnp.dot(f_ref[:, :], w_ref[:, :],
                                    preferred_element_type=jnp.float32)
    o_ref[pl.ds(n, 8), :] = jnp.full((8, 1), 1.0) * as_ref[0, 0]
    o_ref[pl.ds(n + 8, 8), :] = jnp.full((8, 1), 1.0) * ad_ref[0, 0]


def _final_body(m_ref, den_ref, num_ref, b_ref, o_ref):
    m0 = m_ref[0]
    m1 = m_ref[1]
    mm = jnp.maximum(m0, m1)
    s0 = jnp.exp(m0 - mm)
    s1 = jnp.exp(m1 - mm)
    den = den_ref[0] * s0 + den_ref[1] * s1
    num = num_ref[0] * s0 + num_ref[1] * s1
    o_ref[:, :] = num / (den + 1e-16) + b_ref[0, 0]


def _islast(keys, iota):
    kn = _take(keys, jnp.minimum(iota + 1, LANES - 1))
    return (iota == LANES - 1) | (keys != kn)


def _seg_max_scan(keys, vals, iota):
    for sh in (1, 2, 4, 8):
        idx = jnp.maximum(iota - sh, 0)
        same = (_take(keys, idx) == keys) & (iota >= sh)
        vals = jnp.where(same, jnp.maximum(vals, _take(vals, idx)), vals)
    return vals


def _seg_sum_scan2(keys, v1, v2, iota):
    for sh in (1, 2, 4, 8):
        idx = jnp.maximum(iota - sh, 0)
        same = (_take(keys, idx) == keys) & (iota >= sh)
        v1 = jnp.where(same, v1 + _take(v1, idx), v1)
        v2 = jnp.where(same, v2 + _take(v2, idx), v2)
    return v1, v2


def _make_sc_kernel(n_pad, e_per, nt, n_edges, n_real):
    nslice = n_pad // nt
    nvec = nslice // LANES
    mesh = plsc.VectorSubcoreMesh(core_axis_name="c", subcore_axis_name="s")
    part = jax.ShapeDtypeStruct((2, n_pad), jnp.float32)

    @functools.partial(
        pl.kernel, mesh=mesh,
        compiler_params=pltpu.CompilerParams(needs_layout_passes=False),
        out_type=[part, part, part],
        scratch_types=[
            pltpu.VMEM((n_pad,), jnp.float32),
            pltpu.VMEM((e_per,), jnp.int32),
            pltpu.VMEM((e_per,), jnp.int32),
            pltpu.VMEM((n_pad,), jnp.float32),
            pltpu.VMEM((n_pad,), jnp.float32),
            pltpu.VMEM((n_pad,), jnp.float32),
            pltpu.VMEM((nt * 3, nslice), jnp.float32),
            pltpu.VMEM((nslice,), jnp.float32),
            pltpu.VMEM((nslice,), jnp.float32),
            pltpu.VMEM((nslice,), jnp.float32),
            pltpu.VMEM_SHARED((nt, 3 * n_pad), jnp.float32),
            pltpu.VMEM_SHARED((n_pad,), jnp.float32),
            pltpu.SemaphoreType.DMA,
        ],
    )
    def sc_kernel(x_hbm, edge_hbm,
                  m_part_hbm, den_part_hbm, num_part_hbm,
                  x_v, src_v, dst_v, amax_v, den_v, num_v,
                  gath_v, macc_v, dacc_v, nacc_v, sh_ref, xsh_ref, sem):
        c = lax.axis_index("c")
        s = lax.axis_index("s")
        wid = c * nt + s
        ebase = wid * e_per
        @pl.when(s == 0)
        def _stage_x():
            pltpu.sync_copy(x_hbm, xsh_ref)
        ecopies = [
            pltpu.async_copy(edge_hbm.at[pl.ds(ebase, e_per)], src_v, sem),
            pltpu.async_copy(edge_hbm.at[pl.ds(n_edges + ebase, e_per)],
                             dst_v, sem),
        ]
        plsc.subcore_barrier()
        pltpu.sync_copy(xsh_ref, x_v)
        for cp in ecopies:
            cp.wait()
        zero16 = jnp.zeros((LANES,), jnp.int32)
        a_s = plsc.load_gather(x_v, [zero16 + n_real])
        a_d = plsc.load_gather(x_v, [zero16 + (n_real + 8)])
        iota = lax.iota(jnp.int32, LANES)

        def fill(refs, value):
            fu = 8
            def body(i, _):
                v = jnp.full((LANES,), value, jnp.float32)
                for ref in refs:
                    for u in range(fu):
                        ref[pl.ds((i * fu + u) * LANES, LANES)] = v
                return 0
            lax.fori_loop(0, n_pad // (LANES * fu), body, 0)

        fill([amax_v], NEG_INIT)

        def pass1(i, _):
            base = i * (LANES * UNROLL)
            offs = [base + u * LANES for u in range(UNROLL)]
            sid = [src_v[pl.ds(o, LANES)] for o in offs]
            did = [dst_v[pl.ds(o, LANES)] for o in offs]
            kss = []
            alphas = []
            masks = []
            for u in range(UNROLL):
                ku, ss = plsc.sort_key_val(plsc.bitcast(did[u], jnp.uint32),
                                           sid[u])
                ks = plsc.bitcast(ku, jnp.int32)
                xs = plsc.load_gather(x_v, [ss])
                xd = plsc.load_gather(x_v, [ks])
                l = a_s * xs + a_d * xd
                alpha = jnp.maximum(l, 0.2 * l)
                kss.append((ks, ss))
                alphas.append(alpha)
                masks.append(_islast(ks, iota))
            for o, (ks, ss) in zip(offs, kss):
                dst_v[pl.ds(o, LANES)] = ks
                src_v[pl.ds(o, LANES)] = ss
            nodup = jnp.all(functools.reduce(lambda a, b: a & b, masks))
            vss = lax.cond(
                nodup,
                lambda: tuple(alphas),
                lambda: tuple(_seg_max_scan(kss[u][0], alphas[u], iota)
                              for u in range(UNROLL)))
            for (ks, ss), vs, islast in zip(kss, vss, masks):
                cur = plsc.load_gather(amax_v, [ks])
                plsc.store_scatter(amax_v, [ks], jnp.maximum(cur, vs),
                                   mask=islast)
            return 0
        lax.fori_loop(0, e_per // (LANES * UNROLL), pass1, 0)

        fill([den_v, num_v], 0.0)

        def pass2(i, _):
            base = i * (LANES * UNROLL)
            offs = [base + u * LANES for u in range(UNROLL)]
            kslist = []
            evals = []
            masks = []
            for o in offs:
                ks = dst_v[pl.ds(o, LANES)]
                ss = src_v[pl.ds(o, LANES)]
                xs = plsc.load_gather(x_v, [ss])
                xd = plsc.load_gather(x_v, [ks])
                l = a_s * xs + a_d * xd
                alpha = jnp.maximum(l, 0.2 * l)
                am = plsc.load_gather(amax_v, [ks])
                e = jnp.exp(alpha - am)
                kslist.append(ks)
                evals.append((e, e * xs))
                masks.append(_islast(ks, iota))
            nodup = jnp.all(functools.reduce(lambda a, b: a & b, masks))

            def scanned():
                out = []
                for u in range(UNROLL):
                    es, xxs = _seg_sum_scan2(kslist[u], evals[u][0],
                                             evals[u][1], iota)
                    out.extend((es, xxs))
                return tuple(out)

            flat = lax.cond(
                nodup,
                lambda: tuple(v for ev in evals for v in ev),
                scanned)
            for u in range(UNROLL):
                plsc.addupdate_scatter(den_v, [kslist[u]], flat[2 * u],
                                       mask=masks[u])
                plsc.addupdate_scatter(num_v, [kslist[u]],
                                       flat[2 * u + 1], mask=masks[u])
            return 0
        lax.fori_loop(0, e_per // (LANES * UNROLL), pass2, 0)

        pubs = [
            pltpu.async_copy(amax_v, sh_ref.at[s, pl.ds(0, n_pad)], sem),
            pltpu.async_copy(den_v, sh_ref.at[s, pl.ds(n_pad, n_pad)], sem),
            pltpu.async_copy(num_v, sh_ref.at[s, pl.ds(2 * n_pad, n_pad)],
                             sem),
        ]
        for cp in pubs:
            cp.wait()
        plsc.subcore_barrier()

        nbase = s * nslice
        copies = []
        for t in range(nt):
            for k in range(3):
                copies.append(pltpu.async_copy(
                    sh_ref.at[t, pl.ds(k * n_pad + nbase, nslice)],
                    gath_v.at[t * 3 + k], sem))
        for cp in copies:
            cp.wait()

        def comb(j, _):
            sl = pl.ds(j * LANES, LANES)
            mm = gath_v[0, sl]
            for t in range(1, nt):
                mm = jnp.maximum(mm, gath_v[t * 3, sl])
            dacc = jnp.zeros((LANES,), jnp.float32)
            nacc = jnp.zeros((LANES,), jnp.float32)
            for t in range(nt):
                sc = jnp.exp(gath_v[t * 3, sl] - mm)
                dacc = dacc + gath_v[t * 3 + 1, sl] * sc
                nacc = nacc + gath_v[t * 3 + 2, sl] * sc
            macc_v[sl] = mm
            dacc_v[sl] = dacc
            nacc_v[sl] = nacc
            return 0
        lax.fori_loop(0, nvec, comb, 0)

        outs = [
            pltpu.async_copy(macc_v, m_part_hbm.at[c, pl.ds(nbase, nslice)],
                             sem),
            pltpu.async_copy(dacc_v,
                             den_part_hbm.at[c, pl.ds(nbase, nslice)], sem),
            pltpu.async_copy(nacc_v,
                             num_part_hbm.at[c, pl.ds(nbase, nslice)], sem),
        ]
        for cp in outs:
            cp.wait()

    return sc_kernel


def kernel(F, edge_index, W, att_src, att_dst, bias):
    n, d = F.shape
    e = edge_index.shape[1]
    nw, nt = 32, 16
    n_pad = ((n + 16 * nt - 1) // (16 * nt)) * (16 * nt)
    e_per = e // nw

    x2 = pl.pallas_call(
        _matvec_body,
        out_shape=jax.ShapeDtypeStruct((n_pad, 1), jnp.float32),
    )(F, W, att_src.reshape(1, 1), att_dst.reshape(1, 1))
    x_flat = x2.reshape(n_pad)

    sc_kernel = _make_sc_kernel(n_pad, e_per, nt, e, n)
    m_part, den_part, num_part = sc_kernel(x_flat, edge_index.reshape(2 * e))

    out2 = pl.pallas_call(
        _final_body,
        out_shape=jax.ShapeDtypeStruct((n_pad // 128, 128), jnp.float32),
    )(m_part.reshape(2, n_pad // 128, 128),
      den_part.reshape(2, n_pad // 128, 128),
      num_part.reshape(2, n_pad // 128, 128),
      bias.reshape(1, 1))
    return out2.reshape(n_pad)[:n]

# --- scband reference (transcript-rebuilt; emitter-appended) ---
"""Pipeline reference for scband-patient-attention-net-35192962023826 (READ-ONLY COPY).

The authoritative reference and input builder live on the scoring server;
editing this copy changes nothing except your own understanding.
"""

import jax, jax.numpy as jnp
import numpy as np

N_NODES = 10000
N_EDGES = 320000
D_FEAT = 128
HEADS = 1
OUT_C = 1

def setup_inputs(seed: int = 0):
    key = jax.random.key(seed)
    k1, k2, k3, k4, k5 = jax.random.split(key, 5)
    F = jax.random.normal(k1, (N_NODES, D_FEAT), dtype=jnp.float32)
    edge_index = jax.random.randint(k2, (2, N_EDGES), 0, N_NODES, dtype=jnp.int32)
    # GATConv(in_dim, 1, heads=1, concat=False) parameters
    W = jax.random.normal(k3, (D_FEAT, HEADS * OUT_C), dtype=jnp.float32) * 0.1
    att_src = jax.random.normal(k4, (HEADS, OUT_C), dtype=jnp.float32) * 0.1
    att_dst = jax.random.normal(k5, (HEADS, OUT_C), dtype=jnp.float32) * 0.1
    bias = jnp.zeros((OUT_C,), dtype=jnp.float32)
    return {"F": F, "edge_index": edge_index, "W": W, "att_src": att_src, "att_dst": att_dst, "bias": bias}

def reference(F, edge_index, W, att_src, att_dst, bias):
    N = F.shape[0]
    H, C = att_src.shape
    # linear projection
    x = F @ W                       # [N, H*C]
    xh = x.reshape(N, H, C)         # [N, H, C]
    a_src = (xh * att_src[None, :, :]).sum(-1)  # [N, H]
    a_dst = (xh * att_dst[None, :, :]).sum(-1)  # [N, H]
    src = edge_index[0]
    dst = edge_index[1]
    alpha = a_src[src] + a_dst[dst]             # [E, H] (gather)
    alpha = jax.nn.leaky_relu(alpha, 0.2)
    # segment softmax over destination nodes
    amax = jax.ops.segment_max(alpha, dst, num_segments=N)
    amax = jnp.where(jnp.isfinite(amax), amax, 0.0)
    expa = jnp.exp(alpha - amax[dst])
    denom = jax.ops.segment_sum(expa, dst, num_segments=N)
    alpha_n = expa / (denom[dst] + 1e-16)
    # message passing: scatter-add weighted source features
    msg = xh[src] * alpha_n[:, :, None]          # [E, H, C]
    out = jax.ops.segment_sum(msg, dst, num_segments=N)  # [N, H, C]
    out = out.mean(axis=1) + bias                # concat=False -> mean over heads
    return out.squeeze()

if __name__ == "__main__":
    import jax
    _d = setup_inputs()
    print(jax.jit(kernel)(*tuple(_d.values())))

</pallas_src>

<mosaic_0001>
#map = affine_map<(d0, d1) -> (0)>
#map1 = affine_map<(d0, d1) -> (0, 0)>
module attributes {stable_mosaic.version = 14 : i64} {
  func.func @sc_kernel(%arg0: i32, %arg1: i32, %arg2: memref<10240xf32, #tpu.memory_space<hbm>>, %arg3: memref<640000xi32, #tpu.memory_space<hbm>>, %arg4: memref<2x10240xf32, #tpu.memory_space<hbm>>, %arg5: memref<2x10240xf32, #tpu.memory_space<hbm>>, %arg6: memref<2x10240xf32, #tpu.memory_space<hbm>>, %arg7: memref<10240xf32, #tpu.memory_space<vmem>>, %arg8: memref<10000xi32, #tpu.memory_space<vmem>>, %arg9: memref<10000xi32, #tpu.memory_space<vmem>>, %arg10: memref<10240xf32, #tpu.memory_space<vmem>>, %arg11: memref<10240xf32, #tpu.memory_space<vmem>>, %arg12: memref<10240xf32, #tpu.memory_space<vmem>>, %arg13: memref<48x640xf32, #tpu.memory_space<vmem>>, %arg14: memref<640xf32, #tpu.memory_space<vmem>>, %arg15: memref<640xf32, #tpu.memory_space<vmem>>, %arg16: memref<640xf32, #tpu.memory_space<vmem>>, %arg17: memref<16x30720xf32, #tpu.memory_space<vmem_shared>>, %arg18: memref<10240xf32, #tpu.memory_space<vmem_shared>>, %arg19: memref<!tpu.dma_semaphore, #tpu.memory_space<semaphore_mem>>) attributes {dimension_semantics = [#tpu.dimension_semantics<core_parallel>, #tpu.dimension_semantics<subcore_parallel>], iteration_bounds = array<i64: 2, 16>, scalar_prefetch = 0 : i64, scratch_operands = 13 : i64, tpu.core_type = #tpu.core_type<sc_vector_subcore>, window_params = [{transform_indices = #map}, {transform_indices = #map}, {transform_indices = #map1}, {transform_indices = #map1}, {transform_indices = #map1}]} {
    %mul3A = arith.constant 16 : i32
    %mul3A_0 = arith.muli %arg0, %mul3A : i32
    %add3A = arith.addi %mul3A_0, %arg1 : i32
    %mul3A_1 = arith.constant 10000 : i32
    %mul3A_2 = arith.muli %add3A, %mul3A_1 : i32
    %eq3A = arith.constant 0 : i32
    %eq3A_3 = arith.cmpi eq, %arg1, %eq3A : i32
    %convert_element_type3A = arith.extui %eq3A_3 : i1 to i32
    %cond3A = arith.constant 0 : i32
    %cond3A_4 = arith.cmpi ne, %convert_element_type3A, %cond3A : i32
    scf.if %cond3A_4 {
      "tpu.region"() ({
        %run_scoped3A = tpu.sem_alloc : memref<!tpu.dma_semaphore, #tpu.memory_space<semaphore_mem>>
        tpu.enqueue_dma source(%arg2 : memref<10240xf32, #tpu.memory_space<hbm>>) target(%arg18 : memref<10240xf32, #tpu.memory_space<vmem_shared>>) target_semaphore(%run_scoped3A : memref<!tpu.dma_semaphore, #tpu.memory_space<semaphore_mem>>)
        tpu.wait_dma2 semaphore(%run_scoped3A : memref<!tpu.dma_semaphore, #tpu.memory_space<semaphore_mem>>) src(%arg2 : memref<10240xf32, #tpu.memory_space<hbm>>) dst(%arg18 : memref<10240xf32, #tpu.memory_space<vmem_shared>>)
        tpu.yield
      }) : () -> ()
    } else {
    }
    %dma_start3A = tpu.memref_slice %arg3[%mul3A_2] : memref<640000xi32, #tpu.memory_space<hbm>> -> memref<10000xi32, #tpu.memory_space<hbm>>
    %dma_start3A_5 = tpu.memref_slice %arg3[%mul3A_2] : memref<640000xi32, #tpu.memory_space<hbm>> -> memref<10000xi32, #tpu.memory_space<hbm>>
    tpu.enqueue_dma source(%dma_start3A_5 : memref<10000xi32, #tpu.memory_space<hbm>>) target(%arg8 : memref<10000xi32, #tpu.memory_space<vmem>>) target_semaphore(%arg19 : memref<!tpu.dma_semaphore, #tpu.memory_space<semaphore_mem>>)
    %add3A_6 = arith.constant 320000 : i32
    %add3A_7 = arith.addi %add3A_6, %mul3A_2 : i32
    %dma_start3A_8 = tpu.memref_slice %arg3[%add3A_7] : memref<640000xi32, #tpu.memory_space<hbm>> -> memref<10000xi32, #tpu.memory_space<hbm>>
    %dma_start3A_9 = tpu.memref_slice %arg3[%add3A_7] : memref<640000xi32, #tpu.memory_space<hbm>> -> memref<10000xi32, #tpu.memory_space<hbm>>
    tpu.enqueue_dma source(%dma_start3A_9 : memref<10000xi32, #tpu.memory_space<hbm>>) target(%arg9 : memref<10000xi32, #tpu.memory_space<vmem>>) target_semaphore(%arg19 : memref<!tpu.dma_semaphore, #tpu.memory_space<semaphore_mem>>)
    %barrier3A = arith.constant 0 : index
    tpu.barrier barrier_id(%barrier3A)
    "tpu.region"() ({
      %run_scoped3A = tpu.sem_alloc : memref<!tpu.dma_semaphore, #tpu.memory_space<semaphore_mem>>
      tpu.enqueue_dma source(%arg18 : memref<10240xf32, #tpu.memory_space<vmem_shared>>) target(%arg7 : memref<10240xf32, #tpu.memory_space<vmem>>) target_semaphore(%run_scoped3A : memref<!tpu.dma_semaphore, #tpu.memory_space<semaphore_mem>>)
      tpu.wait_dma2 semaphore(%run_scoped3A : memref<!tpu.dma_semaphore, #tpu.memory_space<semaphore_mem>>) src(%arg18 : memref<10240xf32, #tpu.memory_space<vmem_shared>>) dst(%arg7 : memref<10240xf32, #tpu.memory_space<vmem>>)
      tpu.yield
    }) : () -> ()
    %dma_wait3A = tpu.memref_slice %arg3[%mul3A_2] : memref<640000xi32, #tpu.memory_space<hbm>> -> memref<10000xi32, #tpu.memory_space<hbm>>
    %dma_wait3A_10 = tpu.memref_slice %arg3[%mul3A_2] : memref<640000xi32, #tpu.memory_space<hbm>> -> memref<10000xi32, #tpu.memory_space<hbm>>
    tpu.wait_dma2 semaphore(%arg19 : memref<!tpu.dma_semaphore, #tpu.memory_space<semaphore_mem>>) src(%dma_wait3A_10 : memref<10000xi32, #tpu.memory_space<hbm>>) dst(%arg8 : memref<10000xi32, #tpu.memory_space<vmem>>)
    %dma_wait3A_11 = tpu.memref_slice %arg3[%add3A_7] : memref<640000xi32, #tpu.memory_space<hbm>> -> memref<10000xi32, #tpu.memory_space<hbm>>
    %dma_wait3A_12 = tpu.memref_slice %arg3[%add3A_7] : memref<640000xi32, #tpu.memory_space<hbm>> -> memref<10000xi32, #tpu.memory_space<hbm>>
    tpu.wait_dma2 semaphore(%arg19 : memref<!tpu.dma_semaphore, #tpu.memory_space<semaphore_mem>>) src(%dma_wait3A_12 : memref<10000xi32, #tpu.memory_space<hbm>>) dst(%arg9 : memref<10000xi32, #tpu.memory_space<vmem>>)
    %broadcast_in_dim3A = arith.constant 0 : i32
    %broadcast_in_dim3A_13 = vector.broadcast %broadcast_in_dim3A : i32 to vector<16xi32>
    %add3A_14 = arith.constant 10000 : i32
    %add3A_15 = vector.broadcast %add3A_14 : i32 to vector<16xi32>
    %add3A_16 = arith.addi %broadcast_in_dim3A_13, %add3A_15 : vector<16xi32>
    %gather3A = tpu.vector_load_idx %arg7[%add3A_16] : memref<10240xf32, #tpu.memory_space<vmem>>[vector<16xi32>], vector<16xf32>,
    %add3A_17 = arith.constant 10008 : i32
    %add3A_18 = vector.broadcast %add3A_17 : i32 to vector<16xi32>
    %add3A_19 = arith.addi %broadcast_in_dim3A_13, %add3A_18 : vector<16xi32>
    %gather3A_20 = tpu.vector_load_idx %arg7[%add3A_19] : memref<10240xf32, #tpu.memory_space<vmem>>[vector<16xi32>], vector<16xf32>,
    %iota3A = tpu.iota {dimensions = array<i32: 0>} : vector<16xi32>
    %scan3A = arith.constant 0 : i32
    %scan3A_21 = arith.constant 0 : i32
    %scan3A_22 = arith.constant 80 : i32
    %scan3A_23 = arith.addi %scan3A_21, %scan3A_22 : i32
    %scan3A_24 = arith.constant 1 : i32
    %scan3A_25 = scf.for %scan3A_1366 = %scan3A_21 to %scan3A_23 step %scan3A_24 iter_args(%scan3A_1367 = %scan3A) -> (i32)  : i32 {
      %broadcast_in_dim3A_1368 = arith.constant -3.000000e+38 : f32
      %broadcast_in_dim3A_1369 = vector.broadcast %broadcast_in_dim3A_1368 : f32 to vector<16xf32>
      %mul3A_1370 = arith.constant 8 : i32
      %mul3A_1371 = arith.muli %scan3A_1366, %mul3A_1370 : i32
      %add3A_1372 = arith.constant 0 : i32
      %add3A_1373 = arith.addi %mul3A_1371, %add3A_1372 : i32
      %mul3A_1374 = arith.constant 16 : i32
      %mul3A_1375 = arith.muli %add3A_1373, %mul3A_1374 : i32
      %swap3A = arith.index_cast %mul3A_1375 : i32 to index
      %swap3A_1376 = tpu.vector_load %arg10[%swap3A] {strides = array<i32>} : memref<10240xf32, #tpu.memory_space<vmem>>, vector<16xf32>,
      tpu.vector_store %arg10[%swap3A], %broadcast_in_dim3A_1369 {strides = array<i32>} : memref<10240xf32, #tpu.memory_space<vmem>>, vector<16xf32>,
      %mul3A_1377 = arith.constant 8 : i32
      %mul3A_1378 = arith.muli %scan3A_1366, %mul3A_1377 : i32
      %add3A_1379 = arith.constant 1 : i32
      %add3A_1380 = arith.addi %mul3A_1378, %add3A_1379 : i32
      %mul3A_1381 = arith.constant 16 : i32
      %mul3A_1382 = arith.muli %add3A_1380, %mul3A_1381 : i32
      %swap3A_1383 = arith.index_cast %mul3A_1382 : i32 to index
      %swap3A_1384 = tpu.vector_load %arg10[%swap3A_1383] {strides = array<i32>} : memref<10240xf32, #tpu.memory_space<vmem>>, vector<16xf32>,
      tpu.vector_store %arg10[%swap3A_1383], %broadcast_in_dim3A_1369 {strides = array<i32>} : memref<10240xf32, #tpu.memory_space<vmem>>, vector<16xf32>,
      %mul3A_1385 = arith.constant 8 : i32
      %mul3A_1386 = arith.muli %scan3A_1366, %mul3A_1385 : i32
      %add3A_1387 = arith.constant 2 : i32
      %add3A_1388 = arith.addi %mul3A_1386, %add3A_1387 : i32
      %mul3A_1389 = arith.constant 16 : i32
      %mul3A_1390 = arith.muli %add3A_1388, %mul3A_1389 : i32
      %swap3A_1391 = arith.index_cast %mul3A_1390 : i32 to index
      %swap3A_1392 = tpu.vector_load %arg10[%swap3A_1391] {strides = array<i32>} : memref<10240xf32, #tpu.memory_space<vmem>>, vector<16xf32>,
      tpu.vector_store %arg10[%swap3A_1391], %broadcast_in_dim3A_1369 {strides = array<i32>} : memref<10240xf32, #tpu.memory_space<vmem>>, vector<16xf32>,
      %mul3A_1393 = arith.constant 8 : i32
      %mul3A_1394 = arith.muli %scan3A_1366, %mul3A_1393 : i32
      %add3A_1395 = arith.constant 3 : i32
      %add3A_1396 = arith.addi %mul3A_1394, %add3A_1395 : i32
      %mul3A_1397 = arith.constant 16 : i32
      %mul3A_1398 = arith.muli %add3A_1396, %mul3A_1397 : i32
      %swap3A_1399 = arith.index_cast %mul3A_1398 : i32 to index
      %swap3A_1400 = tpu.vector_load %arg10[%swap3A_1399] {strides = array<i32>} : memref<10240xf32, #tpu.memory_space<vmem>>, vector<16xf32>,
      tpu.vector_store %arg10[%swap3A_1399], %broadcast_in_dim3A_1369 {strides = array<i32>} : memref<10240xf32, #tpu.memory_space<vmem>>, vector<16xf32>,
      %mul3A_1401 = arith.constant 8 : i32
      %mul3A_1402 = arith.muli %scan3A_1366, %mul3A_1401 : i32
      %add3A_1403 = arith.constant 4 : i32
      %add3A_1404 = arith.addi %mul3A_1402, %add3A_1403 : i32
      %mul3A_1405 = arith.constant 16 : i32
      %mul3A_1406 = arith.muli %add3A_1404, %mul3A_1405 : i32
      %swap3A_1407 = arith.index_cast %mul3A_1406 : i32 to index
      %swap3A_1408 = tpu.vector_load %arg10[%swap3A_1407] {strides = array<i32>} : memref<10240xf32, #tpu.memory_space<vmem>>, vector<16xf32>,
      tpu.vector_store %arg10[%swap3A_1407], %broadcast_in_dim3A_1369 {strides = array<i32>} : memref<10240xf32, #tpu.memory_space<vmem>>, vector<16xf32>,
      %mul3A_1409 = arith.constant 8 : i32
      %mul3A_1410 = arith.muli %scan3A_1366, %mul3A_1409 : i32
      %add3A_1411 = arith.constant 5 : i32
      %add3A_1412 = arith.addi %mul3A_1410, %add3A_1411 : i32
      %mul3A_1413 = arith.constant 16 : i32
      %mul3A_1414 = arith.muli %add3A_1412, %mul3A_1413 : i32
      %swap3A_1415 = arith.index_cast %mul3A_1414 : i32 to index
      %swap3A_1416 = tpu.vector_load %arg10[%swap3A_1415] {strides = array<i32>} : memref<10240xf32, #tpu.memory_space<vmem>>, vector<16xf32>,
      tpu.vector_store %arg10[%swap3A_1415], %broadcast_in_dim3A_1369 {strides = array<i32>} : memref<10240xf32, #tpu.memory_space<vmem>>, vector<16xf32>,
      %mul3A_1417 = arith.constant 8 : i32
      %mul3A_1418 = arith.muli %scan3A_1366, %mul3A_1417 : i32
      %add3A_1419 = arith.constant 6 : i32
      %add3A_1420 = arith.addi %mul3A_1418, %add3A_1419 : i32
      %mul3A_1421 = arith.constant 16 : i32
      %mul3A_1422 = arith.muli %add3A_1420, %mul3A_1421 : i32
      %swap3A_1423 = arith.index_cast %mul3A_1422 : i32 to index
      %swap3A_1424 = tpu.vector_load %arg10[%swap3A_1423] {strides = array<i32>} : memref<10240xf32, #tpu.memory_space<vmem>>, vector<16xf32>,
      tpu.vector_store %arg10[%swap3A_1423], %broadcast_in_dim3A_1369 {strides = array<i32>} : memref<10240xf32, #tpu.memory_space<vmem>>, vector<16xf32>,
      %mul3A_1425 = arith.constant 8 : i32
      %mul3A_1426 = arith.muli %scan3A_1366, %mul3A_1425 : i32
      %add3A_1427 = arith.constant 7 : i32
      %add3A_1428 = arith.addi %mul3A_1426, %add3A_1427 : i32
      %mul3A_1429 = arith.constant 16 : i32
      %mul3A_1430 = arith.muli %add3A_1428, %mul3A_1429 : i32
      %swap3A_1431 = arith.index_cast %mul3A_1430 : i32 to index
      %swap3A_1432 = tpu.vector_load %arg10[%swap3A_1431] {strides = array<i32>} : memref<10240xf32, #tpu.memory_space<vmem>>, vector<16xf32>,
      tpu.vector_store %arg10[%swap3A_1431], %broadcast_in_dim3A_1369 {strides = array<i32>} : memref<10240xf32, #tpu.memory_space<vmem>>, vector<16xf32>,
      %scan3A_1433 = arith.constant 0 : i32
      scf.yield %scan3A_1433 : i32
    }
    %scan3A_26 = arith.constant 80 : i32
    %scan3A_27 = arith.constant 0 : i32
    %scan3A_28 = arith.constant 0 : i32
    %scan3A_29 = arith.constant 125 : i32
    %scan3A_30 = arith.addi %scan3A_28, %scan3A_29 : i32
    %scan3A_31 = arith.constant 1 : i32
    %scan3A_32 = scf.for %scan3A_1366 = %scan3A_28 to %scan3A_30 step %scan3A_31 iter_args(%scan3A_1367 = %scan3A_27) -> (i32)  : i32 {
      %mul3A_1368 = arith.constant 80 : i32
      %mul3A_1369 = arith.muli %scan3A_1366, %mul3A_1368 : i32
      %add3A_1370 = arith.constant 0 : i32
      %add3A_1371 = arith.addi %mul3A_1369, %add3A_1370 : i32
      %add3A_1372 = arith.constant 16 : i32
      %add3A_1373 = arith.addi %mul3A_1369, %add3A_1372 : i32
      %add3A_1374 = arith.constant 32 : i32
      %add3A_1375 = arith.addi %mul3A_1369, %add3A_1374 : i32
      %add3A_1376 = arith.constant 48 : i32
      %add3A_1377 = arith.addi %mul3A_1369, %add3A_1376 : i32
      %add3A_1378 = arith.constant 64 : i32
      %add3A_1379 = arith.addi %mul3A_1369, %add3A_1378 : i32
      %get3A = arith.index_cast %add3A_1371 : i32 to index
      %get3A_1380 = tpu.vector_load %arg8[%get3A] {strides = array<i32>} : memref<10000xi32, #tpu.memory_space<vmem>>, vector<16xi32>,
      %get3A_1381 = arith.index_cast %add3A_1373 : i32 to index
      %get3A_1382 = tpu.vector_load %arg8[%get3A_1381] {strides = array<i32>} : memref<10000xi32, #tpu.memory_space<vmem>>, vector<16xi32>,
      %get3A_1383 = arith.index_cast %add3A_1375 : i32 to index
      %get3A_1384 = tpu.vector_load %arg8[%get3A_1383] {strides = array<i32>} : memref<10000xi32, #tpu.memory_space<vmem>>, vector<16xi32>,
      %get3A_1385 = arith.index_cast %add3A_1377 : i32 to index
      %get3A_1386 = tpu.vector_load %arg8[%get3A_1385] {strides = array<i32>} : memref<10000xi32, #tpu.memory_space<vmem>>, vector<16xi32>,
      %get3A_1387 = arith.index_cast %add3A_1379 : i32 to index
      %get3A_1388 = tpu.vector_load %arg8[%get3A_1387] {strides = array<i32>} : memref<10000xi32, #tpu.memory_space<vmem>>, vector<16xi32>,
      %get3A_1389 = arith.index_cast %add3A_1371 : i32 to index
      %get3A_1390 = tpu.vector_load %arg9[%get3A_1389] {strides = array<i32>} : memref<10000xi32, #tpu.memory_space<vmem>>, vector<16xi32>,
      %get3A_1391 = arith.index_cast %add3A_1373 : i32 to index
      %get3A_1392 = tpu.vector_load %arg9[%get3A_1391] {strides = array<i32>} : memref<10000xi32, #tpu.memory_space<vmem>>, vector<16xi32>,
      %get3A_1393 = arith.index_cast %add3A_1375 : i32 to index
      %get3A_1394 = tpu.vector_load %arg9[%get3A_1393] {strides = array<i32>} : memref<10000xi32, #tpu.memory_space<vmem>>, vector<16xi32>,
      %get3A_1395 = arith.index_cast %add3A_1377 : i32 to index
      %get3A_1396 = tpu.vector_load %arg9[%get3A_1395] {strides = array<i32>} : memref<10000xi32, #tpu.memory_space<vmem>>, vector<16xi32>,
      %get3A_1397 = arith.index_cast %add3A_1379 : i32 to index
      %get3A_1398 = tpu.vector_load %arg9[%get3A_1397] {strides = array<i32>} : memref<10000xi32, #tpu.memory_space<vmem>>, vector<16xi32>,
      %bitcast3A = vector.bitcast %get3A_1390 : vector<16xi32> to vector<16xi32>
      %masked_sort3A = arith.constant dense<true> : vector<16xi1>
      %masked_sort3A_1399, %masked_sort3A_1400, %masked_sort3A_1401 = tpu.sort %bitcast3A, %get3A_1380 masked %masked_sort3A : (vector<16xi32>, vector<16xi32>, vector<16xi1>) -> (vector<16xi1>, vector<16xi32>, vector<16xi32>)
      %bitcast3A_1402 = vector.bitcast %masked_sort3A_1400 : vector<16xi32> to vector<16xi32>
      %gather3A_1403 = tpu.vector_load_idx %arg7[%masked_sort3A_1401] : memref<10240xf32, #tpu.memory_space<vmem>>[vector<16xi32>], vector<16xf32>,
      %gather3A_1404 = tpu.vector_load_idx %arg7[%bitcast3A_1402] : memref<10240xf32, #tpu.memory_space<vmem>>[vector<16xi32>], vector<16xf32>,
      %mul3A_1405 = arith.mulf %gather3A, %gather3A_1403 : vector<16xf32>
      %mul3A_1406 = arith.mulf %gather3A_20, %gather3A_1404 : vector<16xf32>
      %add3A_1407 = arith.addf %mul3A_1405, %mul3A_1406 : vector<16xf32>
      %mul3A_1408 = arith.constant 2.000000e-01 : f32
      %mul3A_1409 = vector.broadcast %mul3A_1408 : f32 to vector<16xf32>
      %mul3A_1410 = arith.mulf %mul3A_1409, %add3A_1407 : vector<16xf32>
      %max3A = arith.maximumf %add3A_1407, %mul3A_1410 : vector<16xf32>
      %add3A_1411 = arith.constant 1 : i32
      %add3A_1412 = vector.broadcast %add3A_1411 : i32 to vector<16xi32>
      %add3A_1413 = arith.addi %iota3A, %add3A_1412 : vector<16xi32>
      %min3A = arith.constant 15 : i32
      %min3A_1414 = vector.broadcast %min3A : i32 to vector<16xi32>
      %min3A_1415 = arith.minsi %add3A_1413, %min3A_1414 : vector<16xi32>
      %broadcast_in_dim3A_1416 = vector.shape_cast %min3A_1415 : vector<16xi32> to vector<16x1xi32>
      %gather3A_1417 = vector.shape_cast %broadcast_in_dim3A_1416 : vector<16x1xi32> to vector<16xi32>
      %gather3A_1418 = tpu.dynamic_gather %bitcast3A_1402[%gather3A_1417] in [0] : vector<16xi32>, vector<16xi32> -> vector<16xi32>
      %eq3A_1419 = arith.constant 15 : i32
      %eq3A_1420 = vector.broadcast %eq3A_1419 : i32 to vector<16xi32>
      %eq3A_1421 = arith.cmpi eq, %iota3A, %eq3A_1420 : vector<16xi32>
      %ne3A = arith.cmpi ne, %bitcast3A_1402, %gather3A_1418 : vector<16xi32>
      %or3A = arith.ori %eq3A_1421, %ne3A : vector<16xi1>
      %bitcast3A_1422 = vector.bitcast %get3A_1392 : vector<16xi32> to vector<16xi32>
      %masked_sort3A_1423 = arith.constant dense<true> : vector<16xi1>
      %masked_sort3A_1424, %masked_sort3A_1425, %masked_sort3A_1426 = tpu.sort %bitcast3A_1422, %get3A_1382 masked %masked_sort3A_1423 : (vector<16xi32>, vector<16xi32>, vector<16xi1>) -> (vector<16xi1>, vector<16xi32>, vector<16xi32>)
      %bitcast3A_1427 = vector.bitcast %masked_sort3A_1425 : vector<16xi32> to vector<16xi32>
      %gather3A_1428 = tpu.vector_load_idx %arg7[%masked_sort3A_1426] : memref<10240xf32, #tpu.memory_space<vmem>>[vector<16xi32>], vector<16xf32>,
      %gather3A_1429 = tpu.vector_load_idx %arg7[%bitcast3A_1427] : memref<10240xf32, #tpu.memory_space<vmem>>[vector<16xi32>], vector<16xf32>,
      %mul3A_1430 = arith.mulf %gather3A, %gather3A_1428 : vector<16xf32>
      %mul3A_1431 = arith.mulf %gather3A_20, %gather3A_1429 : vector<16xf32>
      %add3A_1432 = arith.addf %mul3A_1430, %mul3A_1431 : vector<16xf32>
      %mul3A_1433 = arith.constant 2.000000e-01 : f32
      %mul3A_1434 = vector.broadcast %mul3A_1433 : f32 to vector<16xf32>
      %mul3A_1435 = arith.mulf %mul3A_1434, %add3A_1432 : vector<16xf32>
      %max3A_1436 = arith.maximumf %add3A_1432, %mul3A_1435 : vector<16xf32>
      %add3A_1437 = arith.constant 1 : i32
      %add3A_1438 = vector.broadcast %add3A_1437 : i32 to vector<16xi32>
      %add3A_1439 = arith.addi %iota3A, %add3A_1438 : vector<16xi32>
      %min3A_1440 = arith.constant 15 : i32
      %min3A_1441 = vector.broadcast %min3A_1440 : i32 to vector<16xi32>
      %min3A_1442 = arith.minsi %add3A_1439, %min3A_1441 : vector<16xi32>
      %broadcast_in_dim3A_1443 = vector.shape_cast %min3A_1442 : vector<16xi32> to vector<16x1xi32>
      %gather3A_1444 = vector.shape_cast %broadcast_in_dim3A_1443 : vector<16x1xi32> to vector<16xi32>
      %gather3A_1445 = tpu.dynamic_gather %bitcast3A_1427[%gather3A_1444] in [0] : vector<16xi32>, vector<16xi32> -> vector<16xi32>
      %eq3A_1446 = arith.constant 15 : i32
      %eq3A_1447 = vector.broadcast %eq3A_1446 : i32 to vector<16xi32>
      %eq3A_1448 = arith.cmpi eq, %iota3A, %eq3A_1447 : vector<16xi32>
      %ne3A_1449 = arith.cmpi ne, %bitcast3A_1427, %gather3A_1445 : vector<16xi32>
      %or3A_1450 = arith.ori %eq3A_1448, %ne3A_1449 : vector<16xi1>
      %bitcast3A_1451 = vector.bitcast %get3A_1394 : vector<16xi32> to vector<16xi32>
      %masked_sort3A_1452 = arith.constant dense<true> : vector<16xi1>
      %masked_sort3A_1453, %masked_sort3A_1454, %masked_sort3A_1455 = tpu.sort %bitcast3A_1451, %get3A_1384 masked %masked_sort3A_1452 : (vector<16xi32>, vector<16xi32>, vector<16xi1>) -> (vector<16xi1>, vector<16xi32>, vector<16xi32>)
      %bitcast3A_1456 = vector.bitcast %masked_sort3A_1454 : vector<16xi32> to vector<16xi32>
      %gather3A_1457 = tpu.vector_load_idx %arg7[%masked_sort3A_1455] : memref<10240xf32, #tpu.memory_space<vmem>>[vector<16xi32>], vector<16xf32>,
      %gather3A_1458 = tpu.vector_load_idx %arg7[%bitcast3A_1456] : memref<10240xf32, #tpu.memory_space<vmem>>[vector<16xi32>], vector<16xf32>,
      %mul3A_1459 = arith.mulf %gather3A, %gather3A_1457 : vector<16xf32>
      %mul3A_1460 = arith.mulf %gather3A_20, %gather3A_1458 : vector<16xf32>
      %add3A_1461 = arith.addf %mul3A_1459, %mul3A_1460 : vector<16xf32>
      %mul3A_1462 = arith.constant 2.000000e-01 : f32
      %mul3A_1463 = vector.broadcast %mul3A_1462 : f32 to vector<16xf32>
      %mul3A_1464 = arith.mulf %mul3A_1463, %add3A_1461 : vector<16xf32>
      %max3A_1465 = arith.maximumf %add3A_1461, %mul3A_1464 : vector<16xf32>
      %add3A_1466 = arith.constant 1 : i32
      %add3A_1467 = vector.broadcast %add3A_1466 : i32 to vector<16xi32>
      %add3A_1468 = arith.addi %iota3A, %add3A_1467 : vector<16xi32>
      %min3A_1469 = arith.constant 15 : i32
      %min3A_1470 = vector.broadcast %min3A_1469 : i32 to vector<16xi32>
      %min3A_1471 = arith.minsi %add3A_1468, %min3A_1470 : vector<16xi32>
      %broadcast_in_dim3A_1472 = vector.shape_cast %min3A_1471 : vector<16xi32> to vector<16x1xi32>
      %gather3A_1473 = vector.shape_cast %broadcast_in_dim3A_1472 : vector<16x1xi32> to vector<16xi32>
      %gather3A_1474 = tpu.dynamic_gather %bitcast3A_1456[%gather3A_1473] in [0] : vector<16xi32>, vector<16xi32> -> vector<16xi32>
      %eq3A_1475 = arith.constant 15 : i32
      %eq3A_1476 = vector.broadcast %eq3A_1475 : i32 to vector<16xi32>
      %eq3A_1477 = arith.cmpi eq, %iota3A, %eq3A_1476 : vector<16xi32>
      %ne3A_1478 = arith.cmpi ne, %bitcast3A_1456, %gather3A_1474 : vector<16xi32>
      %or3A_1479 = arith.ori %eq3A_1477, %ne3A_1478 : vector<16xi1>
      %bitcast3A_1480 = vector.bitcast %get3A_1396 : vector<16xi32> to vector<16xi32>
      %masked_sort3A_1481 = arith.constant dense<true> : vector<16xi1>
      %masked_sort3A_1482, %masked_sort3A_1483, %masked_sort3A_1484 = tpu.sort %bitcast3A_1480, %get3A_1386 masked %masked_sort3A_1481 : (vector<16xi32>, vector<16xi32>, vector<16xi1>) -> (vector<16xi1>, vector<16xi32>, vector<16xi32>)
      %bitcast3A_1485 = vector.bitcast %masked_sort3A_1483 : vector<16xi32> to vector<16xi32>
      %gather3A_1486 = tpu.vector_load_idx %arg7[%masked_sort3A_1484] : memref<10240xf32, #tpu.memory_space<vmem>>[vector<16xi32>], vector<16xf32>,
      %gather3A_1487 = tpu.vector_load_idx %arg7[%bitcast3A_1485] : memref<10240xf32, #tpu.memory_space<vmem>>[vector<16xi32>], vector<16xf32>,
      %mul3A_1488 = arith.mulf %gather3A, %gather3A_1486 : vector<16xf32>
      %mul3A_1489 = arith.mulf %gather3A_20, %gather3A_1487 : vector<16xf32>
      %add3A_1490 = arith.addf %mul3A_1488, %mul3A_1489 : vector<16xf32>
      %mul3A_1491 = arith.constant 2.000000e-01 : f32
      %mul3A_1492 = vector.broadcast %mul3A_1491 : f32 to vector<16xf32>
      %mul3A_1493 = arith.mulf %mul3A_1492, %add3A_1490 : vector<16xf32>
      %max3A_1494 = arith.maximumf %add3A_1490, %mul3A_1493 : vector<16xf32>
      %add3A_1495 = arith.constant 1 : i32
      %add3A_1496 = vector.broadcast %add3A_1495 : i32 to vector<16xi32>
      %add3A_1497 = arith.addi %iota3A, %add3A_1496 : vector<16xi32>
      %min3A_1498 = arith.constant 15 : i32
      %min3A_1499 = vector.broadcast %min3A_1498 : i32 to vector<16xi32>
      %min3A_1500 = arith.minsi %add3A_1497, %min3A_1499 : vector<16xi32>
      %broadcast_in_dim3A_1501 = vector.shape_cast %min3A_1500 : vector<16xi32> to vector<16x1xi32>
      %gather3A_1502 = vector.shape_cast %broadcast_in_dim3A_1501 : vector<16x1xi32> to vector<16xi32>
      %gather3A_1503 = tpu.dynamic_gather %bitcast3A_1485[%gather3A_1502] in [0] : vector<16xi32>, vector<16xi32> -> vector<16xi32>
      %eq3A_1504 = arith.constant 15 : i32
      %eq3A_1505 = vector.broadcast %eq3A_1504 : i32 to vector<16xi32>
      %eq3A_1506 = arith.cmpi eq, %iota3A, %eq3A_1505 : vector<16xi32>
      %ne3A_1507 = arith.cmpi ne, %bitcast3A_1485, %gather3A_1503 : vector<16xi32>
      %or3A_1508 = arith.ori %eq3A_1506, %ne3A_1507 : vector<16xi1>
      %bitcast3A_1509 = vector.bitcast %get3A_1398 : vector<16xi32> to vector<16xi32>
      %masked_sort3A_1510 = arith.constant dense<true> : vector<16xi1>
      %masked_sort3A_1511, %masked_sort3A_1512, %masked_sort3A_1513 = tpu.sort %bitcast3A_1509, %get3A_1388 masked %masked_sort3A_1510 : (vector<16xi32>, vector<16xi32>, vector<16xi1>) -> (vector<16xi1>, vector<16xi32>, vector<16xi32>)
      %bitcast3A_1514 = vector.bitcast %masked_sort3A_1512 : vector<16xi32> to vector<16xi32>
      %gather3A_1515 = tpu.vector_load_idx %arg7[%masked_sort3A_1513] : memref<10240xf32, #tpu.memory_space<vmem>>[vector<16xi32>], vector<16xf32>,
      %gather3A_1516 = tpu.vector_load_idx %arg7[%bitcast3A_1514] : memref<10240xf32, #tpu.memory_space<vmem>>[vector<16xi32>], vector<16xf32>,
      %mul3A_1517 = arith.mulf %gather3A, %gather3A_1515 : vector<16xf32>
      %mul3A_1518 = arith.mulf %gather3A_20, %gather3A_1516 : vector<16xf32>
      %add3A_1519 = arith.addf %mul3A_1517, %mul3A_1518 : vector<16xf32>
      %mul3A_1520 = arith.constant 2.000000e-01 : f32
      %mul3A_1521 = vector.broadcast %mul3A_1520 : f32 to vector<16xf32>
      %mul3A_1522 = arith.mulf %mul3A_1521, %add3A_1519 : vector<16xf32>
      %max3A_1523 = arith.maximumf %add3A_1519, %mul3A_1522 : vector<16xf32>
      %add3A_1524 = arith.constant 1 : i32
      %add3A_1525 = vector.broadcast %add3A_1524 : i32 to vector<16xi32>
      %add3A_1526 = arith.addi %iota3A, %add3A_1525 : vector<16xi32>
      %min3A_1527 = arith.constant 15 : i32
      %min3A_1528 = vector.broadcast %min3A_1527 : i32 to vector<16xi32>
      %min3A_1529 = arith.minsi %add3A_1526, %min3A_1528 : vector<16xi32>
      %broadcast_in_dim3A_1530 = vector.shape_cast %min3A_1529 : vector<16xi32> to vector<16x1xi32>
      %gather3A_1531 = vector.shape_cast %broadcast_in_dim3A_1530 : vector<16x1xi32> to vector<16xi32>
      %gather3A_1532 = tpu.dynamic_gather %bitcast3A_1514[%gather3A_1531] in [0] : vector<16xi32>, vector<16xi32> -> vector<16xi32>
      %eq3A_1533 = arith.constant 15 : i32
      %eq3A_1534 = vector.broadcast %eq3A_1533 : i32 to vector<16xi32>
      %eq3A_1535 = arith.cmpi eq, %iota3A, %eq3A_1534 : vector<16xi32>
      %ne3A_1536 = arith.cmpi ne, %bitcast3A_1514, %gather3A_1532 : vector<16xi32>
      %or3A_1537 = arith.ori %eq3A_1535, %ne3A_1536 : vector<16xi1>
      %swap3A = arith.index_cast %add3A_1371 : i32 to index
      %swap3A_1538 = tpu.vector_load %arg9[%swap3A] {strides = array<i32>} : memref<10000xi32, #tpu.memory_space<vmem>>, vector<16xi32>,
      tpu.vector_store %arg9[%swap3A], %bitcast3A_1402 {strides = array<i32>} : memref<10000xi32, #tpu.memory_space<vmem>>, vector<16xi32>,
      %swap3A_1539 = arith.index_cast %add3A_1371 : i32 to index
      %swap3A_1540 = tpu.vector_load %arg8[%swap3A_1539] {strides = array<i32>} : memref<10000xi32, #tpu.memory_space<vmem>>, vector<16xi32>,
      tpu.vector_store %arg8[%swap3A_1539], %masked_sort3A_1401 {strides = array<i32>} : memref<10000xi32, #tpu.memory_space<vmem>>, vector<16xi32>,
      %swap3A_1541 = arith.index_cast %add3A_1373 : i32 to index
      %swap3A_1542 = tpu.vector_load %arg9[%swap3A_1541] {strides = array<i32>} : memref<10000xi32, #tpu.memory_space<vmem>>, vector<16xi32>,
      tpu.vector_store %arg9[%swap3A_1541], %bitcast3A_1427 {strides = array<i32>} : memref<10000xi32, #tpu.memory_space<vmem>>, vector<16xi32>,
      %swap3A_1543 = arith.index_cast %add3A_1373 : i32 to index
      %swap3A_1544 = tpu.vector_load %arg8[%swap3A_1543] {strides = array<i32>} : memref<10000xi32, #tpu.memory_space<vmem>>, vector<16xi32>,
      tpu.vector_store %arg8[%swap3A_1543], %masked_sort3A_1426 {strides = array<i32>} : memref<10000xi32, #tpu.memory_space<vmem>>, vector<16xi32>,
      %swap3A_1545 = arith.index_cast %add3A_1375 : i32 to index
      %swap3A_1546 = tpu.vector_load %arg9[%swap3A_1545] {strides = array<i32>} : memref<10000xi32, #tpu.memory_space<vmem>>, vector<16xi32>,
      tpu.vector_store %arg9[%swap3A_1545], %bitcast3A_1456 {strides = array<i32>} : memref<10000xi32, #tpu.memory_space<vmem>>, vector<16xi32>,
      %swap3A_1547 = arith.index_cast %add3A_1375 : i32 to index
      %swap3A_1548 = tpu.vector_load %arg8[%swap3A_1547] {strides = array<i32>} : memref<10000xi32, #tpu.memory_space<vmem>>, vector<16xi32>,
      tpu.vector_store %arg8[%swap3A_1547], %masked_sort3A_1455 {strides = array<i32>} : memref<10000xi32, #tpu.memory_space<vmem>>, vector<16xi32>,
      %swap3A_1549 = arith.index_cast %add3A_1377 : i32 to index
      %swap3A_1550 = tpu.vector_load %arg9[%swap3A_1549] {strides = array<i32>} : memref<10000xi32, #tpu.memory_space<vmem>>, vector<16xi32>,
      tpu.vector_store %arg9[%swap3A_1549], %bitcast3A_1485 {strides = array<i32>} : memref<10000xi32, #tpu.memory_space<vmem>>, vector<16xi32>,
      %swap3A_1551 = arith.index_cast %add3A_1377 : i32 to index
      %swap3A_1552 = tpu.vector_load %arg8[%swap3A_1551] {strides = array<i32>} : memref<10000xi32, #tpu.memory_space<vmem>>, vector<16xi32>,
      tpu.vector_store %arg8[%swap3A_1551], %masked_sort3A_1484 {strides = array<i32>} : memref<10000xi32, #tpu.memory_space<vmem>>, vector<16xi32>,
      %swap3A_1553 = arith.index_cast %add3A_1379 : i32 to index
      %swap3A_1554 = tpu.vector_load %arg9[%swap3A_1553] {strides = array<i32>} : memref<10000xi32, #tpu.memory_space<vmem>>, vector<16xi32>,
      tpu.vector_store %arg9[%swap3A_1553], %bitcast3A_1514 {strides = array<i32>} : memref<10000xi32, #tpu.memory_space<vmem>>, vector<16xi32>,
      %swap3A_1555 = arith.index_cast %add3A_1379 : i32 to index
      %swap3A_1556 = tpu.vector_load %arg8[%swap3A_1555] {strides = array<i32>} : memref<10000xi32, #tpu.memory_space<vmem>>, vector<16xi32>,
      tpu.vector_store %arg8[%swap3A_1555], %masked_sort3A_1513 {strides = array<i32>} : memref<10000xi32, #tpu.memory_space<vmem>>, vector<16xi32>,
      %and3A = arith.andi %or3A, %or3A_1450 : vector<16xi1>
      %and3A_1557 = arith.andi %and3A, %or3A_1479 : vector<16xi1>
      %and3A_1558 = arith.andi %and3A_1557, %or3A_1508 : vector<16xi1>
      %and3A_1559 = arith.andi %and3A_1558, %or3A_1537 : vector<16xi1>
      %reduce_and3A = arith.constant 1.000000e+00 : f32
      %reduce_and3A_1560 = arith.constant 0.000000e+00 : f32
      %reduce_and3A_1561 = vector.broadcast %reduce_and3A : f32 to vector<16xf32>
      %reduce_and3A_1562 = vector.broadcast %reduce_and3A_1560 : f32 to vector<16xf32>
      %reduce_and3A_1563 = arith.select %and3A_1559, %reduce_and3A_1561, %reduce_and3A_1562 : vector<16xi1>, vector<16xf32>
      %reduce_and3A_1564 = arith.constant true
      %reduce_and3A_1565 = vector.broadcast %reduce_and3A_1564 : i1 to vector<16xi1>
      %reduce_and3A_1566 = tpu.scan <min>, %reduce_and3A_1563 masked %reduce_and3A_1565 : vector<16xf32>, vector<16xi1> -> vector<16xf32>
      %reduce_and3A_1567 = vector.extract %reduce_and3A_1566[15] : f32 from vector<16xf32>
      %reduce_and3A_1568 = arith.constant 0.000000e+00 : f32
      %reduce_and3A_1569 = arith.cmpf ogt, %reduce_and3A_1567, %reduce_and3A_1568 : f32
      %convert_element_type3A_1570 = arith.extui %reduce_and3A_1569 : i1 to i32
      %cond3A_1571 = arith.constant 0 : i32
      %cond3A_1572 = arith.cmpi ne, %convert_element_type3A_1570, %cond3A_1571 : i32
      %cond3A_1573:5 = scf.if %cond3A_1572 -> (vector<16xf32>, vector<16xf32>, vector<16xf32>, vector<16xf32>, vector<16xf32>) {
        scf.yield %max3A, %max3A_1436, %max3A_1465, %max3A_1494, %max3A_1523 : vector<16xf32>, vector<16xf32>, vector<16xf32>, vector<16xf32>, vector<16xf32>
      } else {
        %sub3A = arith.constant 1 : i32
        %sub3A_1585 = vector.broadcast %sub3A : i32 to vector<16xi32>
        %sub3A_1586 = arith.subi %iota3A, %sub3A_1585 : vector<16xi32>
        %max3A_1587 = arith.constant 0 : i32
        %max3A_1588 = vector.broadcast %max3A_1587 : i32 to vector<16xi32>
        %max3A_1589 = arith.maxsi %sub3A_1586, %max3A_1588 : vector<16xi32>
        %broadcast_in_dim3A_1590 = vector.shape_cast %max3A_1589 : vector<16xi32> to vector<16x1xi32>
        %gather3A_1591 = vector.shape_cast %broadcast_in_dim3A_1590 : vector<16x1xi32> to vector<16xi32>
        %gather3A_1592 = tpu.dynamic_gather %bitcast3A_1402[%gather3A_1591] in [0] : vector<16xi32>, vector<16xi32> -> vector<16xi32>
        %eq3A_1593 = arith.cmpi eq, %gather3A_1592, %bitcast3A_1402 : vector<16xi32>
        %ge3A = arith.constant 1 : i32
        %ge3A_1594 = vector.broadcast %ge3A : i32 to vector<16xi32>
        %ge3A_1595 = arith.cmpi sge, %iota3A, %ge3A_1594 : vector<16xi32>
        %and3A_1596 = arith.andi %eq3A_1593, %ge3A_1595 : vector<16xi1>
        %broadcast_in_dim3A_1597 = vector.shape_cast %max3A_1589 : vector<16xi32> to vector<16x1xi32>
        %gather3A_1598 = vector.shape_cast %broadcast_in_dim3A_1597 : vector<16x1xi32> to vector<16xi32>
        %gather3A_1599 = tpu.dynamic_gather %max3A[%gather3A_1598] in [0] : vector<16xf32>, vector<16xi32> -> vector<16xf32>
        %max3A_1600 = arith.maximumf %max3A, %gather3A_1599 : vector<16xf32>
        %select_n3A = arith.select %and3A_1596, %max3A_1600, %max3A : vector<16xi1>, vector<16xf32>
        %sub3A_1601 = arith.constant 2 : i32
        %sub3A_1602 = vector.broadcast %sub3A_1601 : i32 to vector<16xi32>
        %sub3A_1603 = arith.subi %iota3A, %sub3A_1602 : vector<16xi32>
        %max3A_1604 = arith.constant 0 : i32
        %max3A_1605 = vector.broadcast %max3A_1604 : i32 to vector<16xi32>
        %max3A_1606 = arith.maxsi %sub3A_1603, %max3A_1605 : vector<16xi32>
        %broadcast_in_dim3A_1607 = vector.shape_cast %max3A_1606 : vector<16xi32> to vector<16x1xi32>
        %gather3A_1608 = vector.shape_cast %broadcast_in_dim3A_1607 : vector<16x1xi32> to vector<16xi32>
        %gather3A_1609 = tpu.dynamic_gather %bitcast3A_1402[%gather3A_1608] in [0] : vector<16xi32>, vector<16xi32> -> vector<16xi32>
        %eq3A_1610 = arith.cmpi eq, %gather3A_1609, %bitcast3A_1402 : vector<16xi32>
        %ge3A_1611 = arith.constant 2 : i32
        %ge3A_1612 = vector.broadcast %ge3A_1611 : i32 to vector<16xi32>
        %ge3A_1613 = arith.cmpi sge, %iota3A, %ge3A_1612 : vector<16xi32>
        %and3A_1614 = arith.andi %eq3A_1610, %ge3A_1613 : vector<16xi1>
        %broadcast_in_dim3A_1615 = vector.shape_cast %max3A_1606 : vector<16xi32> to vector<16x1xi32>
        %gather3A_1616 = vector.shape_cast %broadcast_in_dim3A_1615 : vector<16x1xi32> to vector<16xi32>
        %gather3A_1617 = tpu.dynamic_gather %select_n3A[%gather3A_1616] in [0] : vector<16xf32>, vector<16xi32> -> vector<16xf32>
        %max3A_1618 = arith.maximumf %select_n3A, %gather3A_1617 : vector<16xf32>
        %select_n3A_1619 = arith.select %and3A_1614, %max3A_1618, %select_n3A : vector<16xi1>, vector<16xf32>
        %sub3A_1620 = arith.constant 4 : i32
        %sub3A_1621 = vector.broadcast %sub3A_1620 : i32 to vector<16xi32>
        %sub3A_1622 = arith.subi %iota3A, %sub3A_1621 : vector<16xi32>
        %max3A_1623 = arith.constant 0 : i32
        %max3A_1624 = vector.broadcast %max3A_1623 : i32 to vector<16xi32>
        %max3A_1625 = arith.maxsi %sub3A_1622, %max3A_1624 : vector<16xi32>
        %broadcast_in_dim3A_1626 = vector.shape_cast %max3A_1625 : vector<16xi32> to vector<16x1xi32>
        %gather3A_1627 = vector.shape_cast %broadcast_in_dim3A_1626 : vector<16x1xi32> to vector<16xi32>
        %gather3A_1628 = tpu.dynamic_gather %bitcast3A_1402[%gather3A_1627] in [0] : vector<16xi32>, vector<16xi32> -> vector<16xi32>
        %eq3A_1629 = arith.cmpi eq, %gather3A_1628, %bitcast3A_1402 : vector<16xi32>
        %ge3A_1630 = arith.constant 4 : i32
        %ge3A_1631 = vector.broadcast %ge3A_1630 : i32 to vector<16xi32>
        %ge3A_1632 = arith.cmpi sge, %iota3A, %ge3A_1631 : vector<16xi32>
        %and3A_1633 = arith.andi %eq3A_1629, %ge3A_1632 : vector<16xi1>
        %broadcast_in_dim3A_1634 = vector.shape_cast %max3A_1625 : vector<16xi32> to vector<16x1xi32>
        %gather3A_1635 = vector.shape_cast %broadcast_in_dim3A_1634 : vector<16x1xi32> to vector<16xi32>
        %gather3A_1636 = tpu.dynamic_gather %select_n3A_1619[%gather3A_1635] in [0] : vector<16xf32>, vector<16xi32> -> vector<16xf32>
        %max3A_1637 = arith.maximumf %select_n3A_1619, %gather3A_1636 : vector<16xf32>
        %select_n3A_1638 = arith.select %and3A_1633, %max3A_1637, %select_n3A_1619 : vector<16xi1>, vector<16xf32>
        %sub3A_1639 = arith.constant 8 : i32
        %sub3A_1640 = vector.broadcast %sub3A_1639 : i32 to vector<16xi32>
        %sub3A_1641 = arith.subi %iota3A, %sub3A_1640 : vector<16xi32>
        %max3A_1642 = arith.constant 0 : i32
        %max3A_1643 = vector.broadcast %max3A_1642 : i32 to vector<16xi32>
        %max3A_1644 = arith.maxsi %sub3A_1641, %max3A_1643 : vector<16xi32>
        %broadcast_in_dim3A_1645 = vector.shape_cast %max3A_1644 : vector<16xi32> to vector<16x1xi32>
        %gather3A_1646 = vector.shape_cast %broadcast_in_dim3A_1645 : vector<16x1xi32> to vector<16xi32>
        %gather3A_1647 = tpu.dynamic_gather %bitcast3A_1402[%gather3A_1646] in [0] : vector<16xi32>, vector<16xi32> -> vector<16xi32>
        %eq3A_1648 = arith.cmpi eq, %gather3A_1647, %bitcast3A_1402 : vector<16xi32>
        %ge3A_1649 = arith.constant 8 : i32
        %ge3A_1650 = vector.broadcast %ge3A_1649 : i32 to vector<16xi32>
        %ge3A_1651 = arith.cmpi sge, %iota3A, %ge3A_1650 : vector<16xi32>
        %and3A_1652 = arith.andi %eq3A_1648, %ge3A_1651 : vector<16xi1>
        %broadcast_in_dim3A_1653 = vector.shape_cast %max3A_1644 : vector<16xi32> to vector<16x1xi32>
        %gather3A_1654 = vector.shape_cast %broadcast_in_dim3A_1653 : vector<16x1xi32> to vector<16xi32>
        %gather3A_1655 = tpu.dynamic_gather %select_n3A_1638[%gather3A_1654] in [0] : vector<16xf32>, vector<16xi32> -> vector<16xf32>
        %max3A_1656 = arith.maximumf %select_n3A_1638, %gather3A_1655 : vector<16xf32>
        %select_n3A_1657 = arith.select %and3A_1652, %max3A_1656, %select_n3A_1638 : vector<16xi1>, vector<16xf32>
        %sub3A_1658 = arith.constant 1 : i32
        %sub3A_1659 = vector.broadcast %sub3A_1658 : i32 to vector<16xi32>
        %sub3A_1660 = arith.subi %iota3A, %sub3A_1659 : vector<16xi32>
        %max3A_1661 = arith.constant 0 : i32
        %max3A_1662 = vector.broadcast %max3A_1661 : i32 to vector<16xi32>
        %max3A_1663 = arith.maxsi %sub3A_1660, %max3A_1662 : vector<16xi32>
        %broadcast_in_dim3A_1664 = vector.shape_cast %max3A_1663 : vector<16xi32> to vector<16x1xi32>
        %gather3A_1665 = vector.shape_cast %broadcast_in_dim3A_1664 : vector<16x1xi32> to vector<16xi32>
        %gather3A_1666 = tpu.dynamic_gather %bitcast3A_1427[%gather3A_1665] in [0] : vector<16xi32>, vector<16xi32> -> vector<16xi32>
        %eq3A_1667 = arith.cmpi eq, %gather3A_1666, %bitcast3A_1427 : vector<16xi32>
        %ge3A_1668 = arith.constant 1 : i32
        %ge3A_1669 = vector.broadcast %ge3A_1668 : i32 to vector<16xi32>
        %ge3A_1670 = arith.cmpi sge, %iota3A, %ge3A_1669 : vector<16xi32>
        %and3A_1671 = arith.andi %eq3A_1667, %ge3A_1670 : vector<16xi1>
        %broadcast_in_dim3A_1672 = vector.shape_cast %max3A_1663 : vector<16xi32> to vector<16x1xi32>
        %gather3A_1673 = vector.shape_cast %broadcast_in_dim3A_1672 : vector<16x1xi32> to vector<16xi32>
        %gather3A_1674 = tpu.dynamic_gather %max3A_1436[%gather3A_1673] in [0] : vector<16xf32>, vector<16xi32> -> vector<16xf32>
        %max3A_1675 = arith.maximumf %max3A_1436, %gather3A_1674 : vector<16xf32>
        %select_n3A_1676 = arith.select %and3A_1671, %max3A_1675, %max3A_1436 : vector<16xi1>, vector<16xf32>
        %sub3A_1677 = arith.constant 2 : i32
        %sub3A_1678 = vector.broadcast %sub3A_1677 : i32 to vector<16xi32>
        %sub3A_1679 = arith.subi %iota3A, %sub3A_1678 : vector<16xi32>
        %max3A_1680 = arith.constant 0 : i32
        %max3A_1681 = vector.broadcast %max3A_1680 : i32 to vector<16xi32>
        %max3A_1682 = arith.maxsi %sub3A_1679, %max3A_1681 : vector<16xi32>
        %broadcast_in_dim3A_1683 = vector.shape_cast %max3A_1682 : vector<16xi32> to vector<16x1xi32>
        %gather3A_1684 = vector.shape_cast %broadcast_in_dim3A_1683 : vector<16x1xi32> to vector<16xi32>
        %gather3A_1685 = tpu.dynamic_gather %bitcast3A_1427[%gather3A_1684] in [0] : vector<16xi32>, vector<16xi32> -> vector<16xi32>
        %eq3A_1686 = arith.cmpi eq, %gather3A_1685, %bitcast3A_1427 : vector<16xi32>
        %ge3A_1687 = arith.constant 2 : i32
        %ge3A_1688 = vector.broadcast %ge3A_1687 : i32 to vector<16xi32>
        %ge3A_1689 = arith.cmpi sge, %iota3A, %ge3A_1688 : vector<16xi32>
        %and3A_1690 = arith.andi %eq3A_1686, %ge3A_1689 : vector<16xi1>
        %broadcast_in_dim3A_1691 = vector.shape_cast %max3A_1682 : vector<16xi32> to vector<16x1xi32>
        %gather3A_1692 = vector.shape_cast %broadcast_in_dim3A_1691 : vector<16x1xi32> to vector<16xi32>
        %gather3A_1693 = tpu.dynamic_gather %select_n3A_1676[%gather3A_1692] in [0] : vector<16xf32>, vector<16xi32> -> vector<16xf32>
        %max3A_1694 = arith.maximumf %select_n3A_1676, %gather3A_1693 : vector<16xf32>
        %select_n3A_1695 = arith.select %and3A_1690, %max3A_1694, %select_n3A_1676 : vector<16xi1>, vector<16xf32>
        %sub3A_1696 = arith.constant 4 : i32
        %sub3A_1697 = vector.broadcast %sub3A_1696 : i32 to vector<16xi32>
        %sub3A_1698 = arith.subi %iota3A, %sub3A_1697 : vector<16xi32>
        %max3A_1699 = arith.constant 0 : i32
        %max3A_1700 = vector.broadcast %max3A_1699 : i32 to vector<16xi32>
        %max3A_1701 = arith.maxsi %sub3A_1698, %max3A_1700 : vector<16xi32>
        %broadcast_in_dim3A_1702 = vector.shape_cast %max3A_1701 : vector<16xi32> to vector<16x1xi32>
        %gather3A_1703 = vector.shape_cast %broadcast_in_dim3A_1702 : vector<16x1xi32> to vector<16xi32>
        %gather3A_1704 = tpu.dynamic_gather %bitcast3A_1427[%gather3A_1703] in [0] : vector<16xi32>, vector<16xi32> -> vector<16xi32>
        %eq3A_1705 = arith.cmpi eq, %gather3A_1704, %bitcast3A_1427 : vector<16xi32>
        %ge3A_1706 = arith.constant 4 : i32
        %ge3A_1707 = vector.broadcast %ge3A_1706 : i32 to vector<16xi32>
        %ge3A_1708 = arith.cmpi sge, %iota3A, %ge3A_1707 : vector<16xi32>
        %and3A_1709 = arith.andi %eq3A_1705, %ge3A_1708 : vector<16xi1>
        %broadcast_in_dim3A_1710 = vector.shape_cast %max3A_1701 : vector<16xi32> to vector<16x1xi32>
        %gather3A_1711 = vector.shape_cast %broadcast_in_dim3A_1710 : vector<16x1xi32> to vector<16xi32>
        %gather3A_1712 = tpu.dynamic_gather %select_n3A_1695[%gather3A_1711] in [0] : vector<16xf32>, vector<16xi32> -> vector<16xf32>
        %max3A_1713 = arith.maximumf %select_n3A_1695, %gather3A_1712 : vector<16xf32>
        %select_n3A_1714 = arith.select %and3A_1709, %max3A_1713, %select_n3A_1695 : vector<16xi1>, vector<16xf32>
        %sub3A_1715 = arith.constant 8 : i32
        %sub3A_1716 = vector.broadcast %sub3A_1715 : i32 to vector<16xi32>
        %sub3A_1717 = arith.subi %iota3A, %sub3A_1716 : vector<16xi32>
        %max3A_1718 = arith.constant 0 : i32
        %max3A_1719 = vector.broadcast %max3A_1718 : i32 to vector<16xi32>
        %max3A_1720 = arith.maxsi %sub3A_1717, %max3A_1719 : vector<16xi32>
        %broadcast_in_dim3A_1721 = vector.shape_cast %max3A_1720 : vector<16xi32> to vector<16x1xi32>
        %gather3A_1722 = vector.shape_cast %broadcast_in_dim3A_1721 : vector<16x1xi32> to vector<16xi32>
        %gather3A_1723 = tpu.dynamic_gather %bitcast3A_1427[%gather3A_1722] in [0] : vector<16xi32>, vector<16xi32> -> vector<16xi32>
        %eq3A_1724 = arith.cmpi eq, %gather3A_1723, %bitcast3A_1427 : vector<16xi32>
        %ge3A_1725 = arith.constant 8 : i32
        %ge3A_1726 = vector.broadcast %ge3A_1725 : i32 to vector<16xi32>
        %ge3A_1727 = arith.cmpi sge, %iota3A, %ge3A_1726 : vector<16xi32>
        %and3A_1728 = arith.andi %eq3A_1724, %ge3A_1727 : vector<16xi1>
        %broadcast_in_dim3A_1729 = vector.shape_cast %max3A_1720 : vector<16xi32> to vector<16x1xi32>
        %gather3A_1730 = vector.shape_cast %broadcast_in_dim3A_1729 : vector<16x1xi32> to vector<16xi32>
        %gather3A_1731 = tpu.dynamic_gather %select_n3A_1714[%gather3A_1730] in [0] : vector<16xf32>, vector<16xi32> -> vector<16xf32>
        %max3A_1732 = arith.maximumf %select_n3A_1714, %gather3A_1731 : vector<16xf32>
        %select_n3A_1733 = arith.select %and3A_1728, %max3A_1732, %select_n3A_1714 : vector<16xi1>, vector<16xf32>
        %sub3A_1734 = arith.constant 1 : i32
        %sub3A_1735 = vector.broadcast %sub3A_1734 : i32 to vector<16xi32>
        %sub3A_1736 = arith.subi %iota3A, %sub3A_1735 : vector<16xi32>
        %max3A_1737 = arith.constant 0 : i32
        %max3A_1738 = vector.broadcast %max3A_1737 : i32 to vector<16xi32>
        %max3A_1739 = arith.maxsi %sub3A_1736, %max3A_1738 : vector<16xi32>
        %broadcast_in_dim3A_1740 = vector.shape_cast %max3A_1739 : vector<16xi32> to vector<16x1xi32>
        %gather3A_1741 = vector.shape_cast %broadcast_in_dim3A_1740 : vector<16x1xi32> to vector<16xi32>
        %gather3A_1742 = tpu.dynamic_gather %bitcast3A_1456[%gather3A_1741] in [0] : vector<16xi32>, vector<16xi32> -> vector<16xi32>
        %eq3A_1743 = arith.cmpi eq, %gather3A_1742, %bitcast3A_1456 : vector<16xi32>
        %ge3A_1744 = arith.constant 1 : i32
        %ge3A_1745 = vector.broadcast %ge3A_1744 : i32 to vector<16xi32>
        %ge3A_1746 = arith.cmpi sge, %iota3A, %ge3A_1745 : vector<16xi32>
        %and3A_1747 = arith.andi %eq3A_1743, %ge3A_1746 : vector<16xi1>
        %broadcast_in_dim3A_1748 = vector.shape_cast %max3A_1739 : vector<16xi32> to vector<16x1xi32>
        %gather3A_1749 = vector.shape_cast %broadcast_in_dim3A_1748 : vector<16x1xi32> to vector<16xi32>
        %gather3A_1750 = tpu.dynamic_gather %max3A_1465[%gather3A_1749] in [0] : vector<16xf32>, vector<16xi32> -> vector<16xf32>
        %max3A_1751 = arith.maximumf %max3A_1465, %gather3A_1750 : vector<16xf32>
        %select_n3A_1752 = arith.select %and3A_1747, %max3A_1751, %max3A_1465 : vector<16xi1>, vector<16xf32>
        %sub3A_1753 = arith.constant 2 : i32
        %sub3A_1754 = vector.broadcast %sub3A_1753 : i32 to vector<16xi32>
        %sub3A_1755 = arith.subi %iota3A, %sub3A_1754 : vector<16xi32>
        %max3A_1756 = arith.constant 0 : i32
        %max3A_1757 = vector.broadcast %max3A_1756 : i32 to vector<16xi32>
        %max3A_1758 = arith.maxsi %sub3A_1755, %max3A_1757 : vector<16xi32>
        %broadcast_in_dim3A_1759 = vector.shape_cast %max3A_1758 : vector<16xi32> to vector<16x1xi32>
        %gather3A_1760 = vector.shape_cast %broadcast_in_dim3A_1759 : vector<16x1xi32> to vector<16xi32>
        %gather3A_1761 = tpu.dynamic_gather %bitcast3A_1456[%gather3A_1760] in [0] : vector<16xi32>, vector<16xi32> -> vector<16xi32>
        %eq3A_1762 = arith.cmpi eq, %gather3A_1761, %bitcast3A_1456 : vector<16xi32>
        %ge3A_1763 = arith.constant 2 : i32
        %ge3A_1764 = vector.broadcast %ge3A_1763 : i32 to vector<16xi32>
        %ge3A_1765 = arith.cmpi sge, %iota3A, %ge3A_1764 : vector<16xi32>
        %and3A_1766 = arith.andi %eq3A_1762, %ge3A_1765 : vector<16xi1>
        %broadcast_in_dim3A_1767 = vector.shape_cast %max3A_1758 : vector<16xi32> to vector<16x1xi32>
        %gather3A_1768 = vector.shape_cast %broadcast_in_dim3A_1767 : vector<16x1xi32> to vector<16xi32>
        %gather3A_1769 = tpu.dynamic_gather %select_n3A_1752[%gather3A_1768] in [0] : vector<16xf32>, vector<16xi32> -> vector<16xf32>
        %max3A_1770 = arith.maximumf %select_n3A_1752, %gather3A_1769 : vector<16xf32>
        %select_n3A_1771 = arith.select %and3A_1766, %max3A_1770, %select_n3A_1752 : vector<16xi1>, vector<16xf32>
        %sub3A_1772 = arith.constant 4 : i32
        %sub3A_1773 = vector.broadcast %sub3A_1772 : i32 to vector<16xi32>
        %sub3A_1774 = arith.subi %iota3A, %sub3A_1773 : vector<16xi32>
        %max3A_1775 = arith.constant 0 : i32
        %max3A_1776 = vector.broadcast %max3A_1775 : i32 to vector<16xi32>
        %max3A_1777 = arith.maxsi %sub3A_1774, %max3A_1776 : vector<16xi32>
        %broadcast_in_dim3A_1778 = vector.shape_cast %max3A_1777 : vector<16xi32> to vector<16x1xi32>
        %gather3A_1779 = vector.shape_cast %broadcast_in_dim3A_1778 : vector<16x1xi32> to vector<16xi32>
        %gather3A_1780 = tpu.dynamic_gather %bitcast3A_1456[%gather3A_1779] in [0] : vector<16xi32>, vector<16xi32> -> vector<16xi32>
        %eq3A_1781 = arith.cmpi eq, %gather3A_1780, %bitcast3A_1456 : vector<16xi32>
        %ge3A_1782 = arith.constant 4 : i32
        %ge3A_1783 = vector.broadcast %ge3A_1782 : i32 to vector<16xi32>
        %ge3A_1784 = arith.cmpi sge, %iota3A, %ge3A_1783 : vector<16xi32>
        %and3A_1785 = arith.andi %eq3A_1781, %ge3A_1784 : vector<16xi1>
        %broadcast_in_dim3A_1786 = vector.shape_cast %max3A_1777 : vector<16xi32> to vector<16x1xi32>
        %gather3A_1787 = vector.shape_cast %broadcast_in_dim3A_1786 : vector<16x1xi32> to vector<16xi32>
        %gather3A_1788 = tpu.dynamic_gather %select_n3A_1771[%gather3A_1787] in [0] : vector<16xf32>, vector<16xi32> -> vector<16xf32>
        %max3A_1789 = arith.maximumf %select_n3A_1771, %gather3A_1788 : vector<16xf32>
        %select_n3A_1790 = arith.select %and3A_1785, %max3A_1789, %select_n3A_1771 : vector<16xi1>, vector<16xf32>
        %sub3A_1791 = arith.constant 8 : i32
        %sub3A_1792 = vector.broadcast %sub3A_1791 : i32 to vector<16xi32>
        %sub3A_1793 = arith.subi %iota3A, %sub3A_1792 : vector<16xi32>
        %max3A_1794 = arith.constant 0 : i32
        %max3A_1795 = vector.broadcast %max3A_1794 : i32 to vector<16xi32>
        %max3A_1796 = arith.maxsi %sub3A_1793, %max3A_1795 : vector<16xi32>
        %broadcast_in_dim3A_1797 = vector.shape_cast %max3A_1796 : vector<16xi32> to vector<16x1xi32>
        %gather3A_1798 = vector.shape_cast %broadcast_in_dim3A_1797 : vector<16x1xi32> to vector<16xi32>
        %gather3A_1799 = tpu.dynamic_gather %bitcast3A_1456[%gather3A_1798] in [0] : vector<16xi32>, vector<16xi32> -> vector<16xi32>
        %eq3A_1800 = arith.cmpi eq, %gather3A_1799, %bitcast3A_1456 : vector<16xi32>
        %ge3A_1801 = arith.constant 8 : i32
        %ge3A_1802 = vector.broadcast %ge3A_1801 : i32 to vector<16xi32>
        %ge3A_1803 = arith.cmpi sge, %iota3A, %ge3A_1802 : vector<16xi32>
        %and3A_1804 = arith.andi %eq3A_1800, %ge3A_1803 : vector<16xi1>
        %broadcast_in_dim3A_1805 = vector.shape_cast %max3A_1796 : vector<16xi32> to vector<16x1xi32>
        %gather3A_1806 = vector.shape_cast %broadcast_in_dim3A_1805 : vector<16x1xi32> to vector<16xi32>
        %gather3A_1807 = tpu.dynamic_gather %select_n3A_1790[%gather3A_1806] in [0] : vector<16xf32>, vector<16xi32> -> vector<16xf32>
        %max3A_1808 = arith.maximumf %select_n3A_1790, %gather3A_1807 : vector<16xf32>
        %select_n3A_1809 = arith.select %and3A_1804, %max3A_1808, %select_n3A_1790 : vector<16xi1>, vector<16xf32>
        %sub3A_1810 = arith.constant 1 : i32
        %sub3A_1811 = vector.broadcast %sub3A_1810 : i32 to vector<16xi32>
        %sub3A_1812 = arith.subi %iota3A, %sub3A_1811 : vector<16xi32>
        %max3A_1813 = arith.constant 0 : i32
        %max3A_1814 = vector.broadcast %max3A_1813 : i32 to vector<16xi32>
        %max3A_1815 = arith.maxsi %sub3A_1812, %max3A_1814 : vector<16xi32>
        %broadcast_in_dim3A_1816 = vector.shape_cast %max3A_1815 : vector<16xi32> to vector<16x1xi32>
        %gather3A_1817 = vector.shape_cast %broadcast_in_dim3A_1816 : vector<16x1xi32> to vector<16xi32>
        %gather3A_1818 = tpu.dynamic_gather %bitcast3A_1485[%gather3A_1817] in [0] : vector<16xi32>, vector<16xi32> -> vector<16xi32>
        %eq3A_1819 = arith.cmpi eq, %gather3A_1818, %bitcast3A_1485 : vector<16xi32>
        %ge3A_1820 = arith.constant 1 : i32
        %ge3A_1821 = vector.broadcast %ge3A_1820 : i32 to vector<16xi32>
        %ge3A_1822 = arith.cmpi sge, %iota3A, %ge3A_1821 : vector<16xi32>
        %and3A_1823 = arith.andi %eq3A_1819, %ge3A_1822 : vector<16xi1>
        %broadcast_in_dim3A_1824 = vector.shape_cast %max3A_1815 : vector<16xi32> to vector<16x1xi32>
        %gather3A_1825 = vector.shape_cast %broadcast_in_dim3A_1824 : vector<16x1xi32> to vector<16xi32>
        %gather3A_1826 = tpu.dynamic_gather %max3A_1494[%gather3A_1825] in [0] : vector<16xf32>, vector<16xi32> -> vector<16xf32>
        %max3A_1827 = arith.maximumf %max3A_1494, %gather3A_1826 : vector<16xf32>
        %select_n3A_1828 = arith.select %and3A_1823, %max3A_1827, %max3A_1494 : vector<16xi1>, vector<16xf32>
        %sub3A_1829 = arith.constant 2 : i32
        %sub3A_1830 = vector.broadcast %sub3A_1829 : i32 to vector<16xi32>
        %sub3A_1831 = arith.subi %iota3A, %sub3A_1830 : vector<16xi32>
        %max3A_1832 = arith.constant 0 : i32
        %max3A_1833 = vector.broadcast %max3A_1832 : i32 to vector<16xi32>
        %max3A_1834 = arith.maxsi %sub3A_1831, %max3A_1833 : vector<16xi32>
        %broadcast_in_dim3A_1835 = vector.shape_cast %max3A_1834 : vector<16xi32> to vector<16x1xi32>
        %gather3A_1836 = vector.shape_cast %broadcast_in_dim3A_1835 : vector<16x1xi32> to vector<16xi32>
        %gather3A_1837 = tpu.dynamic_gather %bitcast3A_1485[%gather3A_1836] in [0] : vector<16xi32>, vector<16xi32> -> vector<16xi32>
        %eq3A_1838 = arith.cmpi eq, %gather3A_1837, %bitcast3A_1485 : vector<16xi32>
        %ge3A_1839 = arith.constant 2 : i32
        %ge3A_1840 = vector.broadcast %ge3A_1839 : i32 to vector<16xi32>
        %ge3A_1841 = arith.cmpi sge, %iota3A, %ge3A_1840 : vector<16xi32>
        %and3A_1842 = arith.andi %eq3A_1838, %ge3A_1841 : vector<16xi1>
        %broadcast_in_dim3A_1843 = vector.shape_cast %max3A_1834 : vector<16xi32> to vector<16x1xi32>
        %gather3A_1844 = vector.shape_cast %broadcast_in_dim3A_1843 : vector<16x1xi32> to vector<16xi32>
        %gather3A_1845 = tpu.dynamic_gather %select_n3A_1828[%gather3A_1844] in [0] : vector<16xf32>, vector<16xi32> -> vector<16xf32>
        %max3A_1846 = arith.maximumf %select_n3A_1828, %gather3A_1845 : vector<16xf32>
        %select_n3A_1847 = arith.select %and3A_1842, %max3A_1846, %select_n3A_1828 : vector<16xi1>, vector<16xf32>
        %sub3A_1848 = arith.constant 4 : i32
        %sub3A_1849 = vector.broadcast %sub3A_1848 : i32 to vector<16xi32>
        %sub3A_1850 = arith.subi %iota3A, %sub3A_1849 : vector<16xi32>
        %max3A_1851 = arith.constant 0 : i32
        %max3A_1852 = vector.broadcast %max3A_1851 : i32 to vector<16xi32>
        %max3A_1853 = arith.maxsi %sub3A_1850, %max3A_1852 : vector<16xi32>
        %broadcast_in_dim3A_1854 = vector.shape_cast %max3A_1853 : vector<16xi32> to vector<16x1xi32>
        %gather3A_1855 = vector.shape_cast %broadcast_in_dim3A_1854 : vector<16x1xi32> to vector<16xi32>
        %gather3A_1856 = tpu.dynamic_gather %bitcast3A_1485[%gather3A_1855] in [0] : vector<16xi32>, vector<16xi32> -> vector<16xi32>
        %eq3A_1857 = arith.cmpi eq, %gather3A_1856, %bitcast3A_1485 : vector<16xi32>
        %ge3A_1858 = arith.constant 4 : i32
        %ge3A_1859 = vector.broadcast %ge3A_1858 : i32 to vector<16xi32>
        %ge3A_1860 = arith.cmpi sge, %iota3A, %ge3A_1859 : vector<16xi32>
        %and3A_1861 = arith.andi %eq3A_1857, %ge3A_1860 : vector<16xi1>
        %broadcast_in_dim3A_1862 = vector.shape_cast %max3A_1853 : vector<16xi32> to vector<16x1xi32>
        %gather3A_1863 = vector.shape_cast %broadcast_in_dim3A_1862 : vector<16x1xi32> to vector<16xi32>
        %gather3A_1864 = tpu.dynamic_gather %select_n3A_1847[%gather3A_1863] in [0] : vector<16xf32>, vector<16xi32> -> vector<16xf32>
        %max3A_1865 = arith.maximumf %select_n3A_1847, %gather3A_1864 : vector<16xf32>
        %select_n3A_1866 = arith.select %and3A_1861, %max3A_1865, %select_n3A_1847 : vector<16xi1>, vector<16xf32>
        %sub3A_1867 = arith.constant 8 : i32
        %sub3A_1868 = vector.broadcast %sub3A_1867 : i32 to vector<16xi32>
        %sub3A_1869 = arith.subi %iota3A, %sub3A_1868 : vector<16xi32>
        %max3A_1870 = arith.constant 0 : i32
        %max3A_1871 = vector.broadcast %max3A_1870 : i32 to vector<16xi32>
        %max3A_1872 = arith.maxsi %sub3A_1869, %max3A_1871 : vector<16xi32>
        %broadcast_in_dim3A_1873 = vector.shape_cast %max3A_1872 : vector<16xi32> to vector<16x1xi32>
        %gather3A_1874 = vector.shape_cast %broadcast_in_dim3A_1873 : vector<16x1xi32> to vector<16xi32>
        %gather3A_1875 = tpu.dynamic_gather %bitcast3A_1485[%gather3A_1874] in [0] : vector<16xi32>, vector<16xi32> -> vector<16xi32>
        %eq3A_1876 = arith.cmpi eq, %gather3A_1875, %bitcast3A_1485 : vector<16xi32>
        %ge3A_1877 = arith.constant 8 : i32
        %ge3A_1878 = vector.broadcast %ge3A_1877 : i32 to vector<16xi32>
        %ge3A_1879 = arith.cmpi sge, %iota3A, %ge3A_1878 : vector<16xi32>
        %and3A_1880 = arith.andi %eq3A_1876, %ge3A_1879 : vector<16xi1>
        %broadcast_in_dim3A_1881 = vector.shape_cast %max3A_1872 : vector<16xi32> to vector<16x1xi32>
        %gather3A_1882 = vector.shape_cast %broadcast_in_dim3A_1881 : vector<16x1xi32> to vector<16xi32>
        %gather3A_1883 = tpu.dynamic_gather %select_n3A_1866[%gather3A_1882] in [0] : vector<16xf32>, vector<16xi32> -> vector<16xf32>
        %max3A_1884 = arith.maximumf %select_n3A_1866, %gather3A_1883 : vector<16xf32>
        %select_n3A_1885 = arith.select %and3A_1880, %max3A_1884, %select_n3A_1866 : vector<16xi1>, vector<16xf32>
        %sub3A_1886 = arith.constant 1 : i32
        %sub3A_1887 = vector.broadcast %sub3A_1886 : i32 to vector<16xi32>
        %sub3A_1888 = arith.subi %iota3A, %sub3A_1887 : vector<16xi32>
        %max3A_1889 = arith.constant 0 : i32
        %max3A_1890 = vector.broadcast %max3A_1889 : i32 to vector<16xi32>
        %max3A_1891 = arith.maxsi %sub3A_1888, %max3A_1890 : vector<16xi32>
        %broadcast_in_dim3A_1892 = vector.shape_cast %max3A_1891 : vector<16xi32> to vector<16x1xi32>
        %gather3A_1893 = vector.shape_cast %broadcast_in_dim3A_1892 : vector<16x1xi32> to vector<16xi32>
        %gather3A_1894 = tpu.dynamic_gather %bitcast3A_1514[%gather3A_1893] in [0] : vector<16xi32>, vector<16xi32> -> vector<16xi32>
        %eq3A_1895 = arith.cmpi eq, %gather3A_1894, %bitcast3A_1514 : vector<16xi32>
        %ge3A_1896 = arith.constant 1 : i32
        %ge3A_1897 = vector.broadcast %ge3A_1896 : i32 to vector<16xi32>
        %ge3A_1898 = arith.cmpi sge, %iota3A, %ge3A_1897 : vector<16xi32>
        %and3A_1899 = arith.andi %eq3A_1895, %ge3A_1898 : vector<16xi1>
        %broadcast_in_dim3A_1900 = vector.shape_cast %max3A_1891 : vector<16xi32> to vector<16x1xi32>
        %gather3A_1901 = vector.shape_cast %broadcast_in_dim3A_1900 : vector<16x1xi32> to vector<16xi32>
        %gather3A_1902 = tpu.dynamic_gather %max3A_1523[%gather3A_1901] in [0] : vector<16xf32>, vector<16xi32> -> vector<16xf32>
        %max3A_1903 = arith.maximumf %max3A_1523, %gather3A_1902 : vector<16xf32>
        %select_n3A_1904 = arith.select %and3A_1899, %max3A_1903, %max3A_1523 : vector<16xi1>, vector<16xf32>
        %sub3A_1905 = arith.constant 2 : i32
        %sub3A_1906 = vector.broadcast %sub3A_1905 : i32 to vector<16xi32>
        %sub3A_1907 = arith.subi %iota3A, %sub3A_1906 : vector<16xi32>
        %max3A_1908 = arith.constant 0 : i32
        %max3A_1909 = vector.broadcast %max3A_1908 : i32 to vector<16xi32>
        %max3A_1910 = arith.maxsi %sub3A_1907, %max3A_1909 : vector<16xi32>
        %broadcast_in_dim3A_1911 = vector.shape_cast %max3A_1910 : vector<16xi32> to vector<16x1xi32>
        %gather3A_1912 = vector.shape_cast %broadcast_in_dim3A_1911 : vector<16x1xi32> to vector<16xi32>
        %gather3A_1913 = tpu.dynamic_gather %bitcast3A_1514[%gather3A_1912] in [0] : vector<16xi32>, vector<16xi32> -> vector<16xi32>
        %eq3A_1914 = arith.cmpi eq, %gather3A_1913, %bitcast3A_1514 : vector<16xi32>
        %ge3A_1915 = arith.constant 2 : i32
        %ge3A_1916 = vector.broadcast %ge3A_1915 : i32 to vector<16xi32>
        %ge3A_1917 = arith.cmpi sge, %iota3A, %ge3A_1916 : vector<16xi32>
        %and3A_1918 = arith.andi %eq3A_1914, %ge3A_1917 : vector<16xi1>
        %broadcast_in_dim3A_1919 = vector.shape_cast %max3A_1910 : vector<16xi32> to vector<16x1xi32>
        %gather3A_1920 = vector.shape_cast %broadcast_in_dim3A_1919 : vector<16x1xi32> to vector<16xi32>
        %gather3A_1921 = tpu.dynamic_gather %select_n3A_1904[%gather3A_1920] in [0] : vector<16xf32>, vector<16xi32> -> vector<16xf32>
        %max3A_1922 = arith.maximumf %select_n3A_1904, %gather3A_1921 : vector<16xf32>
        %select_n3A_1923 = arith.select %and3A_1918, %max3A_1922, %select_n3A_1904 : vector<16xi1>, vector<16xf32>
        %sub3A_1924 = arith.constant 4 : i32
        %sub3A_1925 = vector.broadcast %sub3A_1924 : i32 to vector<16xi32>
        %sub3A_1926 = arith.subi %iota3A, %sub3A_1925 : vector<16xi32>
        %max3A_1927 = arith.constant 0 : i32
        %max3A_1928 = vector.broadcast %max3A_1927 : i32 to vector<16xi32>
        %max3A_1929 = arith.maxsi %sub3A_1926, %max3A_1928 : vector<16xi32>
        %broadcast_in_dim3A_1930 = vector.shape_cast %max3A_1929 : vector<16xi32> to vector<16x1xi32>
        %gather3A_1931 = vector.shape_cast %broadcast_in_dim3A_1930 : vector<16x1xi32> to vector<16xi32>
        %gather3A_1932 = tpu.dynamic_gather %bitcast3A_1514[%gather3A_1931] in [0] : vector<16xi32>, vector<16xi32> -> vector<16xi32>
        %eq3A_1933 = arith.cmpi eq, %gather3A_1932, %bitcast3A_1514 : vector<16xi32>
        %ge3A_1934 = arith.constant 4 : i32
        %ge3A_1935 = vector.broadcast %ge3A_1934 : i32 to vector<16xi32>
        %ge3A_1936 = arith.cmpi sge, %iota3A, %ge3A_1935 : vector<16xi32>
        %and3A_1937 = arith.andi %eq3A_1933, %ge3A_1936 : vector<16xi1>
        %broadcast_in_dim3A_1938 = vector.shape_cast %max3A_1929 : vector<16xi32> to vector<16x1xi32>
        %gather3A_1939 = vector.shape_cast %broadcast_in_dim3A_1938 : vector<16x1xi32> to vector<16xi32>
        %gather3A_1940 = tpu.dynamic_gather %select_n3A_1923[%gather3A_1939] in [0] : vector<16xf32>, vector<16xi32> -> vector<16xf32>
        %max3A_1941 = arith.maximumf %select_n3A_1923, %gather3A_1940 : vector<16xf32>
        %select_n3A_1942 = arith.select %and3A_1937, %max3A_1941, %select_n3A_1923 : vector<16xi1>, vector<16xf32>
        %sub3A_1943 = arith.constant 8 : i32
        %sub3A_1944 = vector.broadcast %sub3A_1943 : i32 to vector<16xi32>
        %sub3A_1945 = arith.subi %iota3A, %sub3A_1944 : vector<16xi32>
        %max3A_1946 = arith.constant 0 : i32
        %max3A_1947 = vector.broadcast %max3A_1946 : i32 to vector<16xi32>
        %max3A_1948 = arith.maxsi %sub3A_1945, %max3A_1947 : vector<16xi32>
        %broadcast_in_dim3A_1949 = vector.shape_cast %max3A_1948 : vector<16xi32> to vector<16x1xi32>
        %gather3A_1950 = vector.shape_cast %broadcast_in_dim3A_1949 : vector<16x1xi32> to vector<16xi32>
        %gather3A_1951 = tpu.dynamic_gather %bitcast3A_1514[%gather3A_1950] in [0] : vector<16xi32>, vector<16xi32> -> vector<16xi32>
        %eq3A_1952 = arith.cmpi eq, %gather3A_1951, %bitcast3A_1514 : vector<16xi32>
        %ge3A_1953 = arith.constant 8 : i32
        %ge3A_1954 = vector.broadcast %ge3A_1953 : i32 to vector<16xi32>
        %ge3A_1955 = arith.cmpi sge, %iota3A, %ge3A_1954 : vector<16xi32>
        %and3A_1956 = arith.andi %eq3A_1952, %ge3A_1955 : vector<16xi1>
        %broadcast_in_dim3A_1957 = vector.shape_cast %max3A_1948 : vector<16xi32> to vector<16x1xi32>
        %gather3A_1958 = vector.shape_cast %broadcast_in_dim3A_1957 : vector<16x1xi32> to vector<16xi32>
        %gather3A_1959 = tpu.dynamic_gather %select_n3A_1942[%gather3A_1958] in [0] : vector<16xf32>, vector<16xi32> -> vector<16xf32>
        %max3A_1960 = arith.maximumf %select_n3A_1942, %gather3A_1959 : vector<16xf32>
        %select_n3A_1961 = arith.select %and3A_1956, %max3A_1960, %select_n3A_1942 : vector<16xi1>, vector<16xf32>
        scf.yield %select_n3A_1657, %select_n3A_1733, %select_n3A_1809, %select_n3A_1885, %select_n3A_1961 : vector<16xf32>, vector<16xf32>, vector<16xf32>, vector<16xf32>, vector<16xf32>
      }
      %gather3A_1574 = tpu.vector_load_idx %arg10[%bitcast3A_1402] : memref<10240xf32, #tpu.memory_space<vmem>>[vector<16xi32>], vector<16xf32>,
      %max3A_1575 = arith.maximumf %gather3A_1574, %cond3A_1573#0 : vector<16xf32>
      tpu.vector_store_idx %arg10[%bitcast3A_1402], %max3A_1575 masked %or3A : memref<10240xf32, #tpu.memory_space<vmem>>[vector<16xi32>], vector<16xf32>, vector<16xi1>
      %gather3A_1576 = tpu.vector_load_idx %arg10[%bitcast3A_1427] : memref<10240xf32, #tpu.memory_space<vmem>>[vector<16xi32>], vector<16xf32>,
      %max3A_1577 = arith.maximumf %gather3A_1576, %cond3A_1573#1 : vector<16xf32>
      tpu.vector_store_idx %arg10[%bitcast3A_1427], %max3A_1577 masked %or3A_1450 : memref<10240xf32, #tpu.memory_space<vmem>>[vector<16xi32>], vector<16xf32>, vector<16xi1>
      %gather3A_1578 = tpu.vector_load_idx %arg10[%bitcast3A_1456] : memref<10240xf32, #tpu.memory_space<vmem>>[vector<16xi32>], vector<16xf32>,
      %max3A_1579 = arith.maximumf %gather3A_1578, %cond3A_1573#2 : vector<16xf32>
      tpu.vector_store_idx %arg10[%bitcast3A_1456], %max3A_1579 masked %or3A_1479 : memref<10240xf32, #tpu.memory_space<vmem>>[vector<16xi32>], vector<16xf32>, vector<16xi1>
      %gather3A_1580 = tpu.vector_load_idx %arg10[%bitcast3A_1485] : memref<10240xf32, #tpu.memory_space<vmem>>[vector<16xi32>], vector<16xf32>,
      %max3A_1581 = arith.maximumf %gather3A_1580, %cond3A_1573#3 : vector<16xf32>
      tpu.vector_store_idx %arg10[%bitcast3A_1485], %max3A_1581 masked %or3A_1508 : memref<10240xf32, #tpu.memory_space<vmem>>[vector<16xi32>], vector<16xf32>, vector<16xi1>
      %gather3A_1582 = tpu.vector_load_idx %arg10[%bitcast3A_1514] : memref<10240xf32, #tpu.memory_space<vmem>>[vector<16xi32>], vector<16xf32>,
      %max3A_1583 = arith.maximumf %gather3A_1582, %cond3A_1573#4 : vector<16xf32>
      tpu.vector_store_idx %arg10[%bitcast3A_1514], %max3A_1583 masked %or3A_1537 : memref<10240xf32, #tpu.memory_space<vmem>>[vector<16xi32>], vector<16xf32>, vector<16xi1>
      %scan3A_1584 = arith.constant 0 : i32
      scf.yield %scan3A_1584 : i32
    }
    %scan3A_33 = arith.constant 125 : i32
    %scan3A_34 = arith.constant 0 : i32
    %scan3A_35 = arith.constant 0 : i32
    %scan3A_36 = arith.constant 80 : i32
    %scan3A_37 = arith.addi %scan3A_35, %scan3A_36 : i32
    %scan3A_38 = arith.constant 1 : i32
    %scan3A_39 = scf.for %scan3A_1366 = %scan3A_35 to %scan3A_37 step %scan3A_38 iter_args(%scan3A_1367 = %scan3A_34) -> (i32)  : i32 {
      %broadcast_in_dim3A_1368 = arith.constant 0.000000e+00 : f32
      %broadcast_in_dim3A_1369 = vector.broadcast %broadcast_in_dim3A_1368 : f32 to vector<16xf32>
      %mul3A_1370 = arith.constant 8 : i32
      %mul3A_1371 = arith.muli %scan3A_1366, %mul3A_1370 : i32
      %add3A_1372 = arith.constant 0 : i32
      %add3A_1373 = arith.addi %mul3A_1371, %add3A_1372 : i32
      %mul3A_1374 = arith.constant 16 : i32
      %mul3A_1375 = arith.muli %add3A_1373, %mul3A_1374 : i32
      %swap3A = arith.index_cast %mul3A_1375 : i32 to index
      %swap3A_1376 = tpu.vector_load %arg11[%swap3A] {strides = array<i32>} : memref<10240xf32, #tpu.memory_space<vmem>>, vector<16xf32>,
      tpu.vector_store %arg11[%swap3A], %broadcast_in_dim3A_1369 {strides = array<i32>} : memref<10240xf32, #tpu.memory_space<vmem>>, vector<16xf32>,
      %mul3A_1377 = arith.constant 8 : i32
      %mul3A_1378 = arith.muli %scan3A_1366, %mul3A_1377 : i32
      %add3A_1379 = arith.constant 1 : i32
      %add3A_1380 = arith.addi %mul3A_1378, %add3A_1379 : i32
      %mul3A_1381 = arith.constant 16 : i32
      %mul3A_1382 = arith.muli %add3A_1380, %mul3A_1381 : i32
      %swap3A_1383 = arith.index_cast %mul3A_1382 : i32 to index
      %swap3A_1384 = tpu.vector_load %arg11[%swap3A_1383] {strides = array<i32>} : memref<10240xf32, #tpu.memory_space<vmem>>, vector<16xf32>,
      tpu.vector_store %arg11[%swap3A_1383], %broadcast_in_dim3A_1369 {strides = array<i32>} : memref<10240xf32, #tpu.memory_space<vmem>>, vector<16xf32>,
      %mul3A_1385 = arith.constant 8 : i32
      %mul3A_1386 = arith.muli %scan3A_1366, %mul3A_1385 : i32
      %add3A_1387 = arith.constant 2 : i32
      %add3A_1388 = arith.addi %mul3A_1386, %add3A_1387 : i32
      %mul3A_1389 = arith.constant 16 : i32
      %mul3A_1390 = arith.muli %add3A_1388, %mul3A_1389 : i32
      %swap3A_1391 = arith.index_cast %mul3A_1390 : i32 to index
      %swap3A_1392 = tpu.vector_load %arg11[%swap3A_1391] {strides = array<i32>} : memref<10240xf32, #tpu.memory_space<vmem>>, vector<16xf32>,
      tpu.vector_store %arg11[%swap3A_1391], %broadcast_in_dim3A_1369 {strides = array<i32>} : memref<10240xf32, #tpu.memory_space<vmem>>, vector<16xf32>,
      %mul3A_1393 = arith.constant 8 : i32
      %mul3A_1394 = arith.muli %scan3A_1366, %mul3A_1393 : i32
      %add3A_1395 = arith.constant 3 : i32
      %add3A_1396 = arith.addi %mul3A_1394, %add3A_1395 : i32
      %mul3A_1397 = arith.constant 16 : i32
      %mul3A_1398 = arith.muli %add3A_1396, %mul3A_1397 : i32
      %swap3A_1399 = arith.index_cast %mul3A_1398 : i32 to index
      %swap3A_1400 = tpu.vector_load %arg11[%swap3A_1399] {strides = array<i32>} : memref<10240xf32, #tpu.memory_space<vmem>>, vector<16xf32>,
      tpu.vector_store %arg11[%swap3A_1399], %broadcast_in_dim3A_1369 {strides = array<i32>} : memref<10240xf32, #tpu.memory_space<vmem>>, vector<16xf32>,
      %mul3A_1401 = arith.constant 8 : i32
      %mul3A_1402 = arith.muli %scan3A_1366, %mul3A_1401 : i32
      %add3A_1403 = arith.constant 4 : i32
      %add3A_1404 = arith.addi %mul3A_1402, %add3A_1403 : i32
      %mul3A_1405 = arith.constant 16 : i32
      %mul3A_1406 = arith.muli %add3A_1404, %mul3A_1405 : i32
      %swap3A_1407 = arith.index_cast %mul3A_1406 : i32 to index
      %swap3A_1408 = tpu.vector_load %arg11[%swap3A_1407] {strides = array<i32>} : memref<10240xf32, #tpu.memory_space<vmem>>, vector<16xf32>,
      tpu.vector_store %arg11[%swap3A_1407], %broadcast_in_dim3A_1369 {strides = array<i32>} : memref<10240xf32, #tpu.memory_space<vmem>>, vector<16xf32>,
      %mul3A_1409 = arith.constant 8 : i32
      %mul3A_1410 = arith.muli %scan3A_1366, %mul3A_1409 : i32
      %add3A_1411 = arith.constant 5 : i32
      %add3A_1412 = arith.addi %mul3A_1410, %add3A_1411 : i32
      %mul3A_1413 = arith.constant 16 : i32
      %mul3A_1414 = arith.muli %add3A_1412, %mul3A_1413 : i32
      %swap3A_1415 = arith.index_cast %mul3A_1414 : i32 to index
      %swap3A_1416 = tpu.vector_load %arg11[%swap3A_1415] {strides = array<i32>} : memref<10240xf32, #tpu.memory_space<vmem>>, vector<16xf32>,
      tpu.vector_store %arg11[%swap3A_1415], %broadcast_in_dim3A_1369 {strides = array<i32>} : memref<10240xf32, #tpu.memory_space<vmem>>, vector<16xf32>,
      %mul3A_1417 = arith.constant 8 : i32
      %mul3A_1418 = arith.muli %scan3A_1366, %mul3A_1417 : i32
      %add3A_1419 = arith.constant 6 : i32
      %add3A_1420 = arith.addi %mul3A_1418, %add3A_1419 : i32
      %mul3A_1421 = arith.constant 16 : i32
      %mul3A_1422 = arith.muli %add3A_1420, %mul3A_1421 : i32
      %swap3A_1423 = arith.index_cast %mul3A_1422 : i32 to index
      %swap3A_1424 = tpu.vector_load %arg11[%swap3A_1423] {strides = array<i32>} : memref<10240xf32, #tpu.memory_space<vmem>>, vector<16xf32>,
      tpu.vector_store %arg11[%swap3A_1423], %broadcast_in_dim3A_1369 {strides = array<i32>} : memref<10240xf32, #tpu.memory_space<vmem>>, vector<16xf32>,
      %mul3A_1425 = arith.constant 8 : i32
      %mul3A_1426 = arith.muli %scan3A_1366, %mul3A_1425 : i32
      %add3A_1427 = arith.constant 7 : i32
      %add3A_1428 = arith.addi %mul3A_1426, %add3A_1427 : i32
      %mul3A_1429 = arith.constant 16 : i32
      %mul3A_1430 = arith.muli %add3A_1428, %mul3A_1429 : i32
      %swap3A_1431 = arith.index_cast %mul3A_1430 : i32 to index
      %swap3A_1432 = tpu.vector_load %arg11[%swap3A_1431] {strides = array<i32>} : memref<10240xf32, #tpu.memory_space<vmem>>, vector<16xf32>,
      tpu.vector_store %arg11[%swap3A_1431], %broadcast_in_dim3A_1369 {strides = array<i32>} : memref<10240xf32, #tpu.memory_space<vmem>>, vector<16xf32>,
      %mul3A_1433 = arith.constant 8 : i32
      %mul3A_1434 = arith.muli %scan3A_1366, %mul3A_1433 : i32
      %add3A_1435 = arith.constant 0 : i32
      %add3A_1436 = arith.addi %mul3A_1434, %add3A_1435 : i32
      %mul3A_1437 = arith.constant 16 : i32
      %mul3A_1438 = arith.muli %add3A_1436, %mul3A_1437 : i32
      %swap3A_1439 = arith.index_cast %mul3A_1438 : i32 to index
      %swap3A_1440 = tpu.vector_load %arg12[%swap3A_1439] {strides = array<i32>} : memref<10240xf32, #tpu.memory_space<vmem>>, vector<16xf32>,
      tpu.vector_store %arg12[%swap3A_1439], %broadcast_in_dim3A_1369 {strides = array<i32>} : memref<10240xf32, #tpu.memory_space<vmem>>, vector<16xf32>,
      %mul3A_1441 = arith.constant 8 : i32
      %mul3A_1442 = arith.muli %scan3A_1366, %mul3A_1441 : i32
      %add3A_1443 = arith.constant 1 : i32
      %add3A_1444 = arith.addi %mul3A_1442, %add3A_1443 : i32
      %mul3A_1445 = arith.constant 16 : i32
      %mul3A_1446 = arith.muli %add3A_1444, %mul3A_1445 : i32
      %swap3A_1447 = arith.index_cast %mul3A_1446 : i32 to index
      %swap3A_1448 = tpu.vector_load %arg12[%swap3A_1447] {strides = array<i32>} : memref<10240xf32, #tpu.memory_space<vmem>>, vector<16xf32>,
      tpu.vector_store %arg12[%swap3A_1447], %broadcast_in_dim3A_1369 {strides = array<i32>} : memref<10240xf32, #tpu.memory_space<vmem>>, vector<16xf32>,
      %mul3A_1449 = arith.constant 8 : i32
      %mul3A_1450 = arith.muli %scan3A_1366, %mul3A_1449 : i32
      %add3A_1451 = arith.constant 2 : i32
      %add3A_1452 = arith.addi %mul3A_1450, %add3A_1451 : i32
      %mul3A_1453 = arith.constant 16 : i32
      %mul3A_1454 = arith.muli %add3A_1452, %mul3A_1453 : i32
      %swap3A_1455 = arith.index_cast %mul3A_1454 : i32 to index
      %swap3A_1456 = tpu.vector_load %arg12[%swap3A_1455] {strides = array<i32>} : memref<10240xf32, #tpu.memory_space<vmem>>, vector<16xf32>,
      tpu.vector_store %arg12[%swap3A_1455], %broadcast_in_dim3A_1369 {strides = array<i32>} : memref<10240xf32, #tpu.memory_space<vmem>>, vector<16xf32>,
      %mul3A_1457 = arith.constant 8 : i32
      %mul3A_1458 = arith.muli %scan3A_1366, %mul3A_1457 : i32
      %add3A_1459 = arith.constant 3 : i32
      %add3A_1460 = arith.addi %mul3A_1458, %add3A_1459 : i32
      %mul3A_1461 = arith.constant 16 : i32
      %mul3A_1462 = arith.muli %add3A_1460, %mul3A_1461 : i32
      %swap3A_1463 = arith.index_cast %mul3A_1462 : i32 to index
      %swap3A_1464 = tpu.vector_load %arg12[%swap3A_1463] {strides = array<i32>} : memref<10240xf32, #tpu.memory_space<vmem>>, vector<16xf32>,
      tpu.vector_store %arg12[%swap3A_1463], %broadcast_in_dim3A_1369 {strides = array<i32>} : memref<10240xf32, #tpu.memory_space<vmem>>, vector<16xf32>,
      %mul3A_1465 = arith.constant 8 : i32
      %mul3A_1466 = arith.muli %scan3A_1366, %mul3A_1465 : i32
      %add3A_1467 = arith.constant 4 : i32
      %add3A_1468 = arith.addi %mul3A_1466, %add3A_1467 : i32
      %mul3A_1469 = arith.constant 16 : i32
      %mul3A_1470 = arith.muli %add3A_1468, %mul3A_1469 : i32
      %swap3A_1471 = arith.index_cast %mul3A_1470 : i32 to index
      %swap3A_1472 = tpu.vector_load %arg12[%swap3A_1471] {strides = array<i32>} : memref<10240xf32, #tpu.memory_space<vmem>>, vector<16xf32>,
      tpu.vector_store %arg12[%swap3A_1471], %broadcast_in_dim3A_1369 {strides = array<i32>} : memref<10240xf32, #tpu.memory_space<vmem>>, vector<16xf32>,
      %mul3A_1473 = arith.constant 8 : i32
      %mul3A_1474 = arith.muli %scan3A_1366, %mul3A_1473 : i32
      %add3A_1475 = arith.constant 5 : i32
      %add3A_1476 = arith.addi %mul3A_1474, %add3A_1475 : i32
      %mul3A_1477 = arith.constant 16 : i32
      %mul3A_1478 = arith.muli %add3A_1476, %mul3A_1477 : i32
      %swap3A_1479 = arith.index_cast %mul3A_1478 : i32 to index
      %swap3A_1480 = tpu.vector_load %arg12[%swap3A_1479] {strides = array<i32>} : memref<10240xf32, #tpu.memory_space<vmem>>, vector<16xf32>,
      tpu.vector_store %arg12[%swap3A_1479], %broadcast_in_dim3A_1369 {strides = array<i32>} : memref<10240xf32, #tpu.memory_space<vmem>>, vector<16xf32>,
      %mul3A_1481 = arith.constant 8 : i32
      %mul3A_1482 = arith.muli %scan3A_1366, %mul3A_1481 : i32
      %add3A_1483 = arith.constant 6 : i32
      %add3A_1484 = arith.addi %mul3A_1482, %add3A_1483 : i32
      %mul3A_1485 = arith.constant 16 : i32
      %mul3A_1486 = arith.muli %add3A_1484, %mul3A_1485 : i32
      %swap3A_1487 = arith.index_cast %mul3A_1486 : i32 to index
      %swap3A_1488 = tpu.vector_load %arg12[%swap3A_1487] {strides = array<i32>} : memref<10240xf32, #tpu.memory_space<vmem>>, vector<16xf32>,
      tpu.vector_store %arg12[%swap3A_1487], %broadcast_in_dim3A_1369 {strides = array<i32>} : memref<10240xf32, #tpu.memory_space<vmem>>, vector<16xf32>,
      %mul3A_1489 = arith.constant 8 : i32
      %mul3A_1490 = arith.muli %scan3A_1366, %mul3A_1489 : i32
      %add3A_1491 = arith.constant 7 : i32
      %add3A_1492 = arith.addi %mul3A_1490, %add3A_1491 : i32
      %mul3A_1493 = arith.constant 16 : i32
      %mul3A_1494 = arith.muli %add3A_1492, %mul3A_1493 : i32
      %swap3A_1495 = arith.index_cast %mul3A_1494 : i32 to index
      %swap3A_1496 = tpu.vector_load %arg12[%swap3A_1495] {strides = array<i32>} : memref<10240xf32, #tpu.memory_space<vmem>>, vector<16xf32>,
      tpu.vector_store %arg12[%swap3A_1495], %broadcast_in_dim3A_1369 {strides = array<i32>} : memref<10240xf32, #tpu.memory_space<vmem>>, vector<16xf32>,
      %scan3A_1497 = arith.constant 0 : i32
      scf.yield %scan3A_1497 : i32
    }
    %scan3A_40 = arith.constant 80 : i32
    %scan3A_41 = arith.constant 0 : i32
    %scan3A_42 = arith.constant 0 : i32
    %scan3A_43 = arith.constant 125 : i32
    %scan3A_44 = arith.addi %scan3A_42, %scan3A_43 : i32
    %scan3A_45 = arith.constant 1 : i32
    %scan3A_46 = scf.for %scan3A_1366 = %scan3A_42 to %scan3A_44 step %scan3A_45 iter_args(%scan3A_1367 = %scan3A_41) -> (i32)  : i32 {
      %mul3A_1368 = arith.constant 80 : i32
      %mul3A_1369 = arith.muli %scan3A_1366, %mul3A_1368 : i32
      %add3A_1370 = arith.constant 0 : i32
      %add3A_1371 = arith.addi %mul3A_1369, %add3A_1370 : i32
      %add3A_1372 = arith.constant 16 : i32
      %add3A_1373 = arith.addi %mul3A_1369, %add3A_1372 : i32
      %add3A_1374 = arith.constant 32 : i32
      %add3A_1375 = arith.addi %mul3A_1369, %add3A_1374 : i32
      %add3A_1376 = arith.constant 48 : i32
      %add3A_1377 = arith.addi %mul3A_1369, %add3A_1376 : i32
      %add3A_1378 = arith.constant 64 : i32
      %add3A_1379 = arith.addi %mul3A_1369, %add3A_1378 : i32
      %get3A = arith.index_cast %add3A_1371 : i32 to index
      %get3A_1380 = tpu.vector_load %arg9[%get3A] {strides = array<i32>} : memref<10000xi32, #tpu.memory_space<vmem>>, vector<16xi32>,
      %get3A_1381 = arith.index_cast %add3A_1371 : i32 to index
      %get3A_1382 = tpu.vector_load %arg8[%get3A_1381] {strides = array<i32>} : memref<10000xi32, #tpu.memory_space<vmem>>, vector<16xi32>,
      %gather3A_1383 = tpu.vector_load_idx %arg7[%get3A_1382] : memref<10240xf32, #tpu.memory_space<vmem>>[vector<16xi32>], vector<16xf32>,
      %gather3A_1384 = tpu.vector_load_idx %arg7[%get3A_1380] : memref<10240xf32, #tpu.memory_space<vmem>>[vector<16xi32>], vector<16xf32>,
      %mul3A_1385 = arith.mulf %gather3A, %gather3A_1383 : vector<16xf32>
      %mul3A_1386 = arith.mulf %gather3A_20, %gather3A_1384 : vector<16xf32>
      %add3A_1387 = arith.addf %mul3A_1385, %mul3A_1386 : vector<16xf32>
      %mul3A_1388 = arith.constant 2.000000e-01 : f32
      %mul3A_1389 = vector.broadcast %mul3A_1388 : f32 to vector<16xf32>
      %mul3A_1390 = arith.mulf %mul3A_1389, %add3A_1387 : vector<16xf32>
      %max3A = arith.maximumf %add3A_1387, %mul3A_1390 : vector<16xf32>
      %gather3A_1391 = tpu.vector_load_idx %arg10[%get3A_1380] : memref<10240xf32, #tpu.memory_space<vmem>>[vector<16xi32>], vector<16xf32>,
      %sub3A = arith.subf %max3A, %gather3A_1391 : vector<16xf32>
      %exp3A = math.exp %sub3A : vector<16xf32>
      %mul3A_1392 = arith.mulf %exp3A, %gather3A_1383 : vector<16xf32>
      %add3A_1393 = arith.constant 1 : i32
      %add3A_1394 = vector.broadcast %add3A_1393 : i32 to vector<16xi32>
      %add3A_1395 = arith.addi %iota3A, %add3A_1394 : vector<16xi32>
      %min3A = arith.constant 15 : i32
      %min3A_1396 = vector.broadcast %min3A : i32 to vector<16xi32>
      %min3A_1397 = arith.minsi %add3A_1395, %min3A_1396 : vector<16xi32>
      %broadcast_in_dim3A_1398 = vector.shape_cast %min3A_1397 : vector<16xi32> to vector<16x1xi32>
      %gather3A_1399 = vector.shape_cast %broadcast_in_dim3A_1398 : vector<16x1xi32> to vector<16xi32>
      %gather3A_1400 = tpu.dynamic_gather %get3A_1380[%gather3A_1399] in [0] : vector<16xi32>, vector<16xi32> -> vector<16xi32>
      %eq3A_1401 = arith.constant 15 : i32
      %eq3A_1402 = vector.broadcast %eq3A_1401 : i32 to vector<16xi32>
      %eq3A_1403 = arith.cmpi eq, %iota3A, %eq3A_1402 : vector<16xi32>
      %ne3A = arith.cmpi ne, %get3A_1380, %gather3A_1400 : vector<16xi32>
      %or3A = arith.ori %eq3A_1403, %ne3A : vector<16xi1>
      %get3A_1404 = arith.index_cast %add3A_1373 : i32 to index
      %get3A_1405 = tpu.vector_load %arg9[%get3A_1404] {strides = array<i32>} : memref<10000xi32, #tpu.memory_space<vmem>>, vector<16xi32>,
      %get3A_1406 = arith.index_cast %add3A_1373 : i32 to index
      %get3A_1407 = tpu.vector_load %arg8[%get3A_1406] {strides = array<i32>} : memref<10000xi32, #tpu.memory_space<vmem>>, vector<16xi32>,
      %gather3A_1408 = tpu.vector_load_idx %arg7[%get3A_1407] : memref<10240xf32, #tpu.memory_space<vmem>>[vector<16xi32>], vector<16xf32>,
      %gather3A_1409 = tpu.vector_load_idx %arg7[%get3A_1405] : memref<10240xf32, #tpu.memory_space<vmem>>[vector<16xi32>], vector<16xf32>,
      %mul3A_1410 = arith.mulf %gather3A, %gather3A_1408 : vector<16xf32>
      %mul3A_1411 = arith.mulf %gather3A_20, %gather3A_1409 : vector<16xf32>
      %add3A_1412 = arith.addf %mul3A_1410, %mul3A_1411 : vector<16xf32>
      %mul3A_1413 = arith.constant 2.000000e-01 : f32
      %mul3A_1414 = vector.broadcast %mul3A_1413 : f32 to vector<16xf32>
      %mul3A_1415 = arith.mulf %mul3A_1414, %add3A_1412 : vector<16xf32>
      %max3A_1416 = arith.maximumf %add3A_1412, %mul3A_1415 : vector<16xf32>
      %gather3A_1417 = tpu.vector_load_idx %arg10[%get3A_1405] : memref<10240xf32, #tpu.memory_space<vmem>>[vector<16xi32>], vector<16xf32>,
      %sub3A_1418 = arith.subf %max3A_1416, %gather3A_1417 : vector<16xf32>
      %exp3A_1419 = math.exp %sub3A_1418 : vector<16xf32>
      %mul3A_1420 = arith.mulf %exp3A_1419, %gather3A_1408 : vector<16xf32>
      %add3A_1421 = arith.constant 1 : i32
      %add3A_1422 = vector.broadcast %add3A_1421 : i32 to vector<16xi32>
      %add3A_1423 = arith.addi %iota3A, %add3A_1422 : vector<16xi32>
      %min3A_1424 = arith.constant 15 : i32
      %min3A_1425 = vector.broadcast %min3A_1424 : i32 to vector<16xi32>
      %min3A_1426 = arith.minsi %add3A_1423, %min3A_1425 : vector<16xi32>
      %broadcast_in_dim3A_1427 = vector.shape_cast %min3A_1426 : vector<16xi32> to vector<16x1xi32>
      %gather3A_1428 = vector.shape_cast %broadcast_in_dim3A_1427 : vector<16x1xi32> to vector<16xi32>
      %gather3A_1429 = tpu.dynamic_gather %get3A_1405[%gather3A_1428] in [0] : vector<16xi32>, vector<16xi32> -> vector<16xi32>
      %eq3A_1430 = arith.constant 15 : i32
      %eq3A_1431 = vector.broadcast %eq3A_1430 : i32 to vector<16xi32>
      %eq3A_1432 = arith.cmpi eq, %iota3A, %eq3A_1431 : vector<16xi32>
      %ne3A_1433 = arith.cmpi ne, %get3A_1405, %gather3A_1429 : vector<16xi32>
      %or3A_1434 = arith.ori %eq3A_1432, %ne3A_1433 : vector<16xi1>
      %get3A_1435 = arith.index_cast %add3A_1375 : i32 to index
      %get3A_1436 = tpu.vector_load %arg9[%get3A_1435] {strides = array<i32>} : memref<10000xi32, #tpu.memory_space<vmem>>, vector<16xi32>,
      %get3A_1437 = arith.index_cast %add3A_1375 : i32 to index
      %get3A_1438 = tpu.vector_load %arg8[%get3A_1437] {strides = array<i32>} : memref<10000xi32, #tpu.memory_space<vmem>>, vector<16xi32>,
      %gather3A_1439 = tpu.vector_load_idx %arg7[%get3A_1438] : memref<10240xf32, #tpu.memory_space<vmem>>[vector<16xi32>], vector<16xf32>,
      %gather3A_1440 = tpu.vector_load_idx %arg7[%get3A_1436] : memref<10240xf32, #tpu.memory_space<vmem>>[vector<16xi32>], vector<16xf32>,
      %mul3A_1441 = arith.mulf %gather3A, %gather3A_1439 : vector<16xf32>
      %mul3A_1442 = arith.mulf %gather3A_20, %gather3A_1440 : vector<16xf32>
      %add3A_1443 = arith.addf %mul3A_1441, %mul3A_1442 : vector<16xf32>
      %mul3A_1444 = arith.constant 2.000000e-01 : f32
      %mul3A_1445 = vector.broadcast %mul3A_1444 : f32 to vector<16xf32>
      %mul3A_1446 = arith.mulf %mul3A_1445, %add3A_1443 : vector<16xf32>
      %max3A_1447 = arith.maximumf %add3A_1443, %mul3A_1446 : vector<16xf32>
      %gather3A_1448 = tpu.vector_load_idx %arg10[%get3A_1436] : memref<10240xf32, #tpu.memory_space<vmem>>[vector<16xi32>], vector<16xf32>,
      %sub3A_1449 = arith.subf %max3A_1447, %gather3A_1448 : vector<16xf32>
      %exp3A_1450 = math.exp %sub3A_1449 : vector<16xf32>
      %mul3A_1451 = arith.mulf %exp3A_1450, %gather3A_1439 : vector<16xf32>
      %add3A_1452 = arith.constant 1 : i32
      %add3A_1453 = vector.broadcast %add3A_1452 : i32 to vector<16xi32>
      %add3A_1454 = arith.addi %iota3A, %add3A_1453 : vector<16xi32>
      %min3A_1455 = arith.constant 15 : i32
      %min3A_1456 = vector.broadcast %min3A_1455 : i32 to vector<16xi32>
      %min3A_1457 = arith.minsi %add3A_1454, %min3A_1456 : vector<16xi32>
      %broadcast_in_dim3A_1458 = vector.shape_cast %min3A_1457 : vector<16xi32> to vector<16x1xi32>
      %gather3A_1459 = vector.shape_cast %broadcast_in_dim3A_1458 : vector<16x1xi32> to vector<16xi32>
      %gather3A_1460 = tpu.dynamic_gather %get3A_1436[%gather3A_1459] in [0] : vector<16xi32>, vector<16xi32> -> vector<16xi32>
      %eq3A_1461 = arith.constant 15 : i32
      %eq3A_1462 = vector.broadcast %eq3A_1461 : i32 to vector<16xi32>
      %eq3A_1463 = arith.cmpi eq, %iota3A, %eq3A_1462 : vector<16xi32>
      %ne3A_1464 = arith.cmpi ne, %get3A_1436, %gather3A_1460 : vector<16xi32>
      %or3A_1465 = arith.ori %eq3A_1463, %ne3A_1464 : vector<16xi1>
      %get3A_1466 = arith.index_cast %add3A_1377 : i32 to index
      %get3A_1467 = tpu.vector_load %arg9[%get3A_1466] {strides = array<i32>} : memref<10000xi32, #tpu.memory_space<vmem>>, vector<16xi32>,
      %get3A_1468 = arith.index_cast %add3A_1377 : i32 to index
      %get3A_1469 = tpu.vector_load %arg8[%get3A_1468] {strides = array<i32>} : memref<10000xi32, #tpu.memory_space<vmem>>, vector<16xi32>,
      %gather3A_1470 = tpu.vector_load_idx %arg7[%get3A_1469] : memref<10240xf32, #tpu.memory_space<vmem>>[vector<16xi32>], vector<16xf32>,
      %gather3A_1471 = tpu.vector_load_idx %arg7[%get3A_1467] : memref<10240xf32, #tpu.memory_space<vmem>>[vector<16xi32>], vector<16xf32>,
      %mul3A_1472 = arith.mulf %gather3A, %gather3A_1470 : vector<16xf32>
      %mul3A_1473 = arith.mulf %gather3A_20, %gather3A_1471 : vector<16xf32>
      %add3A_1474 = arith.addf %mul3A_1472, %mul3A_1473 : vector<16xf32>
      %mul3A_1475 = arith.constant 2.000000e-01 : f32
      %mul3A_1476 = vector.broadcast %mul3A_1475 : f32 to vector<16xf32>
      %mul3A_1477 = arith.mulf %mul3A_1476, %add3A_1474 : vector<16xf32>
      %max3A_1478 = arith.maximumf %add3A_1474, %mul3A_1477 : vector<16xf32>
      %gather3A_1479 = tpu.vector_load_idx %arg10[%get3A_1467] : memref<10240xf32, #tpu.memory_space<vmem>>[vector<16xi32>], vector<16xf32>,
      %sub3A_1480 = arith.subf %max3A_1478, %gather3A_1479 : vector<16xf32>
      %exp3A_1481 = math.exp %sub3A_1480 : vector<16xf32>
      %mul3A_1482 = arith.mulf %exp3A_1481, %gather3A_1470 : vector<16xf32>
      %add3A_1483 = arith.constant 1 : i32
      %add3A_1484 = vector.broadcast %add3A_1483 : i32 to vector<16xi32>
      %add3A_1485 = arith.addi %iota3A, %add3A_1484 : vector<16xi32>
      %min3A_1486 = arith.constant 15 : i32
      %min3A_1487 = vector.broadcast %min3A_1486 : i32 to vector<16xi32>
      %min3A_1488 = arith.minsi %add3A_1485, %min3A_1487 : vector<16xi32>
      %broadcast_in_dim3A_1489 = vector.shape_cast %min3A_1488 : vector<16xi32> to vector<16x1xi32>
      %gather3A_1490 = vector.shape_cast %broadcast_in_dim3A_1489 : vector<16x1xi32> to vector<16xi32>
      %gather3A_1491 = tpu.dynamic_gather %get3A_1467[%gather3A_1490] in [0] : vector<16xi32>, vector<16xi32> -> vector<16xi32>
      %eq3A_1492 = arith.constant 15 : i32
      %eq3A_1493 = vector.broadcast %eq3A_1492 : i32 to vector<16xi32>
      %eq3A_1494 = arith.cmpi eq, %iota3A, %eq3A_1493 : vector<16xi32>
      %ne3A_1495 = arith.cmpi ne, %get3A_1467, %gather3A_1491 : vector<16xi32>
      %or3A_1496 = arith.ori %eq3A_1494, %ne3A_1495 : vector<16xi1>
      %get3A_1497 = arith.index_cast %add3A_1379 : i32 to index
      %get3A_1498 = tpu.vector_load %arg9[%get3A_1497] {strides = array<i32>} : memref<10000xi32, #tpu.memory_space<vmem>>, vector<16xi32>,
      %get3A_1499 = arith.index_cast %add3A_1379 : i32 to index
      %get3A_1500 = tpu.vector_load %arg8[%get3A_1499] {strides = array<i32>} : memref<10000xi32, #tpu.memory_space<vmem>>, vector<16xi32>,
      %gather3A_1501 = tpu.vector_load_idx %arg7[%get3A_1500] : memref<10240xf32, #tpu.memory_space<vmem>>[vector<16xi32>], vector<16xf32>,
      %gather3A_1502 = tpu.vector_load_idx %arg7[%get3A_1498] : memref<10240xf32, #tpu.memory_space<vmem>>[vector<16xi32>], vector<16xf32>,
      %mul3A_1503 = arith.mulf %gather3A, %gather3A_1501 : vector<16xf32>
      %mul3A_1504 = arith.mulf %gather3A_20, %gather3A_1502 : vector<16xf32>
      %add3A_1505 = arith.addf %mul3A_1503, %mul3A_1504 : vector<16xf32>
      %mul3A_1506 = arith.constant 2.000000e-01 : f32
      %mul3A_1507 = vector.broadcast %mul3A_1506 : f32 to vector<16xf32>
      %mul3A_1508 = arith.mulf %mul3A_1507, %add3A_1505 : vector<16xf32>
      %max3A_1509 = arith.maximumf %add3A_1505, %mul3A_1508 : vector<16xf32>
      %gather3A_1510 = tpu.vector_load_idx %arg10[%get3A_1498] : memref<10240xf32, #tpu.memory_space<vmem>>[vector<16xi32>], vector<16xf32>,
      %sub3A_1511 = arith.subf %max3A_1509, %gather3A_1510 : vector<16xf32>
      %exp3A_1512 = math.exp %sub3A_1511 : vector<16xf32>
      %mul3A_1513 = arith.mulf %exp3A_1512, %gather3A_1501 : vector<16xf32>
      %add3A_1514 = arith.constant 1 : i32
      %add3A_1515 = vector.broadcast %add3A_1514 : i32 to vector<16xi32>
      %add3A_1516 = arith.addi %iota3A, %add3A_1515 : vector<16xi32>
      %min3A_1517 = arith.constant 15 : i32
      %min3A_1518 = vector.broadcast %min3A_1517 : i32 to vector<16xi32>
      %min3A_1519 = arith.minsi %add3A_1516, %min3A_1518 : vector<16xi32>
      %broadcast_in_dim3A_1520 = vector.shape_cast %min3A_1519 : vector<16xi32> to vector<16x1xi32>
      %gather3A_1521 = vector.shape_cast %broadcast_in_dim3A_1520 : vector<16x1xi32> to vector<16xi32>
      %gather3A_1522 = tpu.dynamic_gather %get3A_1498[%gather3A_1521] in [0] : vector<16xi32>, vector<16xi32> -> vector<16xi32>
      %eq3A_1523 = arith.constant 15 : i32
      %eq3A_1524 = vector.broadcast %eq3A_1523 : i32 to vector<16xi32>
      %eq3A_1525 = arith.cmpi eq, %iota3A, %eq3A_1524 : vector<16xi32>
      %ne3A_1526 = arith.cmpi ne, %get3A_1498, %gather3A_1522 : vector<16xi32>
      %or3A_1527 = arith.ori %eq3A_1525, %ne3A_1526 : vector<16xi1>
      %and3A = arith.andi %or3A, %or3A_1434 : vector<16xi1>
      %and3A_1528 = arith.andi %and3A, %or3A_1465 : vector<16xi1>
      %and3A_1529 = arith.andi %and3A_1528, %or3A_1496 : vector<16xi1>
      %and3A_1530 = arith.andi %and3A_1529, %or3A_1527 : vector<16xi1>
      %reduce_and3A = arith.constant 1.000000e+00 : f32
      %reduce_and3A_1531 = arith.constant 0.000000e+00 : f32
      %reduce_and3A_1532 = vector.broadcast %reduce_and3A : f32 to vector<16xf32>
      %reduce_and3A_1533 = vector.broadcast %reduce_and3A_1531 : f32 to vector<16xf32>
      %reduce_and3A_1534 = arith.select %and3A_1530, %reduce_and3A_1532, %reduce_and3A_1533 : vector<16xi1>, vector<16xf32>
      %reduce_and3A_1535 = arith.constant true
      %reduce_and3A_1536 = vector.broadcast %reduce_and3A_1535 : i1 to vector<16xi1>
      %reduce_and3A_1537 = tpu.scan <min>, %reduce_and3A_1534 masked %reduce_and3A_1536 : vector<16xf32>, vector<16xi1> -> vector<16xf32>
      %reduce_and3A_1538 = vector.extract %reduce_and3A_1537[15] : f32 from vector<16xf32>
      %reduce_and3A_1539 = arith.constant 0.000000e+00 : f32
      %reduce_and3A_1540 = arith.cmpf ogt, %reduce_and3A_1538, %reduce_and3A_1539 : f32
      %convert_element_type3A_1541 = arith.extui %reduce_and3A_1540 : i1 to i32
      %cond3A_1542 = arith.constant 0 : i32
      %cond3A_1543 = arith.cmpi ne, %convert_element_type3A_1541, %cond3A_1542 : i32
      %cond3A_1544:10 = scf.if %cond3A_1543 -> (vector<16xf32>, vector<16xf32>, vector<16xf32>, vector<16xf32>, vector<16xf32>, vector<16xf32>, vector<16xf32>, vector<16xf32>, vector<16xf32>, vector<16xf32>) {
        scf.yield %exp3A, %mul3A_1392, %exp3A_1419, %mul3A_1420, %exp3A_1450, %mul3A_1451, %exp3A_1481, %mul3A_1482, %exp3A_1512, %mul3A_1513 : vector<16xf32>, vector<16xf32>, vector<16xf32>, vector<16xf32>, vector<16xf32>, vector<16xf32>, vector<16xf32>, vector<16xf32>, vector<16xf32>, vector<16xf32>
      } else {
        %sub3A_1546 = arith.constant 1 : i32
        %sub3A_1547 = vector.broadcast %sub3A_1546 : i32 to vector<16xi32>
        %sub3A_1548 = arith.subi %iota3A, %sub3A_1547 : vector<16xi32>
        %max3A_1549 = arith.constant 0 : i32
        %max3A_1550 = vector.broadcast %max3A_1549 : i32 to vector<16xi32>
        %max3A_1551 = arith.maxsi %sub3A_1548, %max3A_1550 : vector<16xi32>
        %broadcast_in_dim3A_1552 = vector.shape_cast %max3A_1551 : vector<16xi32> to vector<16x1xi32>
        %gather3A_1553 = vector.shape_cast %broadcast_in_dim3A_1552 : vector<16x1xi32> to vector<16xi32>
        %gather3A_1554 = tpu.dynamic_gather %get3A_1380[%gather3A_1553] in [0] : vector<16xi32>, vector<16xi32> -> vector<16xi32>
        %eq3A_1555 = arith.cmpi eq, %gather3A_1554, %get3A_1380 : vector<16xi32>
        %ge3A = arith.constant 1 : i32
        %ge3A_1556 = vector.broadcast %ge3A : i32 to vector<16xi32>
        %ge3A_1557 = arith.cmpi sge, %iota3A, %ge3A_1556 : vector<16xi32>
        %and3A_1558 = arith.andi %eq3A_1555, %ge3A_1557 : vector<16xi1>
        %broadcast_in_dim3A_1559 = vector.shape_cast %max3A_1551 : vector<16xi32> to vector<16x1xi32>
        %gather3A_1560 = vector.shape_cast %broadcast_in_dim3A_1559 : vector<16x1xi32> to vector<16xi32>
        %gather3A_1561 = tpu.dynamic_gather %exp3A[%gather3A_1560] in [0] : vector<16xf32>, vector<16xi32> -> vector<16xf32>
        %add3A_1562 = arith.addf %exp3A, %gather3A_1561 : vector<16xf32>
        %select_n3A = arith.select %and3A_1558, %add3A_1562, %exp3A : vector<16xi1>, vector<16xf32>
        %broadcast_in_dim3A_1563 = vector.shape_cast %max3A_1551 : vector<16xi32> to vector<16x1xi32>
        %gather3A_1564 = vector.shape_cast %broadcast_in_dim3A_1563 : vector<16x1xi32> to vector<16xi32>
        %gather3A_1565 = tpu.dynamic_gather %mul3A_1392[%gather3A_1564] in [0] : vector<16xf32>, vector<16xi32> -> vector<16xf32>
        %add3A_1566 = arith.addf %mul3A_1392, %gather3A_1565 : vector<16xf32>
        %select_n3A_1567 = arith.select %and3A_1558, %add3A_1566, %mul3A_1392 : vector<16xi1>, vector<16xf32>
        %sub3A_1568 = arith.constant 2 : i32
        %sub3A_1569 = vector.broadcast %sub3A_1568 : i32 to vector<16xi32>
        %sub3A_1570 = arith.subi %iota3A, %sub3A_1569 : vector<16xi32>
        %max3A_1571 = arith.constant 0 : i32
        %max3A_1572 = vector.broadcast %max3A_1571 : i32 to vector<16xi32>
        %max3A_1573 = arith.maxsi %sub3A_1570, %max3A_1572 : vector<16xi32>
        %broadcast_in_dim3A_1574 = vector.shape_cast %max3A_1573 : vector<16xi32> to vector<16x1xi32>
        %gather3A_1575 = vector.shape_cast %broadcast_in_dim3A_1574 : vector<16x1xi32> to vector<16xi32>
        %gather3A_1576 = tpu.dynamic_gather %get3A_1380[%gather3A_1575] in [0] : vector<16xi32>, vector<16xi32> -> vector<16xi32>
        %eq3A_1577 = arith.cmpi eq, %gather3A_1576, %get3A_1380 : vector<16xi32>
        %ge3A_1578 = arith.constant 2 : i32
        %ge3A_1579 = vector.broadcast %ge3A_1578 : i32 to vector<16xi32>
        %ge3A_1580 = arith.cmpi sge, %iota3A, %ge3A_1579 : vector<16xi32>
        %and3A_1581 = arith.andi %eq3A_1577, %ge3A_1580 : vector<16xi1>
        %broadcast_in_dim3A_1582 = vector.shape_cast %max3A_1573 : vector<16xi32> to vector<16x1xi32>
        %gather3A_1583 = vector.shape_cast %broadcast_in_dim3A_1582 : vector<16x1xi32> to vector<16xi32>
        %gather3A_1584 = tpu.dynamic_gather %select_n3A[%gather3A_1583] in [0] : vector<16xf32>, vector<16xi32> -> vector<16xf32>
        %add3A_1585 = arith.addf %select_n3A, %gather3A_1584 : vector<16xf32>
        %select_n3A_1586 = arith.select %and3A_1581, %add3A_1585, %select_n3A : vector<16xi1>, vector<16xf32>
        %broadcast_in_dim3A_1587 = vector.shape_cast %max3A_1573 : vector<16xi32> to vector<16x1xi32>
        %gather3A_1588 = vector.shape_cast %broadcast_in_dim3A_1587 : vector<16x1xi32> to vector<16xi32>
        %gather3A_1589 = tpu.dynamic_gather %select_n3A_1567[%gather3A_1588] in [0] : vector<16xf32>, vector<16xi32> -> vector<16xf32>
        %add3A_1590 = arith.addf %select_n3A_1567, %gather3A_1589 : vector<16xf32>
        %select_n3A_1591 = arith.select %and3A_1581, %add3A_1590, %select_n3A_1567 : vector<16xi1>, vector<16xf32>
        %sub3A_1592 = arith.constant 4 : i32
        %sub3A_1593 = vector.broadcast %sub3A_1592 : i32 to vector<16xi32>
        %sub3A_1594 = arith.subi %iota3A, %sub3A_1593 : vector<16xi32>
        %max3A_1595 = arith.constant 0 : i32
        %max3A_1596 = vector.broadcast %max3A_1595 : i32 to vector<16xi32>
        %max3A_1597 = arith.maxsi %sub3A_1594, %max3A_1596 : vector<16xi32>
        %broadcast_in_dim3A_1598 = vector.shape_cast %max3A_1597 : vector<16xi32> to vector<16x1xi32>
        %gather3A_1599 = vector.shape_cast %broadcast_in_dim3A_1598 : vector<16x1xi32> to vector<16xi32>
        %gather3A_1600 = tpu.dynamic_gather %get3A_1380[%gather3A_1599] in [0] : vector<16xi32>, vector<16xi32> -> vector<16xi32>
        %eq3A_1601 = arith.cmpi eq, %gather3A_1600, %get3A_1380 : vector<16xi32>
        %ge3A_1602 = arith.constant 4 : i32
        %ge3A_1603 = vector.broadcast %ge3A_1602 : i32 to vector<16xi32>
        %ge3A_1604 = arith.cmpi sge, %iota3A, %ge3A_1603 : vector<16xi32>
        %and3A_1605 = arith.andi %eq3A_1601, %ge3A_1604 : vector<16xi1>
        %broadcast_in_dim3A_1606 = vector.shape_cast %max3A_1597 : vector<16xi32> to vector<16x1xi32>
        %gather3A_1607 = vector.shape_cast %broadcast_in_dim3A_1606 : vector<16x1xi32> to vector<16xi32>
        %gather3A_1608 = tpu.dynamic_gather %select_n3A_1586[%gather3A_1607] in [0] : vector<16xf32>, vector<16xi32> -> vector<16xf32>
        %add3A_1609 = arith.addf %select_n3A_1586, %gather3A_1608 : vector<16xf32>
        %select_n3A_1610 = arith.select %and3A_1605, %add3A_1609, %select_n3A_1586 : vector<16xi1>, vector<16xf32>
        %broadcast_in_dim3A_1611 = vector.shape_cast %max3A_1597 : vector<16xi32> to vector<16x1xi32>
        %gather3A_1612 = vector.shape_cast %broadcast_in_dim3A_1611 : vector<16x1xi32> to vector<16xi32>
        %gather3A_1613 = tpu.dynamic_gather %select_n3A_1591[%gather3A_1612] in [0] : vector<16xf32>, vector<16xi32> -> vector<16xf32>
        %add3A_1614 = arith.addf %select_n3A_1591, %gather3A_1613 : vector<16xf32>
        %select_n3A_1615 = arith.select %and3A_1605, %add3A_1614, %select_n3A_1591 : vector<16xi1>, vector<16xf32>
        %sub3A_1616 = arith.constant 8 : i32
        %sub3A_1617 = vector.broadcast %sub3A_1616 : i32 to vector<16xi32>
        %sub3A_1618 = arith.subi %iota3A, %sub3A_1617 : vector<16xi32>
        %max3A_1619 = arith.constant 0 : i32
        %max3A_1620 = vector.broadcast %max3A_1619 : i32 to vector<16xi32>
        %max3A_1621 = arith.maxsi %sub3A_1618, %max3A_1620 : vector<16xi32>
        %broadcast_in_dim3A_1622 = vector.shape_cast %max3A_1621 : vector<16xi32> to vector<16x1xi32>
        %gather3A_1623 = vector.shape_cast %broadcast_in_dim3A_1622 : vector<16x1xi32> to vector<16xi32>
        %gather3A_1624 = tpu.dynamic_gather %get3A_1380[%gather3A_1623] in [0] : vector<16xi32>, vector<16xi32> -> vector<16xi32>
        %eq3A_1625 = arith.cmpi eq, %gather3A_1624, %get3A_1380 : vector<16xi32>
        %ge3A_1626 = arith.constant 8 : i32
        %ge3A_1627 = vector.broadcast %ge3A_1626 : i32 to vector<16xi32>
        %ge3A_1628 = arith.cmpi sge, %iota3A, %ge3A_1627 : vector<16xi32>
        %and3A_1629 = arith.andi %eq3A_1625, %ge3A_1628 : vector<16xi1>
        %broadcast_in_dim3A_1630 = vector.shape_cast %max3A_1621 : vector<16xi32> to vector<16x1xi32>
        %gather3A_1631 = vector.shape_cast %broadcast_in_dim3A_1630 : vector<16x1xi32> to vector<16xi32>
        %gather3A_1632 = tpu.dynamic_gather %select_n3A_1610[%gather3A_1631] in [0] : vector<16xf32>, vector<16xi32> -> vector<16xf32>
        %add3A_1633 = arith.addf %select_n3A_1610, %gather3A_1632 : vector<16xf32>
        %select_n3A_1634 = arith.select %and3A_1629, %add3A_1633, %select_n3A_1610 : vector<16xi1>, vector<16xf32>
        %broadcast_in_dim3A_1635 = vector.shape_cast %max3A_1621 : vector<16xi32> to vector<16x1xi32>
        %gather3A_1636 = vector.shape_cast %broadcast_in_dim3A_1635 : vector<16x1xi32> to vector<16xi32>
        %gather3A_1637 = tpu.dynamic_gather %select_n3A_1615[%gather3A_1636] in [0] : vector<16xf32>, vector<16xi32> -> vector<16xf32>
        %add3A_1638 = arith.addf %select_n3A_1615, %gather3A_1637 : vector<16xf32>
        %select_n3A_1639 = arith.select %and3A_1629, %add3A_1638, %select_n3A_1615 : vector<16xi1>, vector<16xf32>
        %sub3A_1640 = arith.constant 1 : i32
        %sub3A_1641 = vector.broadcast %sub3A_1640 : i32 to vector<16xi32>
        %sub3A_1642 = arith.subi %iota3A, %sub3A_1641 : vector<16xi32>
        %max3A_1643 = arith.constant 0 : i32
        %max3A_1644 = vector.broadcast %max3A_1643 : i32 to vector<16xi32>
        %max3A_1645 = arith.maxsi %sub3A_1642, %max3A_1644 : vector<16xi32>
        %broadcast_in_dim3A_1646 = vector.shape_cast %max3A_1645 : vector<16xi32> to vector<16x1xi32>
        %gather3A_1647 = vector.shape_cast %broadcast_in_dim3A_1646 : vector<16x1xi32> to vector<16xi32>
        %gather3A_1648 = tpu.dynamic_gather %get3A_1405[%gather3A_1647] in [0] : vector<16xi32>, vector<16xi32> -> vector<16xi32>
        %eq3A_1649 = arith.cmpi eq, %gather3A_1648, %get3A_1405 : vector<16xi32>
        %ge3A_1650 = arith.constant 1 : i32
        %ge3A_1651 = vector.broadcast %ge3A_1650 : i32 to vector<16xi32>
        %ge3A_1652 = arith.cmpi sge, %iota3A, %ge3A_1651 : vector<16xi32>
        %and3A_1653 = arith.andi %eq3A_1649, %ge3A_1652 : vector<16xi1>
        %broadcast_in_dim3A_1654 = vector.shape_cast %max3A_1645 : vector<16xi32> to vector<16x1xi32>
        %gather3A_1655 = vector.shape_cast %broadcast_in_dim3A_1654 : vector<16x1xi32> to vector<16xi32>
        %gather3A_1656 = tpu.dynamic_gather %exp3A_1419[%gather3A_1655] in [0] : vector<16xf32>, vector<16xi32> -> vector<16xf32>
        %add3A_1657 = arith.addf %exp3A_1419, %gather3A_1656 : vector<16xf32>
        %select_n3A_1658 = arith.select %and3A_1653, %add3A_1657, %exp3A_1419 : vector<16xi1>, vector<16xf32>
        %broadcast_in_dim3A_1659 = vector.shape_cast %max3A_1645 : vector<16xi32> to vector<16x1xi32>
        %gather3A_1660 = vector.shape_cast %broadcast_in_dim3A_1659 : vector<16x1xi32> to vector<16xi32>
        %gather3A_1661 = tpu.dynamic_gather %mul3A_1420[%gather3A_1660] in [0] : vector<16xf32>, vector<16xi32> -> vector<16xf32>
        %add3A_1662 = arith.addf %mul3A_1420, %gather3A_1661 : vector<16xf32>
        %select_n3A_1663 = arith.select %and3A_1653, %add3A_1662, %mul3A_1420 : vector<16xi1>, vector<16xf32>
        %sub3A_1664 = arith.constant 2 : i32
        %sub3A_1665 = vector.broadcast %sub3A_1664 : i32 to vector<16xi32>
        %sub3A_1666 = arith.subi %iota3A, %sub3A_1665 : vector<16xi32>
        %max3A_1667 = arith.constant 0 : i32
        %max3A_1668 = vector.broadcast %max3A_1667 : i32 to vector<16xi32>
        %max3A_1669 = arith.maxsi %sub3A_1666, %max3A_1668 : vector<16xi32>
        %broadcast_in_dim3A_1670 = vector.shape_cast %max3A_1669 : vector<16xi32> to vector<16x1xi32>
        %gather3A_1671 = vector.shape_cast %broadcast_in_dim3A_1670 : vector<16x1xi32> to vector<16xi32>
        %gather3A_1672 = tpu.dynamic_gather %get3A_1405[%gather3A_1671] in [0] : vector<16xi32>, vector<16xi32> -> vector<16xi32>
        %eq3A_1673 = arith.cmpi eq, %gather3A_1672, %get3A_1405 : vector<16xi32>
        %ge3A_1674 = arith.constant 2 : i32
        %ge3A_1675 = vector.broadcast %ge3A_1674 : i32 to vector<16xi32>
        %ge3A_1676 = arith.cmpi sge, %iota3A, %ge3A_1675 : vector<16xi32>
        %and3A_1677 = arith.andi %eq3A_1673, %ge3A_1676 : vector<16xi1>
        %broadcast_in_dim3A_1678 = vector.shape_cast %max3A_1669 : vector<16xi32> to vector<16x1xi32>
        %gather3A_1679 = vector.shape_cast %broadcast_in_dim3A_1678 : vector<16x1xi32> to vector<16xi32>
        %gather3A_1680 = tpu.dynamic_gather %select_n3A_1658[%gather3A_1679] in [0] : vector<16xf32>, vector<16xi32> -> vector<16xf32>
        %add3A_1681 = arith.addf %select_n3A_1658, %gather3A_1680 : vector<16xf32>
        %select_n3A_1682 = arith.select %and3A_1677, %add3A_1681, %select_n3A_1658 : vector<16xi1>, vector<16xf32>
        %broadcast_in_dim3A_1683 = vector.shape_cast %max3A_1669 : vector<16xi32> to vector<16x1xi32>
        %gather3A_1684 = vector.shape_cast %broadcast_in_dim3A_1683 : vector<16x1xi32> to vector<16xi32>
        %gather3A_1685 = tpu.dynamic_gather %select_n3A_1663[%gather3A_1684] in [0] : vector<16xf32>, vector<16xi32> -> vector<16xf32>
        %add3A_1686 = arith.addf %select_n3A_1663, %gather3A_1685 : vector<16xf32>
        %select_n3A_1687 = arith.select %and3A_1677, %add3A_1686, %select_n3A_1663 : vector<16xi1>, vector<16xf32>
        %sub3A_1688 = arith.constant 4 : i32
        %sub3A_1689 = vector.broadcast %sub3A_1688 : i32 to vector<16xi32>
        %sub3A_1690 = arith.subi %iota3A, %sub3A_1689 : vector<16xi32>
        %max3A_1691 = arith.constant 0 : i32
        %max3A_1692 = vector.broadcast %max3A_1691 : i32 to vector<16xi32>
        %max3A_1693 = arith.maxsi %sub3A_1690, %max3A_1692 : vector<16xi32>
        %broadcast_in_dim3A_1694 = vector.shape_cast %max3A_1693 : vector<16xi32> to vector<16x1xi32>
        %gather3A_1695 = vector.shape_cast %broadcast_in_dim3A_1694 : vector<16x1xi32> to vector<16xi32>
        %gather3A_1696 = tpu.dynamic_gather %get3A_1405[%gather3A_1695] in [0] : vector<16xi32>, vector<16xi32> -> vector<16xi32>
        %eq3A_1697 = arith.cmpi eq, %gather3A_1696, %get3A_1405 : vector<16xi32>
        %ge3A_1698 = arith.constant 4 : i32
        %ge3A_1699 = vector.broadcast %ge3A_1698 : i32 to vector<16xi32>
        %ge3A_1700 = arith.cmpi sge, %iota3A, %ge3A_1699 : vector<16xi32>
        %and3A_1701 = arith.andi %eq3A_1697, %ge3A_1700 : vector<16xi1>
        %broadcast_in_dim3A_1702 = vector.shape_cast %max3A_1693 : vector<16xi32> to vector<16x1xi32>
        %gather3A_1703 = vector.shape_cast %broadcast_in_dim3A_1702 : vector<16x1xi32> to vector<16xi32>
        %gather3A_1704 = tpu.dynamic_gather %select_n3A_1682[%gather3A_1703] in [0] : vector<16xf32>, vector<16xi32> -> vector<16xf32>
        %add3A_1705 = arith.addf %select_n3A_1682, %gather3A_1704 : vector<16xf32>
        %select_n3A_1706 = arith.select %and3A_1701, %add3A_1705, %select_n3A_1682 : vector<16xi1>, vector<16xf32>
        %broadcast_in_dim3A_1707 = vector.shape_cast %max3A_1693 : vector<16xi32> to vector<16x1xi32>
        %gather3A_1708 = vector.shape_cast %broadcast_in_dim3A_1707 : vector<16x1xi32> to vector<16xi32>
        %gather3A_1709 = tpu.dynamic_gather %select_n3A_1687[%gather3A_1708] in [0] : vector<16xf32>, vector<16xi32> -> vector<16xf32>
        %add3A_1710 = arith.addf %select_n3A_1687, %gather3A_1709 : vector<16xf32>
        %select_n3A_1711 = arith.select %and3A_1701, %add3A_1710, %select_n3A_1687 : vector<16xi1>, vector<16xf32>
        %sub3A_1712 = arith.constant 8 : i32
        %sub3A_1713 = vector.broadcast %sub3A_1712 : i32 to vector<16xi32>
        %sub3A_1714 = arith.subi %iota3A, %sub3A_1713 : vector<16xi32>
        %max3A_1715 = arith.constant 0 : i32
        %max3A_1716 = vector.broadcast %max3A_1715 : i32 to vector<16xi32>
        %max3A_1717 = arith.maxsi %sub3A_1714, %max3A_1716 : vector<16xi32>
        %broadcast_in_dim3A_1718 = vector.shape_cast %max3A_1717 : vector<16xi32> to vector<16x1xi32>
        %gather3A_1719 = vector.shape_cast %broadcast_in_dim3A_1718 : vector<16x1xi32> to vector<16xi32>
        %gather3A_1720 = tpu.dynamic_gather %get3A_1405[%gather3A_1719] in [0] : vector<16xi32>, vector<16xi32> -> vector<16xi32>
        %eq3A_1721 = arith.cmpi eq, %gather3A_1720, %get3A_1405 : vector<16xi32>
        %ge3A_1722 = arith.constant 8 : i32
        %ge3A_1723 = vector.broadcast %ge3A_1722 : i32 to vector<16xi32>
        %ge3A_1724 = arith.cmpi sge, %iota3A, %ge3A_1723 : vector<16xi32>
        %and3A_1725 = arith.andi %eq3A_1721, %ge3A_1724 : vector<16xi1>
        %broadcast_in_dim3A_1726 = vector.shape_cast %max3A_1717 : vector<16xi32> to vector<16x1xi32>
        %gather3A_1727 = vector.shape_cast %broadcast_in_dim3A_1726 : vector<16x1xi32> to vector<16xi32>
        %gather3A_1728 = tpu.dynamic_gather %select_n3A_1706[%gather3A_1727] in [0] : vector<16xf32>, vector<16xi32> -> vector<16xf32>
        %add3A_1729 = arith.addf %select_n3A_1706, %gather3A_1728 : vector<16xf32>
        %select_n3A_1730 = arith.select %and3A_1725, %add3A_1729, %select_n3A_1706 : vector<16xi1>, vector<16xf32>
        %broadcast_in_dim3A_1731 = vector.shape_cast %max3A_1717 : vector<16xi32> to vector<16x1xi32>
        %gather3A_1732 = vector.shape_cast %broadcast_in_dim3A_1731 : vector<16x1xi32> to vector<16xi32>
        %gather3A_1733 = tpu.dynamic_gather %select_n3A_1711[%gather3A_1732] in [0] : vector<16xf32>, vector<16xi32> -> vector<16xf32>
        %add3A_1734 = arith.addf %select_n3A_1711, %gather3A_1733 : vector<16xf32>
        %select_n3A_1735 = arith.select %and3A_1725, %add3A_1734, %select_n3A_1711 : vector<16xi1>, vector<16xf32>
        %sub3A_1736 = arith.constant 1 : i32
        %sub3A_1737 = vector.broadcast %sub3A_1736 : i32 to vector<16xi32>
        %sub3A_1738 = arith.subi %iota3A, %sub3A_1737 : vector<16xi32>
        %max3A_1739 = arith.constant 0 : i32
        %max3A_1740 = vector.broadcast %max3A_1739 : i32 to vector<16xi32>
        %max3A_1741 = arith.maxsi %sub3A_1738, %max3A_1740 : vector<16xi32>
        %broadcast_in_dim3A_1742 = vector.shape_cast %max3A_1741 : vector<16xi32> to vector<16x1xi32>
        %gather3A_1743 = vector.shape_cast %broadcast_in_dim3A_1742 : vector<16x1xi32> to vector<16xi32>
        %gather3A_1744 = tpu.dynamic_gather %get3A_1436[%gather3A_1743] in [0] : vector<16xi32>, vector<16xi32> -> vector<16xi32>
        %eq3A_1745 = arith.cmpi eq, %gather3A_1744, %get3A_1436 : vector<16xi32>
        %ge3A_1746 = arith.constant 1 : i32
        %ge3A_1747 = vector.broadcast %ge3A_1746 : i32 to vector<16xi32>
        %ge3A_1748 = arith.cmpi sge, %iota3A, %ge3A_1747 : vector<16xi32>
        %and3A_1749 = arith.andi %eq3A_1745, %ge3A_1748 : vector<16xi1>
        %broadcast_in_dim3A_1750 = vector.shape_cast %max3A_1741 : vector<16xi32> to vector<16x1xi32>
        %gather3A_1751 = vector.shape_cast %broadcast_in_dim3A_1750 : vector<16x1xi32> to vector<16xi32>
        %gather3A_1752 = tpu.dynamic_gather %exp3A_1450[%gather3A_1751] in [0] : vector<16xf32>, vector<16xi32> -> vector<16xf32>
        %add3A_1753 = arith.addf %exp3A_1450, %gather3A_1752 : vector<16xf32>
        %select_n3A_1754 = arith.select %and3A_1749, %add3A_1753, %exp3A_1450 : vector<16xi1>, vector<16xf32>
        %broadcast_in_dim3A_1755 = vector.shape_cast %max3A_1741 : vector<16xi32> to vector<16x1xi32>
        %gather3A_1756 = vector.shape_cast %broadcast_in_dim3A_1755 : vector<16x1xi32> to vector<16xi32>
        %gather3A_1757 = tpu.dynamic_gather %mul3A_1451[%gather3A_1756] in [0] : vector<16xf32>, vector<16xi32> -> vector<16xf32>
        %add3A_1758 = arith.addf %mul3A_1451, %gather3A_1757 : vector<16xf32>
        %select_n3A_1759 = arith.select %and3A_1749, %add3A_1758, %mul3A_1451 : vector<16xi1>, vector<16xf32>
        %sub3A_1760 = arith.constant 2 : i32
        %sub3A_1761 = vector.broadcast %sub3A_1760 : i32 to vector<16xi32>
        %sub3A_1762 = arith.subi %iota3A, %sub3A_1761 : vector<16xi32>
        %max3A_1763 = arith.constant 0 : i32
        %max3A_1764 = vector.broadcast %max3A_1763 : i32 to vector<16xi32>
        %max3A_1765 = arith.maxsi %sub3A_1762, %max3A_1764 : vector<16xi32>
        %broadcast_in_dim3A_1766 = vector.shape_cast %max3A_1765 : vector<16xi32> to vector<16x1xi32>
        %gather3A_1767 = vector.shape_cast %broadcast_in_dim3A_1766 : vector<16x1xi32> to vector<16xi32>
        %gather3A_1768 = tpu.dynamic_gather %get3A_1436[%gather3A_1767] in [0] : vector<16xi32>, vector<16xi32> -> vector<16xi32>
        %eq3A_1769 = arith.cmpi eq, %gather3A_1768, %get3A_1436 : vector<16xi32>
        %ge3A_1770 = arith.constant 2 : i32
        %ge3A_1771 = vector.broadcast %ge3A_1770 : i32 to vector<16xi32>
        %ge3A_1772 = arith.cmpi sge, %iota3A, %ge3A_1771 : vector<16xi32>
        %and3A_1773 = arith.andi %eq3A_1769, %ge3A_1772 : vector<16xi1>
        %broadcast_in_dim3A_1774 = vector.shape_cast %max3A_1765 : vector<16xi32> to vector<16x1xi32>
        %gather3A_1775 = vector.shape_cast %broadcast_in_dim3A_1774 : vector<16x1xi32> to vector<16xi32>
        %gather3A_1776 = tpu.dynamic_gather %select_n3A_1754[%gather3A_1775] in [0] : vector<16xf32>, vector<16xi32> -> vector<16xf32>
        %add3A_1777 = arith.addf %select_n3A_1754, %gather3A_1776 : vector<16xf32>
        %select_n3A_1778 = arith.select %and3A_1773, %add3A_1777, %select_n3A_1754 : vector<16xi1>, vector<16xf32>
        %broadcast_in_dim3A_1779 = vector.shape_cast %max3A_1765 : vector<16xi32> to vector<16x1xi32>
        %gather3A_1780 = vector.shape_cast %broadcast_in_dim3A_1779 : vector<16x1xi32> to vector<16xi32>
        %gather3A_1781 = tpu.dynamic_gather %select_n3A_1759[%gather3A_1780] in [0] : vector<16xf32>, vector<16xi32> -> vector<16xf32>
        %add3A_1782 = arith.addf %select_n3A_1759, %gather3A_1781 : vector<16xf32>
        %select_n3A_1783 = arith.select %and3A_1773, %add3A_1782, %select_n3A_1759 : vector<16xi1>, vector<16xf32>
        %sub3A_1784 = arith.constant 4 : i32
        %sub3A_1785 = vector.broadcast %sub3A_1784 : i32 to vector<16xi32>
        %sub3A_1786 = arith.subi %iota3A, %sub3A_1785 : vector<16xi32>
        %max3A_1787 = arith.constant 0 : i32
        %max3A_1788 = vector.broadcast %max3A_1787 : i32 to vector<16xi32>
        %max3A_1789 = arith.maxsi %sub3A_1786, %max3A_1788 : vector<16xi32>
        %broadcast_in_dim3A_1790 = vector.shape_cast %max3A_1789 : vector<16xi32> to vector<16x1xi32>
        %gather3A_1791 = vector.shape_cast %broadcast_in_dim3A_1790 : vector<16x1xi32> to vector<16xi32>
        %gather3A_1792 = tpu.dynamic_gather %get3A_1436[%gather3A_1791] in [0] : vector<16xi32>, vector<16xi32> -> vector<16xi32>
        %eq3A_1793 = arith.cmpi eq, %gather3A_1792, %get3A_1436 : vector<16xi32>
        %ge3A_1794 = arith.constant 4 : i32
        %ge3A_1795 = vector.broadcast %ge3A_1794 : i32 to vector<16xi32>
        %ge3A_1796 = arith.cmpi sge, %iota3A, %ge3A_1795 : vector<16xi32>
        %and3A_1797 = arith.andi %eq3A_1793, %ge3A_1796 : vector<16xi1>
        %broadcast_in_dim3A_1798 = vector.shape_cast %max3A_1789 : vector<16xi32> to vector<16x1xi32>
        %gather3A_1799 = vector.shape_cast %broadcast_in_dim3A_1798 : vector<16x1xi32> to vector<16xi32>
        %gather3A_1800 = tpu.dynamic_gather %select_n3A_1778[%gather3A_1799] in [0] : vector<16xf32>, vector<16xi32> -> vector<16xf32>
        %add3A_1801 = arith.addf %select_n3A_1778, %gather3A_1800 : vector<16xf32>
        %select_n3A_1802 = arith.select %and3A_1797, %add3A_1801, %select_n3A_1778 : vector<16xi1>, vector<16xf32>
        %broadcast_in_dim3A_1803 = vector.shape_cast %max3A_1789 : vector<16xi32> to vector<16x1xi32>
        %gather3A_1804 = vector.shape_cast %broadcast_in_dim3A_1803 : vector<16x1xi32> to vector<16xi32>
        %gather3A_1805 = tpu.dynamic_gather %select_n3A_1783[%gather3A_1804] in [0] : vector<16xf32>, vector<16xi32> -> vector<16xf32>
        %add3A_1806 = arith.addf %select_n3A_1783, %gather3A_1805 : vector<16xf32>
        %select_n3A_1807 = arith.select %and3A_1797, %add3A_1806, %select_n3A_1783 : vector<16xi1>, vector<16xf32>
        %sub3A_1808 = arith.constant 8 : i32
        %sub3A_1809 = vector.broadcast %sub3A_1808 : i32 to vector<16xi32>
        %sub3A_1810 = arith.subi %iota3A, %sub3A_1809 : vector<16xi32>
        %max3A_1811 = arith.constant 0 : i32
        %max3A_1812 = vector.broadcast %max3A_1811 : i32 to vector<16xi32>
        %max3A_1813 = arith.maxsi %sub3A_1810, %max3A_1812 : vector<16xi32>
        %broadcast_in_dim3A_1814 = vector.shape_cast %max3A_1813 : vector<16xi32> to vector<16x1xi32>
        %gather3A_1815 = vector.shape_cast %broadcast_in_dim3A_1814 : vector<16x1xi32> to vector<16xi32>
        %gather3A_1816 = tpu.dynamic_gather %get3A_1436[%gather3A_1815] in [0] : vector<16xi32>, vector<16xi32> -> vector<16xi32>
        %eq3A_1817 = arith.cmpi eq, %gather3A_1816, %get3A_1436 : vector<16xi32>
        %ge3A_1818 = arith.constant 8 : i32
        %ge3A_1819 = vector.broadcast %ge3A_1818 : i32 to vector<16xi32>
        %ge3A_1820 = arith.cmpi sge, %iota3A, %ge3A_1819 : vector<16xi32>
        %and3A_1821 = arith.andi %eq3A_1817, %ge3A_1820 : vector<16xi1>
        %broadcast_in_dim3A_1822 = vector.shape_cast %max3A_1813 : vector<16xi32> to vector<16x1xi32>
        %gather3A_1823 = vector.shape_cast %broadcast_in_dim3A_1822 : vector<16x1xi32> to vector<16xi32>
        %gather3A_1824 = tpu.dynamic_gather %select_n3A_1802[%gather3A_1823] in [0] : vector<16xf32>, vector<16xi32> -> vector<16xf32>
        %add3A_1825 = arith.addf %select_n3A_1802, %gather3A_1824 : vector<16xf32>
        %select_n3A_1826 = arith.select %and3A_1821, %add3A_1825, %select_n3A_1802 : vector<16xi1>, vector<16xf32>
        %broadcast_in_dim3A_1827 = vector.shape_cast %max3A_1813 : vector<16xi32> to vector<16x1xi32>
        %gather3A_1828 = vector.shape_cast %broadcast_in_dim3A_1827 : vector<16x1xi32> to vector<16xi32>
        %gather3A_1829 = tpu.dynamic_gather %select_n3A_1807[%gather3A_1828] in [0] : vector<16xf32>, vector<16xi32> -> vector<16xf32>
        %add3A_1830 = arith.addf %select_n3A_1807, %gather3A_1829 : vector<16xf32>
        %select_n3A_1831 = arith.select %and3A_1821, %add3A_1830, %select_n3A_1807 : vector<16xi1>, vector<16xf32>
        %sub3A_1832 = arith.constant 1 : i32
        %sub3A_1833 = vector.broadcast %sub3A_1832 : i32 to vector<16xi32>
        %sub3A_1834 = arith.subi %iota3A, %sub3A_1833 : vector<16xi32>
        %max3A_1835 = arith.constant 0 : i32
        %max3A_1836 = vector.broadcast %max3A_1835 : i32 to vector<16xi32>
        %max3A_1837 = arith.maxsi %sub3A_1834, %max3A_1836 : vector<16xi32>
        %broadcast_in_dim3A_1838 = vector.shape_cast %max3A_1837 : vector<16xi32> to vector<16x1xi32>
        %gather3A_1839 = vector.shape_cast %broadcast_in_dim3A_1838 : vector<16x1xi32> to vector<16xi32>
        %gather3A_1840 = tpu.dynamic_gather %get3A_1467[%gather3A_1839] in [0] : vector<16xi32>, vector<16xi32> -> vector<16xi32>
        %eq3A_1841 = arith.cmpi eq, %gather3A_1840, %get3A_1467 : vector<16xi32>
        %ge3A_1842 = arith.constant 1 : i32
        %ge3A_1843 = vector.broadcast %ge3A_1842 : i32 to vector<16xi32>
        %ge3A_1844 = arith.cmpi sge, %iota3A, %ge3A_1843 : vector<16xi32>
        %and3A_1845 = arith.andi %eq3A_1841, %ge3A_1844 : vector<16xi1>
        %broadcast_in_dim3A_1846 = vector.shape_cast %max3A_1837 : vector<16xi32> to vector<16x1xi32>
        %gather3A_1847 = vector.shape_cast %broadcast_in_dim3A_1846 : vector<16x1xi32> to vector<16xi32>
        %gather3A_1848 = tpu.dynamic_gather %exp3A_1481[%gather3A_1847] in [0] : vector<16xf32>, vector<16xi32> -> vector<16xf32>
        %add3A_1849 = arith.addf %exp3A_1481, %gather3A_1848 : vector<16xf32>
        %select_n3A_1850 = arith.select %and3A_1845, %add3A_1849, %exp3A_1481 : vector<16xi1>, vector<16xf32>
        %broadcast_in_dim3A_1851 = vector.shape_cast %max3A_1837 : vector<16xi32> to vector<16x1xi32>
        %gather3A_1852 = vector.shape_cast %broadcast_in_dim3A_1851 : vector<16x1xi32> to vector<16xi32>
        %gather3A_1853 = tpu.dynamic_gather %mul3A_1482[%gather3A_1852] in [0] : vector<16xf32>, vector<16xi32> -> vector<16xf32>
        %add3A_1854 = arith.addf %mul3A_1482, %gather3A_1853 : vector<16xf32>
        %select_n3A_1855 = arith.select %and3A_1845, %add3A_1854, %mul3A_1482 : vector<16xi1>, vector<16xf32>
        %sub3A_1856 = arith.constant 2 : i32
        %sub3A_1857 = vector.broadcast %sub3A_1856 : i32 to vector<16xi32>
        %sub3A_1858 = arith.subi %iota3A, %sub3A_1857 : vector<16xi32>
        %max3A_1859 = arith.constant 0 : i32
        %max3A_1860 = vector.broadcast %max3A_1859 : i32 to vector<16xi32>
        %max3A_1861 = arith.maxsi %sub3A_1858, %max3A_1860 : vector<16xi32>
        %broadcast_in_dim3A_1862 = vector.shape_cast %max3A_1861 : vector<16xi32> to vector<16x1xi32>
        %gather3A_1863 = vector.shape_cast %broadcast_in_dim3A_1862 : vector<16x1xi32> to vector<16xi32>
        %gather3A_1864 = tpu.dynamic_gather %get3A_1467[%gather3A_1863] in [0] : vector<16xi32>, vector<16xi32> -> vector<16xi32>
        %eq3A_1865 = arith.cmpi eq, %gather3A_1864, %get3A_1467 : vector<16xi32>
        %ge3A_1866 = arith.constant 2 : i32
        %ge3A_1867 = vector.broadcast %ge3A_1866 : i32 to vector<16xi32>
        %ge3A_1868 = arith.cmpi sge, %iota3A, %ge3A_1867 : vector<16xi32>
        %and3A_1869 = arith.andi %eq3A_1865, %ge3A_1868 : vector<16xi1>
        %broadcast_in_dim3A_1870 = vector.shape_cast %max3A_1861 : vector<16xi32> to vector<16x1xi32>
        %gather3A_1871 = vector.shape_cast %broadcast_in_dim3A_1870 : vector<16x1xi32> to vector<16xi32>
        %gather3A_1872 = tpu.dynamic_gather %select_n3A_1850[%gather3A_1871] in [0] : vector<16xf32>, vector<16xi32> -> vector<16xf32>
        %add3A_1873 = arith.addf %select_n3A_1850, %gather3A_1872 : vector<16xf32>
        %select_n3A_1874 = arith.select %and3A_1869, %add3A_1873, %select_n3A_1850 : vector<16xi1>, vector<16xf32>
        %broadcast_in_dim3A_1875 = vector.shape_cast %max3A_1861 : vector<16xi32> to vector<16x1xi32>
        %gather3A_1876 = vector.shape_cast %broadcast_in_dim3A_1875 : vector<16x1xi32> to vector<16xi32>
        %gather3A_1877 = tpu.dynamic_gather %select_n3A_1855[%gather3A_1876] in [0] : vector<16xf32>, vector<16xi32> -> vector<16xf32>
        %add3A_1878 = arith.addf %select_n3A_1855, %gather3A_1877 : vector<16xf32>
        %select_n3A_1879 = arith.select %and3A_1869, %add3A_1878, %select_n3A_1855 : vector<16xi1>, vector<16xf32>
        %sub3A_1880 = arith.constant 4 : i32
        %sub3A_1881 = vector.broadcast %sub3A_1880 : i32 to vector<16xi32>
        %sub3A_1882 = arith.subi %iota3A, %sub3A_1881 : vector<16xi32>
        %max3A_1883 = arith.constant 0 : i32
        %max3A_1884 = vector.broadcast %max3A_1883 : i32 to vector<16xi32>
        %max3A_1885 = arith.maxsi %sub3A_1882, %max3A_1884 : vector<16xi32>
        %broadcast_in_dim3A_1886 = vector.shape_cast %max3A_1885 : vector<16xi32> to vector<16x1xi32>
        %gather3A_1887 = vector.shape_cast %broadcast_in_dim3A_1886 : vector<16x1xi32> to vector<16xi32>
        %gather3A_1888 = tpu.dynamic_gather %get3A_1467[%gather3A_1887] in [0] : vector<16xi32>, vector<16xi32> -> vector<16xi32>
        %eq3A_1889 = arith.cmpi eq, %gather3A_1888, %get3A_1467 : vector<16xi32>
        %ge3A_1890 = arith.constant 4 : i32
        %ge3A_1891 = vector.broadcast %ge3A_1890 : i32 to vector<16xi32>
        %ge3A_1892 = arith.cmpi sge, %iota3A, %ge3A_1891 : vector<16xi32>
        %and3A_1893 = arith.andi %eq3A_1889, %ge3A_1892 : vector<16xi1>
        %broadcast_in_dim3A_1894 = vector.shape_cast %max3A_1885 : vector<16xi32> to vector<16x1xi32>
        %gather3A_1895 = vector.shape_cast %broadcast_in_dim3A_1894 : vector<16x1xi32> to vector<16xi32>
        %gather3A_1896 = tpu.dynamic_gather %select_n3A_1874[%gather3A_1895] in [0] : vector<16xf32>, vector<16xi32> -> vector<16xf32>
        %add3A_1897 = arith.addf %select_n3A_1874, %gather3A_1896 : vector<16xf32>
        %select_n3A_1898 = arith.select %and3A_1893, %add3A_1897, %select_n3A_1874 : vector<16xi1>, vector<16xf32>
        %broadcast_in_dim3A_1899 = vector.shape_cast %max3A_1885 : vector<16xi32> to vector<16x1xi32>
        %gather3A_1900 = vector.shape_cast %broadcast_in_dim3A_1899 : vector<16x1xi32> to vector<16xi32>
        %gather3A_1901 = tpu.dynamic_gather %select_n3A_1879[%gather3A_1900] in [0] : vector<16xf32>, vector<16xi32> -> vector<16xf32>
        %add3A_1902 = arith.addf %select_n3A_1879, %gather3A_1901 : vector<16xf32>
        %select_n3A_1903 = arith.select %and3A_1893, %add3A_1902, %select_n3A_1879 : vector<16xi1>, vector<16xf32>
        %sub3A_1904 = arith.constant 8 : i32
        %sub3A_1905 = vector.broadcast %sub3A_1904 : i32 to vector<16xi32>
        %sub3A_1906 = arith.subi %iota3A, %sub3A_1905 : vector<16xi32>
        %max3A_1907 = arith.constant 0 : i32
        %max3A_1908 = vector.broadcast %max3A_1907 : i32 to vector<16xi32>
        %max3A_1909 = arith.maxsi %sub3A_1906, %max3A_1908 : vector<16xi32>
        %broadcast_in_dim3A_1910 = vector.shape_cast %max3A_1909 : vector<16xi32> to vector<16x1xi32>
        %gather3A_1911 = vector.shape_cast %broadcast_in_dim3A_1910 : vector<16x1xi32> to vector<16xi32>
        %gather3A_1912 = tpu.dynamic_gather %get3A_1467[%gather3A_1911] in [0] : vector<16xi32>, vector<16xi32> -> vector<16xi32>
        %eq3A_1913 = arith.cmpi eq, %gather3A_1912, %get3A_1467 : vector<16xi32>
        %ge3A_1914 = arith.constant 8 : i32
        %ge3A_1915 = vector.broadcast %ge3A_1914 : i32 to vector<16xi32>
        %ge3A_1916 = arith.cmpi sge, %iota3A, %ge3A_1915 : vector<16xi32>
        %and3A_1917 = arith.andi %eq3A_1913, %ge3A_1916 : vector<16xi1>
        %broadcast_in_dim3A_1918 = vector.shape_cast %max3A_1909 : vector<16xi32> to vector<16x1xi32>
        %gather3A_1919 = vector.shape_cast %broadcast_in_dim3A_1918 : vector<16x1xi32> to vector<16xi32>
        %gather3A_1920 = tpu.dynamic_gather %select_n3A_1898[%gather3A_1919] in [0] : vector<16xf32>, vector<16xi32> -> vector<16xf32>
        %add3A_1921 = arith.addf %select_n3A_1898, %gather3A_1920 : vector<16xf32>
        %select_n3A_1922 = arith.select %and3A_1917, %add3A_1921, %select_n3A_1898 : vector<16xi1>, vector<16xf32>
        %broadcast_in_dim3A_1923 = vector.shape_cast %max3A_1909 : vector<16xi32> to vector<16x1xi32>
        %gather3A_1924 = vector.shape_cast %broadcast_in_dim3A_1923 : vector<16x1xi32> to vector<16xi32>
        %gather3A_1925 = tpu.dynamic_gather %select_n3A_1903[%gather3A_1924] in [0] : vector<16xf32>, vector<16xi32> -> vector<16xf32>
        %add3A_1926 = arith.addf %select_n3A_1903, %gather3A_1925 : vector<16xf32>
        %select_n3A_1927 = arith.select %and3A_1917, %add3A_1926, %select_n3A_1903 : vector<16xi1>, vector<16xf32>
        %sub3A_1928 = arith.constant 1 : i32
        %sub3A_1929 = vector.broadcast %sub3A_1928 : i32 to vector<16xi32>
        %sub3A_1930 = arith.subi %iota3A, %sub3A_1929 : vector<16xi32>
        %max3A_1931 = arith.constant 0 : i32
        %max3A_1932 = vector.broadcast %max3A_1931 : i32 to vector<16xi32>
        %max3A_1933 = arith.maxsi %sub3A_1930, %max3A_1932 : vector<16xi32>
        %broadcast_in_dim3A_1934 = vector.shape_cast %max3A_1933 : vector<16xi32> to vector<16x1xi32>
        %gather3A_1935 = vector.shape_cast %broadcast_in_dim3A_1934 : vector<16x1xi32> to vector<16xi32>
        %gather3A_1936 = tpu.dynamic_gather %get3A_1498[%gather3A_1935] in [0] : vector<16xi32>, vector<16xi32> -> vector<16xi32>
        %eq3A_1937 = arith.cmpi eq, %gather3A_1936, %get3A_1498 : vector<16xi32>
        %ge3A_1938 = arith.constant 1 : i32
        %ge3A_1939 = vector.broadcast %ge3A_1938 : i32 to vector<16xi32>
        %ge3A_1940 = arith.cmpi sge, %iota3A, %ge3A_1939 : vector<16xi32>
        %and3A_1941 = arith.andi %eq3A_1937, %ge3A_1940 : vector<16xi1>
        %broadcast_in_dim3A_1942 = vector.shape_cast %max3A_1933 : vector<16xi32> to vector<16x1xi32>
        %gather3A_1943 = vector.shape_cast %broadcast_in_dim3A_1942 : vector<16x1xi32> to vector<16xi32>
        %gather3A_1944 = tpu.dynamic_gather %exp3A_1512[%gather3A_1943] in [0] : vector<16xf32>, vector<16xi32> -> vector<16xf32>
        %add3A_1945 = arith.addf %exp3A_1512, %gather3A_1944 : vector<16xf32>
        %select_n3A_1946 = arith.select %and3A_1941, %add3A_1945, %exp3A_1512 : vector<16xi1>, vector<16xf32>
        %broadcast_in_dim3A_1947 = vector.shape_cast %max3A_1933 : vector<16xi32> to vector<16x1xi32>
        %gather3A_1948 = vector.shape_cast %broadcast_in_dim3A_1947 : vector<16x1xi32> to vector<16xi32>
        %gather3A_1949 = tpu.dynamic_gather %mul3A_1513[%gather3A_1948] in [0] : vector<16xf32>, vector<16xi32> -> vector<16xf32>
        %add3A_1950 = arith.addf %mul3A_1513, %gather3A_1949 : vector<16xf32>
        %select_n3A_1951 = arith.select %and3A_1941, %add3A_1950, %mul3A_1513 : vector<16xi1>, vector<16xf32>
        %sub3A_1952 = arith.constant 2 : i32
        %sub3A_1953 = vector.broadcast %sub3A_1952 : i32 to vector<16xi32>
        %sub3A_1954 = arith.subi %iota3A, %sub3A_1953 : vector<16xi32>
        %max3A_1955 = arith.constant 0 : i32
        %max3A_1956 = vector.broadcast %max3A_1955 : i32 to vector<16xi32>
        %max3A_1957 = arith.maxsi %sub3A_1954, %max3A_1956 : vector<16xi32>
        %broadcast_in_dim3A_1958 = vector.shape_cast %max3A_1957 : vector<16xi32> to vector<16x1xi32>
        %gather3A_1959 = vector.shape_cast %broadcast_in_dim3A_1958 : vector<16x1xi32> to vector<16xi32>
        %gather3A_1960 = tpu.dynamic_gather %get3A_1498[%gather3A_1959] in [0] : vector<16xi32>, vector<16xi32> -> vector<16xi32>
        %eq3A_1961 = arith.cmpi eq, %gather3A_1960, %get3A_1498 : vector<16xi32>
        %ge3A_1962 = arith.constant 2 : i32
        %ge3A_1963 = vector.broadcast %ge3A_1962 : i32 to vector<16xi32>
        %ge3A_1964 = arith.cmpi sge, %iota3A, %ge3A_1963 : vector<16xi32>
        %and3A_1965 = arith.andi %eq3A_1961, %ge3A_1964 : vector<16xi1>
        %broadcast_in_dim3A_1966 = vector.shape_cast %max3A_1957 : vector<16xi32> to vector<16x1xi32>
        %gather3A_1967 = vector.shape_cast %broadcast_in_dim3A_1966 : vector<16x1xi32> to vector<16xi32>
        %gather3A_1968 = tpu.dynamic_gather %select_n3A_1946[%gather3A_1967] in [0] : vector<16xf32>, vector<16xi32> -> vector<16xf32>
        %add3A_1969 = arith.addf %select_n3A_1946, %gather3A_1968 : vector<16xf32>
        %select_n3A_1970 = arith.select %and3A_1965, %add3A_1969, %select_n3A_1946 : vector<16xi1>, vector<16xf32>
        %broadcast_in_dim3A_1971 = vector.shape_cast %max3A_1957 : vector<16xi32> to vector<16x1xi32>
        %gather3A_1972 = vector.shape_cast %broadcast_in_dim3A_1971 : vector<16x1xi32> to vector<16xi32>
        %gather3A_1973 = tpu.dynamic_gather %select_n3A_1951[%gather3A_1972] in [0] : vector<16xf32>, vector<16xi32> -> vector<16xf32>
        %add3A_1974 = arith.addf %select_n3A_1951, %gather3A_1973 : vector<16xf32>
        %select_n3A_1975 = arith.select %and3A_1965, %add3A_1974, %select_n3A_1951 : vector<16xi1>, vector<16xf32>
        %sub3A_1976 = arith.constant 4 : i32
        %sub3A_1977 = vector.broadcast %sub3A_1976 : i32 to vector<16xi32>
        %sub3A_1978 = arith.subi %iota3A, %sub3A_1977 : vector<16xi32>
        %max3A_1979 = arith.constant 0 : i32
        %max3A_1980 = vector.broadcast %max3A_1979 : i32 to vector<16xi32>
        %max3A_1981 = arith.maxsi %sub3A_1978, %max3A_1980 : vector<16xi32>
        %broadcast_in_dim3A_1982 = vector.shape_cast %max3A_1981 : vector<16xi32> to vector<16x1xi32>
        %gather3A_1983 = vector.shape_cast %broadcast_in_dim3A_1982 : vector<16x1xi32> to vector<16xi32>
        %gather3A_1984 = tpu.dynamic_gather %get3A_1498[%gather3A_1983] in [0] : vector<16xi32>, vector<16xi32> -> vector<16xi32>
        %eq3A_1985 = arith.cmpi eq, %gather3A_1984, %get3A_1498 : vector<16xi32>
        %ge3A_1986 = arith.constant 4 : i32
        %ge3A_1987 = vector.broadcast %ge3A_1986 : i32 to vector<16xi32>
        %ge3A_1988 = arith.cmpi sge, %iota3A, %ge3A_1987 : vector<16xi32>
        %and3A_1989 = arith.andi %eq3A_1985, %ge3A_1988 : vector<16xi1>
        %broadcast_in_dim3A_1990 = vector.shape_cast %max3A_1981 : vector<16xi32> to vector<16x1xi32>
        %gather3A_1991 = vector.shape_cast %broadcast_in_dim3A_1990 : vector<16x1xi32> to vector<16xi32>
        %gather3A_1992 = tpu.dynamic_gather %select_n3A_1970[%gather3A_1991] in [0] : vector<16xf32>, vector<16xi32> -> vector<16xf32>
        %add3A_1993 = arith.addf %select_n3A_1970, %gather3A_1992 : vector<16xf32>
        %select_n3A_1994 = arith.select %and3A_1989, %add3A_1993, %select_n3A_1970 : vector<16xi1>, vector<16xf32>
        %broadcast_in_dim3A_1995 = vector.shape_cast %max3A_1981 : vector<16xi32> to vector<16x1xi32>
        %gather3A_1996 = vector.shape_cast %broadcast_in_dim3A_1995 : vector<16x1xi32> to vector<16xi32>
        %gather3A_1997 = tpu.dynamic_gather %select_n3A_1975[%gather3A_1996] in [0] : vector<16xf32>, vector<16xi32> -> vector<16xf32>
        %add3A_1998 = arith.addf %select_n3A_1975, %gather3A_1997 : vector<16xf32>
        %select_n3A_1999 = arith.select %and3A_1989, %add3A_1998, %select_n3A_1975 : vector<16xi1>, vector<16xf32>
        %sub3A_2000 = arith.constant 8 : i32
        %sub3A_2001 = vector.broadcast %sub3A_2000 : i32 to vector<16xi32>
        %sub3A_2002 = arith.subi %iota3A, %sub3A_2001 : vector<16xi32>
        %max3A_2003 = arith.constant 0 : i32
        %max3A_2004 = vector.broadcast %max3A_2003 : i32 to vector<16xi32>
        %max3A_2005 = arith.maxsi %sub3A_2002, %max3A_2004 : vector<16xi32>
        %broadcast_in_dim3A_2006 = vector.shape_cast %max3A_2005 : vector<16xi32> to vector<16x1xi32>
        %gather3A_2007 = vector.shape_cast %broadcast_in_dim3A_2006 : vector<16x1xi32> to vector<16xi32>
        %gather3A_2008 = tpu.dynamic_gather %get3A_1498[%gather3A_2007] in [0] : vector<16xi32>, vector<16xi32> -> vector<16xi32>
        %eq3A_2009 = arith.cmpi eq, %gather3A_2008, %get3A_1498 : vector<16xi32>
        %ge3A_2010 = arith.constant 8 : i32
        %ge3A_2011 = vector.broadcast %ge3A_2010 : i32 to vector<16xi32>
        %ge3A_2012 = arith.cmpi sge, %iota3A, %ge3A_2011 : vector<16xi32>
        %and3A_2013 = arith.andi %eq3A_2009, %ge3A_2012 : vector<16xi1>
        %broadcast_in_dim3A_2014 = vector.shape_cast %max3A_2005 : vector<16xi32> to vector<16x1xi32>
        %gather3A_2015 = vector.shape_cast %broadcast_in_dim3A_2014 : vector<16x1xi32> to vector<16xi32>
        %gather3A_2016 = tpu.dynamic_gather %select_n3A_1994[%gather3A_2015] in [0] : vector<16xf32>, vector<16xi32> -> vector<16xf32>
        %add3A_2017 = arith.addf %select_n3A_1994, %gather3A_2016 : vector<16xf32>
        %select_n3A_2018 = arith.select %and3A_2013, %add3A_2017, %select_n3A_1994 : vector<16xi1>, vector<16xf32>
        %broadcast_in_dim3A_2019 = vector.shape_cast %max3A_2005 : vector<16xi32> to vector<16x1xi32>
        %gather3A_2020 = vector.shape_cast %broadcast_in_dim3A_2019 : vector<16x1xi32> to vector<16xi32>
        %gather3A_2021 = tpu.dynamic_gather %select_n3A_1999[%gather3A_2020] in [0] : vector<16xf32>, vector<16xi32> -> vector<16xf32>
        %add3A_2022 = arith.addf %select_n3A_1999, %gather3A_2021 : vector<16xf32>
        %select_n3A_2023 = arith.select %and3A_2013, %add3A_2022, %select_n3A_1999 : vector<16xi1>, vector<16xf32>
        scf.yield %select_n3A_1634, %select_n3A_1639, %select_n3A_1730, %select_n3A_1735, %select_n3A_1826, %select_n3A_1831, %select_n3A_1922, %select_n3A_1927, %select_n3A_2018, %select_n3A_2023 : vector<16xf32>, vector<16xf32>, vector<16xf32>, vector<16xf32>, vector<16xf32>, vector<16xf32>, vector<16xf32>, vector<16xf32>, vector<16xf32>, vector<16xf32>
      }
      tpu.vector_store_idx %arg11[%get3A_1380], %cond3A_1544#0 masked %or3A {add = true} : memref<10240xf32, #tpu.memory_space<vmem>>[vector<16xi32>], vector<16xf32>, vector<16xi1>
      tpu.vector_store_idx %arg12[%get3A_1380], %cond3A_1544#1 masked %or3A {add = true} : memref<10240xf32, #tpu.memory_space<vmem>>[vector<16xi32>], vector<16xf32>, vector<16xi1>
      tpu.vector_store_idx %arg11[%get3A_1405], %cond3A_1544#2 masked %or3A_1434 {add = true} : memref<10240xf32, #tpu.memory_space<vmem>>[vector<16xi32>], vector<16xf32>, vector<16xi1>
      tpu.vector_store_idx %arg12[%get3A_1405], %cond3A_1544#3 masked %or3A_1434 {add = true} : memref<10240xf32, #tpu.memory_space<vmem>>[vector<16xi32>], vector<16xf32>, vector<16xi1>
      tpu.vector_store_idx %arg11[%get3A_1436], %cond3A_1544#4 masked %or3A_1465 {add = true} : memref<10240xf32, #tpu.memory_space<vmem>>[vector<16xi32>], vector<16xf32>, vector<16xi1>
      tpu.vector_store_idx %arg12[%get3A_1436], %cond3A_1544#5 masked %or3A_1465 {add = true} : memref<10240xf32, #tpu.memory_space<vmem>>[vector<16xi32>], vector<16xf32>, vector<16xi1>
      tpu.vector_store_idx %arg11[%get3A_1467], %cond3A_1544#6 masked %or3A_1496 {add = true} : memref<10240xf32, #tpu.memory_space<vmem>>[vector<16xi32>], vector<16xf32>, vector<16xi1>
      tpu.vector_store_idx %arg12[%get3A_1467], %cond3A_1544#7 masked %or3A_1496 {add = true} : memref<10240xf32, #tpu.memory_space<vmem>>[vector<16xi32>], vector<16xf32>, vector<16xi1>
      tpu.vector_store_idx %arg11[%get3A_1498], %cond3A_1544#8 masked %or3A_1527 {add = true} : memref<10240xf32, #tpu.memory_space<vmem>>[vector<16xi32>], vector<16xf32>, vector<16xi1>
      tpu.vector_store_idx %arg12[%get3A_1498], %cond3A_1544#9 masked %or3A_1527 {add = true} : memref<10240xf32, #tpu.memory_space<vmem>>[vector<16xi32>], vector<16xf32>, vector<16xi1>
      %scan3A_1545 = arith.constant 0 : i32
      scf.yield %scan3A_1545 : i32
    }
    %scan3A_47 = arith.constant 125 : i32
    %dma_start3A_48 = arith.constant 0 : i32
    %dma_start3A_49 = tpu.memref_slice %arg17[%arg1, %dma_start3A_48] : memref<16x30720xf32, #tpu.memory_space<vmem_shared>> -> memref<1x10240xf32, #tpu.memory_space<vmem_shared>>
    %dma_start3A_50 = tpu.memref_squeeze %dma_start3A_49 : memref<1x10240xf32, #tpu.memory_space<vmem_shared>> -> memref<10240xf32, #tpu.memory_space<vmem_shared>>
    %dma_start3A_51 = arith.constant 0 : i32
    %dma_start3A_52 = tpu.memref_slice %arg17[%arg1, %dma_start3A_51] : memref<16x30720xf32, #tpu.memory_space<vmem_shared>> -> memref<1x10240xf32, #tpu.memory_space<vmem_shared>>
    %dma_start3A_53 = tpu.memref_squeeze %dma_start3A_52 : memref<1x10240xf32, #tpu.memory_space<vmem_shared>> -> memref<10240xf32, #tpu.memory_space<vmem_shared>>
    tpu.enqueue_dma source(%arg10 : memref<10240xf32, #tpu.memory_space<vmem>>) target(%dma_start3A_53 : memref<10240xf32, #tpu.memory_space<vmem_shared>>) target_semaphore(%arg19 : memref<!tpu.dma_semaphore, #tpu.memory_space<semaphore_mem>>)
    %dma_start3A_54 = arith.constant 10240 : i32
    %dma_start3A_55 = tpu.memref_slice %arg17[%arg1, %dma_start3A_54] : memref<16x30720xf32, #tpu.memory_space<vmem_shared>> -> memref<1x10240xf32, #tpu.memory_space<vmem_shared>>
    %dma_start3A_56 = tpu.memref_squeeze %dma_start3A_55 : memref<1x10240xf32, #tpu.memory_space<vmem_shared>> -> memref<10240xf32, #tpu.memory_space<vmem_shared>>
    %dma_start3A_57 = arith.constant 10240 : i32
    %dma_start3A_58 = tpu.memref_slice %arg17[%arg1, %dma_start3A_57] : memref<16x30720xf32, #tpu.memory_space<vmem_shared>> -> memref<1x10240xf32, #tpu.memory_space<vmem_shared>>
    %dma_start3A_59 = tpu.memref_squeeze %dma_start3A_58 : memref<1x10240xf32, #tpu.memory_space<vmem_shared>> -> memref<10240xf32, #tpu.memory_space<vmem_shared>>
    tpu.enqueue_dma source(%arg11 : memref<10240xf32, #tpu.memory_space<vmem>>) target(%dma_start3A_59 : memref<10240xf32, #tpu.memory_space<vmem_shared>>) target_semaphore(%arg19 : memref<!tpu.dma_semaphore, #tpu.memory_space<semaphore_mem>>)
    %dma_start3A_60 = arith.constant 20480 : i32
    %dma_start3A_61 = tpu.memref_slice %arg17[%arg1, %dma_start3A_60] : memref<16x30720xf32, #tpu.memory_space<vmem_shared>> -> memref<1x10240xf32, #tpu.memory_space<vmem_shared>>
    %dma_start3A_62 = tpu.memref_squeeze %dma_start3A_61 : memref<1x10240xf32, #tpu.memory_space<vmem_shared>> -> memref<10240xf32, #tpu.memory_space<vmem_shared>>
    %dma_start3A_63 = arith.constant 20480 : i32
    %dma_start3A_64 = tpu.memref_slice %arg17[%arg1, %dma_start3A_63] : memref<16x30720xf32, #tpu.memory_space<vmem_shared>> -> memref<1x10240xf32, #tpu.memory_space<vmem_shared>>
    %dma_start3A_65 = tpu.memref_squeeze %dma_start3A_64 : memref<1x10240xf32, #tpu.memory_space<vmem_shared>> -> memref<10240xf32, #tpu.memory_space<vmem_shared>>
    tpu.enqueue_dma source(%arg12 : memref<10240xf32, #tpu.memory_space<vmem>>) target(%dma_start3A_65 : memref<10240xf32, #tpu.memory_space<vmem_shared>>) target_semaphore(%arg19 : memref<!tpu.dma_semaphore, #tpu.memory_space<semaphore_mem>>)
    %dma_wait3A_66 = arith.constant 0 : i32
    %dma_wait3A_67 = tpu.memref_slice %arg17[%arg1, %dma_wait3A_66] : memref<16x30720xf32, #tpu.memory_space<vmem_shared>> -> memref<1x10240xf32, #tpu.memory_space<vmem_shared>>
    %dma_wait3A_68 = tpu.memref_squeeze %dma_wait3A_67 : memref<1x10240xf32, #tpu.memory_space<vmem_shared>> -> memref<10240xf32, #tpu.memory_space<vmem_shared>>
    %dma_wait3A_69 = arith.constant 0 : i32
    %dma_wait3A_70 = tpu.memref_slice %arg17[%arg1, %dma_wait3A_69] : memref<16x30720xf32, #tpu.memory_space<vmem_shared>> -> memref<1x10240xf32, #tpu.memory_space<vmem_shared>>
    %dma_wait3A_71 = tpu.memref_squeeze %dma_wait3A_70 : memref<1x10240xf32, #tpu.memory_space<vmem_shared>> -> memref<10240xf32, #tpu.memory_space<vmem_shared>>
    tpu.wait_dma2 semaphore(%arg19 : memref<!tpu.dma_semaphore, #tpu.memory_space<semaphore_mem>>) src(%arg10 : memref<10240xf32, #tpu.memory_space<vmem>>) dst(%dma_wait3A_71 : memref<10240xf32, #tpu.memory_space<vmem_shared>>)
    %dma_wait3A_72 = arith.constant 10240 : i32
    %dma_wait3A_73 = tpu.memref_slice %arg17[%arg1, %dma_wait3A_72] : memref<16x30720xf32, #tpu.memory_space<vmem_shared>> -> memref<1x10240xf32, #tpu.memory_space<vmem_shared>>
    %dma_wait3A_74 = tpu.memref_squeeze %dma_wait3A_73 : memref<1x10240xf32, #tpu.memory_space<vmem_shared>> -> memref<10240xf32, #tpu.memory_space<vmem_shared>>
    %dma_wait3A_75 = arith.constant 10240 : i32
    %dma_wait3A_76 = tpu.memref_slice %arg17[%arg1, %dma_wait3A_75] : memref<16x30720xf32, #tpu.memory_space<vmem_shared>> -> memref<1x10240xf32, #tpu.memory_space<vmem_shared>>
    %dma_wait3A_77 = tpu.memref_squeeze %dma_wait3A_76 : memref<1x10240xf32, #tpu.memory_space<vmem_shared>> -> memref<10240xf32, #tpu.memory_space<vmem_shared>>
    tpu.wait_dma2 semaphore(%arg19 : memref<!tpu.dma_semaphore, #tpu.memory_space<semaphore_mem>>) src(%arg11 : memref<10240xf32, #tpu.memory_space<vmem>>) dst(%dma_wait3A_77 : memref<10240xf32, #tpu.memory_space<vmem_shared>>)
    %dma_wait3A_78 = arith.constant 20480 : i32
    %dma_wait3A_79 = tpu.memref_slice %arg17[%arg1, %dma_wait3A_78] : memref<16x30720xf32, #tpu.memory_space<vmem_shared>> -> memref<1x10240xf32, #tpu.memory_space<vmem_shared>>
    %dma_wait3A_80 = tpu.memref_squeeze %dma_wait3A_79 : memref<1x10240xf32, #tpu.memory_space<vmem_shared>> -> memref<10240xf32, #tpu.memory_space<vmem_shared>>
    %dma_wait3A_81 = arith.constant 20480 : i32
    %dma_wait3A_82 = tpu.memref_slice %arg17[%arg1, %dma_wait3A_81] : memref<16x30720xf32, #tpu.memory_space<vmem_shared>> -> memref<1x10240xf32, #tpu.memory_space<vmem_shared>>
    %dma_wait3A_83 = tpu.memref_squeeze %dma_wait3A_82 : memref<1x10240xf32, #tpu.memory_space<vmem_shared>> -> memref<10240xf32, #tpu.memory_space<vmem_shared>>
    tpu.wait_dma2 semaphore(%arg19 : memref<!tpu.dma_semaphore, #tpu.memory_space<semaphore_mem>>) src(%arg12 : memref<10240xf32, #tpu.memory_space<vmem>>) dst(%dma_wait3A_83 : memref<10240xf32, #tpu.memory_space<vmem_shared>>)
    %barrier3A_84 = arith.constant 0 : index
    tpu.barrier barrier_id(%barrier3A_84)
    %mul3A_85 = arith.constant 640 : i32
    %mul3A_86 = arith.muli %arg1, %mul3A_85 : i32
    %add3A_87 = arith.constant 0 : i32
    %add3A_88 = arith.addi %add3A_87, %mul3A_86 : i32
    %dma_start3A_89 = arith.constant 0 : i32
    %dma_start3A_90 = arith.constant 0 : i32
    %dma_start3A_91 = arith.constant 0 : i32
    %dma_start3A_92 = tpu.memref_slice %arg13[%dma_start3A_90, %dma_start3A_91] : memref<48x640xf32, #tpu.memory_space<vmem>> -> memref<1x640xf32, #tpu.memory_space<vmem>>
    %dma_start3A_93 = tpu.memref_squeeze %dma_start3A_92 : memref<1x640xf32, #tpu.memory_space<vmem>> -> memref<640xf32, #tpu.memory_space<vmem>>
    %dma_start3A_94 = tpu.memref_slice %arg17[%dma_start3A_89, %add3A_88] : memref<16x30720xf32, #tpu.memory_space<vmem_shared>> -> memref<1x640xf32, #tpu.memory_space<vmem_shared>>
    %dma_start3A_95 = tpu.memref_squeeze %dma_start3A_94 : memref<1x640xf32, #tpu.memory_space<vmem_shared>> -> memref<640xf32, #tpu.memory_space<vmem_shared>>
    %dma_start3A_96 = arith.constant 0 : i32
    %dma_start3A_97 = tpu.memref_slice %arg13[%dma_start3A_90, %dma_start3A_96] : memref<48x640xf32, #tpu.memory_space<vmem>> -> memref<1x640xf32, #tpu.memory_space<vmem>>
    %dma_start3A_98 = tpu.memref_squeeze %dma_start3A_97 : memref<1x640xf32, #tpu.memory_space<vmem>> -> memref<640xf32, #tpu.memory_space<vmem>>
    %dma_start3A_99 = tpu.memref_slice %arg17[%dma_start3A_89, %add3A_88] : memref<16x30720xf32, #tpu.memory_space<vmem_shared>> -> memref<1x640xf32, #tpu.memory_space<vmem_shared>>
    %dma_start3A_100 = tpu.memref_squeeze %dma_start3A_99 : memref<1x640xf32, #tpu.memory_space<vmem_shared>> -> memref<640xf32, #tpu.memory_space<vmem_shared>>
    tpu.enqueue_dma source(%dma_start3A_100 : memref<640xf32, #tpu.memory_space<vmem_shared>>) target(%dma_start3A_98 : memref<640xf32, #tpu.memory_space<vmem>>) target_semaphore(%arg19 : memref<!tpu.dma_semaphore, #tpu.memory_space<semaphore_mem>>)
    %add3A_101 = arith.constant 10240 : i32
    %add3A_102 = arith.addi %add3A_101, %mul3A_86 : i32
    %dma_start3A_103 = arith.constant 0 : i32
    %dma_start3A_104 = arith.constant 1 : i32
    %dma_start3A_105 = arith.constant 0 : i32
    %dma_start3A_106 = tpu.memref_slice %arg13[%dma_start3A_104, %dma_start3A_105] : memref<48x640xf32, #tpu.memory_space<vmem>> -> memref<1x640xf32, #tpu.memory_space<vmem>>
    %dma_start3A_107 = tpu.memref_squeeze %dma_start3A_106 : memref<1x640xf32, #tpu.memory_space<vmem>> -> memref<640xf32, #tpu.memory_space<vmem>>
    %dma_start3A_108 = tpu.memref_slice %arg17[%dma_start3A_103, %add3A_102] : memref<16x30720xf32, #tpu.memory_space<vmem_shared>> -> memref<1x640xf32, #tpu.memory_space<vmem_shared>>
    %dma_start3A_109 = tpu.memref_squeeze %dma_start3A_108 : memref<1x640xf32, #tpu.memory_space<vmem_shared>> -> memref<640xf32, #tpu.memory_space<vmem_shared>>
    %dma_start3A_110 = arith.constant 0 : i32
    %dma_start3A_111 = tpu.memref_slice %arg13[%dma_start3A_104, %dma_start3A_110] : memref<48x640xf32, #tpu.memory_space<vmem>> -> memref<1x640xf32, #tpu.memory_space<vmem>>
    %dma_start3A_112 = tpu.memref_squeeze %dma_start3A_111 : memref<1x640xf32, #tpu.memory_space<vmem>> -> memref<640xf32, #tpu.memory_space<vmem>>
    %dma_start3A_113 = tpu.memref_slice %arg17[%dma_start3A_103, %add3A_102] : memref<16x30720xf32, #tpu.memory_space<vmem_shared>> -> memref<1x640xf32, #tpu.memory_space<vmem_shared>>
    %dma_start3A_114 = tpu.memref_squeeze %dma_start3A_113 : memref<1x640xf32, #tpu.memory_space<vmem_shared>> -> memref<640xf32, #tpu.memory_space<vmem_shared>>
    tpu.enqueue_dma source(%dma_start3A_114 : memref<640xf32, #tpu.memory_space<vmem_shared>>) target(%dma_start3A_112 : memref<640xf32, #tpu.memory_space<vmem>>) target_semaphore(%arg19 : memref<!tpu.dma_semaphore, #tpu.memory_space<semaphore_mem>>)
    %add3A_115 = arith.constant 20480 : i32
    %add3A_116 = arith.addi %add3A_115, %mul3A_86 : i32
    %dma_start3A_117 = arith.constant 0 : i32
    %dma_start3A_118 = arith.constant 2 : i32
    %dma_start3A_119 = arith.constant 0 : i32
    %dma_start3A_120 = tpu.memref_slice %arg13[%dma_start3A_118, %dma_start3A_119] : memref<48x640xf32, #tpu.memory_space<vmem>> -> memref<1x640xf32, #tpu.memory_space<vmem>>
    %dma_start3A_121 = tpu.memref_squeeze %dma_start3A_120 : memref<1x640xf32, #tpu.memory_space<vmem>> -> memref<640xf32, #tpu.memory_space<vmem>>
    %dma_start3A_122 = tpu.memref_slice %arg17[%dma_start3A_117, %add3A_116] : memref<16x30720xf32, #tpu.memory_space<vmem_shared>> -> memref<1x640xf32, #tpu.memory_space<vmem_shared>>
    %dma_start3A_123 = tpu.memref_squeeze %dma_start3A_122 : memref<1x640xf32, #tpu.memory_space<vmem_shared>> -> memref<640xf32, #tpu.memory_space<vmem_shared>>
    %dma_start3A_124 = arith.constant 0 : i32
    %dma_start3A_125 = tpu.memref_slice %arg13[%dma_start3A_118, %dma_start3A_124] : memref<48x640xf32, #tpu.memory_space<vmem>> -> memref<1x640xf32, #tpu.memory_space<vmem>>
    %dma_start3A_126 = tpu.memref_squeeze %dma_start3A_125 : memref<1x640xf32, #tpu.memory_space<vmem>> -> memref<640xf32, #tpu.memory_space<vmem>>
    %dma_start3A_127 = tpu.memref_slice %arg17[%dma_start3A_117, %add3A_116] : memref<16x30720xf32, #tpu.memory_space<vmem_shared>> -> memref<1x640xf32, #tpu.memory_space<vmem_shared>>
    %dma_start3A_128 = tpu.memref_squeeze %dma_start3A_127 : memref<1x640xf32, #tpu.memory_space<vmem_shared>> -> memref<640xf32, #tpu.memory_space<vmem_shared>>
    tpu.enqueue_dma source(%dma_start3A_128 : memref<640xf32, #tpu.memory_space<vmem_shared>>) target(%dma_start3A_126 : memref<640xf32, #tpu.memory_space<vmem>>) target_semaphore(%arg19 : memref<!tpu.dma_semaphore, #tpu.memory_space<semaphore_mem>>)
    %add3A_129 = arith.constant 0 : i32
    %add3A_130 = arith.addi %add3A_129, %mul3A_86 : i32
    %dma_start3A_131 = arith.constant 1 : i32
    %dma_start3A_132 = arith.constant 3 : i32
    %dma_start3A_133 = arith.constant 0 : i32
    %dma_start3A_134 = tpu.memref_slice %arg13[%dma_start3A_132, %dma_start3A_133] : memref<48x640xf32, #tpu.memory_space<vmem>> -> memref<1x640xf32, #tpu.memory_space<vmem>>
    %dma_start3A_135 = tpu.memref_squeeze %dma_start3A_134 : memref<1x640xf32, #tpu.memory_space<vmem>> -> memref<640xf32, #tpu.memory_space<vmem>>
    %dma_start3A_136 = tpu.memref_slice %arg17[%dma_start3A_131, %add3A_130] : memref<16x30720xf32, #tpu.memory_space<vmem_shared>> -> memref<1x640xf32, #tpu.memory_space<vmem_shared>>
    %dma_start3A_137 = tpu.memref_squeeze %dma_start3A_136 : memref<1x640xf32, #tpu.memory_space<vmem_shared>> -> memref<640xf32, #tpu.memory_space<vmem_shared>>
    %dma_start3A_138 = arith.constant 0 : i32
    %dma_start3A_139 = tpu.memref_slice %arg13[%dma_start3A_132, %dma_start3A_138] : memref<48x640xf32, #tpu.memory_space<vmem>> -> memref<1x640xf32, #tpu.memory_space<vmem>>
    %dma_start3A_140 = tpu.memref_squeeze %dma_start3A_139 : memref<1x640xf32, #tpu.memory_space<vmem>> -> memref<640xf32, #tpu.memory_space<vmem>>
    %dma_start3A_141 = tpu.memref_slice %arg17[%dma_start3A_131, %add3A_130] : memref<16x30720xf32, #tpu.memory_space<vmem_shared>> -> memref<1x640xf32, #tpu.memory_space<vmem_shared>>
    %dma_start3A_142 = tpu.memref_squeeze %dma_start3A_141 : memref<1x640xf32, #tpu.memory_space<vmem_shared>> -> memref<640xf32, #tpu.memory_space<vmem_shared>>
    tpu.enqueue_dma source(%dma_start3A_142 : memref<640xf32, #tpu.memory_space<vmem_shared>>) target(%dma_start3A_140 : memref<640xf32, #tpu.memory_space<vmem>>) target_semaphore(%arg19 : memref<!tpu.dma_semaphore, #tpu.memory_space<semaphore_mem>>)
    %add3A_143 = arith.constant 10240 : i32
    %add3A_144 = arith.addi %add3A_143, %mul3A_86 : i32
    %dma_start3A_145 = arith.constant 1 : i32
    %dma_start3A_146 = arith.constant 4 : i32
    %dma_start3A_147 = arith.constant 0 : i32
    %dma_start3A_148 = tpu.memref_slice %arg13[%dma_start3A_146, %dma_start3A_147] : memref<48x640xf32, #tpu.memory_space<vmem>> -> memref<1x640xf32, #tpu.memory_space<vmem>>
    %dma_start3A_149 = tpu.memref_squeeze %dma_start3A_148 : memref<1x640xf32, #tpu.memory_space<vmem>> -> memref<640xf32, #tpu.memory_space<vmem>>
    %dma_start3A_150 = tpu.memref_slice %arg17[%dma_start3A_145, %add3A_144] : memref<16x30720xf32, #tpu.memory_space<vmem_shared>> -> memref<1x640xf32, #tpu.memory_space<vmem_shared>>
    %dma_start3A_151 = tpu.memref_squeeze %dma_start3A_150 : memref<1x640xf32, #tpu.memory_space<vmem_shared>> -> memref<640xf32, #tpu.memory_space<vmem_shared>>
    %dma_start3A_152 = arith.constant 0 : i32
    %dma_start3A_153 = tpu.memref_slice %arg13[%dma_start3A_146, %dma_start3A_152] : memref<48x640xf32, #tpu.memory_space<vmem>> -> memref<1x640xf32, #tpu.memory_space<vmem>>
    %dma_start3A_154 = tpu.memref_squeeze %dma_start3A_153 : memref<1x640xf32, #tpu.memory_space<vmem>> -> memref<640xf32, #tpu.memory_space<vmem>>
    %dma_start3A_155 = tpu.memref_slice %arg17[%dma_start3A_145, %add3A_144] : memref<16x30720xf32, #tpu.memory_space<vmem_shared>> -> memref<1x640xf32, #tpu.memory_space<vmem_shared>>
    %dma_start3A_156 = tpu.memref_squeeze %dma_start3A_155 : memref<1x640xf32, #tpu.memory_space<vmem_shared>> -> memref<640xf32, #tpu.memory_space<vmem_shared>>
    tpu.enqueue_dma source(%dma_start3A_156 : memref<640xf32, #tpu.memory_space<vmem_shared>>) target(%dma_start3A_154 : memref<640xf32, #tpu.memory_space<vmem>>) target_semaphore(%arg19 : memref<!tpu.dma_semaphore, #tpu.memory_space<semaphore_mem>>)
    %add3A_157 = arith.constant 20480 : i32
    %add3A_158 = arith.addi %add3A_157, %mul3A_86 : i32
    %dma_start3A_159 = arith.constant 1 : i32
    %dma_start3A_160 = arith.constant 5 : i32
    %dma_start3A_161 = arith.constant 0 : i32
    %dma_start3A_162 = tpu.memref_slice %arg13[%dma_start3A_160, %dma_start3A_161] : memref<48x640xf32, #tpu.memory_space<vmem>> -> memref<1x640xf32, #tpu.memory_space<vmem>>
    %dma_start3A_163 = tpu.memref_squeeze %dma_start3A_162 : memref<1x640xf32, #tpu.memory_space<vmem>> -> memref<640xf32, #tpu.memory_space<vmem>>
    %dma_start3A_164 = tpu.memref_slice %arg17[%dma_start3A_159, %add3A_158] : memref<16x30720xf32, #tpu.memory_space<vmem_shared>> -> memref<1x640xf32, #tpu.memory_space<vmem_shared>>
    %dma_start3A_165 = tpu.memref_squeeze %dma_start3A_164 : memref<1x640xf32, #tpu.memory_space<vmem_shared>> -> memref<640xf32, #tpu.memory_space<vmem_shared>>
    %dma_start3A_166 = arith.constant 0 : i32
    %dma_start3A_167 = tpu.memref_slice %arg13[%dma_start3A_160, %dma_start3A_166] : memref<48x640xf32, #tpu.memory_space<vmem>> -> memref<1x640xf32, #tpu.memory_space<vmem>>
    %dma_start3A_168 = tpu.memref_squeeze %dma_start3A_167 : memref<1x640xf32, #tpu.memory_space<vmem>> -> memref<640xf32, #tpu.memory_space<vmem>>
    %dma_start3A_169 = tpu.memref_slice %arg17[%dma_start3A_159, %add3A_158] : memref<16x30720xf32, #tpu.memory_space<vmem_shared>> -> memref<1x640xf32, #tpu.memory_space<vmem_shared>>
    %dma_start3A_170 = tpu.memref_squeeze %dma_start3A_169 : memref<1x640xf32, #tpu.memory_space<vmem_shared>> -> memref<640xf32, #tpu.memory_space<vmem_shared>>
    tpu.enqueue_dma source(%dma_start3A_170 : memref<640xf32, #tpu.memory_space<vmem_shared>>) target(%dma_start3A_168 : memref<640xf32, #tpu.memory_space<vmem>>) target_semaphore(%arg19 : memref<!tpu.dma_semaphore, #tpu.memory_space<semaphore_mem>>)
    %add3A_171 = arith.constant 0 : i32
    %add3A_172 = arith.addi %add3A_171, %mul3A_86 : i32
    %dma_start3A_173 = arith.constant 2 : i32
    %dma_start3A_174 = arith.constant 6 : i32
    %dma_start3A_175 = arith.constant 0 : i32
    %dma_start3A_176 = tpu.memref_slice %arg13[%dma_start3A_174, %dma_start3A_175] : memref<48x640xf32, #tpu.memory_space<vmem>> -> memref<1x640xf32, #tpu.memory_space<vmem>>
    %dma_start3A_177 = tpu.memref_squeeze %dma_start3A_176 : memref<1x640xf32, #tpu.memory_space<vmem>> -> memref<640xf32, #tpu.memory_space<vmem>>
    %dma_start3A_178 = tpu.memref_slice %arg17[%dma_start3A_173, %add3A_172] : memref<16x30720xf32, #tpu.memory_space<vmem_shared>> -> memref<1x640xf32, #tpu.memory_space<vmem_shared>>
    %dma_start3A_179 = tpu.memref_squeeze %dma_start3A_178 : memref<1x640xf32, #tpu.memory_space<vmem_shared>> -> memref<640xf32, #tpu.memory_space<vmem_shared>>
    %dma_start3A_180 = arith.constant 0 : i32
    %dma_start3A_181 = tpu.memref_slice %arg13[%dma_start3A_174, %dma_start3A_180] : memref<48x640xf32, #tpu.memory_space<vmem>> -> memref<1x640xf32, #tpu.memory_space<vmem>>
    %dma_start3A_182 = tpu.memref_squeeze %dma_start3A_181 : memref<1x640xf32, #tpu.memory_space<vmem>> -> memref<640xf32, #tpu.memory_space<vmem>>
    %dma_start3A_183 = tpu.memref_slice %arg17[%dma_start3A_173, %add3A_172] : memref<16x30720xf32, #tpu.memory_space<vmem_shared>> -> memref<1x640xf32, #tpu.memory_space<vmem_shared>>
    %dma_start3A_184 = tpu.memref_squeeze %dma_start3A_183 : memref<1x640xf32, #tpu.memory_space<vmem_shared>> -> memref<640xf32, #tpu.memory_space<vmem_shared>>
    tpu.enqueue_dma source(%dma_start3A_184 : memref<640xf32, #tpu.memory_space<vmem_shared>>) target(%dma_start3A_182 : memref<640xf32, #tpu.memory_space<vmem>>) target_semaphore(%arg19 : memref<!tpu.dma_semaphore, #tpu.memory_space<semaphore_mem>>)
    %add3A_185 = arith.constant 10240 : i32
    %add3A_186 = arith.addi %add3A_185, %mul3A_86 : i32
    %dma_start3A_187 = arith.constant 2 : i32
    %dma_start3A_188 = arith.constant 7 : i32
    %dma_start3A_189 = arith.constant 0 : i32
    %dma_start3A_190 = tpu.memref_slice %arg13[%dma_start3A_188, %dma_start3A_189] : memref<48x640xf32, #tpu.memory_space<vmem>> -> memref<1x640xf32, #tpu.memory_space<vmem>>
    %dma_start3A_191 = tpu.memref_squeeze %dma_start3A_190 : memref<1x640xf32, #tpu.memory_space<vmem>> -> memref<640xf32, #tpu.memory_space<vmem>>
    %dma_start3A_192 = tpu.memref_slice %arg17[%dma_start3A_187, %add3A_186] : memref<16x30720xf32, #tpu.memory_space<vmem_shared>> -> memref<1x640xf32, #tpu.memory_space<vmem_shared>>
    %dma_start3A_193 = tpu.memref_squeeze %dma_start3A_192 : memref<1x640xf32, #tpu.memory_space<vmem_shared>> -> memref<640xf32, #tpu.memory_space<vmem_shared>>
    %dma_start3A_194 = arith.constant 0 : i32
    %dma_start3A_195 = tpu.memref_slice %arg13[%dma_start3A_188, %dma_start3A_194] : memref<48x640xf32, #tpu.memory_space<vmem>> -> memref<1x640xf32, #tpu.memory_space<vmem>>
    %dma_start3A_196 = tpu.memref_squeeze %dma_start3A_195 : memref<1x640xf32, #tpu.memory_space<vmem>> -> memref<640xf32, #tpu.memory_space<vmem>>
    %dma_start3A_197 = tpu.memref_slice %arg17[%dma_start3A_187, %add3A_186] : memref<16x30720xf32, #tpu.memory_space<vmem_shared>> -> memref<1x640xf32, #tpu.memory_space<vmem_shared>>
    %dma_start3A_198 = tpu.memref_squeeze %dma_start3A_197 : memref<1x640xf32, #tpu.memory_space<vmem_shared>> -> memref<640xf32, #tpu.memory_space<vmem_shared>>
    tpu.enqueue_dma source(%dma_start3A_198 : memref<640xf32, #tpu.memory_space<vmem_shared>>) target(%dma_start3A_196 : memref<640xf32, #tpu.memory_space<vmem>>) target_semaphore(%arg19 : memref<!tpu.dma_semaphore, #tpu.memory_space<semaphore_mem>>)
    %add3A_199 = arith.constant 20480 : i32
    %add3A_200 = arith.addi %add3A_199, %mul3A_86 : i32
    %dma_start3A_201 = arith.constant 2 : i32
    %dma_start3A_202 = arith.constant 8 : i32
    %dma_start3A_203 = arith.constant 0 : i32
    %dma_start3A_204 = tpu.memref_slice %arg13[%dma_start3A_202, %dma_start3A_203] : memref<48x640xf32, #tpu.memory_space<vmem>> -> memref<1x640xf32, #tpu.memory_space<vmem>>
    %dma_start3A_205 = tpu.memref_squeeze %dma_start3A_204 : memref<1x640xf32, #tpu.memory_space<vmem>> -> memref<640xf32, #tpu.memory_space<vmem>>
    %dma_start3A_206 = tpu.memref_slice %arg17[%dma_start3A_201, %add3A_200] : memref<16x30720xf32, #tpu.memory_space<vmem_shared>> -> memref<1x640xf32, #tpu.memory_space<vmem_shared>>
    %dma_start3A_207 = tpu.memref_squeeze %dma_start3A_206 : memref<1x640xf32, #tpu.memory_space<vmem_shared>> -> memref<640xf32, #tpu.memory_space<vmem_shared>>
    %dma_start3A_208 = arith.constant 0 : i32
    %dma_start3A_209 = tpu.memref_slice %arg13[%dma_start3A_202, %dma_start3A_208] : memref<48x640xf32, #tpu.memory_space<vmem>> -> memref<1x640xf32, #tpu.memory_space<vmem>>
    %dma_start3A_210 = tpu.memref_squeeze %dma_start3A_209 : memref<1x640xf32, #tpu.memory_space<vmem>> -> memref<640xf32, #tpu.memory_space<vmem>>
    %dma_start3A_211 = tpu.memref_slice %arg17[%dma_start3A_201, %add3A_200] : memref<16x30720xf32, #tpu.memory_space<vmem_shared>> -> memref<1x640xf32, #tpu.memory_space<vmem_shared>>
    %dma_start3A_212 = tpu.memref_squeeze %dma_start3A_211 : memref<1x640xf32, #tpu.memory_space<vmem_shared>> -> memref<640xf32, #tpu.memory_space<vmem_shared>>
    tpu.enqueue_dma source(%dma_start3A_212 : memref<640xf32, #tpu.memory_space<vmem_shared>>) target(%dma_start3A_210 : memref<640xf32, #tpu.memory_space<vmem>>) target_semaphore(%arg19 : memref<!tpu.dma_semaphore, #tpu.memory_space<semaphore_mem>>)
    %add3A_213 = arith.constant 0 : i32
    %add3A_214 = arith.addi %add3A_213, %mul3A_86 : i32
    %dma_start3A_215 = arith.constant 3 : i32
    %dma_start3A_216 = arith.constant 9 : i32
    %dma_start3A_217 = arith.constant 0 : i32
    %dma_start3A_218 = tpu.memref_slice %arg13[%dma_start3A_216, %dma_start3A_217] : memref<48x640xf32, #tpu.memory_space<vmem>> -> memref<1x640xf32, #tpu.memory_space<vmem>>
    %dma_start3A_219 = tpu.memref_squeeze %dma_start3A_218 : memref<1x640xf32, #tpu.memory_space<vmem>> -> memref<640xf32, #tpu.memory_space<vmem>>
    %dma_start3A_220 = tpu.memref_slice %arg17[%dma_start3A_215, %add3A_214] : memref<16x30720xf32, #tpu.memory_space<vmem_shared>> -> memref<1x640xf32, #tpu.memory_space<vmem_shared>>
    %dma_start3A_221 = tpu.memref_squeeze %dma_start3A_220 : memref<1x640xf32, #tpu.memory_space<vmem_shared>> -> memref<640xf32, #tpu.memory_space<vmem_shared>>
    %dma_start3A_222 = arith.constant 0 : i32
    %dma_start3A_223 = tpu.memref_slice %arg13[%dma_start3A_216, %dma_start3A_222] : memref<48x640xf32, #tpu.memory_space<vmem>> -> memref<1x640xf32, #tpu.memory_space<vmem>>
    %dma_start3A_224 = tpu.memref_squeeze %dma_start3A_223 : memref<1x640xf32, #tpu.memory_space<vmem>> -> memref<640xf32, #tpu.memory_space<vmem>>
    %dma_start3A_225 = tpu.memref_slice %arg17[%dma_start3A_215, %add3A_214] : memref<16x30720xf32, #tpu.memory_space<vmem_shared>> -> memref<1x640xf32, #tpu.memory_space<vmem_shared>>
    %dma_start3A_226 = tpu.memref_squeeze %dma_start3A_225 : memref<1x640xf32, #tpu.memory_space<vmem_shared>> -> memref<640xf32, #tpu.memory_space<vmem_shared>>
    tpu.enqueue_dma source(%dma_start3A_226 : memref<640xf32, #tpu.memory_space<vmem_shared>>) target(%dma_start3A_224 : memref<640xf32, #tpu.memory_space<vmem>>) target_semaphore(%arg19 : memref<!tpu.dma_semaphore, #tpu.memory_space<semaphore_mem>>)
    %add3A_227 = arith.constant 10240 : i32
    %add3A_228 = arith.addi %add3A_227, %mul3A_86 : i32
    %dma_start3A_229 = arith.constant 3 : i32
    %dma_start3A_230 = arith.constant 10 : i32
    %dma_start3A_231 = arith.constant 0 : i32
    %dma_start3A_232 = tpu.memref_slice %arg13[%dma_start3A_230, %dma_start3A_231] : memref<48x640xf32, #tpu.memory_space<vmem>> -> memref<1x640xf32, #tpu.memory_space<vmem>>
    %dma_start3A_233 = tpu.memref_squeeze %dma_start3A_232 : memref<1x640xf32, #tpu.memory_space<vmem>> -> memref<640xf32, #tpu.memory_space<vmem>>
    %dma_start3A_234 = tpu.memref_slice %arg17[%dma_start3A_229, %add3A_228] : memref<16x30720xf32, #tpu.memory_space<vmem_shared>> -> memref<1x640xf32, #tpu.memory_space<vmem_shared>>
    %dma_start3A_235 = tpu.memref_squeeze %dma_start3A_234 : memref<1x640xf32, #tpu.memory_space<vmem_shared>> -> memref<640xf32, #tpu.memory_space<vmem_shared>>
    %dma_start3A_236 = arith.constant 0 : i32
    %dma_start3A_237 = tpu.memref_slice %arg13[%dma_start3A_230, %dma_start3A_236] : memref<48x640xf32, #tpu.memory_space<vmem>> -> memref<1x640xf32, #tpu.memory_space<vmem>>
    %dma_start3A_238 = tpu.memref_squeeze %dma_start3A_237 : memref<1x640xf32, #tpu.memory_space<vmem>> -> memref<640xf32, #tpu.memory_space<vmem>>
    %dma_start3A_239 = tpu.memref_slice %arg17[%dma_start3A_229, %add3A_228] : memref<16x30720xf32, #tpu.memory_space<vmem_shared>> -> memref<1x640xf32, #tpu.memory_space<vmem_shared>>
    %dma_start3A_240 = tpu.memref_squeeze %dma_start3A_239 : memref<1x640xf32, #tpu.memory_space<vmem_shared>> -> memref<640xf32, #tpu.memory_space<vmem_shared>>
    tpu.enqueue_dma source(%dma_start3A_240 : memref<640xf32, #tpu.memory_space<vmem_shared>>) target(%dma_start3A_238 : memref<640xf32, #tpu.memory_space<vmem>>) target_semaphore(%arg19 : memref<!tpu.dma_semaphore, #tpu.memory_space<semaphore_mem>>)
    %add3A_241 = arith.constant 20480 : i32
    %add3A_242 = arith.addi %add3A_241, %mul3A_86 : i32
    %dma_start3A_243 = arith.constant 3 : i32
    %dma_start3A_244 = arith.constant 11 : i32
    %dma_start3A_245 = arith.constant 0 : i32
    %dma_start3A_246 = tpu.memref_slice %arg13[%dma_start3A_244, %dma_start3A_245] : memref<48x640xf32, #tpu.memory_space<vmem>> -> memref<1x640xf32, #tpu.memory_space<vmem>>
    %dma_start3A_247 = tpu.memref_squeeze %dma_start3A_246 : memref<1x640xf32, #tpu.memory_space<vmem>> -> memref<640xf32, #tpu.memory_space<vmem>>
    %dma_start3A_248 = tpu.memref_slice %arg17[%dma_start3A_243, %add3A_242] : memref<16x30720xf32, #tpu.memory_space<vmem_shared>> -> memref<1x640xf32, #tpu.memory_space<vmem_shared>>
    %dma_start3A_249 = tpu.memref_squeeze %dma_start3A_248 : memref<1x640xf32, #tpu.memory_space<vmem_shared>> -> memref<640xf32, #tpu.memory_space<vmem_shared>>
    %dma_start3A_250 = arith.constant 0 : i32
    %dma_start3A_251 = tpu.memref_slice %arg13[%dma_start3A_244, %dma_start3A_250] : memref<48x640xf32, #tpu.memory_space<vmem>> -> memref<1x640xf32, #tpu.memory_space<vmem>>
    %dma_start3A_252 = tpu.memref_squeeze %dma_start3A_251 : memref<1x640xf32, #tpu.memory_space<vmem>> -> memref<640xf32, #tpu.memory_space<vmem>>
    %dma_start3A_253 = tpu.memref_slice %arg17[%dma_start3A_243, %add3A_242] : memref<16x30720xf32, #tpu.memory_space<vmem_shared>> -> memref<1x640xf32, #tpu.memory_space<vmem_shared>>
    %dma_start3A_254 = tpu.memref_squeeze %dma_start3A_253 : memref<1x640xf32, #tpu.memory_space<vmem_shared>> -> memref<640xf32, #tpu.memory_space<vmem_shared>>
    tpu.enqueue_dma source(%dma_start3A_254 : memref<640xf32, #tpu.memory_space<vmem_shared>>) target(%dma_start3A_252 : memref<640xf32, #tpu.memory_space<vmem>>) target_semaphore(%arg19 : memref<!tpu.dma_semaphore, #tpu.memory_space<semaphore_mem>>)
    %add3A_255 = arith.constant 0 : i32
    %add3A_256 = arith.addi %add3A_255, %mul3A_86 : i32
    %dma_start3A_257 = arith.constant 4 : i32
    %dma_start3A_258 = arith.constant 12 : i32
    %dma_start3A_259 = arith.constant 0 : i32
    %dma_start3A_260 = tpu.memref_slice %arg13[%dma_start3A_258, %dma_start3A_259] : memref<48x640xf32, #tpu.memory_space<vmem>> -> memref<1x640xf32, #tpu.memory_space<vmem>>
    %dma_start3A_261 = tpu.memref_squeeze %dma_start3A_260 : memref<1x640xf32, #tpu.memory_space<vmem>> -> memref<640xf32, #tpu.memory_space<vmem>>
    %dma_start3A_262 = tpu.memref_slice %arg17[%dma_start3A_257, %add3A_256] : memref<16x30720xf32, #tpu.memory_space<vmem_shared>> -> memref<1x640xf32, #tpu.memory_space<vmem_shared>>
    %dma_start3A_263 = tpu.memref_squeeze %dma_start3A_262 : memref<1x640xf32, #tpu.memory_space<vmem_shared>> -> memref<640xf32, #tpu.memory_space<vmem_shared>>
    %dma_start3A_264 = arith.constant 0 : i32
    %dma_start3A_265 = tpu.memref_slice %arg13[%dma_start3A_258, %dma_start3A_264] : memref<48x640xf32, #tpu.memory_space<vmem>> -> memref<1x640xf32, #tpu.memory_space<vmem>>
    %dma_start3A_266 = tpu.memref_squeeze %dma_start3A_265 : memref<1x640xf32, #tpu.memory_space<vmem>> -> memref<640xf32, #tpu.memory_space<vmem>>
    %dma_start3A_267 = tpu.memref_slice %arg17[%dma_start3A_257, %add3A_256] : memref<16x30720xf32, #tpu.memory_space<vmem_shared>> -> memref<1x640xf32, #tpu.memory_space<vmem_shared>>
    %dma_start3A_268 = tpu.memref_squeeze %dma_start3A_267 : memref<1x640xf32, #tpu.memory_space<vmem_shared>> -> memref<640xf32, #tpu.memory_space<vmem_shared>>
    tpu.enqueue_dma source(%dma_start3A_268 : memref<640xf32, #tpu.memory_space<vmem_shared>>) target(%dma_start3A_266 : memref<640xf32, #tpu.memory_space<vmem>>) target_semaphore(%arg19 : memref<!tpu.dma_semaphore, #tpu.memory_space<semaphore_mem>>)
    %add3A_269 = arith.constant 10240 : i32
    %add3A_270 = arith.addi %add3A_269, %mul3A_86 : i32
    %dma_start3A_271 = arith.constant 4 : i32
    %dma_start3A_272 = arith.constant 13 : i32
    %dma_start3A_273 = arith.constant 0 : i32
    %dma_start3A_274 = tpu.memref_slice %arg13[%dma_start3A_272, %dma_start3A_273] : memref<48x640xf32, #tpu.memory_space<vmem>> -> memref<1x640xf32, #tpu.memory_space<vmem>>
    %dma_start3A_275 = tpu.memref_squeeze %dma_start3A_274 : memref<1x640xf32, #tpu.memory_space<vmem>> -> memref<640xf32, #tpu.memory_space<vmem>>
    %dma_start3A_276 = tpu.memref_slice %arg17[%dma_start3A_271, %add3A_270] : memref<16x30720xf32, #tpu.memory_space<vmem_shared>> -> memref<1x640xf32, #tpu.memory_space<vmem_shared>>
    %dma_start3A_277 = tpu.memref_squeeze %dma_start3A_276 : memref<1x640xf32, #tpu.memory_space<vmem_shared>> -> memref<640xf32, #tpu.memory_space<vmem_shared>>
    %dma_start3A_278 = arith.constant 0 : i32
    %dma_start3A_279 = tpu.memref_slice %arg13[%dma_start3A_272, %dma_start3A_278] : memref<48x640xf32, #tpu.memory_space<vmem>> -> memref<1x640xf32, #tpu.memory_space<vmem>>
    %dma_start3A_280 = tpu.memref_squeeze %dma_start3A_279 : memref<1x640xf32, #tpu.memory_space<vmem>> -> memref<640xf32, #tpu.memory_space<vmem>>
    %dma_start3A_281 = tpu.memref_slice %arg17[%dma_start3A_271, %add3A_270] : memref<16x30720xf32, #tpu.memory_space<vmem_shared>> -> memref<1x640xf32, #tpu.memory_space<vmem_shared>>
    %dma_start3A_282 = tpu.memref_squeeze %dma_start3A_281 : memref<1x640xf32, #tpu.memory_space<vmem_shared>> -> memref<640xf32, #tpu.memory_space<vmem_shared>>
    tpu.enqueue_dma source(%dma_start3A_282 : memref<640xf32, #tpu.memory_space<vmem_shared>>) target(%dma_start3A_280 : memref<640xf32, #tpu.memory_space<vmem>>) target_semaphore(%arg19 : memref<!tpu.dma_semaphore, #tpu.memory_space<semaphore_mem>>)
    %add3A_283 = arith.constant 20480 : i32
    %add3A_284 = arith.addi %add3A_283, %mul3A_86 : i32
    %dma_start3A_285 = arith.constant 4 : i32
    %dma_start3A_286 = arith.constant 14 : i32
    %dma_start3A_287 = arith.constant 0 : i32
    %dma_start3A_288 = tpu.memref_slice %arg13[%dma_start3A_286, %dma_start3A_287] : memref<48x640xf32, #tpu.memory_space<vmem>> -> memref<1x640xf32, #tpu.memory_space<vmem>>
    %dma_start3A_289 = tpu.memref_squeeze %dma_start3A_288 : memref<1x640xf32, #tpu.memory_space<vmem>> -> memref<640xf32, #tpu.memory_space<vmem>>
    %dma_start3A_290 = tpu.memref_slice %arg17[%dma_start3A_285, %add3A_284] : memref<16x30720xf32, #tpu.memory_space<vmem_shared>> -> memref<1x640xf32, #tpu.memory_space<vmem_shared>>
    %dma_start3A_291 = tpu.memref_squeeze %dma_start3A_290 : memref<1x640xf32, #tpu.memory_space<vmem_shared>> -> memref<640xf32, #tpu.memory_space<vmem_shared>>
    %dma_start3A_292 = arith.constant 0 : i32
    %dma_start3A_293 = tpu.memref_slice %arg13[%dma_start3A_286, %dma_start3A_292] : memref<48x640xf32, #tpu.memory_space<vmem>> -> memref<1x640xf32, #tpu.memory_space<vmem>>
    %dma_start3A_294 = tpu.memref_squeeze %dma_start3A_293 : memref<1x640xf32, #tpu.memory_space<vmem>> -> memref<640xf32, #tpu.memory_space<vmem>>
    %dma_start3A_295 = tpu.memref_slice %arg17[%dma_start3A_285, %add3A_284] : memref<16x30720xf32, #tpu.memory_space<vmem_shared>> -> memref<1x640xf32, #tpu.memory_space<vmem_shared>>
    %dma_start3A_296 = tpu.memref_squeeze %dma_start3A_295 : memref<1x640xf32, #tpu.memory_space<vmem_shared>> -> memref<640xf32, #tpu.memory_space<vmem_shared>>
    tpu.enqueue_dma source(%dma_start3A_296 : memref<640xf32, #tpu.memory_space<vmem_shared>>) target(%dma_start3A_294 : memref<640xf32, #tpu.memory_space<vmem>>) target_semaphore(%arg19 : memref<!tpu.dma_semaphore, #tpu.memory_space<semaphore_mem>>)
    %add3A_297 = arith.constant 0 : i32
    %add3A_298 = arith.addi %add3A_297, %mul3A_86 : i32
    %dma_start3A_299 = arith.constant 5 : i32
    %dma_start3A_300 = arith.constant 15 : i32
    %dma_start3A_301 = arith.constant 0 : i32
    %dma_start3A_302 = tpu.memref_slice %arg13[%dma_start3A_300, %dma_start3A_301] : memref<48x640xf32, #tpu.memory_space<vmem>> -> memref<1x640xf32, #tpu.memory_space<vmem>>
    %dma_start3A_303 = tpu.memref_squeeze %dma_start3A_302 : memref<1x640xf32, #tpu.memory_space<vmem>> -> memref<640xf32, #tpu.memory_space<vmem>>
    %dma_start3A_304 = tpu.memref_slice %arg17[%dma_start3A_299, %add3A_298] : memref<16x30720xf32, #tpu.memory_space<vmem_shared>> -> memref<1x640xf32, #tpu.memory_space<vmem_shared>>
    %dma_start3A_305 = tpu.memref_squeeze %dma_start3A_304 : memref<1x640xf32, #tpu.memory_space<vmem_shared>> -> memref<640xf32, #tpu.memory_space<vmem_shared>>
    %dma_start3A_306 = arith.constant 0 : i32
    %dma_start3A_307 = tpu.memref_slice %arg13[%dma_start3A_300, %dma_start3A_306] : memref<48x640xf32, #tpu.memory_space<vmem>> -> memref<1x640xf32, #tpu.memory_space<vmem>>
    %dma_start3A_308 = tpu.memref_squeeze %dma_start3A_307 : memref<1x640xf32, #tpu.memory_space<vmem>> -> memref<640xf32, #tpu.memory_space<vmem>>
    %dma_start3A_309 = tpu.memref_slice %arg17[%dma_start3A_299, %add3A_298] : memref<16x30720xf32, #tpu.memory_space<vmem_shared>> -> memref<1x640xf32, #tpu.memory_space<vmem_shared>>
    %dma_start3A_310 = tpu.memref_squeeze %dma_start3A_309 : memref<1x640xf32, #tpu.memory_space<vmem_shared>> -> memref<640xf32, #tpu.memory_space<vmem_shared>>
    tpu.enqueue_dma source(%dma_start3A_310 : memref<640xf32, #tpu.memory_space<vmem_shared>>) target(%dma_start3A_308 : memref<640xf32, #tpu.memory_space<vmem>>) target_semaphore(%arg19 : memref<!tpu.dma_semaphore, #tpu.memory_space<semaphore_mem>>)
    %add3A_311 = arith.constant 10240 : i32
    %add3A_312 = arith.addi %add3A_311, %mul3A_86 : i32
    %dma_start3A_313 = arith.constant 5 : i32
    %dma_start3A_314 = arith.constant 16 : i32
    %dma_start3A_315 = arith.constant 0 : i32
    %dma_start3A_316 = tpu.memref_slice %arg13[%dma_start3A_314, %dma_start3A_315] : memref<48x640xf32, #tpu.memory_space<vmem>> -> memref<1x640xf32, #tpu.memory_space<vmem>>
    %dma_start3A_317 = tpu.memref_squeeze %dma_start3A_316 : memref<1x640xf32, #tpu.memory_space<vmem>> -> memref<640xf32, #tpu.memory_space<vmem>>
    %dma_start3A_318 = tpu.memref_slice %arg17[%dma_start3A_313, %add3A_312] : memref<16x30720xf32, #tpu.memory_space<vmem_shared>> -> memref<1x640xf32, #tpu.memory_space<vmem_shared>>
    %dma_start3A_319 = tpu.memref_squeeze %dma_start3A_318 : memref<1x640xf32, #tpu.memory_space<vmem_shared>> -> memref<640xf32, #tpu.memory_space<vmem_shared>>
    %dma_start3A_320 = arith.constant 0 : i32
    %dma_start3A_321 = tpu.memref_slice %arg13[%dma_start3A_314, %dma_start3A_320] : memref<48x640xf32, #tpu.memory_space<vmem>> -> memref<1x640xf32, #tpu.memory_space<vmem>>
    %dma_start3A_322 = tpu.memref_squeeze %dma_start3A_321 : memref<1x640xf32, #tpu.memory_space<vmem>> -> memref<640xf32, #tpu.memory_space<vmem>>
    %dma_start3A_323 = tpu.memref_slice %arg17[%dma_start3A_313, %add3A_312] : memref<16x30720xf32, #tpu.memory_space<vmem_shared>> -> memref<1x640xf32, #tpu.memory_space<vmem_shared>>
    %dma_start3A_324 = tpu.memref_squeeze %dma_start3A_323 : memref<1x640xf32, #tpu.memory_space<vmem_shared>> -> memref<640xf32, #tpu.memory_space<vmem_shared>>
    tpu.enqueue_dma source(%dma_start3A_324 : memref<640xf32, #tpu.memory_space<vmem_shared>>) target(%dma_start3A_322 : memref<640xf32, #tpu.memory_space<vmem>>) target_semaphore(%arg19 : memref<!tpu.dma_semaphore, #tpu.memory_space<semaphore_mem>>)
    %add3A_325 = arith.constant 20480 : i32
    %add3A_326 = arith.addi %add3A_325, %mul3A_86 : i32
    %dma_start3A_327 = arith.constant 5 : i32
    %dma_start3A_328 = arith.constant 17 : i32
    %dma_start3A_329 = arith.constant 0 : i32
    %dma_start3A_330 = tpu.memref_slice %arg13[%dma_start3A_328, %dma_start3A_329] : memref<48x640xf32, #tpu.memory_space<vmem>> -> memref<1x640xf32, #tpu.memory_space<vmem>>
    %dma_start3A_331 = tpu.memref_squeeze %dma_start3A_330 : memref<1x640xf32, #tpu.memory_space<vmem>> -> memref<640xf32, #tpu.memory_space<vmem>>
    %dma_start3A_332 = tpu.memref_slice %arg17[%dma_start3A_327, %add3A_326] : memref<16x30720xf32, #tpu.memory_space<vmem_shared>> -> memref<1x640xf32, #tpu.memory_space<vmem_shared>>
    %dma_start3A_333 = tpu.memref_squeeze %dma_start3A_332 : memref<1x640xf32, #tpu.memory_space<vmem_shared>> -> memref<640xf32, #tpu.memory_space<vmem_shared>>
    %dma_start3A_334 = arith.constant 0 : i32
    %dma_start3A_335 = tpu.memref_slice %arg13[%dma_start3A_328, %dma_start3A_334] : memref<48x640xf32, #tpu.memory_space<vmem>> -> memref<1x640xf32, #tpu.memory_space<vmem>>
    %dma_start3A_336 = tpu.memref_squeeze %dma_start3A_335 : memref<1x640xf32, #tpu.memory_space<vmem>> -> memref<640xf32, #tpu.memory_space<vmem>>
    %dma_start3A_337 = tpu.memref_slice %arg17[%dma_start3A_327, %add3A_326] : memref<16x30720xf32, #tpu.memory_space<vmem_shared>> -> memref<1x640xf32, #tpu.memory_space<vmem_shared>>
    %dma_start3A_338 = tpu.memref_squeeze %dma_start3A_337 : memref<1x640xf32, #tpu.memory_space<vmem_shared>> -> memref<640xf32, #tpu.memory_space<vmem_shared>>
    tpu.enqueue_dma source(%dma_start3A_338 : memref<640xf32, #tpu.memory_space<vmem_shared>>) target(%dma_start3A_336 : memref<640xf32, #tpu.memory_space<vmem>>) target_semaphore(%arg19 : memref<!tpu.dma_semaphore, #tpu.memory_space<semaphore_mem>>)
    %add3A_339 = arith.constant 0 : i32
    %add3A_340 = arith.addi %add3A_339, %mul3A_86 : i32
    %dma_start3A_341 = arith.constant 6 : i32
    %dma_start3A_342 = arith.constant 18 : i32
    %dma_start3A_343 = arith.constant 0 : i32
    %dma_start3A_344 = tpu.memref_slice %arg13[%dma_start3A_342, %dma_start3A_343] : memref<48x640xf32, #tpu.memory_space<vmem>> -> memref<1x640xf32, #tpu.memory_space<vmem>>
    %dma_start3A_345 = tpu.memref_squeeze %dma_start3A_344 : memref<1x640xf32, #tpu.memory_space<vmem>> -> memref<640xf32, #tpu.memory_space<vmem>>
    %dma_start3A_346 = tpu.memref_slice %arg17[%dma_start3A_341, %add3A_340] : memref<16x30720xf32, #tpu.memory_space<vmem_shared>> -> memref<1x640xf32, #tpu.memory_space<vmem_shared>>
    %dma_start3A_347 = tpu.memref_squeeze %dma_start3A_346 : memref<1x640xf32, #tpu.memory_space<vmem_shared>> -> memref<640xf32, #tpu.memory_space<vmem_shared>>
    %dma_start3A_348 = arith.constant 0 : i32
    %dma_start3A_349 = tpu.memref_slice %arg13[%dma_start3A_342, %dma_start3A_348] : memref<48x640xf32, #tpu.memory_space<vmem>> -> memref<1x640xf32, #tpu.memory_space<vmem>>
    %dma_start3A_350 = tpu.memref_squeeze %dma_start3A_349 : memref<1x640xf32, #tpu.memory_space<vmem>> -> memref<640xf32, #tpu.memory_space<vmem>>
    %dma_start3A_351 = tpu.memref_slice %arg17[%dma_start3A_341, %add3A_340] : memref<16x30720xf32, #tpu.memory_space<vmem_shared>> -> memref<1x640xf32, #tpu.memory_space<vmem_shared>>
    %dma_start3A_352 = tpu.memref_squeeze %dma_start3A_351 : memref<1x640xf32, #tpu.memory_space<vmem_shared>> -> memref<640xf32, #tpu.memory_space<vmem_shared>>
    tpu.enqueue_dma source(%dma_start3A_352 : memref<640xf32, #tpu.memory_space<vmem_shared>>) target(%dma_start3A_350 : memref<640xf32, #tpu.memory_space<vmem>>) target_semaphore(%arg19 : memref<!tpu.dma_semaphore, #tpu.memory_space<semaphore_mem>>)
    %add3A_353 = arith.constant 10240 : i32
    %add3A_354 = arith.addi %add3A_353, %mul3A_86 : i32
    %dma_start3A_355 = arith.constant 6 : i32
    %dma_start3A_356 = arith.constant 19 : i32
    %dma_start3A_357 = arith.constant 0 : i32
    %dma_start3A_358 = tpu.memref_slice %arg13[%dma_start3A_356, %dma_start3A_357] : memref<48x640xf32, #tpu.memory_space<vmem>> -> memref<1x640xf32, #tpu.memory_space<vmem>>
    %dma_start3A_359 = tpu.memref_squeeze %dma_start3A_358 : memref<1x640xf32, #tpu.memory_space<vmem>> -> memref<640xf32, #tpu.memory_space<vmem>>
    %dma_start3A_360 = tpu.memref_slice %arg17[%dma_start3A_355, %add3A_354] : memref<16x30720xf32, #tpu.memory_space<vmem_shared>> -> memref<1x640xf32, #tpu.memory_space<vmem_shared>>
    %dma_start3A_361 = tpu.memref_squeeze %dma_start3A_360 : memref<1x640xf32, #tpu.memory_space<vmem_shared>> -> memref<640xf32, #tpu.memory_space<vmem_shared>>
    %dma_start3A_362 = arith.constant 0 : i32
    %dma_start3A_363 = tpu.memref_slice %arg13[%dma_start3A_356, %dma_start3A_362] : memref<48x640xf32, #tpu.memory_space<vmem>> -> memref<1x640xf32, #tpu.memory_space<vmem>>
    %dma_start3A_364 = tpu.memref_squeeze %dma_start3A_363 : memref<1x640xf32, #tpu.memory_space<vmem>> -> memref<640xf32, #tpu.memory_space<vmem>>
    %dma_start3A_365 = tpu.memref_slice %arg17[%dma_start3A_355, %add3A_354] : memref<16x30720xf32, #tpu.memory_space<vmem_shared>> -> memref<1x640xf32, #tpu.memory_space<vmem_shared>>
    %dma_start3A_366 = tpu.memref_squeeze %dma_start3A_365 : memref<1x640xf32, #tpu.memory_space<vmem_shared>> -> memref<640xf32, #tpu.memory_space<vmem_shared>>
    tpu.enqueue_dma source(%dma_start3A_366 : memref<640xf32, #tpu.memory_space<vmem_shared>>) target(%dma_start3A_364 : memref<640xf32, #tpu.memory_space<vmem>>) target_semaphore(%arg19 : memref<!tpu.dma_semaphore, #tpu.memory_space<semaphore_mem>>)
    %add3A_367 = arith.constant 20480 : i32
    %add3A_368 = arith.addi %add3A_367, %mul3A_86 : i32
    %dma_start3A_369 = arith.constant 6 : i32
    %dma_start3A_370 = arith.constant 20 : i32
    %dma_start3A_371 = arith.constant 0 : i32
    %dma_start3A_372 = tpu.memref_slice %arg13[%dma_start3A_370, %dma_start3A_371] : memref<48x640xf32, #tpu.memory_space<vmem>> -> memref<1x640xf32, #tpu.memory_space<vmem>>
    %dma_start3A_373 = tpu.memref_squeeze %dma_start3A_372 : memref<1x640xf32, #tpu.memory_space<vmem>> -> memref<640xf32, #tpu.memory_space<vmem>>
    %dma_start3A_374 = tpu.memref_slice %arg17[%dma_start3A_369, %add3A_368] : memref<16x30720xf32, #tpu.memory_space<vmem_shared>> -> memref<1x640xf32, #tpu.memory_space<vmem_shared>>
    %dma_start3A_375 = tpu.memref_squeeze %dma_start3A_374 : memref<1x640xf32, #tpu.memory_space<vmem_shared>> -> memref<640xf32, #tpu.memory_space<vmem_shared>>
    %dma_start3A_376 = arith.constant 0 : i32
    %dma_start3A_377 = tpu.memref_slice %arg13[%dma_start3A_370, %dma_start3A_376] : memref<48x640xf32, #tpu.memory_space<vmem>> -> memref<1x640xf32, #tpu.memory_space<vmem>>
    %dma_start3A_378 = tpu.memref_squeeze %dma_start3A_377 : memref<1x640xf32, #tpu.memory_space<vmem>> -> memref<640xf32, #tpu.memory_space<vmem>>
    %dma_start3A_379 = tpu.memref_slice %arg17[%dma_start3A_369, %add3A_368] : memref<16x30720xf32, #tpu.memory_space<vmem_shared>> -> memref<1x640xf32, #tpu.memory_space<vmem_shared>>
    %dma_start3A_380 = tpu.memref_squeeze %dma_start3A_379 : memref<1x640xf32, #tpu.memory_space<vmem_shared>> -> memref<640xf32, #tpu.memory_space<vmem_shared>>
    tpu.enqueue_dma source(%dma_start3A_380 : memref<640xf32, #tpu.memory_space<vmem_shared>>) target(%dma_start3A_378 : memref<640xf32, #tpu.memory_space<vmem>>) target_semaphore(%arg19 : memref<!tpu.dma_semaphore, #tpu.memory_space<semaphore_mem>>)
    %add3A_381 = arith.constant 0 : i32
    %add3A_382 = arith.addi %add3A_381, %mul3A_86 : i32
    %dma_start3A_383 = arith.constant 7 : i32
    %dma_start3A_384 = arith.constant 21 : i32
    %dma_start3A_385 = arith.constant 0 : i32
    %dma_start3A_386 = tpu.memref_slice %arg13[%dma_start3A_384, %dma_start3A_385] : memref<48x640xf32, #tpu.memory_space<vmem>> -> memref<1x640xf32, #tpu.memory_space<vmem>>
    %dma_start3A_387 = tpu.memref_squeeze %dma_start3A_386 : memref<1x640xf32, #tpu.memory_space<vmem>> -> memref<640xf32, #tpu.memory_space<vmem>>
    %dma_start3A_388 = tpu.memref_slice %arg17[%dma_start3A_383, %add3A_382] : memref<16x30720xf32, #tpu.memory_space<vmem_shared>> -> memref<1x640xf32, #tpu.memory_space<vmem_shared>>
    %dma_start3A_389 = tpu.memref_squeeze %dma_start3A_388 : memref<1x640xf32, #tpu.memory_space<vmem_shared>> -> memref<640xf32, #tpu.memory_space<vmem_shared>>
    %dma_start3A_390 = arith.constant 0 : i32
    %dma_start3A_391 = tpu.memref_slice %arg13[%dma_start3A_384, %dma_start3A_390] : memref<48x640xf32, #tpu.memory_space<vmem>> -> memref<1x640xf32, #tpu.memory_space<vmem>>
    %dma_start3A_392 = tpu.memref_squeeze %dma_start3A_391 : memref<1x640xf32, #tpu.memory_space<vmem>> -> memref<640xf32, #tpu.memory_space<vmem>>
    %dma_start3A_393 = tpu.memref_slice %arg17[%dma_start3A_383, %add3A_382] : memref<16x30720xf32, #tpu.memory_space<vmem_shared>> -> memref<1x640xf32, #tpu.memory_space<vmem_shared>>
    %dma_start3A_394 = tpu.memref_squeeze %dma_start3A_393 : memref<1x640xf32, #tpu.memory_space<vmem_shared>> -> memref<640xf32, #tpu.memory_space<vmem_shared>>
    tpu.enqueue_dma source(%dma_start3A_394 : memref<640xf32, #tpu.memory_space<vmem_shared>>) target(%dma_start3A_392 : memref<640xf32, #tpu.memory_space<vmem>>) target_semaphore(%arg19 : memref<!tpu.dma_semaphore, #tpu.memory_space<semaphore_mem>>)
    %add3A_395 = arith.constant 10240 : i32
    %add3A_396 = arith.addi %add3A_395, %mul3A_86 : i32
    %dma_start3A_397 = arith.constant 7 : i32
    %dma_start3A_398 = arith.constant 22 : i32
    %dma_start3A_399 = arith.constant 0 : i32
    %dma_start3A_400 = tpu.memref_slice %arg13[%dma_start3A_398, %dma_start3A_399] : memref<48x640xf32, #tpu.memory_space<vmem>> -> memref<1x640xf32, #tpu.memory_space<vmem>>
    %dma_start3A_401 = tpu.memref_squeeze %dma_start3A_400 : memref<1x640xf32, #tpu.memory_space<vmem>> -> memref<640xf32, #tpu.memory_space<vmem>>
    %dma_start3A_402 = tpu.memref_slice %arg17[%dma_start3A_397, %add3A_396] : memref<16x30720xf32, #tpu.memory_space<vmem_shared>> -> memref<1x640xf32, #tpu.memory_space<vmem_shared>>
    %dma_start3A_403 = tpu.memref_squeeze %dma_start3A_402 : memref<1x640xf32, #tpu.memory_space<vmem_shared>> -> memref<640xf32, #tpu.memory_space<vmem_shared>>
    %dma_start3A_404 = arith.constant 0 : i32
    %dma_start3A_405 = tpu.memref_slice %arg13[%dma_start3A_398, %dma_start3A_404] : memref<48x640xf32, #tpu.memory_space<vmem>> -> memref<1x640xf32, #tpu.memory_space<vmem>>
    %dma_start3A_406 = tpu.memref_squeeze %dma_start3A_405 : memref<1x640xf32, #tpu.memory_space<vmem>> -> memref<640xf32, #tpu.memory_space<vmem>>
    %dma_start3A_407 = tpu.memref_slice %arg17[%dma_start3A_397, %add3A_396] : memref<16x30720xf32, #tpu.memory_space<vmem_shared>> -> memref<1x640xf32, #tpu.memory_space<vmem_shared>>
    %dma_start3A_408 = tpu.memref_squeeze %dma_start3A_407 : memref<1x640xf32, #tpu.memory_space<vmem_shared>> -> memref<640xf32, #tpu.memory_space<vmem_shared>>
    tpu.enqueue_dma source(%dma_start3A_408 : memref<640xf32, #tpu.memory_space<vmem_shared>>) target(%dma_start3A_406 : memref<640xf32, #tpu.memory_space<vmem>>) target_semaphore(%arg19 : memref<!tpu.dma_semaphore, #tpu.memory_space<semaphore_mem>>)
    %add3A_409 = arith.constant 20480 : i32
    %add3A_410 = arith.addi %add3A_409, %mul3A_86 : i32
    %dma_start3A_411 = arith.constant 7 : i32
    %dma_start3A_412 = arith.constant 23 : i32
    %dma_start3A_413 = arith.constant 0 : i32
    %dma_start3A_414 = tpu.memref_slice %arg13[%dma_start3A_412, %dma_start3A_413] : memref<48x640xf32, #tpu.memory_space<vmem>> -> memref<1x640xf32, #tpu.memory_space<vmem>>
    %dma_start3A_415 = tpu.memref_squeeze %dma_start3A_414 : memref<1x640xf32, #tpu.memory_space<vmem>> -> memref<640xf32, #tpu.memory_space<vmem>>
    %dma_start3A_416 = tpu.memref_slice %arg17[%dma_start3A_411, %add3A_410] : memref<16x30720xf32, #tpu.memory_space<vmem_shared>> -> memref<1x640xf32, #tpu.memory_space<vmem_shared>>
    %dma_start3A_417 = tpu.memref_squeeze %dma_start3A_416 : memref<1x640xf32, #tpu.memory_space<vmem_shared>> -> memref<640xf32, #tpu.memory_space<vmem_shared>>
    %dma_start3A_418 = arith.constant 0 : i32
    %dma_start3A_419 = tpu.memref_slice %arg13[%dma_start3A_412, %dma_start3A_418] : memref<48x640xf32, #tpu.memory_space<vmem>> -> memref<1x640xf32, #tpu.memory_space<vmem>>
    %dma_start3A_420 = tpu.memref_squeeze %dma_start3A_419 : memref<1x640xf32, #tpu.memory_space<vmem>> -> memref<640xf32, #tpu.memory_space<vmem>>
    %dma_start3A_421 = tpu.memref_slice %arg17[%dma_start3A_411, %add3A_410] : memref<16x30720xf32, #tpu.memory_space<vmem_shared>> -> memref<1x640xf32, #tpu.memory_space<vmem_shared>>
    %dma_start3A_422 = tpu.memref_squeeze %dma_start3A_421 : memref<1x640xf32, #tpu.memory_space<vmem_shared>> -> memref<640xf32, #tpu.memory_space<vmem_shared>>
    tpu.enqueue_dma source(%dma_start3A_422 : memref<640xf32, #tpu.memory_space<vmem_shared>>) target(%dma_start3A_420 : memref<640xf32, #tpu.memory_space<vmem>>) target_semaphore(%arg19 : memref<!tpu.dma_semaphore, #tpu.memory_space<semaphore_mem>>)
    %add3A_423 = arith.constant 0 : i32
    %add3A_424 = arith.addi %add3A_423, %mul3A_86 : i32
    %dma_start3A_425 = arith.constant 8 : i32
    %dma_start3A_426 = arith.constant 24 : i32
    %dma_start3A_427 = arith.constant 0 : i32
    %dma_start3A_428 = tpu.memref_slice %arg13[%dma_start3A_426, %dma_start3A_427] : memref<48x640xf32, #tpu.memory_space<vmem>> -> memref<1x640xf32, #tpu.memory_space<vmem>>
    %dma_start3A_429 = tpu.memref_squeeze %dma_start3A_428 : memref<1x640xf32, #tpu.memory_space<vmem>> -> memref<640xf32, #tpu.memory_space<vmem>>
    %dma_start3A_430 = tpu.memref_slice %arg17[%dma_start3A_425, %add3A_424] : memref<16x30720xf32, #tpu.memory_space<vmem_shared>> -> memref<1x640xf32, #tpu.memory_space<vmem_shared>>
    %dma_start3A_431 = tpu.memref_squeeze %dma_start3A_430 : memref<1x640xf32, #tpu.memory_space<vmem_shared>> -> memref<640xf32, #tpu.memory_space<vmem_shared>>
    %dma_start3A_432 = arith.constant 0 : i32
    %dma_start3A_433 = tpu.memref_slice %arg13[%dma_start3A_426, %dma_start3A_432] : memref<48x640xf32, #tpu.memory_space<vmem>> -> memref<1x640xf32, #tpu.memory_space<vmem>>
    %dma_start3A_434 = tpu.memref_squeeze %dma_start3A_433 : memref<1x640xf32, #tpu.memory_space<vmem>> -> memref<640xf32, #tpu.memory_space<vmem>>
    %dma_start3A_435 = tpu.memref_slice %arg17[%dma_start3A_425, %add3A_424] : memref<16x30720xf32, #tpu.memory_space<vmem_shared>> -> memref<1x640xf32, #tpu.memory_space<vmem_shared>>
    %dma_start3A_436 = tpu.memref_squeeze %dma_start3A_435 : memref<1x640xf32, #tpu.memory_space<vmem_shared>> -> memref<640xf32, #tpu.memory_space<vmem_shared>>
    tpu.enqueue_dma source(%dma_start3A_436 : memref<640xf32, #tpu.memory_space<vmem_shared>>) target(%dma_start3A_434 : memref<640xf32, #tpu.memory_space<vmem>>) target_semaphore(%arg19 : memref<!tpu.dma_semaphore, #tpu.memory_space<semaphore_mem>>)
    %add3A_437 = arith.constant 10240 : i32
    %add3A_438 = arith.addi %add3A_437, %mul3A_86 : i32
    %dma_start3A_439 = arith.constant 8 : i32
    %dma_start3A_440 = arith.constant 25 : i32
    %dma_start3A_441 = arith.constant 0 : i32
    %dma_start3A_442 = tpu.memref_slice %arg13[%dma_start3A_440, %dma_start3A_441] : memref<48x640xf32, #tpu.memory_space<vmem>> -> memref<1x640xf32, #tpu.memory_space<vmem>>
    %dma_start3A_443 = tpu.memref_squeeze %dma_start3A_442 : memref<1x640xf32, #tpu.memory_space<vmem>> -> memref<640xf32, #tpu.memory_space<vmem>>
    %dma_start3A_444 = tpu.memref_slice %arg17[%dma_start3A_439, %add3A_438] : memref<16x30720xf32, #tpu.memory_space<vmem_shared>> -> memref<1x640xf32, #tpu.memory_space<vmem_shared>>
    %dma_start3A_445 = tpu.memref_squeeze %dma_start3A_444 : memref<1x640xf32, #tpu.memory_space<vmem_shared>> -> memref<640xf32, #tpu.memory_space<vmem_shared>>
    %dma_start3A_446 = arith.constant 0 : i32
    %dma_start3A_447 = tpu.memref_slice %arg13[%dma_start3A_440, %dma_start3A_446] : memref<48x640xf32, #tpu.memory_space<vmem>> -> memref<1x640xf32, #tpu.memory_space<vmem>>
    %dma_start3A_448 = tpu.memref_squeeze %dma_start3A_447 : memref<1x640xf32, #tpu.memory_space<vmem>> -> memref<640xf32, #tpu.memory_space<vmem>>
    %dma_start3A_449 = tpu.memref_slice %arg17[%dma_start3A_439, %add3A_438] : memref<16x30720xf32, #tpu.memory_space<vmem_shared>> -> memref<1x640xf32, #tpu.memory_space<vmem_shared>>
    %dma_start3A_450 = tpu.memref_squeeze %dma_start3A_449 : memref<1x640xf32, #tpu.memory_space<vmem_shared>> -> memref<640xf32, #tpu.memory_space<vmem_shared>>
    tpu.enqueue_dma source(%dma_start3A_450 : memref<640xf32, #tpu.memory_space<vmem_shared>>) target(%dma_start3A_448 : memref<640xf32, #tpu.memory_space<vmem>>) target_semaphore(%arg19 : memref<!tpu.dma_semaphore, #tpu.memory_space<semaphore_mem>>)
    %add3A_451 = arith.constant 20480 : i32
    %add3A_452 = arith.addi %add3A_451, %mul3A_86 : i32
    %dma_start3A_453 = arith.constant 8 : i32
    %dma_start3A_454 = arith.constant 26 : i32
    %dma_start3A_455 = arith.constant 0 : i32
    %dma_start3A_456 = tpu.memref_slice %arg13[%dma_start3A_454, %dma_start3A_455] : memref<48x640xf32, #tpu.memory_space<vmem>> -> memref<1x640xf32, #tpu.memory_space<vmem>>
    %dma_start3A_457 = tpu.memref_squeeze %dma_start3A_456 : memref<1x640xf32, #tpu.memory_space<vmem>> -> memref<640xf32, #tpu.memory_space<vmem>>
    %dma_start3A_458 = tpu.memref_slice %arg17[%dma_start3A_453, %add3A_452] : memref<16x30720xf32, #tpu.memory_space<vmem_shared>> -> memref<1x640xf32, #tpu.memory_space<vmem_shared>>
    %dma_start3A_459 = tpu.memref_squeeze %dma_start3A_458 : memref<1x640xf32, #tpu.memory_space<vmem_shared>> -> memref<640xf32, #tpu.memory_space<vmem_shared>>
    %dma_start3A_460 = arith.constant 0 : i32
    %dma_start3A_461 = tpu.memref_slice %arg13[%dma_start3A_454, %dma_start3A_460] : memref<48x640xf32, #tpu.memory_space<vmem>> -> memref<1x640xf32, #tpu.memory_space<vmem>>
    %dma_start3A_462 = tpu.memref_squeeze %dma_start3A_461 : memref<1x640xf32, #tpu.memory_space<vmem>> -> memref<640xf32, #tpu.memory_space<vmem>>
    %dma_start3A_463 = tpu.memref_slice %arg17[%dma_start3A_453, %add3A_452] : memref<16x30720xf32, #tpu.memory_space<vmem_shared>> -> memref<1x640xf32, #tpu.memory_space<vmem_shared>>
    %dma_start3A_464 = tpu.memref_squeeze %dma_start3A_463 : memref<1x640xf32, #tpu.memory_space<vmem_shared>> -> memref<640xf32, #tpu.memory_space<vmem_shared>>
    tpu.enqueue_dma source(%dma_start3A_464 : memref<640xf32, #tpu.memory_space<vmem_shared>>) target(%dma_start3A_462 : memref<640xf32, #tpu.memory_space<vmem>>) target_semaphore(%arg19 : memref<!tpu.dma_semaphore, #tpu.memory_space<semaphore_mem>>)
    %add3A_465 = arith.constant 0 : i32
    %add3A_466 = arith.addi %add3A_465, %mul3A_86 : i32
    %dma_start3A_467 = arith.constant 9 : i32
    %dma_start3A_468 = arith.constant 27 : i32
    %dma_start3A_469 = arith.constant 0 : i32
    %dma_start3A_470 = tpu.memref_slice %arg13[%dma_start3A_468, %dma_start3A_469] : memref<48x640xf32, #tpu.memory_space<vmem>> -> memref<1x640xf32, #tpu.memory_space<vmem>>
    %dma_start3A_471 = tpu.memref_squeeze %dma_start3A_470 : memref<1x640xf32, #tpu.memory_space<vmem>> -> memref<640xf32, #tpu.memory_space<vmem>>
    %dma_start3A_472 = tpu.memref_slice %arg17[%dma_start3A_467, %add3A_466] : memref<16x30720xf32, #tpu.memory_space<vmem_shared>> -> memref<1x640xf32, #tpu.memory_space<vmem_shared>>
    %dma_start3A_473 = tpu.memref_squeeze %dma_start3A_472 : memref<1x640xf32, #tpu.memory_space<vmem_shared>> -> memref<640xf32, #tpu.memory_space<vmem_shared>>
    %dma_start3A_474 = arith.constant 0 : i32
    %dma_start3A_475 = tpu.memref_slice %arg13[%dma_start3A_468, %dma_start3A_474] : memref<48x640xf32, #tpu.memory_space<vmem>> -> memref<1x640xf32, #tpu.memory_space<vmem>>
    %dma_start3A_476 = tpu.memref_squeeze %dma_start3A_475 : memref<1x640xf32, #tpu.memory_space<vmem>> -> memref<640xf32, #tpu.memory_space<vmem>>
    %dma_start3A_477 = tpu.memref_slice %arg17[%dma_start3A_467, %add3A_466] : memref<16x30720xf32, #tpu.memory_space<vmem_shared>> -> memref<1x640xf32, #tpu.memory_space<vmem_shared>>
    %dma_start3A_478 = tpu.memref_squeeze %dma_start3A_477 : memref<1x640xf32, #tpu.memory_space<vmem_shared>> -> memref<640xf32, #tpu.memory_space<vmem_shared>>
    tpu.enqueue_dma source(%dma_start3A_478 : memref<640xf32, #tpu.memory_space<vmem_shared>>) target(%dma_start3A_476 : memref<640xf32, #tpu.memory_space<vmem>>) target_semaphore(%arg19 : memref<!tpu.dma_semaphore, #tpu.memory_space<semaphore_mem>>)
    %add3A_479 = arith.constant 10240 : i32
    %add3A_480 = arith.addi %add3A_479, %mul3A_86 : i32
    %dma_start3A_481 = arith.constant 9 : i32
    %dma_start3A_482 = arith.constant 28 : i32
    %dma_start3A_483 = arith.constant 0 : i32
    %dma_start3A_484 = tpu.memref_slice %arg13[%dma_start3A_482, %dma_start3A_483] : memref<48x640xf32, #tpu.memory_space<vmem>> -> memref<1x640xf32, #tpu.memory_space<vmem>>
    %dma_start3A_485 = tpu.memref_squeeze %dma_start3A_484 : memref<1x640xf32, #tpu.memory_space<vmem>> -> memref<640xf32, #tpu.memory_space<vmem>>
    %dma_start3A_486 = tpu.memref_slice %arg17[%dma_start3A_481, %add3A_480] : memref<16x30720xf32, #tpu.memory_space<vmem_shared>> -> memref<1x640xf32, #tpu.memory_space<vmem_shared>>
    %dma_start3A_487 = tpu.memref_squeeze %dma_start3A_486 : memref<1x640xf32, #tpu.memory_space<vmem_shared>> -> memref<640xf32, #tpu.memory_space<vmem_shared>>
    %dma_start3A_488 = arith.constant 0 : i32
    %dma_start3A_489 = tpu.memref_slice %arg13[%dma_start3A_482, %dma_start3A_488] : memref<48x640xf32, #tpu.memory_space<vmem>> -> memref<1x640xf32, #tpu.memory_space<vmem>>
    %dma_start3A_490 = tpu.memref_squeeze %dma_start3A_489 : memref<1x640xf32, #tpu.memory_space<vmem>> -> memref<640xf32, #tpu.memory_space<vmem>>
    %dma_start3A_491 = tpu.memref_slice %arg17[%dma_start3A_481, %add3A_480] : memref<16x30720xf32, #tpu.memory_space<vmem_shared>> -> memref<1x640xf32, #tpu.memory_space<vmem_shared>>
    %dma_start3A_492 = tpu.memref_squeeze %dma_start3A_491 : memref<1x640xf32, #tpu.memory_space<vmem_shared>> -> memref<640xf32, #tpu.memory_space<vmem_shared>>
    tpu.enqueue_dma source(%dma_start3A_492 : memref<640xf32, #tpu.memory_space<vmem_shared>>) target(%dma_start3A_490 : memref<640xf32, #tpu.memory_space<vmem>>) target_semaphore(%arg19 : memref<!tpu.dma_semaphore, #tpu.memory_space<semaphore_mem>>)
    %add3A_493 = arith.constant 20480 : i32
    %add3A_494 = arith.addi %add3A_493, %mul3A_86 : i32
    %dma_start3A_495 = arith.constant 9 : i32
    %dma_start3A_496 = arith.constant 29 : i32
    %dma_start3A_497 = arith.constant 0 : i32
    %dma_start3A_498 = tpu.memref_slice %arg13[%dma_start3A_496, %dma_start3A_497] : memref<48x640xf32, #tpu.memory_space<vmem>> -> memref<1x640xf32, #tpu.memory_space<vmem>>
    %dma_start3A_499 = tpu.memref_squeeze %dma_start3A_498 : memref<1x640xf32, #tpu.memory_space<vmem>> -> memref<640xf32, #tpu.memory_space<vmem>>
    %dma_start3A_500 = tpu.memref_slice %arg17[%dma_start3A_495, %add3A_494] : memref<16x30720xf32, #tpu.memory_space<vmem_shared>> -> memref<1x640xf32, #tpu.memory_space<vmem_shared>>
    %dma_start3A_501 = tpu.memref_squeeze %dma_start3A_500 : memref<1x640xf32, #tpu.memory_space<vmem_shared>> -> memref<640xf32, #tpu.memory_space<vmem_shared>>
    %dma_start3A_502 = arith.constant 0 : i32
    %dma_start3A_503 = tpu.memref_slice %arg13[%dma_start3A_496, %dma_start3A_502] : memref<48x640xf32, #tpu.memory_space<vmem>> -> memref<1x640xf32, #tpu.memory_space<vmem>>
    %dma_start3A_504 = tpu.memref_squeeze %dma_start3A_503 : memref<1x640xf32, #tpu.memory_space<vmem>> -> memref<640xf32, #tpu.memory_space<vmem>>
    %dma_start3A_505 = tpu.memref_slice %arg17[%dma_start3A_495, %add3A_494] : memref<16x30720xf32, #tpu.memory_space<vmem_shared>> -> memref<1x640xf32, #tpu.memory_space<vmem_shared>>
    %dma_start3A_506 = tpu.memref_squeeze %dma_start3A_505 : memref<1x640xf32, #tpu.memory_space<vmem_shared>> -> memref<640xf32, #tpu.memory_space<vmem_shared>>
    tpu.enqueue_dma source(%dma_start3A_506 : memref<640xf32, #tpu.memory_space<vmem_shared>>) target(%dma_start3A_504 : memref<640xf32, #tpu.memory_space<vmem>>) target_semaphore(%arg19 : memref<!tpu.dma_semaphore, #tpu.memory_space<semaphore_mem>>)
    %add3A_507 = arith.constant 0 : i32
    %add3A_508 = arith.addi %add3A_507, %mul3A_86 : i32
    %dma_start3A_509 = arith.constant 10 : i32
    %dma_start3A_510 = arith.constant 30 : i32
    %dma_start3A_511 = arith.constant 0 : i32
    %dma_start3A_512 = tpu.memref_slice %arg13[%dma_start3A_510, %dma_start3A_511] : memref<48x640xf32, #tpu.memory_space<vmem>> -> memref<1x640xf32, #tpu.memory_space<vmem>>
    %dma_start3A_513 = tpu.memref_squeeze %dma_start3A_512 : memref<1x640xf32, #tpu.memory_space<vmem>> -> memref<640xf32, #tpu.memory_space<vmem>>
    %dma_start3A_514 = tpu.memref_slice %arg17[%dma_start3A_509, %add3A_508] : memref<16x30720xf32, #tpu.memory_space<vmem_shared>> -> memref<1x640xf32, #tpu.memory_space<vmem_shared>>
    %dma_start3A_515 = tpu.memref_squeeze %dma_start3A_514 : memref<1x640xf32, #tpu.memory_space<vmem_shared>> -> memref<640xf32, #tpu.memory_space<vmem_shared>>
    %dma_start3A_516 = arith.constant 0 : i32
    %dma_start3A_517 = tpu.memref_slice %arg13[%dma_start3A_510, %dma_start3A_516] : memref<48x640xf32, #tpu.memory_space<vmem>> -> memref<1x640xf32, #tpu.memory_space<vmem>>
    %dma_start3A_518 = tpu.memref_squeeze %dma_start3A_517 : memref<1x640xf32, #tpu.memory_space<vmem>> -> memref<640xf32, #tpu.memory_space<vmem>>
    %dma_start3A_519 = tpu.memref_slice %arg17[%dma_start3A_509, %add3A_508] : memref<16x30720xf32, #tpu.memory_space<vmem_shared>> -> memref<1x640xf32, #tpu.memory_space<vmem_shared>>
    %dma_start3A_520 = tpu.memref_squeeze %dma_start3A_519 : memref<1x640xf32, #tpu.memory_space<vmem_shared>> -> memref<640xf32, #tpu.memory_space<vmem_shared>>
    tpu.enqueue_dma source(%dma_start3A_520 : memref<640xf32, #tpu.memory_space<vmem_shared>>) target(%dma_start3A_518 : memref<640xf32, #tpu.memory_space<vmem>>) target_semaphore(%arg19 : memref<!tpu.dma_semaphore, #tpu.memory_space<semaphore_mem>>)
    %add3A_521 = arith.constant 10240 : i32
    %add3A_522 = arith.addi %add3A_521, %mul3A_86 : i32
    %dma_start3A_523 = arith.constant 10 : i32
    %dma_start3A_524 = arith.constant 31 : i32
    %dma_start3A_525 = arith.constant 0 : i32
    %dma_start3A_526 = tpu.memref_slice %arg13[%dma_start3A_524, %dma_start3A_525] : memref<48x640xf32, #tpu.memory_space<vmem>> -> memref<1x640xf32, #tpu.memory_space<vmem>>
    %dma_start3A_527 = tpu.memref_squeeze %dma_start3A_526 : memref<1x640xf32, #tpu.memory_space<vmem>> -> memref<640xf32, #tpu.memory_space<vmem>>
    %dma_start3A_528 = tpu.memref_slice %arg17[%dma_start3A_523, %add3A_522] : memref<16x30720xf32, #tpu.memory_space<vmem_shared>> -> memref<1x640xf32, #tpu.memory_space<vmem_shared>>
    %dma_start3A_529 = tpu.memref_squeeze %dma_start3A_528 : memref<1x640xf32, #tpu.memory_space<vmem_shared>> -> memref<640xf32, #tpu.memory_space<vmem_shared>>
    %dma_start3A_530 = arith.constant 0 : i32
    %dma_start3A_531 = tpu.memref_slice %arg13[%dma_start3A_524, %dma_start3A_530] : memref<48x640xf32, #tpu.memory_space<vmem>> -> memref<1x640xf32, #tpu.memory_space<vmem>>
    %dma_start3A_532 = tpu.memref_squeeze %dma_start3A_531 : memref<1x640xf32, #tpu.memory_space<vmem>> -> memref<640xf32, #tpu.memory_space<vmem>>
    %dma_start3A_533 = tpu.memref_slice %arg17[%dma_start3A_523, %add3A_522] : memref<16x30720xf32, #tpu.memory_space<vmem_shared>> -> memref<1x640xf32, #tpu.memory_space<vmem_shared>>
    %dma_start3A_534 = tpu.memref_squeeze %dma_start3A_533 : memref<1x640xf32, #tpu.memory_space<vmem_shared>> -> memref<640xf32, #tpu.memory_space<vmem_shared>>
    tpu.enqueue_dma source(%dma_start3A_534 : memref<640xf32, #tpu.memory_space<vmem_shared>>) target(%dma_start3A_532 : memref<640xf32, #tpu.memory_space<vmem>>) target_semaphore(%arg19 : memref<!tpu.dma_semaphore, #tpu.memory_space<semaphore_mem>>)
    %add3A_535 = arith.constant 20480 : i32
    %add3A_536 = arith.addi %add3A_535, %mul3A_86 : i32
    %dma_start3A_537 = arith.constant 10 : i32
    %dma_start3A_538 = arith.constant 32 : i32
    %dma_start3A_539 = arith.constant 0 : i32
    %dma_start3A_540 = tpu.memref_slice %arg13[%dma_start3A_538, %dma_start3A_539] : memref<48x640xf32, #tpu.memory_space<vmem>> -> memref<1x640xf32, #tpu.memory_space<vmem>>
    %dma_start3A_541 = tpu.memref_squeeze %dma_start3A_540 : memref<1x640xf32, #tpu.memory_space<vmem>> -> memref<640xf32, #tpu.memory_space<vmem>>
    %dma_start3A_542 = tpu.memref_slice %arg17[%dma_start3A_537, %add3A_536] : memref<16x30720xf32, #tpu.memory_space<vmem_shared>> -> memref<1x640xf32, #tpu.memory_space<vmem_shared>>
    %dma_start3A_543 = tpu.memref_squeeze %dma_start3A_542 : memref<1x640xf32, #tpu.memory_space<vmem_shared>> -> memref<640xf32, #tpu.memory_space<vmem_shared>>
    %dma_start3A_544 = arith.constant 0 : i32
    %dma_start3A_545 = tpu.memref_slice %arg13[%dma_start3A_538, %dma_start3A_544] : memref<48x640xf32, #tpu.memory_space<vmem>> -> memref<1x640xf32, #tpu.memory_space<vmem>>
    %dma_start3A_546 = tpu.memref_squeeze %dma_start3A_545 : memref<1x640xf32, #tpu.memory_space<vmem>> -> memref<640xf32, #tpu.memory_space<vmem>>
    %dma_start3A_547 = tpu.memref_slice %arg17[%dma_start3A_537, %add3A_536] : memref<16x30720xf32, #tpu.memory_space<vmem_shared>> -> memref<1x640xf32, #tpu.memory_space<vmem_shared>>
    %dma_start3A_548 = tpu.memref_squeeze %dma_start3A_547 : memref<1x640xf32, #tpu.memory_space<vmem_shared>> -> memref<640xf32, #tpu.memory_space<vmem_shared>>
    tpu.enqueue_dma source(%dma_start3A_548 : memref<640xf32, #tpu.memory_space<vmem_shared>>) target(%dma_start3A_546 : memref<640xf32, #tpu.memory_space<vmem>>) target_semaphore(%arg19 : memref<!tpu.dma_semaphore, #tpu.memory_space<semaphore_mem>>)
    %add3A_549 = arith.constant 0 : i32
    %add3A_550 = arith.addi %add3A_549, %mul3A_86 : i32
    %dma_start3A_551 = arith.constant 11 : i32
    %dma_start3A_552 = arith.constant 33 : i32
    %dma_start3A_553 = arith.constant 0 : i32
    %dma_start3A_554 = tpu.memref_slice %arg13[%dma_start3A_552, %dma_start3A_553] : memref<48x640xf32, #tpu.memory_space<vmem>> -> memref<1x640xf32, #tpu.memory_space<vmem>>
    %dma_start3A_555 = tpu.memref_squeeze %dma_start3A_554 : memref<1x640xf32, #tpu.memory_space<vmem>> -> memref<640xf32, #tpu.memory_space<vmem>>
    %dma_start3A_556 = tpu.memref_slice %arg17[%dma_start3A_551, %add3A_550] : memref<16x30720xf32, #tpu.memory_space<vmem_shared>> -> memref<1x640xf32, #tpu.memory_space<vmem_shared>>
    %dma_start3A_557 = tpu.memref_squeeze %dma_start3A_556 : memref<1x640xf32, #tpu.memory_space<vmem_shared>> -> memref<640xf32, #tpu.memory_space<vmem_shared>>
    %dma_start3A_558 = arith.constant 0 : i32
    %dma_start3A_559 = tpu.memref_slice %arg13[%dma_start3A_552, %dma_start3A_558] : memref<48x640xf32, #tpu.memory_space<vmem>> -> memref<1x640xf32, #tpu.memory_space<vmem>>
    %dma_start3A_560 = tpu.memref_squeeze %dma_start3A_559 : memref<1x640xf32, #tpu.memory_space<vmem>> -> memref<640xf32, #tpu.memory_space<vmem>>
    %dma_start3A_561 = tpu.memref_slice %arg17[%dma_start3A_551, %add3A_550] : memref<16x30720xf32, #tpu.memory_space<vmem_shared>> -> memref<1x640xf32, #tpu.memory_space<vmem_shared>>
    %dma_start3A_562 = tpu.memref_squeeze %dma_start3A_561 : memref<1x640xf32, #tpu.memory_space<vmem_shared>> -> memref<640xf32, #tpu.memory_space<vmem_shared>>
    tpu.enqueue_dma source(%dma_start3A_562 : memref<640xf32, #tpu.memory_space<vmem_shared>>) target(%dma_start3A_560 : memref<640xf32, #tpu.memory_space<vmem>>) target_semaphore(%arg19 : memref<!tpu.dma_semaphore, #tpu.memory_space<semaphore_mem>>)
    %add3A_563 = arith.constant 10240 : i32
    %add3A_564 = arith.addi %add3A_563, %mul3A_86 : i32
    %dma_start3A_565 = arith.constant 11 : i32
    %dma_start3A_566 = arith.constant 34 : i32
    %dma_start3A_567 = arith.constant 0 : i32
    %dma_start3A_568 = tpu.memref_slice %arg13[%dma_start3A_566, %dma_start3A_567] : memref<48x640xf32, #tpu.memory_space<vmem>> -> memref<1x640xf32, #tpu.memory_space<vmem>>
    %dma_start3A_569 = tpu.memref_squeeze %dma_start3A_568 : memref<1x640xf32, #tpu.memory_space<vmem>> -> memref<640xf32, #tpu.memory_space<vmem>>
    %dma_start3A_570 = tpu.memref_slice %arg17[%dma_start3A_565, %add3A_564] : memref<16x30720xf32, #tpu.memory_space<vmem_shared>> -> memref<1x640xf32, #tpu.memory_space<vmem_shared>>
    %dma_start3A_571 = tpu.memref_squeeze %dma_start3A_570 : memref<1x640xf32, #tpu.memory_space<vmem_shared>> -> memref<640xf32, #tpu.memory_space<vmem_shared>>
    %dma_start3A_572 = arith.constant 0 : i32
    %dma_start3A_573 = tpu.memref_slice %arg13[%dma_start3A_566, %dma_start3A_572] : memref<48x640xf32, #tpu.memory_space<vmem>> -> memref<1x640xf32, #tpu.memory_space<vmem>>
    %dma_start3A_574 = tpu.memref_squeeze %dma_start3A_573 : memref<1x640xf32, #tpu.memory_space<vmem>> -> memref<640xf32, #tpu.memory_space<vmem>>
    %dma_start3A_575 = tpu.memref_slice %arg17[%dma_start3A_565, %add3A_564] : memref<16x30720xf32, #tpu.memory_space<vmem_shared>> -> memref<1x640xf32, #tpu.memory_space<vmem_shared>>
    %dma_start3A_576 = tpu.memref_squeeze %dma_start3A_575 : memref<1x640xf32, #tpu.memory_space<vmem_shared>> -> memref<640xf32, #tpu.memory_space<vmem_shared>>
    tpu.enqueue_dma source(%dma_start3A_576 : memref<640xf32, #tpu.memory_space<vmem_shared>>) target(%dma_start3A_574 : memref<640xf32, #tpu.memory_space<vmem>>) target_semaphore(%arg19 : memref<!tpu.dma_semaphore, #tpu.memory_space<semaphore_mem>>)
    %add3A_577 = arith.constant 20480 : i32
    %add3A_578 = arith.addi %add3A_577, %mul3A_86 : i32
    %dma_start3A_579 = arith.constant 11 : i32
    %dma_start3A_580 = arith.constant 35 : i32
    %dma_start3A_581 = arith.constant 0 : i32
    %dma_start3A_582 = tpu.memref_slice %arg13[%dma_start3A_580, %dma_start3A_581] : memref<48x640xf32, #tpu.memory_space<vmem>> -> memref<1x640xf32, #tpu.memory_space<vmem>>
    %dma_start3A_583 = tpu.memref_squeeze %dma_start3A_582 : memref<1x640xf32, #tpu.memory_space<vmem>> -> memref<640xf32, #tpu.memory_space<vmem>>
    %dma_start3A_584 = tpu.memref_slice %arg17[%dma_start3A_579, %add3A_578] : memref<16x30720xf32, #tpu.memory_space<vmem_shared>> -> memref<1x640xf32, #tpu.memory_space<vmem_shared>>
    %dma_start3A_585 = tpu.memref_squeeze %dma_start3A_584 : memref<1x640xf32, #tpu.memory_space<vmem_shared>> -> memref<640xf32, #tpu.memory_space<vmem_shared>>
    %dma_start3A_586 = arith.constant 0 : i32
    %dma_start3A_587 = tpu.memref_slice %arg13[%dma_start3A_580, %dma_start3A_586] : memref<48x640xf32, #tpu.memory_space<vmem>> -> memref<1x640xf32, #tpu.memory_space<vmem>>
    %dma_start3A_588 = tpu.memref_squeeze %dma_start3A_587 : memref<1x640xf32, #tpu.memory_space<vmem>> -> memref<640xf32, #tpu.memory_space<vmem>>
    %dma_start3A_589 = tpu.memref_slice %arg17[%dma_start3A_579, %add3A_578] : memref<16x30720xf32, #tpu.memory_space<vmem_shared>> -> memref<1x640xf32, #tpu.memory_space<vmem_shared>>
    %dma_start3A_590 = tpu.memref_squeeze %dma_start3A_589 : memref<1x640xf32, #tpu.memory_space<vmem_shared>> -> memref<640xf32, #tpu.memory_space<vmem_shared>>
    tpu.enqueue_dma source(%dma_start3A_590 : memref<640xf32, #tpu.memory_space<vmem_shared>>) target(%dma_start3A_588 : memref<640xf32, #tpu.memory_space<vmem>>) target_semaphore(%arg19 : memref<!tpu.dma_semaphore, #tpu.memory_space<semaphore_mem>>)
    %add3A_591 = arith.constant 0 : i32
    %add3A_592 = arith.addi %add3A_591, %mul3A_86 : i32
    %dma_start3A_593 = arith.constant 12 : i32
    %dma_start3A_594 = arith.constant 36 : i32
    %dma_start3A_595 = arith.constant 0 : i32
    %dma_start3A_596 = tpu.memref_slice %arg13[%dma_start3A_594, %dma_start3A_595] : memref<48x640xf32, #tpu.memory_space<vmem>> -> memref<1x640xf32, #tpu.memory_space<vmem>>
    %dma_start3A_597 = tpu.memref_squeeze %dma_start3A_596 : memref<1x640xf32, #tpu.memory_space<vmem>> -> memref<640xf32, #tpu.memory_space<vmem>>
    %dma_start3A_598 = tpu.memref_slice %arg17[%dma_start3A_593, %add3A_592] : memref<16x30720xf32, #tpu.memory_space<vmem_shared>> -> memref<1x640xf32, #tpu.memory_space<vmem_shared>>
    %dma_start3A_599 = tpu.memref_squeeze %dma_start3A_598 : memref<1x640xf32, #tpu.memory_space<vmem_shared>> -> memref<640xf32, #tpu.memory_space<vmem_shared>>
    %dma_start3A_600 = arith.constant 0 : i32
    %dma_start3A_601 = tpu.memref_slice %arg13[%dma_start3A_594, %dma_start3A_600] : memref<48x640xf32, #tpu.memory_space<vmem>> -> memref<1x640xf32, #tpu.memory_space<vmem>>
    %dma_start3A_602 = tpu.memref_squeeze %dma_start3A_601 : memref<1x640xf32, #tpu.memory_space<vmem>> -> memref<640xf32, #tpu.memory_space<vmem>>
    %dma_start3A_603 = tpu.memref_slice %arg17[%dma_start3A_593, %add3A_592] : memref<16x30720xf32, #tpu.memory_space<vmem_shared>> -> memref<1x640xf32, #tpu.memory_space<vmem_shared>>
    %dma_start3A_604 = tpu.memref_squeeze %dma_start3A_603 : memref<1x640xf32, #tpu.memory_space<vmem_shared>> -> memref<640xf32, #tpu.memory_space<vmem_shared>>
    tpu.enqueue_dma source(%dma_start3A_604 : memref<640xf32, #tpu.memory_space<vmem_shared>>) target(%dma_start3A_602 : memref<640xf32, #tpu.memory_space<vmem>>) target_semaphore(%arg19 : memref<!tpu.dma_semaphore, #tpu.memory_space<semaphore_mem>>)
    %add3A_605 = arith.constant 10240 : i32
    %add3A_606 = arith.addi %add3A_605, %mul3A_86 : i32
    %dma_start3A_607 = arith.constant 12 : i32
    %dma_start3A_608 = arith.constant 37 : i32
    %dma_start3A_609 = arith.constant 0 : i32
    %dma_start3A_610 = tpu.memref_slice %arg13[%dma_start3A_608, %dma_start3A_609] : memref<48x640xf32, #tpu.memory_space<vmem>> -> memref<1x640xf32, #tpu.memory_space<vmem>>
    %dma_start3A_611 = tpu.memref_squeeze %dma_start3A_610 : memref<1x640xf32, #tpu.memory_space<vmem>> -> memref<640xf32, #tpu.memory_space<vmem>>
    %dma_start3A_612 = tpu.memref_slice %arg17[%dma_start3A_607, %add3A_606] : memref<16x30720xf32, #tpu.memory_space<vmem_shared>> -> memref<1x640xf32, #tpu.memory_space<vmem_shared>>
    %dma_start3A_613 = tpu.memref_squeeze %dma_start3A_612 : memref<1x640xf32, #tpu.memory_space<vmem_shared>> -> memref<640xf32, #tpu.memory_space<vmem_shared>>
    %dma_start3A_614 = arith.constant 0 : i32
    %dma_start3A_615 = tpu.memref_slice %arg13[%dma_start3A_608, %dma_start3A_614] : memref<48x640xf32, #tpu.memory_space<vmem>> -> memref<1x640xf32, #tpu.memory_space<vmem>>
    %dma_start3A_616 = tpu.memref_squeeze %dma_start3A_615 : memref<1x640xf32, #tpu.memory_space<vmem>> -> memref<640xf32, #tpu.memory_space<vmem>>
    %dma_start3A_617 = tpu.memref_slice %arg17[%dma_start3A_607, %add3A_606] : memref<16x30720xf32, #tpu.memory_space<vmem_shared>> -> memref<1x640xf32, #tpu.memory_space<vmem_shared>>
    %dma_start3A_618 = tpu.memref_squeeze %dma_start3A_617 : memref<1x640xf32, #tpu.memory_space<vmem_shared>> -> memref<640xf32, #tpu.memory_space<vmem_shared>>
    tpu.enqueue_dma source(%dma_start3A_618 : memref<640xf32, #tpu.memory_space<vmem_shared>>) target(%dma_start3A_616 : memref<640xf32, #tpu.memory_space<vmem>>) target_semaphore(%arg19 : memref<!tpu.dma_semaphore, #tpu.memory_space<semaphore_mem>>)
    %add3A_619 = arith.constant 20480 : i32
    %add3A_620 = arith.addi %add3A_619, %mul3A_86 : i32
    %dma_start3A_621 = arith.constant 12 : i32
    %dma_start3A_622 = arith.constant 38 : i32
    %dma_start3A_623 = arith.constant 0 : i32
    %dma_start3A_624 = tpu.memref_slice %arg13[%dma_start3A_622, %dma_start3A_623] : memref<48x640xf32, #tpu.memory_space<vmem>> -> memref<1x640xf32, #tpu.memory_space<vmem>>
    %dma_start3A_625 = tpu.memref_squeeze %dma_start3A_624 : memref<1x640xf32, #tpu.memory_space<vmem>> -> memref<640xf32, #tpu.memory_space<vmem>>
    %dma_start3A_626 = tpu.memref_slice %arg17[%dma_start3A_621, %add3A_620] : memref<16x30720xf32, #tpu.memory_space<vmem_shared>> -> memref<1x640xf32, #tpu.memory_space<vmem_shared>>
    %dma_start3A_627 = tpu.memref_squeeze %dma_start3A_626 : memref<1x640xf32, #tpu.memory_space<vmem_shared>> -> memref<640xf32, #tpu.memory_space<vmem_shared>>
    %dma_start3A_628 = arith.constant 0 : i32
    %dma_start3A_629 = tpu.memref_slice %arg13[%dma_start3A_622, %dma_start3A_628] : memref<48x640xf32, #tpu.memory_space<vmem>> -> memref<1x640xf32, #tpu.memory_space<vmem>>
    %dma_start3A_630 = tpu.memref_squeeze %dma_start3A_629 : memref<1x640xf32, #tpu.memory_space<vmem>> -> memref<640xf32, #tpu.memory_space<vmem>>
    %dma_start3A_631 = tpu.memref_slice %arg17[%dma_start3A_621, %add3A_620] : memref<16x30720xf32, #tpu.memory_space<vmem_shared>> -> memref<1x640xf32, #tpu.memory_space<vmem_shared>>
    %dma_start3A_632 = tpu.memref_squeeze %dma_start3A_631 : memref<1x640xf32, #tpu.memory_space<vmem_shared>> -> memref<640xf32, #tpu.memory_space<vmem_shared>>
    tpu.enqueue_dma source(%dma_start3A_632 : memref<640xf32, #tpu.memory_space<vmem_shared>>) target(%dma_start3A_630 : memref<640xf32, #tpu.memory_space<vmem>>) target_semaphore(%arg19 : memref<!tpu.dma_semaphore, #tpu.memory_space<semaphore_mem>>)
    %add3A_633 = arith.constant 0 : i32
    %add3A_634 = arith.addi %add3A_633, %mul3A_86 : i32
    %dma_start3A_635 = arith.constant 13 : i32
    %dma_start3A_636 = arith.constant 39 : i32
    %dma_start3A_637 = arith.constant 0 : i32
    %dma_start3A_638 = tpu.memref_slice %arg13[%dma_start3A_636, %dma_start3A_637] : memref<48x640xf32, #tpu.memory_space<vmem>> -> memref<1x640xf32, #tpu.memory_space<vmem>>
    %dma_start3A_639 = tpu.memref_squeeze %dma_start3A_638 : memref<1x640xf32, #tpu.memory_space<vmem>> -> memref<640xf32, #tpu.memory_space<vmem>>
    %dma_start3A_640 = tpu.memref_slice %arg17[%dma_start3A_635, %add3A_634] : memref<16x30720xf32, #tpu.memory_space<vmem_shared>> -> memref<1x640xf32, #tpu.memory_space<vmem_shared>>
    %dma_start3A_641 = tpu.memref_squeeze %dma_start3A_640 : memref<1x640xf32, #tpu.memory_space<vmem_shared>> -> memref<640xf32, #tpu.memory_space<vmem_shared>>
    %dma_start3A_642 = arith.constant 0 : i32
    %dma_start3A_643 = tpu.memref_slice %arg13[%dma_start3A_636, %dma_start3A_642] : memref<48x640xf32, #tpu.memory_space<vmem>> -> memref<1x640xf32, #tpu.memory_space<vmem>>
    %dma_start3A_644 = tpu.memref_squeeze %dma_start3A_643 : memref<1x640xf32, #tpu.memory_space<vmem>> -> memref<640xf32, #tpu.memory_space<vmem>>
    %dma_start3A_645 = tpu.memref_slice %arg17[%dma_start3A_635, %add3A_634] : memref<16x30720xf32, #tpu.memory_space<vmem_shared>> -> memref<1x640xf32, #tpu.memory_space<vmem_shared>>
    %dma_start3A_646 = tpu.memref_squeeze %dma_start3A_645 : memref<1x640xf32, #tpu.memory_space<vmem_shared>> -> memref<640xf32, #tpu.memory_space<vmem_shared>>
    tpu.enqueue_dma source(%dma_start3A_646 : memref<640xf32, #tpu.memory_space<vmem_shared>>) target(%dma_start3A_644 : memref<640xf32, #tpu.memory_space<vmem>>) target_semaphore(%arg19 : memref<!tpu.dma_semaphore, #tpu.memory_space<semaphore_mem>>)
    %add3A_647 = arith.constant 10240 : i32
    %add3A_648 = arith.addi %add3A_647, %mul3A_86 : i32
    %dma_start3A_649 = arith.constant 13 : i32
    %dma_start3A_650 = arith.constant 40 : i32
    %dma_start3A_651 = arith.constant 0 : i32
    %dma_start3A_652 = tpu.memref_slice %arg13[%dma_start3A_650, %dma_start3A_651] : memref<48x640xf32, #tpu.memory_space<vmem>> -> memref<1x640xf32, #tpu.memory_space<vmem>>
    %dma_start3A_653 = tpu.memref_squeeze %dma_start3A_652 : memref<1x640xf32, #tpu.memory_space<vmem>> -> memref<640xf32, #tpu.memory_space<vmem>>
    %dma_start3A_654 = tpu.memref_slice %arg17[%dma_start3A_649, %add3A_648] : memref<16x30720xf32, #tpu.memory_space<vmem_shared>> -> memref<1x640xf32, #tpu.memory_space<vmem_shared>>
    %dma_start3A_655 = tpu.memref_squeeze %dma_start3A_654 : memref<1x640xf32, #tpu.memory_space<vmem_shared>> -> memref<640xf32, #tpu.memory_space<vmem_shared>>
    %dma_start3A_656 = arith.constant 0 : i32
    %dma_start3A_657 = tpu.memref_slice %arg13[%dma_start3A_650, %dma_start3A_656] : memref<48x640xf32, #tpu.memory_space<vmem>> -> memref<1x640xf32, #tpu.memory_space<vmem>>
    %dma_start3A_658 = tpu.memref_squeeze %dma_start3A_657 : memref<1x640xf32, #tpu.memory_space<vmem>> -> memref<640xf32, #tpu.memory_space<vmem>>
    %dma_start3A_659 = tpu.memref_slice %arg17[%dma_start3A_649, %add3A_648] : memref<16x30720xf32, #tpu.memory_space<vmem_shared>> -> memref<1x640xf32, #tpu.memory_space<vmem_shared>>
    %dma_start3A_660 = tpu.memref_squeeze %dma_start3A_659 : memref<1x640xf32, #tpu.memory_space<vmem_shared>> -> memref<640xf32, #tpu.memory_space<vmem_shared>>
    tpu.enqueue_dma source(%dma_start3A_660 : memref<640xf32, #tpu.memory_space<vmem_shared>>) target(%dma_start3A_658 : memref<640xf32, #tpu.memory_space<vmem>>) target_semaphore(%arg19 : memref<!tpu.dma_semaphore, #tpu.memory_space<semaphore_mem>>)
    %add3A_661 = arith.constant 20480 : i32
    %add3A_662 = arith.addi %add3A_661, %mul3A_86 : i32
    %dma_start3A_663 = arith.constant 13 : i32
    %dma_start3A_664 = arith.constant 41 : i32
    %dma_start3A_665 = arith.constant 0 : i32
    %dma_start3A_666 = tpu.memref_slice %arg13[%dma_start3A_664, %dma_start3A_665] : memref<48x640xf32, #tpu.memory_space<vmem>> -> memref<1x640xf32, #tpu.memory_space<vmem>>
    %dma_start3A_667 = tpu.memref_squeeze %dma_start3A_666 : memref<1x640xf32, #tpu.memory_space<vmem>> -> memref<640xf32, #tpu.memory_space<vmem>>
    %dma_start3A_668 = tpu.memref_slice %arg17[%dma_start3A_663, %add3A_662] : memref<16x30720xf32, #tpu.memory_space<vmem_shared>> -> memref<1x640xf32, #tpu.memory_space<vmem_shared>>
    %dma_start3A_669 = tpu.memref_squeeze %dma_start3A_668 : memref<1x640xf32, #tpu.memory_space<vmem_shared>> -> memref<640xf32, #tpu.memory_space<vmem_shared>>
    %dma_start3A_670 = arith.constant 0 : i32
    %dma_start3A_671 = tpu.memref_slice %arg13[%dma_start3A_664, %dma_start3A_670] : memref<48x640xf32, #tpu.memory_space<vmem>> -> memref<1x640xf32, #tpu.memory_space<vmem>>
    %dma_start3A_672 = tpu.memref_squeeze %dma_start3A_671 : memref<1x640xf32, #tpu.memory_space<vmem>> -> memref<640xf32, #tpu.memory_space<vmem>>
    %dma_start3A_673 = tpu.memref_slice %arg17[%dma_start3A_663, %add3A_662] : memref<16x30720xf32, #tpu.memory_space<vmem_shared>> -> memref<1x640xf32, #tpu.memory_space<vmem_shared>>
    %dma_start3A_674 = tpu.memref_squeeze %dma_start3A_673 : memref<1x640xf32, #tpu.memory_space<vmem_shared>> -> memref<640xf32, #tpu.memory_space<vmem_shared>>
    tpu.enqueue_dma source(%dma_start3A_674 : memref<640xf32, #tpu.memory_space<vmem_shared>>) target(%dma_start3A_672 : memref<640xf32, #tpu.memory_space<vmem>>) target_semaphore(%arg19 : memref<!tpu.dma_semaphore, #tpu.memory_space<semaphore_mem>>)
    %add3A_675 = arith.constant 0 : i32
    %add3A_676 = arith.addi %add3A_675, %mul3A_86 : i32
    %dma_start3A_677 = arith.constant 14 : i32
    %dma_start3A_678 = arith.constant 42 : i32
    %dma_start3A_679 = arith.constant 0 : i32
    %dma_start3A_680 = tpu.memref_slice %arg13[%dma_start3A_678, %dma_start3A_679] : memref<48x640xf32, #tpu.memory_space<vmem>> -> memref<1x640xf32, #tpu.memory_space<vmem>>
    %dma_start3A_681 = tpu.memref_squeeze %dma_start3A_680 : memref<1x640xf32, #tpu.memory_space<vmem>> -> memref<640xf32, #tpu.memory_space<vmem>>
    %dma_start3A_682 = tpu.memref_slice %arg17[%dma_start3A_677, %add3A_676] : memref<16x30720xf32, #tpu.memory_space<vmem_shared>> -> memref<1x640xf32, #tpu.memory_space<vmem_shared>>
    %dma_start3A_683 = tpu.memref_squeeze %dma_start3A_682 : memref<1x640xf32, #tpu.memory_space<vmem_shared>> -> memref<640xf32, #tpu.memory_space<vmem_shared>>
    %dma_start3A_684 = arith.constant 0 : i32
    %dma_start3A_685 = tpu.memref_slice %arg13[%dma_start3A_678, %dma_start3A_684] : memref<48x640xf32, #tpu.memory_space<vmem>> -> memref<1x640xf32, #tpu.memory_space<vmem>>
    %dma_start3A_686 = tpu.memref_squeeze %dma_start3A_685 : memref<1x640xf32, #tpu.memory_space<vmem>> -> memref<640xf32, #tpu.memory_space<vmem>>
    %dma_start3A_687 = tpu.memref_slice %arg17[%dma_start3A_677, %add3A_676] : memref<16x30720xf32, #tpu.memory_space<vmem_shared>> -> memref<1x640xf32, #tpu.memory_space<vmem_shared>>
    %dma_start3A_688 = tpu.memref_squeeze %dma_start3A_687 : memref<1x640xf32, #tpu.memory_space<vmem_shared>> -> memref<640xf32, #tpu.memory_space<vmem_shared>>
    tpu.enqueue_dma source(%dma_start3A_688 : memref<640xf32, #tpu.memory_space<vmem_shared>>) target(%dma_start3A_686 : memref<640xf32, #tpu.memory_space<vmem>>) target_semaphore(%arg19 : memref<!tpu.dma_semaphore, #tpu.memory_space<semaphore_mem>>)
    %add3A_689 = arith.constant 10240 : i32
    %add3A_690 = arith.addi %add3A_689, %mul3A_86 : i32
    %dma_start3A_691 = arith.constant 14 : i32
    %dma_start3A_692 = arith.constant 43 : i32
    %dma_start3A_693 = arith.constant 0 : i32
    %dma_start3A_694 = tpu.memref_slice %arg13[%dma_start3A_692, %dma_start3A_693] : memref<48x640xf32, #tpu.memory_space<vmem>> -> memref<1x640xf32, #tpu.memory_space<vmem>>
    %dma_start3A_695 = tpu.memref_squeeze %dma_start3A_694 : memref<1x640xf32, #tpu.memory_space<vmem>> -> memref<640xf32, #tpu.memory_space<vmem>>
    %dma_start3A_696 = tpu.memref_slice %arg17[%dma_start3A_691, %add3A_690] : memref<16x30720xf32, #tpu.memory_space<vmem_shared>> -> memref<1x640xf32, #tpu.memory_space<vmem_shared>>
    %dma_start3A_697 = tpu.memref_squeeze %dma_start3A_696 : memref<1x640xf32, #tpu.memory_space<vmem_shared>> -> memref<640xf32, #tpu.memory_space<vmem_shared>>
    %dma_start3A_698 = arith.constant 0 : i32
    %dma_start3A_699 = tpu.memref_slice %arg13[%dma_start3A_692, %dma_start3A_698] : memref<48x640xf32, #tpu.memory_space<vmem>> -> memref<1x640xf32, #tpu.memory_space<vmem>>
    %dma_start3A_700 = tpu.memref_squeeze %dma_start3A_699 : memref<1x640xf32, #tpu.memory_space<vmem>> -> memref<640xf32, #tpu.memory_space<vmem>>
    %dma_start3A_701 = tpu.memref_slice %arg17[%dma_start3A_691, %add3A_690] : memref<16x30720xf32, #tpu.memory_space<vmem_shared>> -> memref<1x640xf32, #tpu.memory_space<vmem_shared>>
    %dma_start3A_702 = tpu.memref_squeeze %dma_start3A_701 : memref<1x640xf32, #tpu.memory_space<vmem_shared>> -> memref<640xf32, #tpu.memory_space<vmem_shared>>
    tpu.enqueue_dma source(%dma_start3A_702 : memref<640xf32, #tpu.memory_space<vmem_shared>>) target(%dma_start3A_700 : memref<640xf32, #tpu.memory_space<vmem>>) target_semaphore(%arg19 : memref<!tpu.dma_semaphore, #tpu.memory_space<semaphore_mem>>)
    %add3A_703 = arith.constant 20480 : i32
    %add3A_704 = arith.addi %add3A_703, %mul3A_86 : i32
    %dma_start3A_705 = arith.constant 14 : i32
    %dma_start3A_706 = arith.constant 44 : i32
    %dma_start3A_707 = arith.constant 0 : i32
    %dma_start3A_708 = tpu.memref_slice %arg13[%dma_start3A_706, %dma_start3A_707] : memref<48x640xf32, #tpu.memory_space<vmem>> -> memref<1x640xf32, #tpu.memory_space<vmem>>
    %dma_start3A_709 = tpu.memref_squeeze %dma_start3A_708 : memref<1x640xf32, #tpu.memory_space<vmem>> -> memref<640xf32, #tpu.memory_space<vmem>>
    %dma_start3A_710 = tpu.memref_slice %arg17[%dma_start3A_705, %add3A_704] : memref<16x30720xf32, #tpu.memory_space<vmem_shared>> -> memref<1x640xf32, #tpu.memory_space<vmem_shared>>
    %dma_start3A_711 = tpu.memref_squeeze %dma_start3A_710 : memref<1x640xf32, #tpu.memory_space<vmem_shared>> -> memref<640xf32, #tpu.memory_space<vmem_shared>>
    %dma_start3A_712 = arith.constant 0 : i32
    %dma_start3A_713 = tpu.memref_slice %arg13[%dma_start3A_706, %dma_start3A_712] : memref<48x640xf32, #tpu.memory_space<vmem>> -> memref<1x640xf32, #tpu.memory_space<vmem>>
    %dma_start3A_714 = tpu.memref_squeeze %dma_start3A_713 : memref<1x640xf32, #tpu.memory_space<vmem>> -> memref<640xf32, #tpu.memory_space<vmem>>
    %dma_start3A_715 = tpu.memref_slice %arg17[%dma_start3A_705, %add3A_704] : memref<16x30720xf32, #tpu.memory_space<vmem_shared>> -> memref<1x640xf32, #tpu.memory_space<vmem_shared>>
    %dma_start3A_716 = tpu.memref_squeeze %dma_start3A_715 : memref<1x640xf32, #tpu.memory_space<vmem_shared>> -> memref<640xf32, #tpu.memory_space<vmem_shared>>
    tpu.enqueue_dma source(%dma_start3A_716 : memref<640xf32, #tpu.memory_space<vmem_shared>>) target(%dma_start3A_714 : memref<640xf32, #tpu.memory_space<vmem>>) target_semaphore(%arg19 : memref<!tpu.dma_semaphore, #tpu.memory_space<semaphore_mem>>)
    %add3A_717 = arith.constant 0 : i32
    %add3A_718 = arith.addi %add3A_717, %mul3A_86 : i32
    %dma_start3A_719 = arith.constant 15 : i32
    %dma_start3A_720 = arith.constant 45 : i32
    %dma_start3A_721 = arith.constant 0 : i32
    %dma_start3A_722 = tpu.memref_slice %arg13[%dma_start3A_720, %dma_start3A_721] : memref<48x640xf32, #tpu.memory_space<vmem>> -> memref<1x640xf32, #tpu.memory_space<vmem>>
    %dma_start3A_723 = tpu.memref_squeeze %dma_start3A_722 : memref<1x640xf32, #tpu.memory_space<vmem>> -> memref<640xf32, #tpu.memory_space<vmem>>
    %dma_start3A_724 = tpu.memref_slice %arg17[%dma_start3A_719, %add3A_718] : memref<16x30720xf32, #tpu.memory_space<vmem_shared>> -> memref<1x640xf32, #tpu.memory_space<vmem_shared>>
    %dma_start3A_725 = tpu.memref_squeeze %dma_start3A_724 : memref<1x640xf32, #tpu.memory_space<vmem_shared>> -> memref<640xf32, #tpu.memory_space<vmem_shared>>
    %dma_start3A_726 = arith.constant 0 : i32
    %dma_start3A_727 = tpu.memref_slice %arg13[%dma_start3A_720, %dma_start3A_726] : memref<48x640xf32, #tpu.memory_space<vmem>> -> memref<1x640xf32, #tpu.memory_space<vmem>>
    %dma_start3A_728 = tpu.memref_squeeze %dma_start3A_727 : memref<1x640xf32, #tpu.memory_space<vmem>> -> memref<640xf32, #tpu.memory_space<vmem>>
    %dma_start3A_729 = tpu.memref_slice %arg17[%dma_start3A_719, %add3A_718] : memref<16x30720xf32, #tpu.memory_space<vmem_shared>> -> memref<1x640xf32, #tpu.memory_space<vmem_shared>>
    %dma_start3A_730 = tpu.memref_squeeze %dma_start3A_729 : memref<1x640xf32, #tpu.memory_space<vmem_shared>> -> memref<640xf32, #tpu.memory_space<vmem_shared>>
    tpu.enqueue_dma source(%dma_start3A_730 : memref<640xf32, #tpu.memory_space<vmem_shared>>) target(%dma_start3A_728 : memref<640xf32, #tpu.memory_space<vmem>>) target_semaphore(%arg19 : memref<!tpu.dma_semaphore, #tpu.memory_space<semaphore_mem>>)
    %add3A_731 = arith.constant 10240 : i32
    %add3A_732 = arith.addi %add3A_731, %mul3A_86 : i32
    %dma_start3A_733 = arith.constant 15 : i32
    %dma_start3A_734 = arith.constant 46 : i32
    %dma_start3A_735 = arith.constant 0 : i32
    %dma_start3A_736 = tpu.memref_slice %arg13[%dma_start3A_734, %dma_start3A_735] : memref<48x640xf32, #tpu.memory_space<vmem>> -> memref<1x640xf32, #tpu.memory_space<vmem>>
    %dma_start3A_737 = tpu.memref_squeeze %dma_start3A_736 : memref<1x640xf32, #tpu.memory_space<vmem>> -> memref<640xf32, #tpu.memory_space<vmem>>
    %dma_start3A_738 = tpu.memref_slice %arg17[%dma_start3A_733, %add3A_732] : memref<16x30720xf32, #tpu.memory_space<vmem_shared>> -> memref<1x640xf32, #tpu.memory_space<vmem_shared>>
    %dma_start3A_739 = tpu.memref_squeeze %dma_start3A_738 : memref<1x640xf32, #tpu.memory_space<vmem_shared>> -> memref<640xf32, #tpu.memory_space<vmem_shared>>
    %dma_start3A_740 = arith.constant 0 : i32
    %dma_start3A_741 = tpu.memref_slice %arg13[%dma_start3A_734, %dma_start3A_740] : memref<48x640xf32, #tpu.memory_space<vmem>> -> memref<1x640xf32, #tpu.memory_space<vmem>>
    %dma_start3A_742 = tpu.memref_squeeze %dma_start3A_741 : memref<1x640xf32, #tpu.memory_space<vmem>> -> memref<640xf32, #tpu.memory_space<vmem>>
    %dma_start3A_743 = tpu.memref_slice %arg17[%dma_start3A_733, %add3A_732] : memref<16x30720xf32, #tpu.memory_space<vmem_shared>> -> memref<1x640xf32, #tpu.memory_space<vmem_shared>>
    %dma_start3A_744 = tpu.memref_squeeze %dma_start3A_743 : memref<1x640xf32, #tpu.memory_space<vmem_shared>> -> memref<640xf32, #tpu.memory_space<vmem_shared>>
    tpu.enqueue_dma source(%dma_start3A_744 : memref<640xf32, #tpu.memory_space<vmem_shared>>) target(%dma_start3A_742 : memref<640xf32, #tpu.memory_space<vmem>>) target_semaphore(%arg19 : memref<!tpu.dma_semaphore, #tpu.memory_space<semaphore_mem>>)
    %add3A_745 = arith.constant 20480 : i32
    %add3A_746 = arith.addi %add3A_745, %mul3A_86 : i32
    %dma_start3A_747 = arith.constant 15 : i32
    %dma_start3A_748 = arith.constant 47 : i32
    %dma_start3A_749 = arith.constant 0 : i32
    %dma_start3A_750 = tpu.memref_slice %arg13[%dma_start3A_748, %dma_start3A_749] : memref<48x640xf32, #tpu.memory_space<vmem>> -> memref<1x640xf32, #tpu.memory_space<vmem>>
    %dma_start3A_751 = tpu.memref_squeeze %dma_start3A_750 : memref<1x640xf32, #tpu.memory_space<vmem>> -> memref<640xf32, #tpu.memory_space<vmem>>
    %dma_start3A_752 = tpu.memref_slice %arg17[%dma_start3A_747, %add3A_746] : memref<16x30720xf32, #tpu.memory_space<vmem_shared>> -> memref<1x640xf32, #tpu.memory_space<vmem_shared>>
    %dma_start3A_753 = tpu.memref_squeeze %dma_start3A_752 : memref<1x640xf32, #tpu.memory_space<vmem_shared>> -> memref<640xf32, #tpu.memory_space<vmem_shared>>
    %dma_start3A_754 = arith.constant 0 : i32
    %dma_start3A_755 = tpu.memref_slice %arg13[%dma_start3A_748, %dma_start3A_754] : memref<48x640xf32, #tpu.memory_space<vmem>> -> memref<1x640xf32, #tpu.memory_space<vmem>>
    %dma_start3A_756 = tpu.memref_squeeze %dma_start3A_755 : memref<1x640xf32, #tpu.memory_space<vmem>> -> memref<640xf32, #tpu.memory_space<vmem>>
    %dma_start3A_757 = tpu.memref_slice %arg17[%dma_start3A_747, %add3A_746] : memref<16x30720xf32, #tpu.memory_space<vmem_shared>> -> memref<1x640xf32, #tpu.memory_space<vmem_shared>>
    %dma_start3A_758 = tpu.memref_squeeze %dma_start3A_757 : memref<1x640xf32, #tpu.memory_space<vmem_shared>> -> memref<640xf32, #tpu.memory_space<vmem_shared>>
    tpu.enqueue_dma source(%dma_start3A_758 : memref<640xf32, #tpu.memory_space<vmem_shared>>) target(%dma_start3A_756 : memref<640xf32, #tpu.memory_space<vmem>>) target_semaphore(%arg19 : memref<!tpu.dma_semaphore, #tpu.memory_space<semaphore_mem>>)
    %dma_wait3A_759 = arith.constant 0 : i32
    %dma_wait3A_760 = arith.constant 0 : i32
    %dma_wait3A_761 = arith.constant 0 : i32
    %dma_wait3A_762 = tpu.memref_slice %arg13[%dma_wait3A_760, %dma_wait3A_761] : memref<48x640xf32, #tpu.memory_space<vmem>> -> memref<1x640xf32, #tpu.memory_space<vmem>>
    %dma_wait3A_763 = tpu.memref_squeeze %dma_wait3A_762 : memref<1x640xf32, #tpu.memory_space<vmem>> -> memref<640xf32, #tpu.memory_space<vmem>>
    %dma_wait3A_764 = tpu.memref_slice %arg17[%dma_wait3A_759, %add3A_88] : memref<16x30720xf32, #tpu.memory_space<vmem_shared>> -> memref<1x640xf32, #tpu.memory_space<vmem_shared>>
    %dma_wait3A_765 = tpu.memref_squeeze %dma_wait3A_764 : memref<1x640xf32, #tpu.memory_space<vmem_shared>> -> memref<640xf32, #tpu.memory_space<vmem_shared>>
    %dma_wait3A_766 = arith.constant 0 : i32
    %dma_wait3A_767 = tpu.memref_slice %arg13[%dma_wait3A_760, %dma_wait3A_766] : memref<48x640xf32, #tpu.memory_space<vmem>> -> memref<1x640xf32, #tpu.memory_space<vmem>>
    %dma_wait3A_768 = tpu.memref_squeeze %dma_wait3A_767 : memref<1x640xf32, #tpu.memory_space<vmem>> -> memref<640xf32, #tpu.memory_space<vmem>>
    %dma_wait3A_769 = tpu.memref_slice %arg17[%dma_wait3A_759, %add3A_88] : memref<16x30720xf32, #tpu.memory_space<vmem_shared>> -> memref<1x640xf32, #tpu.memory_space<vmem_shared>>
    %dma_wait3A_770 = tpu.memref_squeeze %dma_wait3A_769 : memref<1x640xf32, #tpu.memory_space<vmem_shared>> -> memref<640xf32, #tpu.memory_space<vmem_shared>>
    tpu.wait_dma2 semaphore(%arg19 : memref<!tpu.dma_semaphore, #tpu.memory_space<semaphore_mem>>) src(%dma_wait3A_770 : memref<640xf32, #tpu.memory_space<vmem_shared>>) dst(%dma_wait3A_768 : memref<640xf32, #tpu.memory_space<vmem>>)
    %dma_wait3A_771 = arith.constant 0 : i32
    %dma_wait3A_772 = arith.constant 1 : i32
    %dma_wait3A_773 = arith.constant 0 : i32
    %dma_wait3A_774 = tpu.memref_slice %arg13[%dma_wait3A_772, %dma_wait3A_773] : memref<48x640xf32, #tpu.memory_space<vmem>> -> memref<1x640xf32, #tpu.memory_space<vmem>>
    %dma_wait3A_775 = tpu.memref_squeeze %dma_wait3A_774 : memref<1x640xf32, #tpu.memory_space<vmem>> -> memref<640xf32, #tpu.memory_space<vmem>>
    %dma_wait3A_776 = tpu.memref_slice %arg17[%dma_wait3A_771, %add3A_102] : memref<16x30720xf32, #tpu.memory_space<vmem_shared>> -> memref<1x640xf32, #tpu.memory_space<vmem_shared>>
    %dma_wait3A_777 = tpu.memref_squeeze %dma_wait3A_776 : memref<1x640xf32, #tpu.memory_space<vmem_shared>> -> memref<640xf32, #tpu.memory_space<vmem_shared>>
    %dma_wait3A_778 = arith.constant 0 : i32
    %dma_wait3A_779 = tpu.memref_slice %arg13[%dma_wait3A_772, %dma_wait3A_778] : memref<48x640xf32, #tpu.memory_space<vmem>> -> memref<1x640xf32, #tpu.memory_space<vmem>>
    %dma_wait3A_780 = tpu.memref_squeeze %dma_wait3A_779 : memref<1x640xf32, #tpu.memory_space<vmem>> -> memref<640xf32, #tpu.memory_space<vmem>>
    %dma_wait3A_781 = tpu.memref_slice %arg17[%dma_wait3A_771, %add3A_102] : memref<16x30720xf32, #tpu.memory_space<vmem_shared>> -> memref<1x640xf32, #tpu.memory_space<vmem_shared>>
    %dma_wait3A_782 = tpu.memref_squeeze %dma_wait3A_781 : memref<1x640xf32, #tpu.memory_space<vmem_shared>> -> memref<640xf32, #tpu.memory_space<vmem_shared>>
    tpu.wait_dma2 semaphore(%arg19 : memref<!tpu.dma_semaphore, #tpu.memory_space<semaphore_mem>>) src(%dma_wait3A_782 : memref<640xf32, #tpu.memory_space<vmem_shared>>) dst(%dma_wait3A_780 : memref<640xf32, #tpu.memory_space<vmem>>)
    %dma_wait3A_783 = arith.constant 0 : i32
    %dma_wait3A_784 = arith.constant 2 : i32
    %dma_wait3A_785 = arith.constant 0 : i32
    %dma_wait3A_786 = tpu.memref_slice %arg13[%dma_wait3A_784, %dma_wait3A_785] : memref<48x640xf32, #tpu.memory_space<vmem>> -> memref<1x640xf32, #tpu.memory_space<vmem>>
    %dma_wait3A_787 = tpu.memref_squeeze %dma_wait3A_786 : memref<1x640xf32, #tpu.memory_space<vmem>> -> memref<640xf32, #tpu.memory_space<vmem>>
    %dma_wait3A_788 = tpu.memref_slice %arg17[%dma_wait3A_783, %add3A_116] : memref<16x30720xf32, #tpu.memory_space<vmem_shared>> -> memref<1x640xf32, #tpu.memory_space<vmem_shared>>
    %dma_wait3A_789 = tpu.memref_squeeze %dma_wait3A_788 : memref<1x640xf32, #tpu.memory_space<vmem_shared>> -> memref<640xf32, #tpu.memory_space<vmem_shared>>
    %dma_wait3A_790 = arith.constant 0 : i32
    %dma_wait3A_791 = tpu.memref_slice %arg13[%dma_wait3A_784, %dma_wait3A_790] : memref<48x640xf32, #tpu.memory_space<vmem>> -> memref<1x640xf32, #tpu.memory_space<vmem>>
    %dma_wait3A_792 = tpu.memref_squeeze %dma_wait3A_791 : memref<1x640xf32, #tpu.memory_space<vmem>> -> memref<640xf32, #tpu.memory_space<vmem>>
    %dma_wait3A_793 = tpu.memref_slice %arg17[%dma_wait3A_783, %add3A_116] : memref<16x30720xf32, #tpu.memory_space<vmem_shared>> -> memref<1x640xf32, #tpu.memory_space<vmem_shared>>
    %dma_wait3A_794 = tpu.memref_squeeze %dma_wait3A_793 : memref<1x640xf32, #tpu.memory_space<vmem_shared>> -> memref<640xf32, #tpu.memory_space<vmem_shared>>
    tpu.wait_dma2 semaphore(%arg19 : memref<!tpu.dma_semaphore, #tpu.memory_space<semaphore_mem>>) src(%dma_wait3A_794 : memref<640xf32, #tpu.memory_space<vmem_shared>>) dst(%dma_wait3A_792 : memref<640xf32, #tpu.memory_space<vmem>>)
    %dma_wait3A_795 = arith.constant 1 : i32
    %dma_wait3A_796 = arith.constant 3 : i32
    %dma_wait3A_797 = arith.constant 0 : i32
    %dma_wait3A_798 = tpu.memref_slice %arg13[%dma_wait3A_796, %dma_wait3A_797] : memref<48x640xf32, #tpu.memory_space<vmem>> -> memref<1x640xf32, #tpu.memory_space<vmem>>
    %dma_wait3A_799 = tpu.memref_squeeze %dma_wait3A_798 : memref<1x640xf32, #tpu.memory_space<vmem>> -> memref<640xf32, #tpu.memory_space<vmem>>
    %dma_wait3A_800 = tpu.memref_slice %arg17[%dma_wait3A_795, %add3A_130] : memref<16x30720xf32, #tpu.memory_space<vmem_shared>> -> memref<1x640xf32, #tpu.memory_space<vmem_shared>>
    %dma_wait3A_801 = tpu.memref_squeeze %dma_wait3A_800 : memref<1x640xf32, #tpu.memory_space<vmem_shared>> -> memref<640xf32, #tpu.memory_space<vmem_shared>>
    %dma_wait3A_802 = arith.constant 0 : i32
    %dma_wait3A_803 = tpu.memref_slice %arg13[%dma_wait3A_796, %dma_wait3A_802] : memref<48x640xf32, #tpu.memory_space<vmem>> -> memref<1x640xf32, #tpu.memory_space<vmem>>
    %dma_wait3A_804 = tpu.memref_squeeze %dma_wait3A_803 : memref<1x640xf32, #tpu.memory_space<vmem>> -> memref<640xf32, #tpu.memory_space<vmem>>
    %dma_wait3A_805 = tpu.memref_slice %arg17[%dma_wait3A_795, %add3A_130] : memref<16x30720xf32, #tpu.memory_space<vmem_shared>> -> memref<1x640xf32, #tpu.memory_space<vmem_shared>>
    %dma_wait3A_806 = tpu.memref_squeeze %dma_wait3A_805 : memref<1x640xf32, #tpu.memory_space<vmem_shared>> -> memref<640xf32, #tpu.memory_space<vmem_shared>>
    tpu.wait_dma2 semaphore(%arg19 : memref<!tpu.dma_semaphore, #tpu.memory_space<semaphore_mem>>) src(%dma_wait3A_806 : memref<640xf32, #tpu.memory_space<vmem_shared>>) dst(%dma_wait3A_804 : memref<640xf32, #tpu.memory_space<vmem>>)
    %dma_wait3A_807 = arith.constant 1 : i32
    %dma_wait3A_808 = arith.constant 4 : i32
    %dma_wait3A_809 = arith.constant 0 : i32
    %dma_wait3A_810 = tpu.memref_slice %arg13[%dma_wait3A_808, %dma_wait3A_809] : memref<48x640xf32, #tpu.memory_space<vmem>> -> memref<1x640xf32, #tpu.memory_space<vmem>>
    %dma_wait3A_811 = tpu.memref_squeeze %dma_wait3A_810 : memref<1x640xf32, #tpu.memory_space<vmem>> -> memref<640xf32, #tpu.memory_space<vmem>>
    %dma_wait3A_812 = tpu.memref_slice %arg17[%dma_wait3A_807, %add3A_144] : memref<16x30720xf32, #tpu.memory_space<vmem_shared>> -> memref<1x640xf32, #tpu.memory_space<vmem_shared>>
    %dma_wait3A_813 = tpu.memref_squeeze %dma_wait3A_812 : memref<1x640xf32, #tpu.memory_space<vmem_shared>> -> memref<640xf32, #tpu.memory_space<vmem_shared>>
    %dma_wait3A_814 = arith.constant 0 : i32
    %dma_wait3A_815 = tpu.memref_slice %arg13[%dma_wait3A_808, %dma_wait3A_814] : memref<48x640xf32, #tpu.memory_space<vmem>> -> memref<1x640xf32, #tpu.memory_space<vmem>>
    %dma_wait3A_816 = tpu.memref_squeeze %dma_wait3A_815 : memref<1x640xf32, #tpu.memory_space<vmem>> -> memref<640xf32, #tpu.memory_space<vmem>>
    %dma_wait3A_817 = tpu.memref_slice %arg17[%dma_wait3A_807, %add3A_144] : memref<16x30720xf32, #tpu.memory_space<vmem_shared>> -> memref<1x640xf32, #tpu.memory_space<vmem_shared>>
    %dma_wait3A_818 = tpu.memref_squeeze %dma_wait3A_817 : memref<1x640xf32, #tpu.memory_space<vmem_shared>> -> memref<640xf32, #tpu.memory_space<vmem_shared>>
    tpu.wait_dma2 semaphore(%arg19 : memref<!tpu.dma_semaphore, #tpu.memory_space<semaphore_mem>>) src(%dma_wait3A_818 : memref<640xf32, #tpu.memory_space<vmem_shared>>) dst(%dma_wait3A_816 : memref<640xf32, #tpu.memory_space<vmem>>)
    %dma_wait3A_819 = arith.constant 1 : i32
    %dma_wait3A_820 = arith.constant 5 : i32
    %dma_wait3A_821 = arith.constant 0 : i32
    %dma_wait3A_822 = tpu.memref_slice %arg13[%dma_wait3A_820, %dma_wait3A_821] : memref<48x640xf32, #tpu.memory_space<vmem>> -> memref<1x640xf32, #tpu.memory_space<vmem>>
    %dma_wait3A_823 = tpu.memref_squeeze %dma_wait3A_822 : memref<1x640xf32, #tpu.memory_space<vmem>> -> memref<640xf32, #tpu.memory_space<vmem>>
    %dma_wait3A_824 = tpu.memref_slice %arg17[%dma_wait3A_819, %add3A_158] : memref<16x30720xf32, #tpu.memory_space<vmem_shared>> -> memref<1x640xf32, #tpu.memory_space<vmem_shared>>
    %dma_wait3A_825 = tpu.memref_squeeze %dma_wait3A_824 : memref<1x640xf32, #tpu.memory_space<vmem_shared>> -> memref<640xf32, #tpu.memory_space<vmem_shared>>
    %dma_wait3A_826 = arith.constant 0 : i32
    %dma_wait3A_827 = tpu.memref_slice %arg13[%dma_wait3A_820, %dma_wait3A_826] : memref<48x640xf32, #tpu.memory_space<vmem>> -> memref<1x640xf32, #tpu.memory_space<vmem>>
    %dma_wait3A_828 = tpu.memref_squeeze %dma_wait3A_827 : memref<1x640xf32, #tpu.memory_space<vmem>> -> memref<640xf32, #tpu.memory_space<vmem>>
    %dma_wait3A_829 = tpu.memref_slice %arg17[%dma_wait3A_819, %add3A_158] : memref<16x30720xf32, #tpu.memory_space<vmem_shared>> -> memref<1x640xf32, #tpu.memory_space<vmem_shared>>
    %dma_wait3A_830 = tpu.memref_squeeze %dma_wait3A_829 : memref<1x640xf32, #tpu.memory_space<vmem_shared>> -> memref<640xf32, #tpu.memory_space<vmem_shared>>
    tpu.wait_dma2 semaphore(%arg19 : memref<!tpu.dma_semaphore, #tpu.memory_space<semaphore_mem>>) src(%dma_wait3A_830 : memref<640xf32, #tpu.memory_space<vmem_shared>>) dst(%dma_wait3A_828 : memref<640xf32, #tpu.memory_space<vmem>>)
    %dma_wait3A_831 = arith.constant 2 : i32
    %dma_wait3A_832 = arith.constant 6 : i32
    %dma_wait3A_833 = arith.constant 0 : i32
    %dma_wait3A_834 = tpu.memref_slice %arg13[%dma_wait3A_832, %dma_wait3A_833] : memref<48x640xf32, #tpu.memory_space<vmem>> -> memref<1x640xf32, #tpu.memory_space<vmem>>
    %dma_wait3A_835 = tpu.memref_squeeze %dma_wait3A_834 : memref<1x640xf32, #tpu.memory_space<vmem>> -> memref<640xf32, #tpu.memory_space<vmem>>
    %dma_wait3A_836 = tpu.memref_slice %arg17[%dma_wait3A_831, %add3A_172] : memref<16x30720xf32, #tpu.memory_space<vmem_shared>> -> memref<1x640xf32, #tpu.memory_space<vmem_shared>>
    %dma_wait3A_837 = tpu.memref_squeeze %dma_wait3A_836 : memref<1x640xf32, #tpu.memory_space<vmem_shared>> -> memref<640xf32, #tpu.memory_space<vmem_shared>>
    %dma_wait3A_838 = arith.constant 0 : i32
    %dma_wait3A_839 = tpu.memref_slice %arg13[%dma_wait3A_832, %dma_wait3A_838] : memref<48x640xf32, #tpu.memory_space<vmem>> -> memref<1x640xf32, #tpu.memory_space<vmem>>
    %dma_wait3A_840 = tpu.memref_squeeze %dma_wait3A_839 : memref<1x640xf32, #tpu.memory_space<vmem>> -> memref<640xf32, #tpu.memory_space<vmem>>
    %dma_wait3A_841 = tpu.memref_slice %arg17[%dma_wait3A_831, %add3A_172] : memref<16x30720xf32, #tpu.memory_space<vmem_shared>> -> memref<1x640xf32, #tpu.memory_space<vmem_shared>>
    %dma_wait3A_842 = tpu.memref_squeeze %dma_wait3A_841 : memref<1x640xf32, #tpu.memory_space<vmem_shared>> -> memref<640xf32, #tpu.memory_space<vmem_shared>>
    tpu.wait_dma2 semaphore(%arg19 : memref<!tpu.dma_semaphore, #tpu.memory_space<semaphore_mem>>) src(%dma_wait3A_842 : memref<640xf32, #tpu.memory_space<vmem_shared>>) dst(%dma_wait3A_840 : memref<640xf32, #tpu.memory_space<vmem>>)
    %dma_wait3A_843 = arith.constant 2 : i32
    %dma_wait3A_844 = arith.constant 7 : i32
    %dma_wait3A_845 = arith.constant 0 : i32
    %dma_wait3A_846 = tpu.memref_slice %arg13[%dma_wait3A_844, %dma_wait3A_845] : memref<48x640xf32, #tpu.memory_space<vmem>> -> memref<1x640xf32, #tpu.memory_space<vmem>>
    %dma_wait3A_847 = tpu.memref_squeeze %dma_wait3A_846 : memref<1x640xf32, #tpu.memory_space<vmem>> -> memref<640xf32, #tpu.memory_space<vmem>>
    %dma_wait3A_848 = tpu.memref_slice %arg17[%dma_wait3A_843, %add3A_186] : memref<16x30720xf32, #tpu.memory_space<vmem_shared>> -> memref<1x640xf32, #tpu.memory_space<vmem_shared>>
    %dma_wait3A_849 = tpu.memref_squeeze %dma_wait3A_848 : memref<1x640xf32, #tpu.memory_space<vmem_shared>> -> memref<640xf32, #tpu.memory_space<vmem_shared>>
    %dma_wait3A_850 = arith.constant 0 : i32
    %dma_wait3A_851 = tpu.memref_slice %arg13[%dma_wait3A_844, %dma_wait3A_850] : memref<48x640xf32, #tpu.memory_space<vmem>> -> memref<1x640xf32, #tpu.memory_space<vmem>>
    %dma_wait3A_852 = tpu.memref_squeeze %dma_wait3A_851 : memref<1x640xf32, #tpu.memory_space<vmem>> -> memref<640xf32, #tpu.memory_space<vmem>>
    %dma_wait3A_853 = tpu.memref_slice %arg17[%dma_wait3A_843, %add3A_186] : memref<16x30720xf32, #tpu.memory_space<vmem_shared>> -> memref<1x640xf32, #tpu.memory_space<vmem_shared>>
    %dma_wait3A_854 = tpu.memref_squeeze %dma_wait3A_853 : memref<1x640xf32, #tpu.memory_space<vmem_shared>> -> memref<640xf32, #tpu.memory_space<vmem_shared>>
    tpu.wait_dma2 semaphore(%arg19 : memref<!tpu.dma_semaphore, #tpu.memory_space<semaphore_mem>>) src(%dma_wait3A_854 : memref<640xf32, #tpu.memory_space<vmem_shared>>) dst(%dma_wait3A_852 : memref<640xf32, #tpu.memory_space<vmem>>)
    %dma_wait3A_855 = arith.constant 2 : i32
    %dma_wait3A_856 = arith.constant 8 : i32
    %dma_wait3A_857 = arith.constant 0 : i32
    %dma_wait3A_858 = tpu.memref_slice %arg13[%dma_wait3A_856, %dma_wait3A_857] : memref<48x640xf32, #tpu.memory_space<vmem>> -> memref<1x640xf32, #tpu.memory_space<vmem>>
    %dma_wait3A_859 = tpu.memref_squeeze %dma_wait3A_858 : memref<1x640xf32, #tpu.memory_space<vmem>> -> memref<640xf32, #tpu.memory_space<vmem>>
    %dma_wait3A_860 = tpu.memref_slice %arg17[%dma_wait3A_855, %add3A_200] : memref<16x30720xf32, #tpu.memory_space<vmem_shared>> -> memref<1x640xf32, #tpu.memory_space<vmem_shared>>
    %dma_wait3A_861 = tpu.memref_squeeze %dma_wait3A_860 : memref<1x640xf32, #tpu.memory_space<vmem_shared>> -> memref<640xf32, #tpu.memory_space<vmem_shared>>
    %dma_wait3A_862 = arith.constant 0 : i32
    %dma_wait3A_863 = tpu.memref_slice %arg13[%dma_wait3A_856, %dma_wait3A_862] : memref<48x640xf32, #tpu.memory_space<vmem>> -> memref<1x640xf32, #tpu.memory_space<vmem>>
    %dma_wait3A_864 = tpu.memref_squeeze %dma_wait3A_863 : memref<1x640xf32, #tpu.memory_space<vmem>> -> memref<640xf32, #tpu.memory_space<vmem>>
    %dma_wait3A_865 = tpu.memref_slice %arg17[%dma_wait3A_855, %add3A_200] : memref<16x30720xf32, #tpu.memory_space<vmem_shared>> -> memref<1x640xf32, #tpu.memory_space<vmem_shared>>
    %dma_wait3A_866 = tpu.memref_squeeze %dma_wait3A_865 : memref<1x640xf32, #tpu.memory_space<vmem_shared>> -> memref<640xf32, #tpu.memory_space<vmem_shared>>
    tpu.wait_dma2 semaphore(%arg19 : memref<!tpu.dma_semaphore, #tpu.memory_space<semaphore_mem>>) src(%dma_wait3A_866 : memref<640xf32, #tpu.memory_space<vmem_shared>>) dst(%dma_wait3A_864 : memref<640xf32, #tpu.memory_space<vmem>>)
    %dma_wait3A_867 = arith.constant 3 : i32
    %dma_wait3A_868 = arith.constant 9 : i32
    %dma_wait3A_869 = arith.constant 0 : i32
    %dma_wait3A_870 = tpu.memref_slice %arg13[%dma_wait3A_868, %dma_wait3A_869] : memref<48x640xf32, #tpu.memory_space<vmem>> -> memref<1x640xf32, #tpu.memory_space<vmem>>
    %dma_wait3A_871 = tpu.memref_squeeze %dma_wait3A_870 : memref<1x640xf32, #tpu.memory_space<vmem>> -> memref<640xf32, #tpu.memory_space<vmem>>
    %dma_wait3A_872 = tpu.memref_slice %arg17[%dma_wait3A_867, %add3A_214] : memref<16x30720xf32, #tpu.memory_space<vmem_shared>> -> memref<1x640xf32, #tpu.memory_space<vmem_shared>>
    %dma_wait3A_873 = tpu.memref_squeeze %dma_wait3A_872 : memref<1x640xf32, #tpu.memory_space<vmem_shared>> -> memref<640xf32, #tpu.memory_space<vmem_shared>>
    %dma_wait3A_874 = arith.constant 0 : i32
    %dma_wait3A_875 = tpu.memref_slice %arg13[%dma_wait3A_868, %dma_wait3A_874] : memref<48x640xf32, #tpu.memory_space<vmem>> -> memref<1x640xf32, #tpu.memory_space<vmem>>
    %dma_wait3A_876 = tpu.memref_squeeze %dma_wait3A_875 : memref<1x640xf32, #tpu.memory_space<vmem>> -> memref<640xf32, #tpu.memory_space<vmem>>
    %dma_wait3A_877 = tpu.memref_slice %arg17[%dma_wait3A_867, %add3A_214] : memref<16x30720xf32, #tpu.memory_space<vmem_shared>> -> memref<1x640xf32, #tpu.memory_space<vmem_shared>>
    %dma_wait3A_878 = tpu.memref_squeeze %dma_wait3A_877 : memref<1x640xf32, #tpu.memory_space<vmem_shared>> -> memref<640xf32, #tpu.memory_space<vmem_shared>>
    tpu.wait_dma2 semaphore(%arg19 : memref<!tpu.dma_semaphore, #tpu.memory_space<semaphore_mem>>) src(%dma_wait3A_878 : memref<640xf32, #tpu.memory_space<vmem_shared>>) dst(%dma_wait3A_876 : memref<640xf32, #tpu.memory_space<vmem>>)
    %dma_wait3A_879 = arith.constant 3 : i32
    %dma_wait3A_880 = arith.constant 10 : i32
    %dma_wait3A_881 = arith.constant 0 : i32
    %dma_wait3A_882 = tpu.memref_slice %arg13[%dma_wait3A_880, %dma_wait3A_881] : memref<48x640xf32, #tpu.memory_space<vmem>> -> memref<1x640xf32, #tpu.memory_space<vmem>>
    %dma_wait3A_883 = tpu.memref_squeeze %dma_wait3A_882 : memref<1x640xf32, #tpu.memory_space<vmem>> -> memref<640xf32, #tpu.memory_space<vmem>>
    %dma_wait3A_884 = tpu.memref_slice %arg17[%dma_wait3A_879, %add3A_228] : memref<16x30720xf32, #tpu.memory_space<vmem_shared>> -> memref<1x640xf32, #tpu.memory_space<vmem_shared>>
    %dma_wait3A_885 = tpu.memref_squeeze %dma_wait3A_884 : memref<1x640xf32, #tpu.memory_space<vmem_shared>> -> memref<640xf32, #tpu.memory_space<vmem_shared>>
    %dma_wait3A_886 = arith.constant 0 : i32
    %dma_wait3A_887 = tpu.memref_slice %arg13[%dma_wait3A_880, %dma_wait3A_886] : memref<48x640xf32, #tpu.memory_space<vmem>> -> memref<1x640xf32, #tpu.memory_space<vmem>>
    %dma_wait3A_888 = tpu.memref_squeeze %dma_wait3A_887 : memref<1x640xf32, #tpu.memory_space<vmem>> -> memref<640xf32, #tpu.memory_space<vmem>>
    %dma_wait3A_889 = tpu.memref_slice %arg17[%dma_wait3A_879, %add3A_228] : memref<16x30720xf32, #tpu.memory_space<vmem_shared>> -> memref<1x640xf32, #tpu.memory_space<vmem_shared>>
    %dma_wait3A_890 = tpu.memref_squeeze %dma_wait3A_889 : memref<1x640xf32, #tpu.memory_space<vmem_shared>> -> memref<640xf32, #tpu.memory_space<vmem_shared>>
    tpu.wait_dma2 semaphore(%arg19 : memref<!tpu.dma_semaphore, #tpu.memory_space<semaphore_mem>>) src(%dma_wait3A_890 : memref<640xf32, #tpu.memory_space<vmem_shared>>) dst(%dma_wait3A_888 : memref<640xf32, #tpu.memory_space<vmem>>)
    %dma_wait3A_891 = arith.constant 3 : i32
    %dma_wait3A_892 = arith.constant 11 : i32
    %dma_wait3A_893 = arith.constant 0 : i32
    %dma_wait3A_894 = tpu.memref_slice %arg13[%dma_wait3A_892, %dma_wait3A_893] : memref<48x640xf32, #tpu.memory_space<vmem>> -> memref<1x640xf32, #tpu.memory_space<vmem>>
    %dma_wait3A_895 = tpu.memref_squeeze %dma_wait3A_894 : memref<1x640xf32, #tpu.memory_space<vmem>> -> memref<640xf32, #tpu.memory_space<vmem>>
    %dma_wait3A_896 = tpu.memref_slice %arg17[%dma_wait3A_891, %add3A_242] : memref<16x30720xf32, #tpu.memory_space<vmem_shared>> -> memref<1x640xf32, #tpu.memory_space<vmem_shared>>
    %dma_wait3A_897 = tpu.memref_squeeze %dma_wait3A_896 : memref<1x640xf32, #tpu.memory_space<vmem_shared>> -> memref<640xf32, #tpu.memory_space<vmem_shared>>
    %dma_wait3A_898 = arith.constant 0 : i32
    %dma_wait3A_899 = tpu.memref_slice %arg13[%dma_wait3A_892, %dma_wait3A_898] : memref<48x640xf32, #tpu.memory_space<vmem>> -> memref<1x640xf32, #tpu.memory_space<vmem>>
    %dma_wait3A_900 = tpu.memref_squeeze %dma_wait3A_899 : memref<1x640xf32, #tpu.memory_space<vmem>> -> memref<640xf32, #tpu.memory_space<vmem>>
    %dma_wait3A_901 = tpu.memref_slice %arg17[%dma_wait3A_891, %add3A_242] : memref<16x30720xf32, #tpu.memory_space<vmem_shared>> -> memref<1x640xf32, #tpu.memory_space<vmem_shared>>
    %dma_wait3A_902 = tpu.memref_squeeze %dma_wait3A_901 : memref<1x640xf32, #tpu.memory_space<vmem_shared>> -> memref<640xf32, #tpu.memory_space<vmem_shared>>
    tpu.wait_dma2 semaphore(%arg19 : memref<!tpu.dma_semaphore, #tpu.memory_space<semaphore_mem>>) src(%dma_wait3A_902 : memref<640xf32, #tpu.memory_space<vmem_shared>>) dst(%dma_wait3A_900 : memref<640xf32, #tpu.memory_space<vmem>>)
    %dma_wait3A_903 = arith.constant 4 : i32
    %dma_wait3A_904 = arith.constant 12 : i32
    %dma_wait3A_905 = arith.constant 0 : i32
    %dma_wait3A_906 = tpu.memref_slice %arg13[%dma_wait3A_904, %dma_wait3A_905] : memref<48x640xf32, #tpu.memory_space<vmem>> -> memref<1x640xf32, #tpu.memory_space<vmem>>
    %dma_wait3A_907 = tpu.memref_squeeze %dma_wait3A_906 : memref<1x640xf32, #tpu.memory_space<vmem>> -> memref<640xf32, #tpu.memory_space<vmem>>
    %dma_wait3A_908 = tpu.memref_slice %arg17[%dma_wait3A_903, %add3A_256] : memref<16x30720xf32, #tpu.memory_space<vmem_shared>> -> memref<1x640xf32, #tpu.memory_space<vmem_shared>>
    %dma_wait3A_909 = tpu.memref_squeeze %dma_wait3A_908 : memref<1x640xf32, #tpu.memory_space<vmem_shared>> -> memref<640xf32, #tpu.memory_space<vmem_shared>>
    %dma_wait3A_910 = arith.constant 0 : i32
    %dma_wait3A_911 = tpu.memref_slice %arg13[%dma_wait3A_904, %dma_wait3A_910] : memref<48x640xf32, #tpu.memory_space<vmem>> -> memref<1x640xf32, #tpu.memory_space<vmem>>
    %dma_wait3A_912 = tpu.memref_squeeze %dma_wait3A_911 : memref<1x640xf32, #tpu.memory_space<vmem>> -> memref<640xf32, #tpu.memory_space<vmem>>
    %dma_wait3A_913 = tpu.memref_slice %arg17[%dma_wait3A_903, %add3A_256] : memref<16x30720xf32, #tpu.memory_space<vmem_shared>> -> memref<1x640xf32, #tpu.memory_space<vmem_shared>>
    %dma_wait3A_914 = tpu.memref_squeeze %dma_wait3A_913 : memref<1x640xf32, #tpu.memory_space<vmem_shared>> -> memref<640xf32, #tpu.memory_space<vmem_shared>>
    tpu.wait_dma2 semaphore(%arg19 : memref<!tpu.dma_semaphore, #tpu.memory_space<semaphore_mem>>) src(%dma_wait3A_914 : memref<640xf32, #tpu.memory_space<vmem_shared>>) dst(%dma_wait3A_912 : memref<640xf32, #tpu.memory_space<vmem>>)
    %dma_wait3A_915 = arith.constant 4 : i32
    %dma_wait3A_916 = arith.constant 13 : i32
    %dma_wait3A_917 = arith.constant 0 : i32
    %dma_wait3A_918 = tpu.memref_slice %arg13[%dma_wait3A_916, %dma_wait3A_917] : memref<48x640xf32, #tpu.memory_space<vmem>> -> memref<1x640xf32, #tpu.memory_space<vmem>>
    %dma_wait3A_919 = tpu.memref_squeeze %dma_wait3A_918 : memref<1x640xf32, #tpu.memory_space<vmem>> -> memref<640xf32, #tpu.memory_space<vmem>>
    %dma_wait3A_920 = tpu.memref_slice %arg17[%dma_wait3A_915, %add3A_270] : memref<16x30720xf32, #tpu.memory_space<vmem_shared>> -> memref<1x640xf32, #tpu.memory_space<vmem_shared>>
    %dma_wait3A_921 = tpu.memref_squeeze %dma_wait3A_920 : memref<1x640xf32, #tpu.memory_space<vmem_shared>> -> memref<640xf32, #tpu.memory_space<vmem_shared>>
    %dma_wait3A_922 = arith.constant 0 : i32
    %dma_wait3A_923 = tpu.memref_slice %arg13[%dma_wait3A_916, %dma_wait3A_922] : memref<48x640xf32, #tpu.memory_space<vmem>> -> memref<1x640xf32, #tpu.memory_space<vmem>>
    %dma_wait3A_924 = tpu.memref_squeeze %dma_wait3A_923 : memref<1x640xf32, #tpu.memory_space<vmem>> -> memref<640xf32, #tpu.memory_space<vmem>>
    %dma_wait3A_925 = tpu.memref_slice %arg17[%dma_wait3A_915, %add3A_270] : memref<16x30720xf32, #tpu.memory_space<vmem_shared>> -> memref<1x640xf32, #tpu.memory_space<vmem_shared>>
    %dma_wait3A_926 = tpu.memref_squeeze %dma_wait3A_925 : memref<1x640xf32, #tpu.memory_space<vmem_shared>> -> memref<640xf32, #tpu.memory_space<vmem_shared>>
    tpu.wait_dma2 semaphore(%arg19 : memref<!tpu.dma_semaphore, #tpu.memory_space<semaphore_mem>>) src(%dma_wait3A_926 : memref<640xf32, #tpu.memory_space<vmem_shared>>) dst(%dma_wait3A_924 : memref<640xf32, #tpu.memory_space<vmem>>)
    %dma_wait3A_927 = arith.constant 4 : i32
    %dma_wait3A_928 = arith.constant 14 : i32
    %dma_wait3A_929 = arith.constant 0 : i32
    %dma_wait3A_930 = tpu.memref_slice %arg13[%dma_wait3A_928, %dma_wait3A_929] : memref<48x640xf32, #tpu.memory_space<vmem>> -> memref<1x640xf32, #tpu.memory_space<vmem>>
    %dma_wait3A_931 = tpu.memref_squeeze %dma_wait3A_930 : memref<1x640xf32, #tpu.memory_space<vmem>> -> memref<640xf32, #tpu.memory_space<vmem>>
    %dma_wait3A_932 = tpu.memref_slice %arg17[%dma_wait3A_927, %add3A_284] : memref<16x30720xf32, #tpu.memory_space<vmem_shared>> -> memref<1x640xf32, #tpu.memory_space<vmem_shared>>
    %dma_wait3A_933 = tpu.memref_squeeze %dma_wait3A_932 : memref<1x640xf32, #tpu.memory_space<vmem_shared>> -> memref<640xf32, #tpu.memory_space<vmem_shared>>
    %dma_wait3A_934 = arith.constant 0 : i32
    %dma_wait3A_935 = tpu.memref_slice %arg13[%dma_wait3A_928, %dma_wait3A_934] : memref<48x640xf32, #tpu.memory_space<vmem>> -> memref<1x640xf32, #tpu.memory_space<vmem>>
    %dma_wait3A_936 = tpu.memref_squeeze %dma_wait3A_935 : memref<1x640xf32, #tpu.memory_space<vmem>> -> memref<640xf32, #tpu.memory_space<vmem>>
    %dma_wait3A_937 = tpu.memref_slice %arg17[%dma_wait3A_927, %add3A_284] : memref<16x30720xf32, #tpu.memory_space<vmem_shared>> -> memref<1x640xf32, #tpu.memory_space<vmem_shared>>
    %dma_wait3A_938 = tpu.memref_squeeze %dma_wait3A_937 : memref<1x640xf32, #tpu.memory_space<vmem_shared>> -> memref<640xf32, #tpu.memory_space<vmem_shared>>
    tpu.wait_dma2 semaphore(%arg19 : memref<!tpu.dma_semaphore, #tpu.memory_space<semaphore_mem>>) src(%dma_wait3A_938 : memref<640xf32, #tpu.memory_space<vmem_shared>>) dst(%dma_wait3A_936 : memref<640xf32, #tpu.memory_space<vmem>>)
    %dma_wait3A_939 = arith.constant 5 : i32
    %dma_wait3A_940 = arith.constant 15 : i32
    %dma_wait3A_941 = arith.constant 0 : i32
    %dma_wait3A_942 = tpu.memref_slice %arg13[%dma_wait3A_940, %dma_wait3A_941] : memref<48x640xf32, #tpu.memory_space<vmem>> -> memref<1x640xf32, #tpu.memory_space<vmem>>
    %dma_wait3A_943 = tpu.memref_squeeze %dma_wait3A_942 : memref<1x640xf32, #tpu.memory_space<vmem>> -> memref<640xf32, #tpu.memory_space<vmem>>
    %dma_wait3A_944 = tpu.memref_slice %arg17[%dma_wait3A_939, %add3A_298] : memref<16x30720xf32, #tpu.memory_space<vmem_shared>> -> memref<1x640xf32, #tpu.memory_space<vmem_shared>>
    %dma_wait3A_945 = tpu.memref_squeeze %dma_wait3A_944 : memref<1x640xf32, #tpu.memory_space<vmem_shared>> -> memref<640xf32, #tpu.memory_space<vmem_shared>>
    %dma_wait3A_946 = arith.constant 0 : i32
    %dma_wait3A_947 = tpu.memref_slice %arg13[%dma_wait3A_940, %dma_wait3A_946] : memref<48x640xf32, #tpu.memory_space<vmem>> -> memref<1x640xf32, #tpu.memory_space<vmem>>
    %dma_wait3A_948 = tpu.memref_squeeze %dma_wait3A_947 : memref<1x640xf32, #tpu.memory_space<vmem>> -> memref<640xf32, #tpu.memory_space<vmem>>
    %dma_wait3A_949 = tpu.memref_slice %arg17[%dma_wait3A_939, %add3A_298] : memref<16x30720xf32, #tpu.memory_space<vmem_shared>> -> memref<1x640xf32, #tpu.memory_space<vmem_shared>>
    %dma_wait3A_950 = tpu.memref_squeeze %dma_wait3A_949 : memref<1x640xf32, #tpu.memory_space<vmem_shared>> -> memref<640xf32, #tpu.memory_space<vmem_shared>>
    tpu.wait_dma2 semaphore(%arg19 : memref<!tpu.dma_semaphore, #tpu.memory_space<semaphore_mem>>) src(%dma_wait3A_950 : memref<640xf32, #tpu.memory_space<vmem_shared>>) dst(%dma_wait3A_948 : memref<640xf32, #tpu.memory_space<vmem>>)
    %dma_wait3A_951 = arith.constant 5 : i32
    %dma_wait3A_952 = arith.constant 16 : i32
    %dma_wait3A_953 = arith.constant 0 : i32
    %dma_wait3A_954 = tpu.memref_slice %arg13[%dma_wait3A_952, %dma_wait3A_953] : memref<48x640xf32, #tpu.memory_space<vmem>> -> memref<1x640xf32, #tpu.memory_space<vmem>>
    %dma_wait3A_955 = tpu.memref_squeeze %dma_wait3A_954 : memref<1x640xf32, #tpu.memory_space<vmem>> -> memref<640xf32, #tpu.memory_space<vmem>>
    %dma_wait3A_956 = tpu.memref_slice %arg17[%dma_wait3A_951, %add3A_312] : memref<16x30720xf32, #tpu.memory_space<vmem_shared>> -> memref<1x640xf32, #tpu.memory_space<vmem_shared>>
    %dma_wait3A_957 = tpu.memref_squeeze %dma_wait3A_956 : memref<1x640xf32, #tpu.memory_space<vmem_shared>> -> memref<640xf32, #tpu.memory_space<vmem_shared>>
    %dma_wait3A_958 = arith.constant 0 : i32
    %dma_wait3A_959 = tpu.memref_slice %arg13[%dma_wait3A_952, %dma_wait3A_958] : memref<48x640xf32, #tpu.memory_space<vmem>> -> memref<1x640xf32, #tpu.memory_space<vmem>>
    %dma_wait3A_960 = tpu.memref_squeeze %dma_wait3A_959 : memref<1x640xf32, #tpu.memory_space<vmem>> -> memref<640xf32, #tpu.memory_space<vmem>>
    %dma_wait3A_961 = tpu.memref_slice %arg17[%dma_wait3A_951, %add3A_312] : memref<16x30720xf32, #tpu.memory_space<vmem_shared>> -> memref<1x640xf32, #tpu.memory_space<vmem_shared>>
    %dma_wait3A_962 = tpu.memref_squeeze %dma_wait3A_961 : memref<1x640xf32, #tpu.memory_space<vmem_shared>> -> memref<640xf32, #tpu.memory_space<vmem_shared>>
    tpu.wait_dma2 semaphore(%arg19 : memref<!tpu.dma_semaphore, #tpu.memory_space<semaphore_mem>>) src(%dma_wait3A_962 : memref<640xf32, #tpu.memory_space<vmem_shared>>) dst(%dma_wait3A_960 : memref<640xf32, #tpu.memory_space<vmem>>)
    %dma_wait3A_963 = arith.constant 5 : i32
    %dma_wait3A_964 = arith.constant 17 : i32
    %dma_wait3A_965 = arith.constant 0 : i32
    %dma_wait3A_966 = tpu.memref_slice %arg13[%dma_wait3A_964, %dma_wait3A_965] : memref<48x640xf32, #tpu.memory_space<vmem>> -> memref<1x640xf32, #tpu.memory_space<vmem>>
    %dma_wait3A_967 = tpu.memref_squeeze %dma_wait3A_966 : memref<1x640xf32, #tpu.memory_space<vmem>> -> memref<640xf32, #tpu.memory_space<vmem>>
    %dma_wait3A_968 = tpu.memref_slice %arg17[%dma_wait3A_963, %add3A_326] : memref<16x30720xf32, #tpu.memory_space<vmem_shared>> -> memref<1x640xf32, #tpu.memory_space<vmem_shared>>
    %dma_wait3A_969 = tpu.memref_squeeze %dma_wait3A_968 : memref<1x640xf32, #tpu.memory_space<vmem_shared>> -> memref<640xf32, #tpu.memory_space<vmem_shared>>
    %dma_wait3A_970 = arith.constant 0 : i32
    %dma_wait3A_971 = tpu.memref_slice %arg13[%dma_wait3A_964, %dma_wait3A_970] : memref<48x640xf32, #tpu.memory_space<vmem>> -> memref<1x640xf32, #tpu.memory_space<vmem>>
    %dma_wait3A_972 = tpu.memref_squeeze %dma_wait3A_971 : memref<1x640xf32, #tpu.memory_space<vmem>> -> memref<640xf32, #tpu.memory_space<vmem>>
    %dma_wait3A_973 = tpu.memref_slice %arg17[%dma_wait3A_963, %add3A_326] : memref<16x30720xf32, #tpu.memory_space<vmem_shared>> -> memref<1x640xf32, #tpu.memory_space<vmem_shared>>
    %dma_wait3A_974 = tpu.memref_squeeze %dma_wait3A_973 : memref<1x640xf32, #tpu.memory_space<vmem_shared>> -> memref<640xf32, #tpu.memory_space<vmem_shared>>
    tpu.wait_dma2 semaphore(%arg19 : memref<!tpu.dma_semaphore, #tpu.memory_space<semaphore_mem>>) src(%dma_wait3A_974 : memref<640xf32, #tpu.memory_space<vmem_shared>>) dst(%dma_wait3A_972 : memref<640xf32, #tpu.memory_space<vmem>>)
    %dma_wait3A_975 = arith.constant 6 : i32
    %dma_wait3A_976 = arith.constant 18 : i32
    %dma_wait3A_977 = arith.constant 0 : i32
    %dma_wait3A_978 = tpu.memref_slice %arg13[%dma_wait3A_976, %dma_wait3A_977] : memref<48x640xf32, #tpu.memory_space<vmem>> -> memref<1x640xf32, #tpu.memory_space<vmem>>
    %dma_wait3A_979 = tpu.memref_squeeze %dma_wait3A_978 : memref<1x640xf32, #tpu.memory_space<vmem>> -> memref<640xf32, #tpu.memory_space<vmem>>
    %dma_wait3A_980 = tpu.memref_slice %arg17[%dma_wait3A_975, %add3A_340] : memref<16x30720xf32, #tpu.memory_space<vmem_shared>> -> memref<1x640xf32, #tpu.memory_space<vmem_shared>>
    %dma_wait3A_981 = tpu.memref_squeeze %dma_wait3A_980 : memref<1x640xf32, #tpu.memory_space<vmem_shared>> -> memref<640xf32, #tpu.memory_space<vmem_shared>>
    %dma_wait3A_982 = arith.constant 0 : i32
    %dma_wait3A_983 = tpu.memref_slice %arg13[%dma_wait3A_976, %dma_wait3A_982] : memref<48x640xf32, #tpu.memory_space<vmem>> -> memref<1x640xf32, #tpu.memory_space<vmem>>
    %dma_wait3A_984 = tpu.memref_squeeze %dma_wait3A_983 : memref<1x640xf32, #tpu.memory_space<vmem>> -> memref<640xf32, #tpu.memory_space<vmem>>
    %dma_wait3A_985 = tpu.memref_slice %arg17[%dma_wait3A_975, %add3A_340] : memref<16x30720xf32, #tpu.memory_space<vmem_shared>> -> memref<1x640xf32, #tpu.memory_space<vmem_shared>>
    %dma_wait3A_986 = tpu.memref_squeeze %dma_wait3A_985 : memref<1x640xf32, #tpu.memory_space<vmem_shared>> -> memref<640xf32, #tpu.memory_space<vmem_shared>>
    tpu.wait_dma2 semaphore(%arg19 : memref<!tpu.dma_semaphore, #tpu.memory_space<semaphore_mem>>) src(%dma_wait3A_986 : memref<640xf32, #tpu.memory_space<vmem_shared>>) dst(%dma_wait3A_984 : memref<640xf32, #tpu.memory_space<vmem>>)
    %dma_wait3A_987 = arith.constant 6 : i32
    %dma_wait3A_988 = arith.constant 19 : i32
    %dma_wait3A_989 = arith.constant 0 : i32
    %dma_wait3A_990 = tpu.memref_slice %arg13[%dma_wait3A_988, %dma_wait3A_989] : memref<48x640xf32, #tpu.memory_space<vmem>> -> memref<1x640xf32, #tpu.memory_space<vmem>>
    %dma_wait3A_991 = tpu.memref_squeeze %dma_wait3A_990 : memref<1x640xf32, #tpu.memory_space<vmem>> -> memref<640xf32, #tpu.memory_space<vmem>>
    %dma_wait3A_992 = tpu.memref_slice %arg17[%dma_wait3A_987, %add3A_354] : memref<16x30720xf32, #tpu.memory_space<vmem_shared>> -> memref<1x640xf32, #tpu.memory_space<vmem_shared>>
    %dma_wait3A_993 = tpu.memref_squeeze %dma_wait3A_992 : memref<1x640xf32, #tpu.memory_space<vmem_shared>> -> memref<640xf32, #tpu.memory_space<vmem_shared>>
    %dma_wait3A_994 = arith.constant 0 : i32
    %dma_wait3A_995 = tpu.memref_slice %arg13[%dma_wait3A_988, %dma_wait3A_994] : memref<48x640xf32, #tpu.memory_space<vmem>> -> memref<1x640xf32, #tpu.memory_space<vmem>>
    %dma_wait3A_996 = tpu.memref_squeeze %dma_wait3A_995 : memref<1x640xf32, #tpu.memory_space<vmem>> -> memref<640xf32, #tpu.memory_space<vmem>>
    %dma_wait3A_997 = tpu.memref_slice %arg17[%dma_wait3A_987, %add3A_354] : memref<16x30720xf32, #tpu.memory_space<vmem_shared>> -> memref<1x640xf32, #tpu.memory_space<vmem_shared>>
    %dma_wait3A_998 = tpu.memref_squeeze %dma_wait3A_997 : memref<1x640xf32, #tpu.memory_space<vmem_shared>> -> memref<640xf32, #tpu.memory_space<vmem_shared>>
    tpu.wait_dma2 semaphore(%arg19 : memref<!tpu.dma_semaphore, #tpu.memory_space<semaphore_mem>>) src(%dma_wait3A_998 : memref<640xf32, #tpu.memory_space<vmem_shared>>) dst(%dma_wait3A_996 : memref<640xf32, #tpu.memory_space<vmem>>)
    %dma_wait3A_999 = arith.constant 6 : i32
    %dma_wait3A_1000 = arith.constant 20 : i32
    %dma_wait3A_1001 = arith.constant 0 : i32
    %dma_wait3A_1002 = tpu.memref_slice %arg13[%dma_wait3A_1000, %dma_wait3A_1001] : memref<48x640xf32, #tpu.memory_space<vmem>> -> memref<1x640xf32, #tpu.memory_space<vmem>>
    %dma_wait3A_1003 = tpu.memref_squeeze %dma_wait3A_1002 : memref<1x640xf32, #tpu.memory_space<vmem>> -> memref<640xf32, #tpu.memory_space<vmem>>
    %dma_wait3A_1004 = tpu.memref_slice %arg17[%dma_wait3A_999, %add3A_368] : memref<16x30720xf32, #tpu.memory_space<vmem_shared>> -> memref<1x640xf32, #tpu.memory_space<vmem_shared>>
    %dma_wait3A_1005 = tpu.memref_squeeze %dma_wait3A_1004 : memref<1x640xf32, #tpu.memory_space<vmem_shared>> -> memref<640xf32, #tpu.memory_space<vmem_shared>>
    %dma_wait3A_1006 = arith.constant 0 : i32
    %dma_wait3A_1007 = tpu.memref_slice %arg13[%dma_wait3A_1000, %dma_wait3A_1006] : memref<48x640xf32, #tpu.memory_space<vmem>> -> memref<1x640xf32, #tpu.memory_space<vmem>>
    %dma_wait3A_1008 = tpu.memref_squeeze %dma_wait3A_1007 : memref<1x640xf32, #tpu.memory_space<vmem>> -> memref<640xf32, #tpu.memory_space<vmem>>
    %dma_wait3A_1009 = tpu.memref_slice %arg17[%dma_wait3A_999, %add3A_368] : memref<16x30720xf32, #tpu.memory_space<vmem_shared>> -> memref<1x640xf32, #tpu.memory_space<vmem_shared>>
    %dma_wait3A_1010 = tpu.memref_squeeze %dma_wait3A_1009 : memref<1x640xf32, #tpu.memory_space<vmem_shared>> -> memref<640xf32, #tpu.memory_space<vmem_shared>>
    tpu.wait_dma2 semaphore(%arg19 : memref<!tpu.dma_semaphore, #tpu.memory_space<semaphore_mem>>) src(%dma_wait3A_1010 : memref<640xf32, #tpu.memory_space<vmem_shared>>) dst(%dma_wait3A_1008 : memref<640xf32, #tpu.memory_space<vmem>>)
    %dma_wait3A_1011 = arith.constant 7 : i32
    %dma_wait3A_1012 = arith.constant 21 : i32
    %dma_wait3A_1013 = arith.constant 0 : i32
    %dma_wait3A_1014 = tpu.memref_slice %arg13[%dma_wait3A_1012, %dma_wait3A_1013] : memref<48x640xf32, #tpu.memory_space<vmem>> -> memref<1x640xf32, #tpu.memory_space<vmem>>
    %dma_wait3A_1015 = tpu.memref_squeeze %dma_wait3A_1014 : memref<1x640xf32, #tpu.memory_space<vmem>> -> memref<640xf32, #tpu.memory_space<vmem>>
    %dma_wait3A_1016 = tpu.memref_slice %arg17[%dma_wait3A_1011, %add3A_382] : memref<16x30720xf32, #tpu.memory_space<vmem_shared>> -> memref<1x640xf32, #tpu.memory_space<vmem_shared>>
    %dma_wait3A_1017 = tpu.memref_squeeze %dma_wait3A_1016 : memref<1x640xf32, #tpu.memory_space<vmem_shared>> -> memref<640xf32, #tpu.memory_space<vmem_shared>>
    %dma_wait3A_1018 = arith.constant 0 : i32
    %dma_wait3A_1019 = tpu.memref_slice %arg13[%dma_wait3A_1012, %dma_wait3A_1018] : memref<48x640xf32, #tpu.memory_space<vmem>> -> memref<1x640xf32, #tpu.memory_space<vmem>>
    %dma_wait3A_1020 = tpu.memref_squeeze %dma_wait3A_1019 : memref<1x640xf32, #tpu.memory_space<vmem>> -> memref<640xf32, #tpu.memory_space<vmem>>
    %dma_wait3A_1021 = tpu.memref_slice %arg17[%dma_wait3A_1011, %add3A_382] : memref<16x30720xf32, #tpu.memory_space<vmem_shared>> -> memref<1x640xf32, #tpu.memory_space<vmem_shared>>
    %dma_wait3A_1022 = tpu.memref_squeeze %dma_wait3A_1021 : memref<1x640xf32, #tpu.memory_space<vmem_shared>> -> memref<640xf32, #tpu.memory_space<vmem_shared>>
    tpu.wait_dma2 semaphore(%arg19 : memref<!tpu.dma_semaphore, #tpu.memory_space<semaphore_mem>>) src(%dma_wait3A_1022 : memref<640xf32, #tpu.memory_space<vmem_shared>>) dst(%dma_wait3A_1020 : memref<640xf32, #tpu.memory_space<vmem>>)
    %dma_wait3A_1023 = arith.constant 7 : i32
    %dma_wait3A_1024 = arith.constant 22 : i32
    %dma_wait3A_1025 = arith.constant 0 : i32
    %dma_wait3A_1026 = tpu.memref_slice %arg13[%dma_wait3A_1024, %dma_wait3A_1025] : memref<48x640xf32, #tpu.memory_space<vmem>> -> memref<1x640xf32, #tpu.memory_space<vmem>>
    %dma_wait3A_1027 = tpu.memref_squeeze %dma_wait3A_1026 : memref<1x640xf32, #tpu.memory_space<vmem>> -> memref<640xf32, #tpu.memory_space<vmem>>
    %dma_wait3A_1028 = tpu.memref_slice %arg17[%dma_wait3A_1023, %add3A_396] : memref<16x30720xf32, #tpu.memory_space<vmem_shared>> -> memref<1x640xf32, #tpu.memory_space<vmem_shared>>
    %dma_wait3A_1029 = tpu.memref_squeeze %dma_wait3A_1028 : memref<1x640xf32, #tpu.memory_space<vmem_shared>> -> memref<640xf32, #tpu.memory_space<vmem_shared>>
    %dma_wait3A_1030 = arith.constant 0 : i32
    %dma_wait3A_1031 = tpu.memref_slice %arg13[%dma_wait3A_1024, %dma_wait3A_1030] : memref<48x640xf32, #tpu.memory_space<vmem>> -> memref<1x640xf32, #tpu.memory_space<vmem>>
    %dma_wait3A_1032 = tpu.memref_squeeze %dma_wait3A_1031 : memref<1x640xf32, #tpu.memory_space<vmem>> -> memref<640xf32, #tpu.memory_space<vmem>>
    %dma_wait3A_1033 = tpu.memref_slice %arg17[%dma_wait3A_1023, %add3A_396] : memref<16x30720xf32, #tpu.memory_space<vmem_shared>> -> memref<1x640xf32, #tpu.memory_space<vmem_shared>>
    %dma_wait3A_1034 = tpu.memref_squeeze %dma_wait3A_1033 : memref<1x640xf32, #tpu.memory_space<vmem_shared>> -> memref<640xf32, #tpu.memory_space<vmem_shared>>
    tpu.wait_dma2 semaphore(%arg19 : memref<!tpu.dma_semaphore, #tpu.memory_space<semaphore_mem>>) src(%dma_wait3A_1034 : memref<640xf32, #tpu.memory_space<vmem_shared>>) dst(%dma_wait3A_1032 : memref<640xf32, #tpu.memory_space<vmem>>)
    %dma_wait3A_1035 = arith.constant 7 : i32
    %dma_wait3A_1036 = arith.constant 23 : i32
    %dma_wait3A_1037 = arith.constant 0 : i32
    %dma_wait3A_1038 = tpu.memref_slice %arg13[%dma_wait3A_1036, %dma_wait3A_1037] : memref<48x640xf32, #tpu.memory_space<vmem>> -> memref<1x640xf32, #tpu.memory_space<vmem>>
    %dma_wait3A_1039 = tpu.memref_squeeze %dma_wait3A_1038 : memref<1x640xf32, #tpu.memory_space<vmem>> -> memref<640xf32, #tpu.memory_space<vmem>>
    %dma_wait3A_1040 = tpu.memref_slice %arg17[%dma_wait3A_1035, %add3A_410] : memref<16x30720xf32, #tpu.memory_space<vmem_shared>> -> memref<1x640xf32, #tpu.memory_space<vmem_shared>>
    %dma_wait3A_1041 = tpu.memref_squeeze %dma_wait3A_1040 : memref<1x640xf32, #tpu.memory_space<vmem_shared>> -> memref<640xf32, #tpu.memory_space<vmem_shared>>
    %dma_wait3A_1042 = arith.constant 0 : i32
    %dma_wait3A_1043 = tpu.memref_slice %arg13[%dma_wait3A_1036, %dma_wait3A_1042] : memref<48x640xf32, #tpu.memory_space<vmem>> -> memref<1x640xf32, #tpu.memory_space<vmem>>
    %dma_wait3A_1044 = tpu.memref_squeeze %dma_wait3A_1043 : memref<1x640xf32, #tpu.memory_space<vmem>> -> memref<640xf32, #tpu.memory_space<vmem>>
    %dma_wait3A_1045 = tpu.memref_slice %arg17[%dma_wait3A_1035, %add3A_410] : memref<16x30720xf32, #tpu.memory_space<vmem_shared>> -> memref<1x640xf32, #tpu.memory_space<vmem_shared>>
    %dma_wait3A_1046 = tpu.memref_squeeze %dma_wait3A_1045 : memref<1x640xf32, #tpu.memory_space<vmem_shared>> -> memref<640xf32, #tpu.memory_space<vmem_shared>>
    tpu.wait_dma2 semaphore(%arg19 : memref<!tpu.dma_semaphore, #tpu.memory_space<semaphore_mem>>) src(%dma_wait3A_1046 : memref<640xf32, #tpu.memory_space<vmem_shared>>) dst(%dma_wait3A_1044 : memref<640xf32, #tpu.memory_space<vmem>>)
    %dma_wait3A_1047 = arith.constant 8 : i32
    %dma_wait3A_1048 = arith.constant 24 : i32
    %dma_wait3A_1049 = arith.constant 0 : i32
    %dma_wait3A_1050 = tpu.memref_slice %arg13[%dma_wait3A_1048, %dma_wait3A_1049] : memref<48x640xf32, #tpu.memory_space<vmem>> -> memref<1x640xf32, #tpu.memory_space<vmem>>
    %dma_wait3A_1051 = tpu.memref_squeeze %dma_wait3A_1050 : memref<1x640xf32, #tpu.memory_space<vmem>> -> memref<640xf32, #tpu.memory_space<vmem>>
    %dma_wait3A_1052 = tpu.memref_slice %arg17[%dma_wait3A_1047, %add3A_424] : memref<16x30720xf32, #tpu.memory_space<vmem_shared>> -> memref<1x640xf32, #tpu.memory_space<vmem_shared>>
    %dma_wait3A_1053 = tpu.memref_squeeze %dma_wait3A_1052 : memref<1x640xf32, #tpu.memory_space<vmem_shared>> -> memref<640xf32, #tpu.memory_space<vmem_shared>>
    %dma_wait3A_1054 = arith.constant 0 : i32
    %dma_wait3A_1055 = tpu.memref_slice %arg13[%dma_wait3A_1048, %dma_wait3A_1054] : memref<48x640xf32, #tpu.memory_space<vmem>> -> memref<1x640xf32, #tpu.memory_space<vmem>>
    %dma_wait3A_1056 = tpu.memref_squeeze %dma_wait3A_1055 : memref<1x640xf32, #tpu.memory_space<vmem>> -> memref<640xf32, #tpu.memory_space<vmem>>
    %dma_wait3A_1057 = tpu.memref_slice %arg17[%dma_wait3A_1047, %add3A_424] : memref<16x30720xf32, #tpu.memory_space<vmem_shared>> -> memref<1x640xf32, #tpu.memory_space<vmem_shared>>
    %dma_wait3A_1058 = tpu.memref_squeeze %dma_wait3A_1057 : memref<1x640xf32, #tpu.memory_space<vmem_shared>> -> memref<640xf32, #tpu.memory_space<vmem_shared>>
    tpu.wait_dma2 semaphore(%arg19 : memref<!tpu.dma_semaphore, #tpu.memory_space<semaphore_mem>>) src(%dma_wait3A_1058 : memref<640xf32, #tpu.memory_space<vmem_shared>>) dst(%dma_wait3A_1056 : memref<640xf32, #tpu.memory_space<vmem>>)
    %dma_wait3A_1059 = arith.constant 8 : i32
    %dma_wait3A_1060 = arith.constant 25 : i32
    %dma_wait3A_1061 = arith.constant 0 : i32
    %dma_wait3A_1062 = tpu.memref_slice %arg13[%dma_wait3A_1060, %dma_wait3A_1061] : memref<48x640xf32, #tpu.memory_space<vmem>> -> memref<1x640xf32, #tpu.memory_space<vmem>>
    %dma_wait3A_1063 = tpu.memref_squeeze %dma_wait3A_1062 : memref<1x640xf32, #tpu.memory_space<vmem>> -> memref<640xf32, #tpu.memory_space<vmem>>
    %dma_wait3A_1064 = tpu.memref_slice %arg17[%dma_wait3A_1059, %add3A_438] : memref<16x30720xf32, #tpu.memory_space<vmem_shared>> -> memref<1x640xf32, #tpu.memory_space<vmem_shared>>
    %dma_wait3A_1065 = tpu.memref_squeeze %dma_wait3A_1064 : memref<1x640xf32, #tpu.memory_space<vmem_shared>> -> memref<640xf32, #tpu.memory_space<vmem_shared>>
    %dma_wait3A_1066 = arith.constant 0 : i32
    %dma_wait3A_1067 = tpu.memref_slice %arg13[%dma_wait3A_1060, %dma_wait3A_1066] : memref<48x640xf32, #tpu.memory_space<vmem>> -> memref<1x640xf32, #tpu.memory_space<vmem>>
    %dma_wait3A_1068 = tpu.memref_squeeze %dma_wait3A_1067 : memref<1x640xf32, #tpu.memory_space<vmem>> -> memref<640xf32, #tpu.memory_space<vmem>>
    %dma_wait3A_1069 = tpu.memref_slice %arg17[%dma_wait3A_1059, %add3A_438] : memref<16x30720xf32, #tpu.memory_space<vmem_shared>> -> memref<1x640xf32, #tpu.memory_space<vmem_shared>>
    %dma_wait3A_1070 = tpu.memref_squeeze %dma_wait3A_1069 : memref<1x640xf32, #tpu.memory_space<vmem_shared>> -> memref<640xf32, #tpu.memory_space<vmem_shared>>
    tpu.wait_dma2 semaphore(%arg19 : memref<!tpu.dma_semaphore, #tpu.memory_space<semaphore_mem>>) src(%dma_wait3A_1070 : memref<640xf32, #tpu.memory_space<vmem_shared>>) dst(%dma_wait3A_1068 : memref<640xf32, #tpu.memory_space<vmem>>)
    %dma_wait3A_1071 = arith.constant 8 : i32
    %dma_wait3A_1072 = arith.constant 26 : i32
    %dma_wait3A_1073 = arith.constant 0 : i32
    %dma_wait3A_1074 = tpu.memref_slice %arg13[%dma_wait3A_1072, %dma_wait3A_1073] : memref<48x640xf32, #tpu.memory_space<vmem>> -> memref<1x640xf32, #tpu.memory_space<vmem>>
    %dma_wait3A_1075 = tpu.memref_squeeze %dma_wait3A_1074 : memref<1x640xf32, #tpu.memory_space<vmem>> -> memref<640xf32, #tpu.memory_space<vmem>>
    %dma_wait3A_1076 = tpu.memref_slice %arg17[%dma_wait3A_1071, %add3A_452] : memref<16x30720xf32, #tpu.memory_space<vmem_shared>> -> memref<1x640xf32, #tpu.memory_space<vmem_shared>>
    %dma_wait3A_1077 = tpu.memref_squeeze %dma_wait3A_1076 : memref<1x640xf32, #tpu.memory_space<vmem_shared>> -> memref<640xf32, #tpu.memory_space<vmem_shared>>
    %dma_wait3A_1078 = arith.constant 0 : i32
    %dma_wait3A_1079 = tpu.memref_slice %arg13[%dma_wait3A_1072, %dma_wait3A_1078] : memref<48x640xf32, #tpu.memory_space<vmem>> -> memref<1x640xf32, #tpu.memory_space<vmem>>
    %dma_wait3A_1080 = tpu.memref_squeeze %dma_wait3A_1079 : memref<1x640xf32, #tpu.memory_space<vmem>> -> memref<640xf32, #tpu.memory_space<vmem>>
    %dma_wait3A_1081 = tpu.memref_slice %arg17[%dma_wait3A_1071, %add3A_452] : memref<16x30720xf32, #tpu.memory_space<vmem_shared>> -> memref<1x640xf32, #tpu.memory_space<vmem_shared>>
    %dma_wait3A_1082 = tpu.memref_squeeze %dma_wait3A_1081 : memref<1x640xf32, #tpu.memory_space<vmem_shared>> -> memref<640xf32, #tpu.memory_space<vmem_shared>>
    tpu.wait_dma2 semaphore(%arg19 : memref<!tpu.dma_semaphore, #tpu.memory_space<semaphore_mem>>) src(%dma_wait3A_1082 : memref<640xf32, #tpu.memory_space<vmem_shared>>) dst(%dma_wait3A_1080 : memref<640xf32, #tpu.memory_space<vmem>>)
    %dma_wait3A_1083 = arith.constant 9 : i32
    %dma_wait3A_1084 = arith.constant 27 : i32
    %dma_wait3A_1085 = arith.constant 0 : i32
    %dma_wait3A_1086 = tpu.memref_slice %arg13[%dma_wait3A_1084, %dma_wait3A_1085] : memref<48x640xf32, #tpu.memory_space<vmem>> -> memref<1x640xf32, #tpu.memory_space<vmem>>
    %dma_wait3A_1087 = tpu.memref_squeeze %dma_wait3A_1086 : memref<1x640xf32, #tpu.memory_space<vmem>> -> memref<640xf32, #tpu.memory_space<vmem>>
    %dma_wait3A_1088 = tpu.memref_slice %arg17[%dma_wait3A_1083, %add3A_466] : memref<16x30720xf32, #tpu.memory_space<vmem_shared>> -> memref<1x640xf32, #tpu.memory_space<vmem_shared>>
    %dma_wait3A_1089 = tpu.memref_squeeze %dma_wait3A_1088 : memref<1x640xf32, #tpu.memory_space<vmem_shared>> -> memref<640xf32, #tpu.memory_space<vmem_shared>>
    %dma_wait3A_1090 = arith.constant 0 : i32
    %dma_wait3A_1091 = tpu.memref_slice %arg13[%dma_wait3A_1084, %dma_wait3A_1090] : memref<48x640xf32, #tpu.memory_space<vmem>> -> memref<1x640xf32, #tpu.memory_space<vmem>>
    %dma_wait3A_1092 = tpu.memref_squeeze %dma_wait3A_1091 : memref<1x640xf32, #tpu.memory_space<vmem>> -> memref<640xf32, #tpu.memory_space<vmem>>
    %dma_wait3A_1093 = tpu.memref_slice %arg17[%dma_wait3A_1083, %add3A_466] : memref<16x30720xf32, #tpu.memory_space<vmem_shared>> -> memref<1x640xf32, #tpu.memory_space<vmem_shared>>
    %dma_wait3A_1094 = tpu.memref_squeeze %dma_wait3A_1093 : memref<1x640xf32, #tpu.memory_space<vmem_shared>> -> memref<640xf32, #tpu.memory_space<vmem_shared>>
    tpu.wait_dma2 semaphore(%arg19 : memref<!tpu.dma_semaphore, #tpu.memory_space<semaphore_mem>>) src(%dma_wait3A_1094 : memref<640xf32, #tpu.memory_space<vmem_shared>>) dst(%dma_wait3A_1092 : memref<640xf32, #tpu.memory_space<vmem>>)
    %dma_wait3A_1095 = arith.constant 9 : i32
    %dma_wait3A_1096 = arith.constant 28 : i32
    %dma_wait3A_1097 = arith.constant 0 : i32
    %dma_wait3A_1098 = tpu.memref_slice %arg13[%dma_wait3A_1096, %dma_wait3A_1097] : memref<48x640xf32, #tpu.memory_space<vmem>> -> memref<1x640xf32, #tpu.memory_space<vmem>>
    %dma_wait3A_1099 = tpu.memref_squeeze %dma_wait3A_1098 : memref<1x640xf32, #tpu.memory_space<vmem>> -> memref<640xf32, #tpu.memory_space<vmem>>
    %dma_wait3A_1100 = tpu.memref_slice %arg17[%dma_wait3A_1095, %add3A_480] : memref<16x30720xf32, #tpu.memory_space<vmem_shared>> -> memref<1x640xf32, #tpu.memory_space<vmem_shared>>
    %dma_wait3A_1101 = tpu.memref_squeeze %dma_wait3A_1100 : memref<1x640xf32, #tpu.memory_space<vmem_shared>> -> memref<640xf32, #tpu.memory_space<vmem_shared>>
    %dma_wait3A_1102 = arith.constant 0 : i32
    %dma_wait3A_1103 = tpu.memref_slice %arg13[%dma_wait3A_1096, %dma_wait3A_1102] : memref<48x640xf32, #tpu.memory_space<vmem>> -> memref<1x640xf32, #tpu.memory_space<vmem>>
    %dma_wait3A_1104 = tpu.memref_squeeze %dma_wait3A_1103 : memref<1x640xf32, #tpu.memory_space<vmem>> -> memref<640xf32, #tpu.memory_space<vmem>>
    %dma_wait3A_1105 = tpu.memref_slice %arg17[%dma_wait3A_1095, %add3A_480] : memref<16x30720xf32, #tpu.memory_space<vmem_shared>> -> memref<1x640xf32, #tpu.memory_space<vmem_shared>>
    %dma_wait3A_1106 = tpu.memref_squeeze %dma_wait3A_1105 : memref<1x640xf32, #tpu.memory_space<vmem_shared>> -> memref<640xf32, #tpu.memory_space<vmem_shared>>
    tpu.wait_dma2 semaphore(%arg19 : memref<!tpu.dma_semaphore, #tpu.memory_space<semaphore_mem>>) src(%dma_wait3A_1106 : memref<640xf32, #tpu.memory_space<vmem_shared>>) dst(%dma_wait3A_1104 : memref<640xf32, #tpu.memory_space<vmem>>)
    %dma_wait3A_1107 = arith.constant 9 : i32
    %dma_wait3A_1108 = arith.constant 29 : i32
    %dma_wait3A_1109 = arith.constant 0 : i32
    %dma_wait3A_1110 = tpu.memref_slice %arg13[%dma_wait3A_1108, %dma_wait3A_1109] : memref<48x640xf32, #tpu.memory_space<vmem>> -> memref<1x640xf32, #tpu.memory_space<vmem>>
    %dma_wait3A_1111 = tpu.memref_squeeze %dma_wait3A_1110 : memref<1x640xf32, #tpu.memory_space<vmem>> -> memref<640xf32, #tpu.memory_space<vmem>>
    %dma_wait3A_1112 = tpu.memref_slice %arg17[%dma_wait3A_1107, %add3A_494] : memref<16x30720xf32, #tpu.memory_space<vmem_shared>> -> memref<1x640xf32, #tpu.memory_space<vmem_shared>>
    %dma_wait3A_1113 = tpu.memref_squeeze %dma_wait3A_1112 : memref<1x640xf32, #tpu.memory_space<vmem_shared>> -> memref<640xf32, #tpu.memory_space<vmem_shared>>
    %dma_wait3A_1114 = arith.constant 0 : i32
    %dma_wait3A_1115 = tpu.memref_slice %arg13[%dma_wait3A_1108, %dma_wait3A_1114] : memref<48x640xf32, #tpu.memory_space<vmem>> -> memref<1x640xf32, #tpu.memory_space<vmem>>
    %dma_wait3A_1116 = tpu.memref_squeeze %dma_wait3A_1115 : memref<1x640xf32, #tpu.memory_space<vmem>> -> memref<640xf32, #tpu.memory_space<vmem>>
    %dma_wait3A_1117 = tpu.memref_slice %arg17[%dma_wait3A_1107, %add3A_494] : memref<16x30720xf32, #tpu.memory_space<vmem_shared>> -> memref<1x640xf32, #tpu.memory_space<vmem_shared>>
    %dma_wait3A_1118 = tpu.memref_squeeze %dma_wait3A_1117 : memref<1x640xf32, #tpu.memory_space<vmem_shared>> -> memref<640xf32, #tpu.memory_space<vmem_shared>>
    tpu.wait_dma2 semaphore(%arg19 : memref<!tpu.dma_semaphore, #tpu.memory_space<semaphore_mem>>) src(%dma_wait3A_1118 : memref<640xf32, #tpu.memory_space<vmem_shared>>) dst(%dma_wait3A_1116 : memref<640xf32, #tpu.memory_space<vmem>>)
    %dma_wait3A_1119 = arith.constant 10 : i32
    %dma_wait3A_1120 = arith.constant 30 : i32
    %dma_wait3A_1121 = arith.constant 0 : i32
    %dma_wait3A_1122 = tpu.memref_slice %arg13[%dma_wait3A_1120, %dma_wait3A_1121] : memref<48x640xf32, #tpu.memory_space<vmem>> -> memref<1x640xf32, #tpu.memory_space<vmem>>
    %dma_wait3A_1123 = tpu.memref_squeeze %dma_wait3A_1122 : memref<1x640xf32, #tpu.memory_space<vmem>> -> memref<640xf32, #tpu.memory_space<vmem>>
    %dma_wait3A_1124 = tpu.memref_slice %arg17[%dma_wait3A_1119, %add3A_508] : memref<16x30720xf32, #tpu.memory_space<vmem_shared>> -> memref<1x640xf32, #tpu.memory_space<vmem_shared>>
    %dma_wait3A_1125 = tpu.memref_squeeze %dma_wait3A_1124 : memref<1x640xf32, #tpu.memory_space<vmem_shared>> -> memref<640xf32, #tpu.memory_space<vmem_shared>>
    %dma_wait3A_1126 = arith.constant 0 : i32
    %dma_wait3A_1127 = tpu.memref_slice %arg13[%dma_wait3A_1120, %dma_wait3A_1126] : memref<48x640xf32, #tpu.memory_space<vmem>> -> memref<1x640xf32, #tpu.memory_space<vmem>>
    %dma_wait3A_1128 = tpu.memref_squeeze %dma_wait3A_1127 : memref<1x640xf32, #tpu.memory_space<vmem>> -> memref<640xf32, #tpu.memory_space<vmem>>
    %dma_wait3A_1129 = tpu.memref_slice %arg17[%dma_wait3A_1119, %add3A_508] : memref<16x30720xf32, #tpu.memory_space<vmem_shared>> -> memref<1x640xf32, #tpu.memory_space<vmem_shared>>
    %dma_wait3A_1130 = tpu.memref_squeeze %dma_wait3A_1129 : memref<1x640xf32, #tpu.memory_space<vmem_shared>> -> memref<640xf32, #tpu.memory_space<vmem_shared>>
    tpu.wait_dma2 semaphore(%arg19 : memref<!tpu.dma_semaphore, #tpu.memory_space<semaphore_mem>>) src(%dma_wait3A_1130 : memref<640xf32, #tpu.memory_space<vmem_shared>>) dst(%dma_wait3A_1128 : memref<640xf32, #tpu.memory_space<vmem>>)
    %dma_wait3A_1131 = arith.constant 10 : i32
    %dma_wait3A_1132 = arith.constant 31 : i32
    %dma_wait3A_1133 = arith.constant 0 : i32
    %dma_wait3A_1134 = tpu.memref_slice %arg13[%dma_wait3A_1132, %dma_wait3A_1133] : memref<48x640xf32, #tpu.memory_space<vmem>> -> memref<1x640xf32, #tpu.memory_space<vmem>>
    %dma_wait3A_1135 = tpu.memref_squeeze %dma_wait3A_1134 : memref<1x640xf32, #tpu.memory_space<vmem>> -> memref<640xf32, #tpu.memory_space<vmem>>
    %dma_wait3A_1136 = tpu.memref_slice %arg17[%dma_wait3A_1131, %add3A_522] : memref<16x30720xf32, #tpu.memory_space<vmem_shared>> -> memref<1x640xf32, #tpu.memory_space<vmem_shared>>
    %dma_wait3A_1137 = tpu.memref_squeeze %dma_wait3A_1136 : memref<1x640xf32, #tpu.memory_space<vmem_shared>> -> memref<640xf32, #tpu.memory_space<vmem_shared>>
    %dma_wait3A_1138 = arith.constant 0 : i32
    %dma_wait3A_1139 = tpu.memref_slice %arg13[%dma_wait3A_1132, %dma_wait3A_1138] : memref<48x640xf32, #tpu.memory_space<vmem>> -> memref<1x640xf32, #tpu.memory_space<vmem>>
    %dma_wait3A_1140 = tpu.memref_squeeze %dma_wait3A_1139 : memref<1x640xf32, #tpu.memory_space<vmem>> -> memref<640xf32, #tpu.memory_space<vmem>>
    %dma_wait3A_1141 = tpu.memref_slice %arg17[%dma_wait3A_1131, %add3A_522] : memref<16x30720xf32, #tpu.memory_space<vmem_shared>> -> memref<1x640xf32, #tpu.memory_space<vmem_shared>>
    %dma_wait3A_1142 = tpu.memref_squeeze %dma_wait3A_1141 : memref<1x640xf32, #tpu.memory_space<vmem_shared>> -> memref<640xf32, #tpu.memory_space<vmem_shared>>
    tpu.wait_dma2 semaphore(%arg19 : memref<!tpu.dma_semaphore, #tpu.memory_space<semaphore_mem>>) src(%dma_wait3A_1142 : memref<640xf32, #tpu.memory_space<vmem_shared>>) dst(%dma_wait3A_1140 : memref<640xf32, #tpu.memory_space<vmem>>)
    %dma_wait3A_1143 = arith.constant 10 : i32
    %dma_wait3A_1144 = arith.constant 32 : i32
    %dma_wait3A_1145 = arith.constant 0 : i32
    %dma_wait3A_1146 = tpu.memref_slice %arg13[%dma_wait3A_1144, %dma_wait3A_1145] : memref<48x640xf32, #tpu.memory_space<vmem>> -> memref<1x640xf32, #tpu.memory_space<vmem>>
    %dma_wait3A_1147 = tpu.memref_squeeze %dma_wait3A_1146 : memref<1x640xf32, #tpu.memory_space<vmem>> -> memref<640xf32, #tpu.memory_space<vmem>>
    %dma_wait3A_1148 = tpu.memref_slice %arg17[%dma_wait3A_1143, %add3A_536] : memref<16x30720xf32, #tpu.memory_space<vmem_shared>> -> memref<1x640xf32, #tpu.memory_space<vmem_shared>>
    %dma_wait3A_1149 = tpu.memref_squeeze %dma_wait3A_1148 : memref<1x640xf32, #tpu.memory_space<vmem_shared>> -> memref<640xf32, #tpu.memory_space<vmem_shared>>
    %dma_wait3A_1150 = arith.constant 0 : i32
    %dma_wait3A_1151 = tpu.memref_slice %arg13[%dma_wait3A_1144, %dma_wait3A_1150] : memref<48x640xf32, #tpu.memory_space<vmem>> -> memref<1x640xf32, #tpu.memory_space<vmem>>
    %dma_wait3A_1152 = tpu.memref_squeeze %dma_wait3A_1151 : memref<1x640xf32, #tpu.memory_space<vmem>> -> memref<640xf32, #tpu.memory_space<vmem>>
    %dma_wait3A_1153 = tpu.memref_slice %arg17[%dma_wait3A_1143, %add3A_536] : memref<16x30720xf32, #tpu.memory_space<vmem_shared>> -> memref<1x640xf32, #tpu.memory_space<vmem_shared>>
    %dma_wait3A_1154 = tpu.memref_squeeze %dma_wait3A_1153 : memref<1x640xf32, #tpu.memory_space<vmem_shared>> -> memref<640xf32, #tpu.memory_space<vmem_shared>>
    tpu.wait_dma2 semaphore(%arg19 : memref<!tpu.dma_semaphore, #tpu.memory_space<semaphore_mem>>) src(%dma_wait3A_1154 : memref<640xf32, #tpu.memory_space<vmem_shared>>) dst(%dma_wait3A_1152 : memref<640xf32, #tpu.memory_space<vmem>>)
    %dma_wait3A_1155 = arith.constant 11 : i32
    %dma_wait3A_1156 = arith.constant 33 : i32
    %dma_wait3A_1157 = arith.constant 0 : i32
    %dma_wait3A_1158 = tpu.memref_slice %arg13[%dma_wait3A_1156, %dma_wait3A_1157] : memref<48x640xf32, #tpu.memory_space<vmem>> -> memref<1x640xf32, #tpu.memory_space<vmem>>
    %dma_wait3A_1159 = tpu.memref_squeeze %dma_wait3A_1158 : memref<1x640xf32, #tpu.memory_space<vmem>> -> memref<640xf32, #tpu.memory_space<vmem>>
    %dma_wait3A_1160 = tpu.memref_slice %arg17[%dma_wait3A_1155, %add3A_550] : memref<16x30720xf32, #tpu.memory_space<vmem_shared>> -> memref<1x640xf32, #tpu.memory_space<vmem_shared>>
    %dma_wait3A_1161 = tpu.memref_squeeze %dma_wait3A_1160 : memref<1x640xf32, #tpu.memory_space<vmem_shared>> -> memref<640xf32, #tpu.memory_space<vmem_shared>>
    %dma_wait3A_1162 = arith.constant 0 : i32
    %dma_wait3A_1163 = tpu.memref_slice %arg13[%dma_wait3A_1156, %dma_wait3A_1162] : memref<48x640xf32, #tpu.memory_space<vmem>> -> memref<1x640xf32, #tpu.memory_space<vmem>>
    %dma_wait3A_1164 = tpu.memref_squeeze %dma_wait3A_1163 : memref<1x640xf32, #tpu.memory_space<vmem>> -> memref<640xf32, #tpu.memory_space<vmem>>
    %dma_wait3A_1165 = tpu.memref_slice %arg17[%dma_wait3A_1155, %add3A_550] : memref<16x30720xf32, #tpu.memory_space<vmem_shared>> -> memref<1x640xf32, #tpu.memory_space<vmem_shared>>
    %dma_wait3A_1166 = tpu.memref_squeeze %dma_wait3A_1165 : memref<1x640xf32, #tpu.memory_space<vmem_shared>> -> memref<640xf32, #tpu.memory_space<vmem_shared>>
    tpu.wait_dma2 semaphore(%arg19 : memref<!tpu.dma_semaphore, #tpu.memory_space<semaphore_mem>>) src(%dma_wait3A_1166 : memref<640xf32, #tpu.memory_space<vmem_shared>>) dst(%dma_wait3A_1164 : memref<640xf32, #tpu.memory_space<vmem>>)
    %dma_wait3A_1167 = arith.constant 11 : i32
    %dma_wait3A_1168 = arith.constant 34 : i32
    %dma_wait3A_1169 = arith.constant 0 : i32
    %dma_wait3A_1170 = tpu.memref_slice %arg13[%dma_wait3A_1168, %dma_wait3A_1169] : memref<48x640xf32, #tpu.memory_space<vmem>> -> memref<1x640xf32, #tpu.memory_space<vmem>>
    %dma_wait3A_1171 = tpu.memref_squeeze %dma_wait3A_1170 : memref<1x640xf32, #tpu.memory_space<vmem>> -> memref<640xf32, #tpu.memory_space<vmem>>
    %dma_wait3A_1172 = tpu.memref_slice %arg17[%dma_wait3A_1167, %add3A_564] : memref<16x30720xf32, #tpu.memory_space<vmem_shared>> -> memref<1x640xf32, #tpu.memory_space<vmem_shared>>
    %dma_wait3A_1173 = tpu.memref_squeeze %dma_wait3A_1172 : memref<1x640xf32, #tpu.memory_space<vmem_shared>> -> memref<640xf32, #tpu.memory_space<vmem_shared>>
    %dma_wait3A_1174 = arith.constant 0 : i32
    %dma_wait3A_1175 = tpu.memref_slice %arg13[%dma_wait3A_1168, %dma_wait3A_1174] : memref<48x640xf32, #tpu.memory_space<vmem>> -> memref<1x640xf32, #tpu.memory_space<vmem>>
    %dma_wait3A_1176 = tpu.memref_squeeze %dma_wait3A_1175 : memref<1x640xf32, #tpu.memory_space<vmem>> -> memref<640xf32, #tpu.memory_space<vmem>>
    %dma_wait3A_1177 = tpu.memref_slice %arg17[%dma_wait3A_1167, %add3A_564] : memref<16x30720xf32, #tpu.memory_space<vmem_shared>> -> memref<1x640xf32, #tpu.memory_space<vmem_shared>>
    %dma_wait3A_1178 = tpu.memref_squeeze %dma_wait3A_1177 : memref<1x640xf32, #tpu.memory_space<vmem_shared>> -> memref<640xf32, #tpu.memory_space<vmem_shared>>
    tpu.wait_dma2 semaphore(%arg19 : memref<!tpu.dma_semaphore, #tpu.memory_space<semaphore_mem>>) src(%dma_wait3A_1178 : memref<640xf32, #tpu.memory_space<vmem_shared>>) dst(%dma_wait3A_1176 : memref<640xf32, #tpu.memory_space<vmem>>)
    %dma_wait3A_1179 = arith.constant 11 : i32
    %dma_wait3A_1180 = arith.constant 35 : i32
    %dma_wait3A_1181 = arith.constant 0 : i32
    %dma_wait3A_1182 = tpu.memref_slice %arg13[%dma_wait3A_1180, %dma_wait3A_1181] : memref<48x640xf32, #tpu.memory_space<vmem>> -> memref<1x640xf32, #tpu.memory_space<vmem>>
    %dma_wait3A_1183 = tpu.memref_squeeze %dma_wait3A_1182 : memref<1x640xf32, #tpu.memory_space<vmem>> -> memref<640xf32, #tpu.memory_space<vmem>>
    %dma_wait3A_1184 = tpu.memref_slice %arg17[%dma_wait3A_1179, %add3A_578] : memref<16x30720xf32, #tpu.memory_space<vmem_shared>> -> memref<1x640xf32, #tpu.memory_space<vmem_shared>>
    %dma_wait3A_1185 = tpu.memref_squeeze %dma_wait3A_1184 : memref<1x640xf32, #tpu.memory_space<vmem_shared>> -> memref<640xf32, #tpu.memory_space<vmem_shared>>
    %dma_wait3A_1186 = arith.constant 0 : i32
    %dma_wait3A_1187 = tpu.memref_slice %arg13[%dma_wait3A_1180, %dma_wait3A_1186] : memref<48x640xf32, #tpu.memory_space<vmem>> -> memref<1x640xf32, #tpu.memory_space<vmem>>
    %dma_wait3A_1188 = tpu.memref_squeeze %dma_wait3A_1187 : memref<1x640xf32, #tpu.memory_space<vmem>> -> memref<640xf32, #tpu.memory_space<vmem>>
    %dma_wait3A_1189 = tpu.memref_slice %arg17[%dma_wait3A_1179, %add3A_578] : memref<16x30720xf32, #tpu.memory_space<vmem_shared>> -> memref<1x640xf32, #tpu.memory_space<vmem_shared>>
    %dma_wait3A_1190 = tpu.memref_squeeze %dma_wait3A_1189 : memref<1x640xf32, #tpu.memory_space<vmem_shared>> -> memref<640xf32, #tpu.memory_space<vmem_shared>>
    tpu.wait_dma2 semaphore(%arg19 : memref<!tpu.dma_semaphore, #tpu.memory_space<semaphore_mem>>) src(%dma_wait3A_1190 : memref<640xf32, #tpu.memory_space<vmem_shared>>) dst(%dma_wait3A_1188 : memref<640xf32, #tpu.memory_space<vmem>>)
    %dma_wait3A_1191 = arith.constant 12 : i32
    %dma_wait3A_1192 = arith.constant 36 : i32
    %dma_wait3A_1193 = arith.constant 0 : i32
    %dma_wait3A_1194 = tpu.memref_slice %arg13[%dma_wait3A_1192, %dma_wait3A_1193] : memref<48x640xf32, #tpu.memory_space<vmem>> -> memref<1x640xf32, #tpu.memory_space<vmem>>
    %dma_wait3A_1195 = tpu.memref_squeeze %dma_wait3A_1194 : memref<1x640xf32, #tpu.memory_space<vmem>> -> memref<640xf32, #tpu.memory_space<vmem>>
    %dma_wait3A_1196 = tpu.memref_slice %arg17[%dma_wait3A_1191, %add3A_592] : memref<16x30720xf32, #tpu.memory_space<vmem_shared>> -> memref<1x640xf32, #tpu.memory_space<vmem_shared>>
    %dma_wait3A_1197 = tpu.memref_squeeze %dma_wait3A_1196 : memref<1x640xf32, #tpu.memory_space<vmem_shared>> -> memref<640xf32, #tpu.memory_space<vmem_shared>>
    %dma_wait3A_1198 = arith.constant 0 : i32
    %dma_wait3A_1199 = tpu.memref_slice %arg13[%dma_wait3A_1192, %dma_wait3A_1198] : memref<48x640xf32, #tpu.memory_space<vmem>> -> memref<1x640xf32, #tpu.memory_space<vmem>>
    %dma_wait3A_1200 = tpu.memref_squeeze %dma_wait3A_1199 : memref<1x640xf32, #tpu.memory_space<vmem>> -> memref<640xf32, #tpu.memory_space<vmem>>
    %dma_wait3A_1201 = tpu.memref_slice %arg17[%dma_wait3A_1191, %add3A_592] : memref<16x30720xf32, #tpu.memory_space<vmem_shared>> -> memref<1x640xf32, #tpu.memory_space<vmem_shared>>
    %dma_wait3A_1202 = tpu.memref_squeeze %dma_wait3A_1201 : memref<1x640xf32, #tpu.memory_space<vmem_shared>> -> memref<640xf32, #tpu.memory_space<vmem_shared>>
    tpu.wait_dma2 semaphore(%arg19 : memref<!tpu.dma_semaphore, #tpu.memory_space<semaphore_mem>>) src(%dma_wait3A_1202 : memref<640xf32, #tpu.memory_space<vmem_shared>>) dst(%dma_wait3A_1200 : memref<640xf32, #tpu.memory_space<vmem>>)
    %dma_wait3A_1203 = arith.constant 12 : i32
    %dma_wait3A_1204 = arith.constant 37 : i32
    %dma_wait3A_1205 = arith.constant 0 : i32
    %dma_wait3A_1206 = tpu.memref_slice %arg13[%dma_wait3A_1204, %dma_wait3A_1205] : memref<48x640xf32, #tpu.memory_space<vmem>> -> memref<1x640xf32, #tpu.memory_space<vmem>>
    %dma_wait3A_1207 = tpu.memref_squeeze %dma_wait3A_1206 : memref<1x640xf32, #tpu.memory_space<vmem>> -> memref<640xf32, #tpu.memory_space<vmem>>
    %dma_wait3A_1208 = tpu.memref_slice %arg17[%dma_wait3A_1203, %add3A_606] : memref<16x30720xf32, #tpu.memory_space<vmem_shared>> -> memref<1x640xf32, #tpu.memory_space<vmem_shared>>
    %dma_wait3A_1209 = tpu.memref_squeeze %dma_wait3A_1208 : memref<1x640xf32, #tpu.memory_space<vmem_shared>> -> memref<640xf32, #tpu.memory_space<vmem_shared>>
    %dma_wait3A_1210 = arith.constant 0 : i32
    %dma_wait3A_1211 = tpu.memref_slice %arg13[%dma_wait3A_1204, %dma_wait3A_1210] : memref<48x640xf32, #tpu.memory_space<vmem>> -> memref<1x640xf32, #tpu.memory_space<vmem>>
    %dma_wait3A_1212 = tpu.memref_squeeze %dma_wait3A_1211 : memref<1x640xf32, #tpu.memory_space<vmem>> -> memref<640xf32, #tpu.memory_space<vmem>>
    %dma_wait3A_1213 = tpu.memref_slice %arg17[%dma_wait3A_1203, %add3A_606] : memref<16x30720xf32, #tpu.memory_space<vmem_shared>> -> memref<1x640xf32, #tpu.memory_space<vmem_shared>>
    %dma_wait3A_1214 = tpu.memref_squeeze %dma_wait3A_1213 : memref<1x640xf32, #tpu.memory_space<vmem_shared>> -> memref<640xf32, #tpu.memory_space<vmem_shared>>
    tpu.wait_dma2 semaphore(%arg19 : memref<!tpu.dma_semaphore, #tpu.memory_space<semaphore_mem>>) src(%dma_wait3A_1214 : memref<640xf32, #tpu.memory_space<vmem_shared>>) dst(%dma_wait3A_1212 : memref<640xf32, #tpu.memory_space<vmem>>)
    %dma_wait3A_1215 = arith.constant 12 : i32
    %dma_wait3A_1216 = arith.constant 38 : i32
    %dma_wait3A_1217 = arith.constant 0 : i32
    %dma_wait3A_1218 = tpu.memref_slice %arg13[%dma_wait3A_1216, %dma_wait3A_1217] : memref<48x640xf32, #tpu.memory_space<vmem>> -> memref<1x640xf32, #tpu.memory_space<vmem>>
    %dma_wait3A_1219 = tpu.memref_squeeze %dma_wait3A_1218 : memref<1x640xf32, #tpu.memory_space<vmem>> -> memref<640xf32, #tpu.memory_space<vmem>>
    %dma_wait3A_1220 = tpu.memref_slice %arg17[%dma_wait3A_1215, %add3A_620] : memref<16x30720xf32, #tpu.memory_space<vmem_shared>> -> memref<1x640xf32, #tpu.memory_space<vmem_shared>>
    %dma_wait3A_1221 = tpu.memref_squeeze %dma_wait3A_1220 : memref<1x640xf32, #tpu.memory_space<vmem_shared>> -> memref<640xf32, #tpu.memory_space<vmem_shared>>
    %dma_wait3A_1222 = arith.constant 0 : i32
    %dma_wait3A_1223 = tpu.memref_slice %arg13[%dma_wait3A_1216, %dma_wait3A_1222] : memref<48x640xf32, #tpu.memory_space<vmem>> -> memref<1x640xf32, #tpu.memory_space<vmem>>
    %dma_wait3A_1224 = tpu.memref_squeeze %dma_wait3A_1223 : memref<1x640xf32, #tpu.memory_space<vmem>> -> memref<640xf32, #tpu.memory_space<vmem>>
    %dma_wait3A_1225 = tpu.memref_slice %arg17[%dma_wait3A_1215, %add3A_620] : memref<16x30720xf32, #tpu.memory_space<vmem_shared>> -> memref<1x640xf32, #tpu.memory_space<vmem_shared>>
    %dma_wait3A_1226 = tpu.memref_squeeze %dma_wait3A_1225 : memref<1x640xf32, #tpu.memory_space<vmem_shared>> -> memref<640xf32, #tpu.memory_space<vmem_shared>>
    tpu.wait_dma2 semaphore(%arg19 : memref<!tpu.dma_semaphore, #tpu.memory_space<semaphore_mem>>) src(%dma_wait3A_1226 : memref<640xf32, #tpu.memory_space<vmem_shared>>) dst(%dma_wait3A_1224 : memref<640xf32, #tpu.memory_space<vmem>>)
    %dma_wait3A_1227 = arith.constant 13 : i32
    %dma_wait3A_1228 = arith.constant 39 : i32
    %dma_wait3A_1229 = arith.constant 0 : i32
    %dma_wait3A_1230 = tpu.memref_slice %arg13[%dma_wait3A_1228, %dma_wait3A_1229] : memref<48x640xf32, #tpu.memory_space<vmem>> -> memref<1x640xf32, #tpu.memory_space<vmem>>
    %dma_wait3A_1231 = tpu.memref_squeeze %dma_wait3A_1230 : memref<1x640xf32, #tpu.memory_space<vmem>> -> memref<640xf32, #tpu.memory_space<vmem>>
    %dma_wait3A_1232 = tpu.memref_slice %arg17[%dma_wait3A_1227, %add3A_634] : memref<16x30720xf32, #tpu.memory_space<vmem_shared>> -> memref<1x640xf32, #tpu.memory_space<vmem_shared>>
    %dma_wait3A_1233 = tpu.memref_squeeze %dma_wait3A_1232 : memref<1x640xf32, #tpu.memory_space<vmem_shared>> -> memref<640xf32, #tpu.memory_space<vmem_shared>>
    %dma_wait3A_1234 = arith.constant 0 : i32
    %dma_wait3A_1235 = tpu.memref_slice %arg13[%dma_wait3A_1228, %dma_wait3A_1234] : memref<48x640xf32, #tpu.memory_space<vmem>> -> memref<1x640xf32, #tpu.memory_space<vmem>>
    %dma_wait3A_1236 = tpu.memref_squeeze %dma_wait3A_1235 : memref<1x640xf32, #tpu.memory_space<vmem>> -> memref<640xf32, #tpu.memory_space<vmem>>
    %dma_wait3A_1237 = tpu.memref_slice %arg17[%dma_wait3A_1227, %add3A_634] : memref<16x30720xf32, #tpu.memory_space<vmem_shared>> -> memref<1x640xf32, #tpu.memory_space<vmem_shared>>
    %dma_wait3A_1238 = tpu.memref_squeeze %dma_wait3A_1237 : memref<1x640xf32, #tpu.memory_space<vmem_shared>> -> memref<640xf32, #tpu.memory_space<vmem_shared>>
    tpu.wait_dma2 semaphore(%arg19 : memref<!tpu.dma_semaphore, #tpu.memory_space<semaphore_mem>>) src(%dma_wait3A_1238 : memref<640xf32, #tpu.memory_space<vmem_shared>>) dst(%dma_wait3A_1236 : memref<640xf32, #tpu.memory_space<vmem>>)
    %dma_wait3A_1239 = arith.constant 13 : i32
    %dma_wait3A_1240 = arith.constant 40 : i32
    %dma_wait3A_1241 = arith.constant 0 : i32
    %dma_wait3A_1242 = tpu.memref_slice %arg13[%dma_wait3A_1240, %dma_wait3A_1241] : memref<48x640xf32, #tpu.memory_space<vmem>> -> memref<1x640xf32, #tpu.memory_space<vmem>>
    %dma_wait3A_1243 = tpu.memref_squeeze %dma_wait3A_1242 : memref<1x640xf32, #tpu.memory_space<vmem>> -> memref<640xf32, #tpu.memory_space<vmem>>
    %dma_wait3A_1244 = tpu.memref_slice %arg17[%dma_wait3A_1239, %add3A_648] : memref<16x30720xf32, #tpu.memory_space<vmem_shared>> -> memref<1x640xf32, #tpu.memory_space<vmem_shared>>
    %dma_wait3A_1245 = tpu.memref_squeeze %dma_wait3A_1244 : memref<1x640xf32, #tpu.memory_space<vmem_shared>> -> memref<640xf32, #tpu.memory_space<vmem_shared>>
    %dma_wait3A_1246 = arith.constant 0 : i32
    %dma_wait3A_1247 = tpu.memref_slice %arg13[%dma_wait3A_1240, %dma_wait3A_1246] : memref<48x640xf32, #tpu.memory_space<vmem>> -> memref<1x640xf32, #tpu.memory_space<vmem>>
    %dma_wait3A_1248 = tpu.memref_squeeze %dma_wait3A_1247 : memref<1x640xf32, #tpu.memory_space<vmem>> -> memref<640xf32, #tpu.memory_space<vmem>>
    %dma_wait3A_1249 = tpu.memref_slice %arg17[%dma_wait3A_1239, %add3A_648] : memref<16x30720xf32, #tpu.memory_space<vmem_shared>> -> memref<1x640xf32, #tpu.memory_space<vmem_shared>>
    %dma_wait3A_1250 = tpu.memref_squeeze %dma_wait3A_1249 : memref<1x640xf32, #tpu.memory_space<vmem_shared>> -> memref<640xf32, #tpu.memory_space<vmem_shared>>
    tpu.wait_dma2 semaphore(%arg19 : memref<!tpu.dma_semaphore, #tpu.memory_space<semaphore_mem>>) src(%dma_wait3A_1250 : memref<640xf32, #tpu.memory_space<vmem_shared>>) dst(%dma_wait3A_1248 : memref<640xf32, #tpu.memory_space<vmem>>)
    %dma_wait3A_1251 = arith.constant 13 : i32
    %dma_wait3A_1252 = arith.constant 41 : i32
    %dma_wait3A_1253 = arith.constant 0 : i32
    %dma_wait3A_1254 = tpu.memref_slice %arg13[%dma_wait3A_1252, %dma_wait3A_1253] : memref<48x640xf32, #tpu.memory_space<vmem>> -> memref<1x640xf32, #tpu.memory_space<vmem>>
    %dma_wait3A_1255 = tpu.memref_squeeze %dma_wait3A_1254 : memref<1x640xf32, #tpu.memory_space<vmem>> -> memref<640xf32, #tpu.memory_space<vmem>>
    %dma_wait3A_1256 = tpu.memref_slice %arg17[%dma_wait3A_1251, %add3A_662] : memref<16x30720xf32, #tpu.memory_space<vmem_shared>> -> memref<1x640xf32, #tpu.memory_space<vmem_shared>>
    %dma_wait3A_1257 = tpu.memref_squeeze %dma_wait3A_1256 : memref<1x640xf32, #tpu.memory_space<vmem_shared>> -> memref<640xf32, #tpu.memory_space<vmem_shared>>
    %dma_wait3A_1258 = arith.constant 0 : i32
    %dma_wait3A_1259 = tpu.memref_slice %arg13[%dma_wait3A_1252, %dma_wait3A_1258] : memref<48x640xf32, #tpu.memory_space<vmem>> -> memref<1x640xf32, #tpu.memory_space<vmem>>
    %dma_wait3A_1260 = tpu.memref_squeeze %dma_wait3A_1259 : memref<1x640xf32, #tpu.memory_space<vmem>> -> memref<640xf32, #tpu.memory_space<vmem>>
    %dma_wait3A_1261 = tpu.memref_slice %arg17[%dma_wait3A_1251, %add3A_662] : memref<16x30720xf32, #tpu.memory_space<vmem_shared>> -> memref<1x640xf32, #tpu.memory_space<vmem_shared>>
    %dma_wait3A_1262 = tpu.memref_squeeze %dma_wait3A_1261 : memref<1x640xf32, #tpu.memory_space<vmem_shared>> -> memref<640xf32, #tpu.memory_space<vmem_shared>>
    tpu.wait_dma2 semaphore(%arg19 : memref<!tpu.dma_semaphore, #tpu.memory_space<semaphore_mem>>) src(%dma_wait3A_1262 : memref<640xf32, #tpu.memory_space<vmem_shared>>) dst(%dma_wait3A_1260 : memref<640xf32, #tpu.memory_space<vmem>>)
    %dma_wait3A_1263 = arith.constant 14 : i32
    %dma_wait3A_1264 = arith.constant 42 : i32
    %dma_wait3A_1265 = arith.constant 0 : i32
    %dma_wait3A_1266 = tpu.memref_slice %arg13[%dma_wait3A_1264, %dma_wait3A_1265] : memref<48x640xf32, #tpu.memory_space<vmem>> -> memref<1x640xf32, #tpu.memory_space<vmem>>
    %dma_wait3A_1267 = tpu.memref_squeeze %dma_wait3A_1266 : memref<1x640xf32, #tpu.memory_space<vmem>> -> memref<640xf32, #tpu.memory_space<vmem>>
    %dma_wait3A_1268 = tpu.memref_slice %arg17[%dma_wait3A_1263, %add3A_676] : memref<16x30720xf32, #tpu.memory_space<vmem_shared>> -> memref<1x640xf32, #tpu.memory_space<vmem_shared>>
    %dma_wait3A_1269 = tpu.memref_squeeze %dma_wait3A_1268 : memref<1x640xf32, #tpu.memory_space<vmem_shared>> -> memref<640xf32, #tpu.memory_space<vmem_shared>>
    %dma_wait3A_1270 = arith.constant 0 : i32
    %dma_wait3A_1271 = tpu.memref_slice %arg13[%dma_wait3A_1264, %dma_wait3A_1270] : memref<48x640xf32, #tpu.memory_space<vmem>> -> memref<1x640xf32, #tpu.memory_space<vmem>>
    %dma_wait3A_1272 = tpu.memref_squeeze %dma_wait3A_1271 : memref<1x640xf32, #tpu.memory_space<vmem>> -> memref<640xf32, #tpu.memory_space<vmem>>
    %dma_wait3A_1273 = tpu.memref_slice %arg17[%dma_wait3A_1263, %add3A_676] : memref<16x30720xf32, #tpu.memory_space<vmem_shared>> -> memref<1x640xf32, #tpu.memory_space<vmem_shared>>
    %dma_wait3A_1274 = tpu.memref_squeeze %dma_wait3A_1273 : memref<1x640xf32, #tpu.memory_space<vmem_shared>> -> memref<640xf32, #tpu.memory_space<vmem_shared>>
    tpu.wait_dma2 semaphore(%arg19 : memref<!tpu.dma_semaphore, #tpu.memory_space<semaphore_mem>>) src(%dma_wait3A_1274 : memref<640xf32, #tpu.memory_space<vmem_shared>>) dst(%dma_wait3A_1272 : memref<640xf32, #tpu.memory_space<vmem>>)
    %dma_wait3A_1275 = arith.constant 14 : i32
    %dma_wait3A_1276 = arith.constant 43 : i32
    %dma_wait3A_1277 = arith.constant 0 : i32
    %dma_wait3A_1278 = tpu.memref_slice %arg13[%dma_wait3A_1276, %dma_wait3A_1277] : memref<48x640xf32, #tpu.memory_space<vmem>> -> memref<1x640xf32, #tpu.memory_space<vmem>>
    %dma_wait3A_1279 = tpu.memref_squeeze %dma_wait3A_1278 : memref<1x640xf32, #tpu.memory_space<vmem>> -> memref<640xf32, #tpu.memory_space<vmem>>
    %dma_wait3A_1280 = tpu.memref_slice %arg17[%dma_wait3A_1275, %add3A_690] : memref<16x30720xf32, #tpu.memory_space<vmem_shared>> -> memref<1x640xf32, #tpu.memory_space<vmem_shared>>
    %dma_wait3A_1281 = tpu.memref_squeeze %dma_wait3A_1280 : memref<1x640xf32, #tpu.memory_space<vmem_shared>> -> memref<640xf32, #tpu.memory_space<vmem_shared>>
    %dma_wait3A_1282 = arith.constant 0 : i32
    %dma_wait3A_1283 = tpu.memref_slice %arg13[%dma_wait3A_1276, %dma_wait3A_1282] : memref<48x640xf32, #tpu.memory_space<vmem>> -> memref<1x640xf32, #tpu.memory_space<vmem>>
    %dma_wait3A_1284 = tpu.memref_squeeze %dma_wait3A_1283 : memref<1x640xf32, #tpu.memory_space<vmem>> -> memref<640xf32, #tpu.memory_space<vmem>>
    %dma_wait3A_1285 = tpu.memref_slice %arg17[%dma_wait3A_1275, %add3A_690] : memref<16x30720xf32, #tpu.memory_space<vmem_shared>> -> memref<1x640xf32, #tpu.memory_space<vmem_shared>>
    %dma_wait3A_1286 = tpu.memref_squeeze %dma_wait3A_1285 : memref<1x640xf32, #tpu.memory_space<vmem_shared>> -> memref<640xf32, #tpu.memory_space<vmem_shared>>
    tpu.wait_dma2 semaphore(%arg19 : memref<!tpu.dma_semaphore, #tpu.memory_space<semaphore_mem>>) src(%dma_wait3A_1286 : memref<640xf32, #tpu.memory_space<vmem_shared>>) dst(%dma_wait3A_1284 : memref<640xf32, #tpu.memory_space<vmem>>)
    %dma_wait3A_1287 = arith.constant 14 : i32
    %dma_wait3A_1288 = arith.constant 44 : i32
    %dma_wait3A_1289 = arith.constant 0 : i32
    %dma_wait3A_1290 = tpu.memref_slice %arg13[%dma_wait3A_1288, %dma_wait3A_1289] : memref<48x640xf32, #tpu.memory_space<vmem>> -> memref<1x640xf32, #tpu.memory_space<vmem>>
    %dma_wait3A_1291 = tpu.memref_squeeze %dma_wait3A_1290 : memref<1x640xf32, #tpu.memory_space<vmem>> -> memref<640xf32, #tpu.memory_space<vmem>>
    %dma_wait3A_1292 = tpu.memref_slice %arg17[%dma_wait3A_1287, %add3A_704] : memref<16x30720xf32, #tpu.memory_space<vmem_shared>> -> memref<1x640xf32, #tpu.memory_space<vmem_shared>>
    %dma_wait3A_1293 = tpu.memref_squeeze %dma_wait3A_1292 : memref<1x640xf32, #tpu.memory_space<vmem_shared>> -> memref<640xf32, #tpu.memory_space<vmem_shared>>
    %dma_wait3A_1294 = arith.constant 0 : i32
    %dma_wait3A_1295 = tpu.memref_slice %arg13[%dma_wait3A_1288, %dma_wait3A_1294] : memref<48x640xf32, #tpu.memory_space<vmem>> -> memref<1x640xf32, #tpu.memory_space<vmem>>
    %dma_wait3A_1296 = tpu.memref_squeeze %dma_wait3A_1295 : memref<1x640xf32, #tpu.memory_space<vmem>> -> memref<640xf32, #tpu.memory_space<vmem>>
    %dma_wait3A_1297 = tpu.memref_slice %arg17[%dma_wait3A_1287, %add3A_704] : memref<16x30720xf32, #tpu.memory_space<vmem_shared>> -> memref<1x640xf32, #tpu.memory_space<vmem_shared>>
    %dma_wait3A_1298 = tpu.memref_squeeze %dma_wait3A_1297 : memref<1x640xf32, #tpu.memory_space<vmem_shared>> -> memref<640xf32, #tpu.memory_space<vmem_shared>>
    tpu.wait_dma2 semaphore(%arg19 : memref<!tpu.dma_semaphore, #tpu.memory_space<semaphore_mem>>) src(%dma_wait3A_1298 : memref<640xf32, #tpu.memory_space<vmem_shared>>) dst(%dma_wait3A_1296 : memref<640xf32, #tpu.memory_space<vmem>>)
    %dma_wait3A_1299 = arith.constant 15 : i32
    %dma_wait3A_1300 = arith.constant 45 : i32
    %dma_wait3A_1301 = arith.constant 0 : i32
    %dma_wait3A_1302 = tpu.memref_slice %arg13[%dma_wait3A_1300, %dma_wait3A_1301] : memref<48x640xf32, #tpu.memory_space<vmem>> -> memref<1x640xf32, #tpu.memory_space<vmem>>
    %dma_wait3A_1303 = tpu.memref_squeeze %dma_wait3A_1302 : memref<1x640xf32, #tpu.memory_space<vmem>> -> memref<640xf32, #tpu.memory_space<vmem>>
    %dma_wait3A_1304 = tpu.memref_slice %arg17[%dma_wait3A_1299, %add3A_718] : memref<16x30720xf32, #tpu.memory_space<vmem_shared>> -> memref<1x640xf32, #tpu.memory_space<vmem_shared>>
    %dma_wait3A_1305 = tpu.memref_squeeze %dma_wait3A_1304 : memref<1x640xf32, #tpu.memory_space<vmem_shared>> -> memref<640xf32, #tpu.memory_space<vmem_shared>>
    %dma_wait3A_1306 = arith.constant 0 : i32
    %dma_wait3A_1307 = tpu.memref_slice %arg13[%dma_wait3A_1300, %dma_wait3A_1306] : memref<48x640xf32, #tpu.memory_space<vmem>> -> memref<1x640xf32, #tpu.memory_space<vmem>>
    %dma_wait3A_1308 = tpu.memref_squeeze %dma_wait3A_1307 : memref<1x640xf32, #tpu.memory_space<vmem>> -> memref<640xf32, #tpu.memory_space<vmem>>
    %dma_wait3A_1309 = tpu.memref_slice %arg17[%dma_wait3A_1299, %add3A_718] : memref<16x30720xf32, #tpu.memory_space<vmem_shared>> -> memref<1x640xf32, #tpu.memory_space<vmem_shared>>
    %dma_wait3A_1310 = tpu.memref_squeeze %dma_wait3A_1309 : memref<1x640xf32, #tpu.memory_space<vmem_shared>> -> memref<640xf32, #tpu.memory_space<vmem_shared>>
    tpu.wait_dma2 semaphore(%arg19 : memref<!tpu.dma_semaphore, #tpu.memory_space<semaphore_mem>>) src(%dma_wait3A_1310 : memref<640xf32, #tpu.memory_space<vmem_shared>>) dst(%dma_wait3A_1308 : memref<640xf32, #tpu.memory_space<vmem>>)
    %dma_wait3A_1311 = arith.constant 15 : i32
    %dma_wait3A_1312 = arith.constant 46 : i32
    %dma_wait3A_1313 = arith.constant 0 : i32
    %dma_wait3A_1314 = tpu.memref_slice %arg13[%dma_wait3A_1312, %dma_wait3A_1313] : memref<48x640xf32, #tpu.memory_space<vmem>> -> memref<1x640xf32, #tpu.memory_space<vmem>>
    %dma_wait3A_1315 = tpu.memref_squeeze %dma_wait3A_1314 : memref<1x640xf32, #tpu.memory_space<vmem>> -> memref<640xf32, #tpu.memory_space<vmem>>
    %dma_wait3A_1316 = tpu.memref_slice %arg17[%dma_wait3A_1311, %add3A_732] : memref<16x30720xf32, #tpu.memory_space<vmem_shared>> -> memref<1x640xf32, #tpu.memory_space<vmem_shared>>
    %dma_wait3A_1317 = tpu.memref_squeeze %dma_wait3A_1316 : memref<1x640xf32, #tpu.memory_space<vmem_shared>> -> memref<640xf32, #tpu.memory_space<vmem_shared>>
    %dma_wait3A_1318 = arith.constant 0 : i32
    %dma_wait3A_1319 = tpu.memref_slice %arg13[%dma_wait3A_1312, %dma_wait3A_1318] : memref<48x640xf32, #tpu.memory_space<vmem>> -> memref<1x640xf32, #tpu.memory_space<vmem>>
    %dma_wait3A_1320 = tpu.memref_squeeze %dma_wait3A_1319 : memref<1x640xf32, #tpu.memory_space<vmem>> -> memref<640xf32, #tpu.memory_space<vmem>>
    %dma_wait3A_1321 = tpu.memref_slice %arg17[%dma_wait3A_1311, %add3A_732] : memref<16x30720xf32, #tpu.memory_space<vmem_shared>> -> memref<1x640xf32, #tpu.memory_space<vmem_shared>>
    %dma_wait3A_1322 = tpu.memref_squeeze %dma_wait3A_1321 : memref<1x640xf32, #tpu.memory_space<vmem_shared>> -> memref<640xf32, #tpu.memory_space<vmem_shared>>
    tpu.wait_dma2 semaphore(%arg19 : memref<!tpu.dma_semaphore, #tpu.memory_space<semaphore_mem>>) src(%dma_wait3A_1322 : memref<640xf32, #tpu.memory_space<vmem_shared>>) dst(%dma_wait3A_1320 : memref<640xf32, #tpu.memory_space<vmem>>)
    %dma_wait3A_1323 = arith.constant 15 : i32
    %dma_wait3A_1324 = arith.constant 47 : i32
    %dma_wait3A_1325 = arith.constant 0 : i32
    %dma_wait3A_1326 = tpu.memref_slice %arg13[%dma_wait3A_1324, %dma_wait3A_1325] : memref<48x640xf32, #tpu.memory_space<vmem>> -> memref<1x640xf32, #tpu.memory_space<vmem>>
    %dma_wait3A_1327 = tpu.memref_squeeze %dma_wait3A_1326 : memref<1x640xf32, #tpu.memory_space<vmem>> -> memref<640xf32, #tpu.memory_space<vmem>>
    %dma_wait3A_1328 = tpu.memref_slice %arg17[%dma_wait3A_1323, %add3A_746] : memref<16x30720xf32, #tpu.memory_space<vmem_shared>> -> memref<1x640xf32, #tpu.memory_space<vmem_shared>>
    %dma_wait3A_1329 = tpu.memref_squeeze %dma_wait3A_1328 : memref<1x640xf32, #tpu.memory_space<vmem_shared>> -> memref<640xf32, #tpu.memory_space<vmem_shared>>
    %dma_wait3A_1330 = arith.constant 0 : i32
    %dma_wait3A_1331 = tpu.memref_slice %arg13[%dma_wait3A_1324, %dma_wait3A_1330] : memref<48x640xf32, #tpu.memory_space<vmem>> -> memref<1x640xf32, #tpu.memory_space<vmem>>
    %dma_wait3A_1332 = tpu.memref_squeeze %dma_wait3A_1331 : memref<1x640xf32, #tpu.memory_space<vmem>> -> memref<640xf32, #tpu.memory_space<vmem>>
    %dma_wait3A_1333 = tpu.memref_slice %arg17[%dma_wait3A_1323, %add3A_746] : memref<16x30720xf32, #tpu.memory_space<vmem_shared>> -> memref<1x640xf32, #tpu.memory_space<vmem_shared>>
    %dma_wait3A_1334 = tpu.memref_squeeze %dma_wait3A_1333 : memref<1x640xf32, #tpu.memory_space<vmem_shared>> -> memref<640xf32, #tpu.memory_space<vmem_shared>>
    tpu.wait_dma2 semaphore(%arg19 : memref<!tpu.dma_semaphore, #tpu.memory_space<semaphore_mem>>) src(%dma_wait3A_1334 : memref<640xf32, #tpu.memory_space<vmem_shared>>) dst(%dma_wait3A_1332 : memref<640xf32, #tpu.memory_space<vmem>>)
    %scan3A_1335 = arith.constant 0 : i32
    %scan3A_1336 = arith.constant 0 : i32
    %scan3A_1337 = arith.constant 40 : i32
    %scan3A_1338 = arith.addi %scan3A_1336, %scan3A_1337 : i32
    %scan3A_1339 = arith.constant 1 : i32
    %scan3A_1340 = scf.for %scan3A_1366 = %scan3A_1336 to %scan3A_1338 step %scan3A_1339 iter_args(%scan3A_1367 = %scan3A_1335) -> (i32)  : i32 {
      %mul3A_1368 = arith.constant 16 : i32
      %mul3A_1369 = arith.muli %scan3A_1366, %mul3A_1368 : i32
      %get3A = arith.constant 0 : i32
      %get3A_1370 = arith.index_cast %get3A : i32 to index
      %get3A_1371 = arith.index_cast %mul3A_1369 : i32 to index
      %get3A_1372 = tpu.vector_load %arg13[%get3A_1370, %get3A_1371] {strides = array<i32>} : memref<48x640xf32, #tpu.memory_space<vmem>>, vector<16xf32>,
      %get3A_1373 = arith.constant 3 : i32
      %get3A_1374 = arith.index_cast %get3A_1373 : i32 to index
      %get3A_1375 = arith.index_cast %mul3A_1369 : i32 to index
      %get3A_1376 = tpu.vector_load %arg13[%get3A_1374, %get3A_1375] {strides = array<i32>} : memref<48x640xf32, #tpu.memory_space<vmem>>, vector<16xf32>,
      %max3A = arith.maximumf %get3A_1372, %get3A_1376 : vector<16xf32>
      %get3A_1377 = arith.constant 6 : i32
      %get3A_1378 = arith.index_cast %get3A_1377 : i32 to index
      %get3A_1379 = arith.index_cast %mul3A_1369 : i32 to index
      %get3A_1380 = tpu.vector_load %arg13[%get3A_1378, %get3A_1379] {strides = array<i32>} : memref<48x640xf32, #tpu.memory_space<vmem>>, vector<16xf32>,
      %max3A_1381 = arith.maximumf %max3A, %get3A_1380 : vector<16xf32>
      %get3A_1382 = arith.constant 9 : i32
      %get3A_1383 = arith.index_cast %get3A_1382 : i32 to index
      %get3A_1384 = arith.index_cast %mul3A_1369 : i32 to index
      %get3A_1385 = tpu.vector_load %arg13[%get3A_1383, %get3A_1384] {strides = array<i32>} : memref<48x640xf32, #tpu.memory_space<vmem>>, vector<16xf32>,
      %max3A_1386 = arith.maximumf %max3A_1381, %get3A_1385 : vector<16xf32>
      %get3A_1387 = arith.constant 12 : i32
      %get3A_1388 = arith.index_cast %get3A_1387 : i32 to index
      %get3A_1389 = arith.index_cast %mul3A_1369 : i32 to index
      %get3A_1390 = tpu.vector_load %arg13[%get3A_1388, %get3A_1389] {strides = array<i32>} : memref<48x640xf32, #tpu.memory_space<vmem>>, vector<16xf32>,
      %max3A_1391 = arith.maximumf %max3A_1386, %get3A_1390 : vector<16xf32>
      %get3A_1392 = arith.constant 15 : i32
      %get3A_1393 = arith.index_cast %get3A_1392 : i32 to index
      %get3A_1394 = arith.index_cast %mul3A_1369 : i32 to index
      %get3A_1395 = tpu.vector_load %arg13[%get3A_1393, %get3A_1394] {strides = array<i32>} : memref<48x640xf32, #tpu.memory_space<vmem>>, vector<16xf32>,
      %max3A_1396 = arith.maximumf %max3A_1391, %get3A_1395 : vector<16xf32>
      %get3A_1397 = arith.constant 18 : i32
      %get3A_1398 = arith.index_cast %get3A_1397 : i32 to index
      %get3A_1399 = arith.index_cast %mul3A_1369 : i32 to index
      %get3A_1400 = tpu.vector_load %arg13[%get3A_1398, %get3A_1399] {strides = array<i32>} : memref<48x640xf32, #tpu.memory_space<vmem>>, vector<16xf32>,
      %max3A_1401 = arith.maximumf %max3A_1396, %get3A_1400 : vector<16xf32>
      %get3A_1402 = arith.constant 21 : i32
      %get3A_1403 = arith.index_cast %get3A_1402 : i32 to index
      %get3A_1404 = arith.index_cast %mul3A_1369 : i32 to index
      %get3A_1405 = tpu.vector_load %arg13[%get3A_1403, %get3A_1404] {strides = array<i32>} : memref<48x640xf32, #tpu.memory_space<vmem>>, vector<16xf32>,
      %max3A_1406 = arith.maximumf %max3A_1401, %get3A_1405 : vector<16xf32>
      %get3A_1407 = arith.constant 24 : i32
      %get3A_1408 = arith.index_cast %get3A_1407 : i32 to index
      %get3A_1409 = arith.index_cast %mul3A_1369 : i32 to index
      %get3A_1410 = tpu.vector_load %arg13[%get3A_1408, %get3A_1409] {strides = array<i32>} : memref<48x640xf32, #tpu.memory_space<vmem>>, vector<16xf32>,
      %max3A_1411 = arith.maximumf %max3A_1406, %get3A_1410 : vector<16xf32>
      %get3A_1412 = arith.constant 27 : i32
      %get3A_1413 = arith.index_cast %get3A_1412 : i32 to index
      %get3A_1414 = arith.index_cast %mul3A_1369 : i32 to index
      %get3A_1415 = tpu.vector_load %arg13[%get3A_1413, %get3A_1414] {strides = array<i32>} : memref<48x640xf32, #tpu.memory_space<vmem>>, vector<16xf32>,
      %max3A_1416 = arith.maximumf %max3A_1411, %get3A_1415 : vector<16xf32>
      %get3A_1417 = arith.constant 30 : i32
      %get3A_1418 = arith.index_cast %get3A_1417 : i32 to index
      %get3A_1419 = arith.index_cast %mul3A_1369 : i32 to index
      %get3A_1420 = tpu.vector_load %arg13[%get3A_1418, %get3A_1419] {strides = array<i32>} : memref<48x640xf32, #tpu.memory_space<vmem>>, vector<16xf32>,
      %max3A_1421 = arith.maximumf %max3A_1416, %get3A_1420 : vector<16xf32>
      %get3A_1422 = arith.constant 33 : i32
      %get3A_1423 = arith.index_cast %get3A_1422 : i32 to index
      %get3A_1424 = arith.index_cast %mul3A_1369 : i32 to index
      %get3A_1425 = tpu.vector_load %arg13[%get3A_1423, %get3A_1424] {strides = array<i32>} : memref<48x640xf32, #tpu.memory_space<vmem>>, vector<16xf32>,
      %max3A_1426 = arith.maximumf %max3A_1421, %get3A_1425 : vector<16xf32>
      %get3A_1427 = arith.constant 36 : i32
      %get3A_1428 = arith.index_cast %get3A_1427 : i32 to index
      %get3A_1429 = arith.index_cast %mul3A_1369 : i32 to index
      %get3A_1430 = tpu.vector_load %arg13[%get3A_1428, %get3A_1429] {strides = array<i32>} : memref<48x640xf32, #tpu.memory_space<vmem>>, vector<16xf32>,
      %max3A_1431 = arith.maximumf %max3A_1426, %get3A_1430 : vector<16xf32>
      %get3A_1432 = arith.constant 39 : i32
      %get3A_1433 = arith.index_cast %get3A_1432 : i32 to index
      %get3A_1434 = arith.index_cast %mul3A_1369 : i32 to index
      %get3A_1435 = tpu.vector_load %arg13[%get3A_1433, %get3A_1434] {strides = array<i32>} : memref<48x640xf32, #tpu.memory_space<vmem>>, vector<16xf32>,
      %max3A_1436 = arith.maximumf %max3A_1431, %get3A_1435 : vector<16xf32>
      %get3A_1437 = arith.constant 42 : i32
      %get3A_1438 = arith.index_cast %get3A_1437 : i32 to index
      %get3A_1439 = arith.index_cast %mul3A_1369 : i32 to index
      %get3A_1440 = tpu.vector_load %arg13[%get3A_1438, %get3A_1439] {strides = array<i32>} : memref<48x640xf32, #tpu.memory_space<vmem>>, vector<16xf32>,
      %max3A_1441 = arith.maximumf %max3A_1436, %get3A_1440 : vector<16xf32>
      %get3A_1442 = arith.constant 45 : i32
      %get3A_1443 = arith.index_cast %get3A_1442 : i32 to index
      %get3A_1444 = arith.index_cast %mul3A_1369 : i32 to index
      %get3A_1445 = tpu.vector_load %arg13[%get3A_1443, %get3A_1444] {strides = array<i32>} : memref<48x640xf32, #tpu.memory_space<vmem>>, vector<16xf32>,
      %max3A_1446 = arith.maximumf %max3A_1441, %get3A_1445 : vector<16xf32>
      %broadcast_in_dim3A_1447 = arith.constant 0.000000e+00 : f32
      %broadcast_in_dim3A_1448 = vector.broadcast %broadcast_in_dim3A_1447 : f32 to vector<16xf32>
      %broadcast_in_dim3A_1449 = arith.constant 0.000000e+00 : f32
      %broadcast_in_dim3A_1450 = vector.broadcast %broadcast_in_dim3A_1449 : f32 to vector<16xf32>
      %get3A_1451 = arith.constant 0 : i32
      %get3A_1452 = arith.index_cast %get3A_1451 : i32 to index
      %get3A_1453 = arith.index_cast %mul3A_1369 : i32 to index
      %get3A_1454 = tpu.vector_load %arg13[%get3A_1452, %get3A_1453] {strides = array<i32>} : memref<48x640xf32, #tpu.memory_space<vmem>>, vector<16xf32>,
      %sub3A = arith.subf %get3A_1454, %max3A_1446 : vector<16xf32>
      %exp3A = math.exp %sub3A : vector<16xf32>
      %get3A_1455 = arith.constant 1 : i32
      %get3A_1456 = arith.index_cast %get3A_1455 : i32 to index
      %get3A_1457 = arith.index_cast %mul3A_1369 : i32 to index
      %get3A_1458 = tpu.vector_load %arg13[%get3A_1456, %get3A_1457] {strides = array<i32>} : memref<48x640xf32, #tpu.memory_space<vmem>>, vector<16xf32>,
      %mul3A_1459 = arith.mulf %get3A_1458, %exp3A : vector<16xf32>
      %add3A_1460 = arith.addf %broadcast_in_dim3A_1448, %mul3A_1459 : vector<16xf32>
      %get3A_1461 = arith.constant 2 : i32
      %get3A_1462 = arith.index_cast %get3A_1461 : i32 to index
      %get3A_1463 = arith.index_cast %mul3A_1369 : i32 to index
      %get3A_1464 = tpu.vector_load %arg13[%get3A_1462, %get3A_1463] {strides = array<i32>} : memref<48x640xf32, #tpu.memory_space<vmem>>, vector<16xf32>,
      %mul3A_1465 = arith.mulf %get3A_1464, %exp3A : vector<16xf32>
      %add3A_1466 = arith.addf %broadcast_in_dim3A_1450, %mul3A_1465 : vector<16xf32>
      %get3A_1467 = arith.constant 3 : i32
      %get3A_1468 = arith.index_cast %get3A_1467 : i32 to index
      %get3A_1469 = arith.index_cast %mul3A_1369 : i32 to index
      %get3A_1470 = tpu.vector_load %arg13[%get3A_1468, %get3A_1469] {strides = array<i32>} : memref<48x640xf32, #tpu.memory_space<vmem>>, vector<16xf32>,
      %sub3A_1471 = arith.subf %get3A_1470, %max3A_1446 : vector<16xf32>
      %exp3A_1472 = math.exp %sub3A_1471 : vector<16xf32>
      %get3A_1473 = arith.constant 4 : i32
      %get3A_1474 = arith.index_cast %get3A_1473 : i32 to index
      %get3A_1475 = arith.index_cast %mul3A_1369 : i32 to index
      %get3A_1476 = tpu.vector_load %arg13[%get3A_1474, %get3A_1475] {strides = array<i32>} : memref<48x640xf32, #tpu.memory_space<vmem>>, vector<16xf32>,
      %mul3A_1477 = arith.mulf %get3A_1476, %exp3A_1472 : vector<16xf32>
      %add3A_1478 = arith.addf %add3A_1460, %mul3A_1477 : vector<16xf32>
      %get3A_1479 = arith.constant 5 : i32
      %get3A_1480 = arith.index_cast %get3A_1479 : i32 to index
      %get3A_1481 = arith.index_cast %mul3A_1369 : i32 to index
      %get3A_1482 = tpu.vector_load %arg13[%get3A_1480, %get3A_1481] {strides = array<i32>} : memref<48x640xf32, #tpu.memory_space<vmem>>, vector<16xf32>,
      %mul3A_1483 = arith.mulf %get3A_1482, %exp3A_1472 : vector<16xf32>
      %add3A_1484 = arith.addf %add3A_1466, %mul3A_1483 : vector<16xf32>
      %get3A_1485 = arith.constant 6 : i32
      %get3A_1486 = arith.index_cast %get3A_1485 : i32 to index
      %get3A_1487 = arith.index_cast %mul3A_1369 : i32 to index
      %get3A_1488 = tpu.vector_load %arg13[%get3A_1486, %get3A_1487] {strides = array<i32>} : memref<48x640xf32, #tpu.memory_space<vmem>>, vector<16xf32>,
      %sub3A_1489 = arith.subf %get3A_1488, %max3A_1446 : vector<16xf32>
      %exp3A_1490 = math.exp %sub3A_1489 : vector<16xf32>
      %get3A_1491 = arith.constant 7 : i32
      %get3A_1492 = arith.index_cast %get3A_1491 : i32 to index
      %get3A_1493 = arith.index_cast %mul3A_1369 : i32 to index
      %get3A_1494 = tpu.vector_load %arg13[%get3A_1492, %get3A_1493] {strides = array<i32>} : memref<48x640xf32, #tpu.memory_space<vmem>>, vector<16xf32>,
      %mul3A_1495 = arith.mulf %get3A_1494, %exp3A_1490 : vector<16xf32>
      %add3A_1496 = arith.addf %add3A_1478, %mul3A_1495 : vector<16xf32>
      %get3A_1497 = arith.constant 8 : i32
      %get3A_1498 = arith.index_cast %get3A_1497 : i32 to index
      %get3A_1499 = arith.index_cast %mul3A_1369 : i32 to index
      %get3A_1500 = tpu.vector_load %arg13[%get3A_1498, %get3A_1499] {strides = array<i32>} : memref<48x640xf32, #tpu.memory_space<vmem>>, vector<16xf32>,
      %mul3A_1501 = arith.mulf %get3A_1500, %exp3A_1490 : vector<16xf32>
      %add3A_1502 = arith.addf %add3A_1484, %mul3A_1501 : vector<16xf32>
      %get3A_1503 = arith.constant 9 : i32
      %get3A_1504 = arith.index_cast %get3A_1503 : i32 to index
      %get3A_1505 = arith.index_cast %mul3A_1369 : i32 to index
      %get3A_1506 = tpu.vector_load %arg13[%get3A_1504, %get3A_1505] {strides = array<i32>} : memref<48x640xf32, #tpu.memory_space<vmem>>, vector<16xf32>,
      %sub3A_1507 = arith.subf %get3A_1506, %max3A_1446 : vector<16xf32>
      %exp3A_1508 = math.exp %sub3A_1507 : vector<16xf32>
      %get3A_1509 = arith.constant 10 : i32
      %get3A_1510 = arith.index_cast %get3A_1509 : i32 to index
      %get3A_1511 = arith.index_cast %mul3A_1369 : i32 to index
      %get3A_1512 = tpu.vector_load %arg13[%get3A_1510, %get3A_1511] {strides = array<i32>} : memref<48x640xf32, #tpu.memory_space<vmem>>, vector<16xf32>,
      %mul3A_1513 = arith.mulf %get3A_1512, %exp3A_1508 : vector<16xf32>
      %add3A_1514 = arith.addf %add3A_1496, %mul3A_1513 : vector<16xf32>
      %get3A_1515 = arith.constant 11 : i32
      %get3A_1516 = arith.index_cast %get3A_1515 : i32 to index
      %get3A_1517 = arith.index_cast %mul3A_1369 : i32 to index
      %get3A_1518 = tpu.vector_load %arg13[%get3A_1516, %get3A_1517] {strides = array<i32>} : memref<48x640xf32, #tpu.memory_space<vmem>>, vector<16xf32>,
      %mul3A_1519 = arith.mulf %get3A_1518, %exp3A_1508 : vector<16xf32>
      %add3A_1520 = arith.addf %add3A_1502, %mul3A_1519 : vector<16xf32>
      %get3A_1521 = arith.constant 12 : i32
      %get3A_1522 = arith.index_cast %get3A_1521 : i32 to index
      %get3A_1523 = arith.index_cast %mul3A_1369 : i32 to index
      %get3A_1524 = tpu.vector_load %arg13[%get3A_1522, %get3A_1523] {strides = array<i32>} : memref<48x640xf32, #tpu.memory_space<vmem>>, vector<16xf32>,
      %sub3A_1525 = arith.subf %get3A_1524, %max3A_1446 : vector<16xf32>
      %exp3A_1526 = math.exp %sub3A_1525 : vector<16xf32>
      %get3A_1527 = arith.constant 13 : i32
      %get3A_1528 = arith.index_cast %get3A_1527 : i32 to index
      %get3A_1529 = arith.index_cast %mul3A_1369 : i32 to index
      %get3A_1530 = tpu.vector_load %arg13[%get3A_1528, %get3A_1529] {strides = array<i32>} : memref<48x640xf32, #tpu.memory_space<vmem>>, vector<16xf32>,
      %mul3A_1531 = arith.mulf %get3A_1530, %exp3A_1526 : vector<16xf32>
      %add3A_1532 = arith.addf %add3A_1514, %mul3A_1531 : vector<16xf32>
      %get3A_1533 = arith.constant 14 : i32
      %get3A_1534 = arith.index_cast %get3A_1533 : i32 to index
      %get3A_1535 = arith.index_cast %mul3A_1369 : i32 to index
      %get3A_1536 = tpu.vector_load %arg13[%get3A_1534, %get3A_1535] {strides = array<i32>} : memref<48x640xf32, #tpu.memory_space<vmem>>, vector<16xf32>,
      %mul3A_1537 = arith.mulf %get3A_1536, %exp3A_1526 : vector<16xf32>
      %add3A_1538 = arith.addf %add3A_1520, %mul3A_1537 : vector<16xf32>
      %get3A_1539 = arith.constant 15 : i32
      %get3A_1540 = arith.index_cast %get3A_1539 : i32 to index
      %get3A_1541 = arith.index_cast %mul3A_1369 : i32 to index
      %get3A_1542 = tpu.vector_load %arg13[%get3A_1540, %get3A_1541] {strides = array<i32>} : memref<48x640xf32, #tpu.memory_space<vmem>>, vector<16xf32>,
      %sub3A_1543 = arith.subf %get3A_1542, %max3A_1446 : vector<16xf32>
      %exp3A_1544 = math.exp %sub3A_1543 : vector<16xf32>
      %get3A_1545 = arith.constant 16 : i32
      %get3A_1546 = arith.index_cast %get3A_1545 : i32 to index
      %get3A_1547 = arith.index_cast %mul3A_1369 : i32 to index
      %get3A_1548 = tpu.vector_load %arg13[%get3A_1546, %get3A_1547] {strides = array<i32>} : memref<48x640xf32, #tpu.memory_space<vmem>>, vector<16xf32>,
      %mul3A_1549 = arith.mulf %get3A_1548, %exp3A_1544 : vector<16xf32>
      %add3A_1550 = arith.addf %add3A_1532, %mul3A_1549 : vector<16xf32>
      %get3A_1551 = arith.constant 17 : i32
      %get3A_1552 = arith.index_cast %get3A_1551 : i32 to index
      %get3A_1553 = arith.index_cast %mul3A_1369 : i32 to index
      %get3A_1554 = tpu.vector_load %arg13[%get3A_1552, %get3A_1553] {strides = array<i32>} : memref<48x640xf32, #tpu.memory_space<vmem>>, vector<16xf32>,
      %mul3A_1555 = arith.mulf %get3A_1554, %exp3A_1544 : vector<16xf32>
      %add3A_1556 = arith.addf %add3A_1538, %mul3A_1555 : vector<16xf32>
      %get3A_1557 = arith.constant 18 : i32
      %get3A_1558 = arith.index_cast %get3A_1557 : i32 to index
      %get3A_1559 = arith.index_cast %mul3A_1369 : i32 to index
      %get3A_1560 = tpu.vector_load %arg13[%get3A_1558, %get3A_1559] {strides = array<i32>} : memref<48x640xf32, #tpu.memory_space<vmem>>, vector<16xf32>,
      %sub3A_1561 = arith.subf %get3A_1560, %max3A_1446 : vector<16xf32>
      %exp3A_1562 = math.exp %sub3A_1561 : vector<16xf32>
      %get3A_1563 = arith.constant 19 : i32
      %get3A_1564 = arith.index_cast %get3A_1563 : i32 to index
      %get3A_1565 = arith.index_cast %mul3A_1369 : i32 to index
      %get3A_1566 = tpu.vector_load %arg13[%get3A_1564, %get3A_1565] {strides = array<i32>} : memref<48x640xf32, #tpu.memory_space<vmem>>, vector<16xf32>,
      %mul3A_1567 = arith.mulf %get3A_1566, %exp3A_1562 : vector<16xf32>
      %add3A_1568 = arith.addf %add3A_1550, %mul3A_1567 : vector<16xf32>
      %get3A_1569 = arith.constant 20 : i32
      %get3A_1570 = arith.index_cast %get3A_1569 : i32 to index
      %get3A_1571 = arith.index_cast %mul3A_1369 : i32 to index
      %get3A_1572 = tpu.vector_load %arg13[%get3A_1570, %get3A_1571] {strides = array<i32>} : memref<48x640xf32, #tpu.memory_space<vmem>>, vector<16xf32>,
      %mul3A_1573 = arith.mulf %get3A_1572, %exp3A_1562 : vector<16xf32>
      %add3A_1574 = arith.addf %add3A_1556, %mul3A_1573 : vector<16xf32>
      %get3A_1575 = arith.constant 21 : i32
      %get3A_1576 = arith.index_cast %get3A_1575 : i32 to index
      %get3A_1577 = arith.index_cast %mul3A_1369 : i32 to index
      %get3A_1578 = tpu.vector_load %arg13[%get3A_1576, %get3A_1577] {strides = array<i32>} : memref<48x640xf32, #tpu.memory_space<vmem>>, vector<16xf32>,
      %sub3A_1579 = arith.subf %get3A_1578, %max3A_1446 : vector<16xf32>
      %exp3A_1580 = math.exp %sub3A_1579 : vector<16xf32>
      %get3A_1581 = arith.constant 22 : i32
      %get3A_1582 = arith.index_cast %get3A_1581 : i32 to index
      %get3A_1583 = arith.index_cast %mul3A_1369 : i32 to index
      %get3A_1584 = tpu.vector_load %arg13[%get3A_1582, %get3A_1583] {strides = array<i32>} : memref<48x640xf32, #tpu.memory_space<vmem>>, vector<16xf32>,
      %mul3A_1585 = arith.mulf %get3A_1584, %exp3A_1580 : vector<16xf32>
      %add3A_1586 = arith.addf %add3A_1568, %mul3A_1585 : vector<16xf32>
      %get3A_1587 = arith.constant 23 : i32
      %get3A_1588 = arith.index_cast %get3A_1587 : i32 to index
      %get3A_1589 = arith.index_cast %mul3A_1369 : i32 to index
      %get3A_1590 = tpu.vector_load %arg13[%get3A_1588, %get3A_1589] {strides = array<i32>} : memref<48x640xf32, #tpu.memory_space<vmem>>, vector<16xf32>,
      %mul3A_1591 = arith.mulf %get3A_1590, %exp3A_1580 : vector<16xf32>
      %add3A_1592 = arith.addf %add3A_1574, %mul3A_1591 : vector<16xf32>
      %get3A_1593 = arith.constant 24 : i32
      %get3A_1594 = arith.index_cast %get3A_1593 : i32 to index
      %get3A_1595 = arith.index_cast %mul3A_1369 : i32 to index
      %get3A_1596 = tpu.vector_load %arg13[%get3A_1594, %get3A_1595] {strides = array<i32>} : memref<48x640xf32, #tpu.memory_space<vmem>>, vector<16xf32>,
      %sub3A_1597 = arith.subf %get3A_1596, %max3A_1446 : vector<16xf32>
      %exp3A_1598 = math.exp %sub3A_1597 : vector<16xf32>
      %get3A_1599 = arith.constant 25 : i32
      %get3A_1600 = arith.index_cast %get3A_1599 : i32 to index
      %get3A_1601 = arith.index_cast %mul3A_1369 : i32 to index
      %get3A_1602 = tpu.vector_load %arg13[%get3A_1600, %get3A_1601] {strides = array<i32>} : memref<48x640xf32, #tpu.memory_space<vmem>>, vector<16xf32>,
      %mul3A_1603 = arith.mulf %get3A_1602, %exp3A_1598 : vector<16xf32>
      %add3A_1604 = arith.addf %add3A_1586, %mul3A_1603 : vector<16xf32>
      %get3A_1605 = arith.constant 26 : i32
      %get3A_1606 = arith.index_cast %get3A_1605 : i32 to index
      %get3A_1607 = arith.index_cast %mul3A_1369 : i32 to index
      %get3A_1608 = tpu.vector_load %arg13[%get3A_1606, %get3A_1607] {strides = array<i32>} : memref<48x640xf32, #tpu.memory_space<vmem>>, vector<16xf32>,
      %mul3A_1609 = arith.mulf %get3A_1608, %exp3A_1598 : vector<16xf32>
      %add3A_1610 = arith.addf %add3A_1592, %mul3A_1609 : vector<16xf32>
      %get3A_1611 = arith.constant 27 : i32
      %get3A_1612 = arith.index_cast %get3A_1611 : i32 to index
      %get3A_1613 = arith.index_cast %mul3A_1369 : i32 to index
      %get3A_1614 = tpu.vector_load %arg13[%get3A_1612, %get3A_1613] {strides = array<i32>} : memref<48x640xf32, #tpu.memory_space<vmem>>, vector<16xf32>,
      %sub3A_1615 = arith.subf %get3A_1614, %max3A_1446 : vector<16xf32>
      %exp3A_1616 = math.exp %sub3A_1615 : vector<16xf32>
      %get3A_1617 = arith.constant 28 : i32
      %get3A_1618 = arith.index_cast %get3A_1617 : i32 to index
      %get3A_1619 = arith.index_cast %mul3A_1369 : i32 to index
      %get3A_1620 = tpu.vector_load %arg13[%get3A_1618, %get3A_1619] {strides = array<i32>} : memref<48x640xf32, #tpu.memory_space<vmem>>, vector<16xf32>,
      %mul3A_1621 = arith.mulf %get3A_1620, %exp3A_1616 : vector<16xf32>
      %add3A_1622 = arith.addf %add3A_1604, %mul3A_1621 : vector<16xf32>
      %get3A_1623 = arith.constant 29 : i32
      %get3A_1624 = arith.index_cast %get3A_1623 : i32 to index
      %get3A_1625 = arith.index_cast %mul3A_1369 : i32 to index
      %get3A_1626 = tpu.vector_load %arg13[%get3A_1624, %get3A_1625] {strides = array<i32>} : memref<48x640xf32, #tpu.memory_space<vmem>>, vector<16xf32>,
      %mul3A_1627 = arith.mulf %get3A_1626, %exp3A_1616 : vector<16xf32>
      %add3A_1628 = arith.addf %add3A_1610, %mul3A_1627 : vector<16xf32>
      %get3A_1629 = arith.constant 30 : i32
      %get3A_1630 = arith.index_cast %get3A_1629 : i32 to index
      %get3A_1631 = arith.index_cast %mul3A_1369 : i32 to index
      %get3A_1632 = tpu.vector_load %arg13[%get3A_1630, %get3A_1631] {strides = array<i32>} : memref<48x640xf32, #tpu.memory_space<vmem>>, vector<16xf32>,
      %sub3A_1633 = arith.subf %get3A_1632, %max3A_1446 : vector<16xf32>
      %exp3A_1634 = math.exp %sub3A_1633 : vector<16xf32>
      %get3A_1635 = arith.constant 31 : i32
      %get3A_1636 = arith.index_cast %get3A_1635 : i32 to index
      %get3A_1637 = arith.index_cast %mul3A_1369 : i32 to index
      %get3A_1638 = tpu.vector_load %arg13[%get3A_1636, %get3A_1637] {strides = array<i32>} : memref<48x640xf32, #tpu.memory_space<vmem>>, vector<16xf32>,
      %mul3A_1639 = arith.mulf %get3A_1638, %exp3A_1634 : vector<16xf32>
      %add3A_1640 = arith.addf %add3A_1622, %mul3A_1639 : vector<16xf32>
      %get3A_1641 = arith.constant 32 : i32
      %get3A_1642 = arith.index_cast %get3A_1641 : i32 to index
      %get3A_1643 = arith.index_cast %mul3A_1369 : i32 to index
      %get3A_1644 = tpu.vector_load %arg13[%get3A_1642, %get3A_1643] {strides = array<i32>} : memref<48x640xf32, #tpu.memory_space<vmem>>, vector<16xf32>,
      %mul3A_1645 = arith.mulf %get3A_1644, %exp3A_1634 : vector<16xf32>
      %add3A_1646 = arith.addf %add3A_1628, %mul3A_1645 : vector<16xf32>
      %get3A_1647 = arith.constant 33 : i32
      %get3A_1648 = arith.index_cast %get3A_1647 : i32 to index
      %get3A_1649 = arith.index_cast %mul3A_1369 : i32 to index
      %get3A_1650 = tpu.vector_load %arg13[%get3A_1648, %get3A_1649] {strides = array<i32>} : memref<48x640xf32, #tpu.memory_space<vmem>>, vector<16xf32>,
      %sub3A_1651 = arith.subf %get3A_1650, %max3A_1446 : vector<16xf32>
      %exp3A_1652 = math.exp %sub3A_1651 : vector<16xf32>
      %get3A_1653 = arith.constant 34 : i32
      %get3A_1654 = arith.index_cast %get3A_1653 : i32 to index
      %get3A_1655 = arith.index_cast %mul3A_1369 : i32 to index
      %get3A_1656 = tpu.vector_load %arg13[%get3A_1654, %get3A_1655] {strides = array<i32>} : memref<48x640xf32, #tpu.memory_space<vmem>>, vector<16xf32>,
      %mul3A_1657 = arith.mulf %get3A_1656, %exp3A_1652 : vector<16xf32>
      %add3A_1658 = arith.addf %add3A_1640, %mul3A_1657 : vector<16xf32>
      %get3A_1659 = arith.constant 35 : i32
      %get3A_1660 = arith.index_cast %get3A_1659 : i32 to index
      %get3A_1661 = arith.index_cast %mul3A_1369 : i32 to index
      %get3A_1662 = tpu.vector_load %arg13[%get3A_1660, %get3A_1661] {strides = array<i32>} : memref<48x640xf32, #tpu.memory_space<vmem>>, vector<16xf32>,
      %mul3A_1663 = arith.mulf %get3A_1662, %exp3A_1652 : vector<16xf32>
      %add3A_1664 = arith.addf %add3A_1646, %mul3A_1663 : vector<16xf32>
      %get3A_1665 = arith.constant 36 : i32
      %get3A_1666 = arith.index_cast %get3A_1665 : i32 to index
      %get3A_1667 = arith.index_cast %mul3A_1369 : i32 to index
      %get3A_1668 = tpu.vector_load %arg13[%get3A_1666, %get3A_1667] {strides = array<i32>} : memref<48x640xf32, #tpu.memory_space<vmem>>, vector<16xf32>,
      %sub3A_1669 = arith.subf %get3A_1668, %max3A_1446 : vector<16xf32>
      %exp3A_1670 = math.exp %sub3A_1669 : vector<16xf32>
      %get3A_1671 = arith.constant 37 : i32
      %get3A_1672 = arith.index_cast %get3A_1671 : i32 to index
      %get3A_1673 = arith.index_cast %mul3A_1369 : i32 to index
      %get3A_1674 = tpu.vector_load %arg13[%get3A_1672, %get3A_1673] {strides = array<i32>} : memref<48x640xf32, #tpu.memory_space<vmem>>, vector<16xf32>,
      %mul3A_1675 = arith.mulf %get3A_1674, %exp3A_1670 : vector<16xf32>
      %add3A_1676 = arith.addf %add3A_1658, %mul3A_1675 : vector<16xf32>
      %get3A_1677 = arith.constant 38 : i32
      %get3A_1678 = arith.index_cast %get3A_1677 : i32 to index
      %get3A_1679 = arith.index_cast %mul3A_1369 : i32 to index
      %get3A_1680 = tpu.vector_load %arg13[%get3A_1678, %get3A_1679] {strides = array<i32>} : memref<48x640xf32, #tpu.memory_space<vmem>>, vector<16xf32>,
      %mul3A_1681 = arith.mulf %get3A_1680, %exp3A_1670 : vector<16xf32>
      %add3A_1682 = arith.addf %add3A_1664, %mul3A_1681 : vector<16xf32>
      %get3A_1683 = arith.constant 39 : i32
      %get3A_1684 = arith.index_cast %get3A_1683 : i32 to index
      %get3A_1685 = arith.index_cast %mul3A_1369 : i32 to index
      %get3A_1686 = tpu.vector_load %arg13[%get3A_1684, %get3A_1685] {strides = array<i32>} : memref<48x640xf32, #tpu.memory_space<vmem>>, vector<16xf32>,
      %sub3A_1687 = arith.subf %get3A_1686, %max3A_1446 : vector<16xf32>
      %exp3A_1688 = math.exp %sub3A_1687 : vector<16xf32>
      %get3A_1689 = arith.constant 40 : i32
      %get3A_1690 = arith.index_cast %get3A_1689 : i32 to index
      %get3A_1691 = arith.index_cast %mul3A_1369 : i32 to index
      %get3A_1692 = tpu.vector_load %arg13[%get3A_1690, %get3A_1691] {strides = array<i32>} : memref<48x640xf32, #tpu.memory_space<vmem>>, vector<16xf32>,
      %mul3A_1693 = arith.mulf %get3A_1692, %exp3A_1688 : vector<16xf32>
      %add3A_1694 = arith.addf %add3A_1676, %mul3A_1693 : vector<16xf32>
      %get3A_1695 = arith.constant 41 : i32
      %get3A_1696 = arith.index_cast %get3A_1695 : i32 to index
      %get3A_1697 = arith.index_cast %mul3A_1369 : i32 to index
      %get3A_1698 = tpu.vector_load %arg13[%get3A_1696, %get3A_1697] {strides = array<i32>} : memref<48x640xf32, #tpu.memory_space<vmem>>, vector<16xf32>,
      %mul3A_1699 = arith.mulf %get3A_1698, %exp3A_1688 : vector<16xf32>
      %add3A_1700 = arith.addf %add3A_1682, %mul3A_1699 : vector<16xf32>
      %get3A_1701 = arith.constant 42 : i32
      %get3A_1702 = arith.index_cast %get3A_1701 : i32 to index
      %get3A_1703 = arith.index_cast %mul3A_1369 : i32 to index
      %get3A_1704 = tpu.vector_load %arg13[%get3A_1702, %get3A_1703] {strides = array<i32>} : memref<48x640xf32, #tpu.memory_space<vmem>>, vector<16xf32>,
      %sub3A_1705 = arith.subf %get3A_1704, %max3A_1446 : vector<16xf32>
      %exp3A_1706 = math.exp %sub3A_1705 : vector<16xf32>
      %get3A_1707 = arith.constant 43 : i32
      %get3A_1708 = arith.index_cast %get3A_1707 : i32 to index
      %get3A_1709 = arith.index_cast %mul3A_1369 : i32 to index
      %get3A_1710 = tpu.vector_load %arg13[%get3A_1708, %get3A_1709] {strides = array<i32>} : memref<48x640xf32, #tpu.memory_space<vmem>>, vector<16xf32>,
      %mul3A_1711 = arith.mulf %get3A_1710, %exp3A_1706 : vector<16xf32>
      %add3A_1712 = arith.addf %add3A_1694, %mul3A_1711 : vector<16xf32>
      %get3A_1713 = arith.constant 44 : i32
      %get3A_1714 = arith.index_cast %get3A_1713 : i32 to index
      %get3A_1715 = arith.index_cast %mul3A_1369 : i32 to index
      %get3A_1716 = tpu.vector_load %arg13[%get3A_1714, %get3A_1715] {strides = array<i32>} : memref<48x640xf32, #tpu.memory_space<vmem>>, vector<16xf32>,
      %mul3A_1717 = arith.mulf %get3A_1716, %exp3A_1706 : vector<16xf32>
      %add3A_1718 = arith.addf %add3A_1700, %mul3A_1717 : vector<16xf32>
      %get3A_1719 = arith.constant 45 : i32
      %get3A_1720 = arith.index_cast %get3A_1719 : i32 to index
      %get3A_1721 = arith.index_cast %mul3A_1369 : i32 to index
      %get3A_1722 = tpu.vector_load %arg13[%get3A_1720, %get3A_1721] {strides = array<i32>} : memref<48x640xf32, #tpu.memory_space<vmem>>, vector<16xf32>,
      %sub3A_1723 = arith.subf %get3A_1722, %max3A_1446 : vector<16xf32>
      %exp3A_1724 = math.exp %sub3A_1723 : vector<16xf32>
      %get3A_1725 = arith.constant 46 : i32
      %get3A_1726 = arith.index_cast %get3A_1725 : i32 to index
      %get3A_1727 = arith.index_cast %mul3A_1369 : i32 to index
      %get3A_1728 = tpu.vector_load %arg13[%get3A_1726, %get3A_1727] {strides = array<i32>} : memref<48x640xf32, #tpu.memory_space<vmem>>, vector<16xf32>,
      %mul3A_1729 = arith.mulf %get3A_1728, %exp3A_1724 : vector<16xf32>
      %add3A_1730 = arith.addf %add3A_1712, %mul3A_1729 : vector<16xf32>
      %get3A_1731 = arith.constant 47 : i32
      %get3A_1732 = arith.index_cast %get3A_1731 : i32 to index
      %get3A_1733 = arith.index_cast %mul3A_1369 : i32 to index
      %get3A_1734 = tpu.vector_load %arg13[%get3A_1732, %get3A_1733] {strides = array<i32>} : memref<48x640xf32, #tpu.memory_space<vmem>>, vector<16xf32>,
      %mul3A_1735 = arith.mulf %get3A_1734, %exp3A_1724 : vector<16xf32>
      %add3A_1736 = arith.addf %add3A_1718, %mul3A_1735 : vector<16xf32>
      %swap3A = arith.index_cast %mul3A_1369 : i32 to index
      %swap3A_1737 = tpu.vector_load %arg14[%swap3A] {strides = array<i32>} : memref<640xf32, #tpu.memory_space<vmem>>, vector<16xf32>,
      tpu.vector_store %arg14[%swap3A], %max3A_1446 {strides = array<i32>} : memref<640xf32, #tpu.memory_space<vmem>>, vector<16xf32>,
      %swap3A_1738 = arith.index_cast %mul3A_1369 : i32 to index
      %swap3A_1739 = tpu.vector_load %arg15[%swap3A_1738] {strides = array<i32>} : memref<640xf32, #tpu.memory_space<vmem>>, vector<16xf32>,
      tpu.vector_store %arg15[%swap3A_1738], %add3A_1730 {strides = array<i32>} : memref<640xf32, #tpu.memory_space<vmem>>, vector<16xf32>,
      %swap3A_1740 = arith.index_cast %mul3A_1369 : i32 to index
      %swap3A_1741 = tpu.vector_load %arg16[%swap3A_1740] {strides = array<i32>} : memref<640xf32, #tpu.memory_space<vmem>>, vector<16xf32>,
      tpu.vector_store %arg16[%swap3A_1740], %add3A_1736 {strides = array<i32>} : memref<640xf32, #tpu.memory_space<vmem>>, vector<16xf32>,
      %scan3A_1742 = arith.constant 0 : i32
      scf.yield %scan3A_1742 : i32
    }
    %scan3A_1341 = arith.constant 40 : i32
    %dma_start3A_1342 = tpu.memref_slice %arg4[%arg0, %mul3A_86] : memref<2x10240xf32, #tpu.memory_space<hbm>> -> memref<1x640xf32, #tpu.memory_space<hbm>>
    %dma_start3A_1343 = tpu.memref_squeeze %dma_start3A_1342 : memref<1x640xf32, #tpu.memory_space<hbm>> -> memref<640xf32, #tpu.memory_space<hbm>>
    %dma_start3A_1344 = tpu.memref_slice %arg4[%arg0, %mul3A_86] : memref<2x10240xf32, #tpu.memory_space<hbm>> -> memref<1x640xf32, #tpu.memory_space<hbm>>
    %dma_start3A_1345 = tpu.memref_squeeze %dma_start3A_1344 : memref<1x640xf32, #tpu.memory_space<hbm>> -> memref<640xf32, #tpu.memory_space<hbm>>
    tpu.enqueue_dma source(%arg14 : memref<640xf32, #tpu.memory_space<vmem>>) target(%dma_start3A_1345 : memref<640xf32, #tpu.memory_space<hbm>>) target_semaphore(%arg19 : memref<!tpu.dma_semaphore, #tpu.memory_space<semaphore_mem>>)
    %dma_start3A_1346 = tpu.memref_slice %arg5[%arg0, %mul3A_86] : memref<2x10240xf32, #tpu.memory_space<hbm>> -> memref<1x640xf32, #tpu.memory_space<hbm>>
    %dma_start3A_1347 = tpu.memref_squeeze %dma_start3A_1346 : memref<1x640xf32, #tpu.memory_space<hbm>> -> memref<640xf32, #tpu.memory_space<hbm>>
    %dma_start3A_1348 = tpu.memref_slice %arg5[%arg0, %mul3A_86] : memref<2x10240xf32, #tpu.memory_space<hbm>> -> memref<1x640xf32, #tpu.memory_space<hbm>>
    %dma_start3A_1349 = tpu.memref_squeeze %dma_start3A_1348 : memref<1x640xf32, #tpu.memory_space<hbm>> -> memref<640xf32, #tpu.memory_space<hbm>>
    tpu.enqueue_dma source(%arg15 : memref<640xf32, #tpu.memory_space<vmem>>) target(%dma_start3A_1349 : memref<640xf32, #tpu.memory_space<hbm>>) target_semaphore(%arg19 : memref<!tpu.dma_semaphore, #tpu.memory_space<semaphore_mem>>)
    %dma_start3A_1350 = tpu.memref_slice %arg6[%arg0, %mul3A_86] : memref<2x10240xf32, #tpu.memory_space<hbm>> -> memref<1x640xf32, #tpu.memory_space<hbm>>
    %dma_start3A_1351 = tpu.memref_squeeze %dma_start3A_1350 : memref<1x640xf32, #tpu.memory_space<hbm>> -> memref<640xf32, #tpu.memory_space<hbm>>
    %dma_start3A_1352 = tpu.memref_slice %arg6[%arg0, %mul3A_86] : memref<2x10240xf32, #tpu.memory_space<hbm>> -> memref<1x640xf32, #tpu.memory_space<hbm>>
    %dma_start3A_1353 = tpu.memref_squeeze %dma_start3A_1352 : memref<1x640xf32, #tpu.memory_space<hbm>> -> memref<640xf32, #tpu.memory_space<hbm>>
    tpu.enqueue_dma source(%arg16 : memref<640xf32, #tpu.memory_space<vmem>>) target(%dma_start3A_1353 : memref<640xf32, #tpu.memory_space<hbm>>) target_semaphore(%arg19 : memref<!tpu.dma_semaphore, #tpu.memory_space<semaphore_mem>>)
    %dma_wait3A_1354 = tpu.memref_slice %arg4[%arg0, %mul3A_86] : memref<2x10240xf32, #tpu.memory_space<hbm>> -> memref<1x640xf32, #tpu.memory_space<hbm>>
    %dma_wait3A_1355 = tpu.memref_squeeze %dma_wait3A_1354 : memref<1x640xf32, #tpu.memory_space<hbm>> -> memref<640xf32, #tpu.memory_space<hbm>>
    %dma_wait3A_1356 = tpu.memref_slice %arg4[%arg0, %mul3A_86] : memref<2x10240xf32, #tpu.memory_space<hbm>> -> memref<1x640xf32, #tpu.memory_space<hbm>>
    %dma_wait3A_1357 = tpu.memref_squeeze %dma_wait3A_1356 : memref<1x640xf32, #tpu.memory_space<hbm>> -> memref<640xf32, #tpu.memory_space<hbm>>
    tpu.wait_dma2 semaphore(%arg19 : memref<!tpu.dma_semaphore, #tpu.memory_space<semaphore_mem>>) src(%arg14 : memref<640xf32, #tpu.memory_space<vmem>>) dst(%dma_wait3A_1357 : memref<640xf32, #tpu.memory_space<hbm>>)
    %dma_wait3A_1358 = tpu.memref_slice %arg5[%arg0, %mul3A_86] : memref<2x10240xf32, #tpu.memory_space<hbm>> -> memref<1x640xf32, #tpu.memory_space<hbm>>
    %dma_wait3A_1359 = tpu.memref_squeeze %dma_wait3A_1358 : memref<1x640xf32, #tpu.memory_space<hbm>> -> memref<640xf32, #tpu.memory_space<hbm>>
    %dma_wait3A_1360 = tpu.memref_slice %arg5[%arg0, %mul3A_86] : memref<2x10240xf32, #tpu.memory_space<hbm>> -> memref<1x640xf32, #tpu.memory_space<hbm>>
    %dma_wait3A_1361 = tpu.memref_squeeze %dma_wait3A_1360 : memref<1x640xf32, #tpu.memory_space<hbm>> -> memref<640xf32, #tpu.memory_space<hbm>>
    tpu.wait_dma2 semaphore(%arg19 : memref<!tpu.dma_semaphore, #tpu.memory_space<semaphore_mem>>) src(%arg15 : memref<640xf32, #tpu.memory_space<vmem>>) dst(%dma_wait3A_1361 : memref<640xf32, #tpu.memory_space<hbm>>)
    %dma_wait3A_1362 = tpu.memref_slice %arg6[%arg0, %mul3A_86] : memref<2x10240xf32, #tpu.memory_space<hbm>> -> memref<1x640xf32, #tpu.memory_space<hbm>>
    %dma_wait3A_1363 = tpu.memref_squeeze %dma_wait3A_1362 : memref<1x640xf32, #tpu.memory_space<hbm>> -> memref<640xf32, #tpu.memory_space<hbm>>
    %dma_wait3A_1364 = tpu.memref_slice %arg6[%arg0, %mul3A_86] : memref<2x10240xf32, #tpu.memory_space<hbm>> -> memref<1x640xf32, #tpu.memory_space<hbm>>
    %dma_wait3A_1365 = tpu.memref_squeeze %dma_wait3A_1364 : memref<1x640xf32, #tpu.memory_space<hbm>> -> memref<640xf32, #tpu.memory_space<hbm>>
    tpu.wait_dma2 semaphore(%arg19 : memref<!tpu.dma_semaphore, #tpu.memory_space<semaphore_mem>>) src(%arg16 : memref<640xf32, #tpu.memory_space<vmem>>) dst(%dma_wait3A_1365 : memref<640xf32, #tpu.memory_space<hbm>>)
    return
  }
}

module attributes {stable_mosaic.version = 14 : i64} {
  func.func @_matvec_body(%arg0: memref<10000x128xf32, #tpu.memory_space<vmem>>, %arg1: memref<128x1xf32, #tpu.memory_space<vmem>>, %arg2: memref<1x1xf32, #tpu.memory_space<vmem>>, %arg3: memref<1x1xf32, #tpu.memory_space<vmem>>, %arg4: memref<10240x1xf32, #tpu.memory_space<vmem>>) attributes {dimension_semantics = [], scalar_prefetch = 0 : i64, scratch_operands = 0 : i64, tpu.core_type = #tpu.core_type<tc>} {
    %get3A = arith.constant 0 : index
    %get3A_0 = arith.constant 0 : index
    %get3A_1 = vector.load %arg0[%get3A, %get3A_0] : memref<10000x128xf32, #tpu.memory_space<vmem>>, vector<10000x128xf32>
    %get3A_2 = arith.constant 0 : index
    %get3A_3 = arith.constant 0 : index
    %get3A_4 = vector.load %arg1[%get3A_2, %get3A_3] : memref<128x1xf32, #tpu.memory_space<vmem>>, vector<128x1xf32>
    %dot_general3A = arith.constant dense<0.000000e+00> : vector<10000x1xf32>
    %dot_general3A_5 = tpu.matmul %get3A_1, %get3A_4, %dot_general3A {dimension_numbers = #tpu.dot_dimension_numbers<[1], [0], [0], [1], [0, 0, 1, 1], [], []>, transpose_lhs_hint = false} : vector<10000x128xf32>, vector<128x1xf32>, vector<10000x1xf32> -> vector<10000x1xf32>
    %swap3A = arith.constant 0 : index
    %swap3A_6 = arith.constant 0 : index
    %swap3A_7 = vector.load %arg4[%swap3A, %swap3A_6] : memref<10240x1xf32, #tpu.memory_space<vmem>>, vector<10000x1xf32>
    tpu.vector_store %arg4[%swap3A, %swap3A_6], %dot_general3A_5 {strides = array<i32>} : memref<10240x1xf32, #tpu.memory_space<vmem>>, vector<10000x1xf32>,
    %broadcast_in_dim3A = arith.constant 1.000000e+00 : f32
    %broadcast_in_dim3A_8 = vector.broadcast %broadcast_in_dim3A : f32 to vector<8x1xf32>
    %get3A_9 = arith.constant 0 : index
    %get3A_10 = arith.constant 0 : index
    %get3A_11 = vector.load %arg2[%get3A_9, %get3A_10] : memref<1x1xf32, #tpu.memory_space<vmem>>, vector<1x1xf32>
    %get3A_12 = vector.extract %get3A_11[0, 0] : f32 from vector<1x1xf32>
    %mul3A = vector.broadcast %get3A_12 : f32 to vector<8x1xf32>
    %mul3A_13 = arith.mulf %broadcast_in_dim3A_8, %mul3A : vector<8x1xf32>
    %swap3A_14 = arith.constant 10000 : index
    %swap3A_15 = arith.constant 0 : index
    %swap3A_16 = vector.load %arg4[%swap3A_14, %swap3A_15] : memref<10240x1xf32, #tpu.memory_space<vmem>>, vector<8x1xf32>
    tpu.vector_store %arg4[%swap3A_14, %swap3A_15], %mul3A_13 {strides = array<i32>} : memref<10240x1xf32, #tpu.memory_space<vmem>>, vector<8x1xf32>,
    %broadcast_in_dim3A_17 = arith.constant 1.000000e+00 : f32
    %broadcast_in_dim3A_18 = vector.broadcast %broadcast_in_dim3A_17 : f32 to vector<8x1xf32>
    %get3A_19 = arith.constant 0 : index
    %get3A_20 = arith.constant 0 : index
    %get3A_21 = vector.load %arg3[%get3A_19, %get3A_20] : memref<1x1xf32, #tpu.memory_space<vmem>>, vector<1x1xf32>
    %get3A_22 = vector.extract %get3A_21[0, 0] : f32 from vector<1x1xf32>
    %mul3A_23 = vector.broadcast %get3A_22 : f32 to vector<8x1xf32>
    %mul3A_24 = arith.mulf %broadcast_in_dim3A_18, %mul3A_23 : vector<8x1xf32>
    %swap3A_25 = arith.constant 10008 : index
    %swap3A_26 = arith.constant 0 : index
    %swap3A_27 = vector.load %arg4[%swap3A_25, %swap3A_26] : memref<10240x1xf32, #tpu.memory_space<vmem>>, vector<8x1xf32>
    tpu.vector_store %arg4[%swap3A_25, %swap3A_26], %mul3A_24 {strides = array<i32>} : memref<10240x1xf32, #tpu.memory_space<vmem>>, vector<8x1xf32>,
    return
  }
}

module attributes {stable_mosaic.version = 14 : i64} {
  func.func @_final_body(%arg0: memref<2x80x128xf32, #tpu.memory_space<vmem>>, %arg1: memref<2x80x128xf32, #tpu.memory_space<vmem>>, %arg2: memref<2x80x128xf32, #tpu.memory_space<vmem>>, %arg3: memref<1x1xf32, #tpu.memory_space<vmem>>, %arg4: memref<80x128xf32, #tpu.memory_space<vmem>>) attributes {dimension_semantics = [], scalar_prefetch = 0 : i64, scratch_operands = 0 : i64, tpu.core_type = #tpu.core_type<tc>} {
    %get3A = arith.constant 0 : index
    %get3A_0 = arith.constant 0 : index
    %get3A_1 = arith.constant 0 : index
    %get3A_2 = vector.load %arg0[%get3A, %get3A_0, %get3A_1] : memref<2x80x128xf32, #tpu.memory_space<vmem>>, vector<1x80x128xf32>
    %get3A_3 = vector.shape_cast %get3A_2 : vector<1x80x128xf32> to vector<80x128xf32>
    %get3A_4 = arith.constant 1 : index
    %get3A_5 = arith.constant 0 : index
    %get3A_6 = arith.constant 0 : index
    %get3A_7 = vector.load %arg0[%get3A_4, %get3A_5, %get3A_6] : memref<2x80x128xf32, #tpu.memory_space<vmem>>, vector<1x80x128xf32>
    %get3A_8 = vector.shape_cast %get3A_7 : vector<1x80x128xf32> to vector<80x128xf32>
    %max3A = arith.maximumf %get3A_3, %get3A_8 : vector<80x128xf32>
    %sub3A = arith.subf %get3A_3, %max3A : vector<80x128xf32>
    %exp3A = math.exp %sub3A : vector<80x128xf32>
    %sub3A_9 = arith.subf %get3A_8, %max3A : vector<80x128xf32>
    %exp3A_10 = math.exp %sub3A_9 : vector<80x128xf32>
    %get3A_11 = arith.constant 0 : index
    %get3A_12 = arith.constant 0 : index
    %get3A_13 = arith.constant 0 : index
    %get3A_14 = vector.load %arg1[%get3A_11, %get3A_12, %get3A_13] : memref<2x80x128xf32, #tpu.memory_space<vmem>>, vector<1x80x128xf32>
    %get3A_15 = vector.shape_cast %get3A_14 : vector<1x80x128xf32> to vector<80x128xf32>
    %mul3A = arith.mulf %get3A_15, %exp3A : vector<80x128xf32>
    %get3A_16 = arith.constant 1 : index
    %get3A_17 = arith.constant 0 : index
    %get3A_18 = arith.constant 0 : index
    %get3A_19 = vector.load %arg1[%get3A_16, %get3A_17, %get3A_18] : memref<2x80x128xf32, #tpu.memory_space<vmem>>, vector<1x80x128xf32>
    %get3A_20 = vector.shape_cast %get3A_19 : vector<1x80x128xf32> to vector<80x128xf32>
    %mul3A_21 = arith.mulf %get3A_20, %exp3A_10 : vector<80x128xf32>
    %add3A = arith.addf %mul3A, %mul3A_21 : vector<80x128xf32>
    %get3A_22 = arith.constant 0 : index
    %get3A_23 = arith.constant 0 : index
    %get3A_24 = arith.constant 0 : index
    %get3A_25 = vector.load %arg2[%get3A_22, %get3A_23, %get3A_24] : memref<2x80x128xf32, #tpu.memory_space<vmem>>, vector<1x80x128xf32>
    %get3A_26 = vector.shape_cast %get3A_25 : vector<1x80x128xf32> to vector<80x128xf32>
    %mul3A_27 = arith.mulf %get3A_26, %exp3A : vector<80x128xf32>
    %get3A_28 = arith.constant 1 : index
    %get3A_29 = arith.constant 0 : index
    %get3A_30 = arith.constant 0 : index
    %get3A_31 = vector.load %arg2[%get3A_28, %get3A_29, %get3A_30] : memref<2x80x128xf32, #tpu.memory_space<vmem>>, vector<1x80x128xf32>
    %get3A_32 = vector.shape_cast %get3A_31 : vector<1x80x128xf32> to vector<80x128xf32>
    %mul3A_33 = arith.mulf %get3A_32, %exp3A_10 : vector<80x128xf32>
    %add3A_34 = arith.addf %mul3A_27, %mul3A_33 : vector<80x128xf32>
    %add3A_35 = arith.constant 1.000000e-16 : f32
    %add3A_36 = vector.broadcast %add3A_35 : f32 to vector<80x128xf32>
    %add3A_37 = arith.addf %add3A, %add3A_36 : vector<80x128xf32>
    %div3A = arith.divf %add3A_34, %add3A_37 : vector<80x128xf32>
    %get3A_38 = arith.constant 0 : index
    %get3A_39 = arith.constant 0 : index
    %get3A_40 = vector.load %arg3[%get3A_38, %get3A_39] : memref<1x1xf32, #tpu.memory_space<vmem>>, vector<1x1xf32>
    %get3A_41 = vector.extract %get3A_40[0, 0] : f32 from vector<1x1xf32>
    %add3A_42 = vector.broadcast %get3A_41 : f32 to vector<80x128xf32>
    %add3A_43 = arith.addf %div3A, %add3A_42 : vector<80x128xf32>
    %swap3A = arith.constant 0 : index
    %swap3A_44 = arith.constant 0 : index
    %swap3A_45 = vector.load %arg4[%swap3A, %swap3A_44] : memref<80x128xf32, #tpu.memory_space<vmem>>, vector<80x128xf32>
    tpu.vector_store %arg4[%swap3A, %swap3A_44], %add3A_43 {strides = array<i32>} : memref<80x128xf32, #tpu.memory_space<vmem>>, vector<80x128xf32>,
    return
  }
}

</mosaic_0001>

<sc_bundles>
// kernel: kernel.5.cloned.1.call-start
scs
__scs_entry_jumppad:
0x0: {  	(pc) =	sbr.rel $0x88, $3  }
0x1: {  	(tag) =	ssettag $0x0;
	lr =	simm.s32 $0x1  }
0x2: {  	[smem:$0x3F9B] =	sst lr;
	_ =	strace $0xD0000000  }
0x3: {  	_ = 	snop  }
0x4: {  	_ = 	snop  }
0x5: {  	_ = 	snop  }
0x6: {  	_ = 	snop  }
0x7: {  	_ = 	snop  }
__scs_overlays_trampoline_lowered:
0x8: {  	[smem:$0x3FAA] =	sst s0  }
0x9: {  	[smem:$0x3FAB] =	sst s1  }
0xa: {  	[smem:$0x3FAC] =	sst s2  }
0xb: {  	[smem:$0x3FAD] =	sst s3  }
0xc: {  	[smem:$0x3FAE] =	sst s4  }
0xd: {  	[smem:$0x3FAF] =	sst s5  }
0xe: {  	[smem:$0x3FB0] =	sst s6  }
0xf: {  	[smem:$0x3FB1] =	sst s7  }
0x10: {  	[smem:$0x3FB2] =	sst s8  }
0x11: {  	[smem:$0x3FB3] =	sst s9;
	s0 =	simm.s32 @!p0 $0x0  }
0x12: {  	s1 =	sld [smem:$0x3F99];
	s0 =	simm.s32 @p0 $0x1  }
0x13: {  	[smem:$0x3FB4] =	sst s0;
	s0 =	simm.s32 @!p1 $0x0  }
0x14: {  	s2 =	sld [smem:$0x3F98];
	s0 =	simm.s32 @p1 $0x1  }
0x15: {  	[smem:$0x3FB5] =	sst s0;
	s0 =	simm.s32 @!p2 $0x0  }
0x16: {  	s3 =	sld [smem:$0x3FDB];
	s0 =	simm.s32 @p2 $0x1  }
0x17: {  	s4 =	simm.s32 $0x1BF5;
	[smem:$0x3FB7] =	sst s0  }
0x18: {  	s0 =	sld [smem:$0x3F9A];
	_ =	swait.ge [sflag:s4], $0x0  }
0x19: {  	s7 =	sld [smem:$0x3F9B]  }
0x1a: {  	s8 =	sadd.s32 $0xFFFFE003, lr  }
0x1b: {  	s9 =	sadd.s32 $0xFFFFFEF7, lr;
	s5 =	simm.s32 $0xFFFFFFFF;
	p2 =	slt.u32 s8, $0xFFFFF086  }
0x1c: {  	p1 =	slt.u32 s9, $0xF7A;
	s5 =	simm.s32 @!p2 $0x0  }
0x1d: {  	s5 =	simm.s32 @p1 $0x1;
	p0 =	seq.s32 s7, s2  }
0x1e: {  	s7 =	smul.u32 @!p0 $0xF7A, s2;
	p2 =	seq.s32 @!p0 s5, $0x0  }
0x1f: {  	s9 =	smul.u32 $0xF7A, s1;
	s8 =	simm.s32 @!p0 $0x1BF5;
	p2 =	por !p2, p0  }
0x20: {  	[sflag:s8] =	ssyncset.s32 @!p0 $0xFFFFF086;
	s6 =	sadd.s32 @!p0 s3, s7;
	s7 =	simm.s32 @!p0 $0x108  }
0x21: {  	s3 =	sadd.s32 s3, s9;
	s6 =	sadd.s32 @!p0 $0x88, s6;
	s7 =	simm.s32 @p2 $0x1082  }
0x22: {  	[simem:s7], [sflag:s8] =	dma.local @!p0 [hbm:s6], $0xF7A  }
0x23: {  	s9 =	sor.u32 $0xD0000000, s2;
	s6 =	simm.s32 $0x108;
	_ =	swait.ge @!p0 [sflag:s8], $0x0  }
0x24: {  	s3 =	sadd.s32 $0x88, s3;
	s6 =	simm.s32 @!p1 $0x1082;
	[sflag:s4] =	ssyncset.s32 $0xFFFFF086  }
0x25: {  	[simem:s6], [sflag:s4] =	dma.local [hbm:s3], $0xF7A  }
0x26: {  	[smem:$0x3F9B] =	sst s1;
	(tag) =	ssettag s2;
	_ =	strace s9  }
0x27: {  	s1 =	sld [smem:$0x3FAB]  }
0x28: {  	s2 =	sld [smem:$0x3FAC]  }
0x29: {  	s4 =	sld [smem:$0x3FAE]  }
0x2a: {  	p0 =	seq.s32 s5, $0x0;
	s5 =	sld [smem:$0x3FAF]  }
0x2b: {  	s6 =	sld [smem:$0x3FB0]  }
0x2c: {  	s7 =	sld [smem:$0x3FB1]  }
0x2d: {  	s3 =	simm.s32 $0x108;
	s8 =	sld [smem:$0x3FB2]  }
0x2e: {  	s3 =	simm.s32 @!p0 $0x1082;
	s9 =	sld [smem:$0x3FB3]  }
0x2f: {  	lr =	sadd.s32 s0, s3;
	s0 =	sld [smem:$0x3FAA]  }
0x30: {  	s3 =	sld [smem:$0x3FAD]  }
0x31: {  	[smem:$0x3FB6] =	sst s10  }
0x32: {  	s10 =	sld [smem:$0x3FB4];
	_ =	sdelay $0x3  }
0x33: {  	p0 =	seq.s32 s10, $0x1;
	s10 =	sld [smem:$0x3FB6];
	_ =	sdelay $0x3  }
0x34: {  	[smem:$0x3FB6] =	sst s10  }
0x35: {  	s10 =	sld [smem:$0x3FB5];
	_ =	sdelay $0x3  }
0x36: {  	p1 =	seq.s32 s10, $0x1;
	s10 =	sld [smem:$0x3FB6];
	_ =	sdelay $0x3  }
0x37: {  	[smem:$0x3FB6] =	sst s10  }
0x38: {  	s10 =	sld [smem:$0x3FB7]  }
0x39: {  	_ = 	snop;
	(pc) =	sbr.ind lr, $3  }
0x3a: {  	_ = 	snop  }
0x3b: {  	_ = 	snop  }
0x3c: {  	p2 =	seq.s32 s10, $0x1;
	s10 =	sld [smem:$0x3FB6]  }
0x3d: {  	_ =	shalt  }
0x3e: {  	_ =	shalt  }
0x3f: {  	_ =	shalt  }
0x40: {  	_ =	shalt  }
0x41: {  	_ =	shalt  }
0x42: {  	_ =	shalt  }
0x43: {  	_ =	shalt  }
0x44: {  	_ =	shalt  }
0x45: {  	_ =	shalt  }
0x46: {  	_ =	shalt  }
0x47: {  	_ =	shalt  }
0x48: {  	_ =	shalt  }
0x49: {  	_ =	shalt  }
0x4a: {  	_ =	shalt  }
0x4b: {  	_ =	shalt  }
0x4c: {  	_ =	shalt  }
0x4d: {  	_ =	shalt  }
0x4e: {  	_ =	shalt  }
0x4f: {  	_ =	shalt  }
0x50: {  	_ =	shalt  }
0x51: {  	_ =	shalt  }
0x52: {  	_ =	shalt  }
0x53: {  	_ =	shalt  }
0x54: {  	_ =	shalt  }
0x55: {  	_ =	shalt  }
0x56: {  	_ =	shalt  }
0x57: {  	_ =	shalt  }
0x58: {  	_ =	shalt  }
0x59: {  	_ =	shalt  }
0x5a: {  	_ =	shalt  }
0x5b: {  	_ =	shalt  }
0x5c: {  	_ =	shalt  }
0x5d: {  	_ =	shalt  }
0x5e: {  	_ =	shalt  }
0x5f: {  	_ =	shalt  }
0x60: {  	_ =	shalt  }
0x61: {  	_ =	shalt  }
0x62: {  	_ =	shalt  }
0x63: {  	_ =	shalt  }
0x64: {  	_ =	shalt  }
0x65: {  	_ =	shalt  }
0x66: {  	_ =	shalt  }
0x67: {  	_ =	shalt  }
0x68: {  	_ =	shalt  }
0x69: {  	_ =	shalt  }
0x6a: {  	_ =	shalt  }
0x6b: {  	_ =	shalt  }
0x6c: {  	_ =	shalt  }
0x6d: {  	_ =	shalt  }
0x6e: {  	_ =	shalt  }
0x6f: {  	_ =	shalt  }
0x70: {  	_ =	shalt  }
0x71: {  	_ =	shalt  }
0x72: {  	_ =	shalt  }
0x73: {  	_ =	shalt  }
0x74: {  	_ =	shalt  }
0x75: {  	_ =	shalt  }
0x76: {  	_ =	shalt  }
0x77: {  	_ =	shalt  }
0x78: {  	_ =	shalt  }
0x79: {  	_ =	shalt  }
0x7a: {  	_ =	shalt  }
0x7b: {  	_ =	shalt  }
0x7c: {  	_ =	shalt  }
0x7d: {  	_ =	shalt  }
0x7e: {  	_ =	shalt  }
0x7f: {  	_ =	shalt  }
0x80: {  	_ =	shalt  }
0x81: {  	_ =	shalt  }
0x82: {  	_ =	shalt  }
0x83: {  	_ =	shalt  }
0x84: {  	_ =	shalt  }
0x85: {  	_ =	shalt  }
0x86: {  	_ =	shalt  }
0x87: {  	_ =	shalt  }
.Lfunc_end0:
.L_simem_size_0:
called_computation_lowered:
.L_overlay_start_0:
0x88: {  	s2 =	sld [smem:$0x3FD9]  }
0x89: {  	s3 =	sld [smem:$0x3FFE];
	_ =	sdelay $0x1  }
0x8a: {  	s1 =	srdreg.scid  }
0x8b: {  	s0 =	sand.u32 $0x1, s1  }
0x8c: {  	s17 =	sshll.u32 s0, $0xA;
	s2 =	sadd.s32 s3, s2  }
0x8d: {  	s2 =	sadd.s32 s2, s17  }
0x8e: {  	[smem:$0x3FC2] =	sst s2  }
0x8f: {  	_ = 	snop  }
0x90: {  	s2 =	sld [smem:$0x3FD0];
	(tm) =	ssettm $0x1  }
0x91: {  	s18 =	sld [smem:$0x3FFB];
	_ =	sdelay $0x3  }
0x92: {  	_ =	strace s18  }
0x93: {  	s3 =	sld [smem:$0x3FFC];
	_ =	sdelay $0x3  }
0x94: {  	_ =	strace s3  }
0x95: {  	s3 =	sld [smem:$0x3FFD];
	_ =	sdelay $0x3  }
0x96: {  	_ =	strace s3  }
0x97: {  	_ =	strace $0x8FFFFFFF  }
0x98: {  	s19 =	sld [smem:$0x3FDB];
	_ =	sdelay $0x1  }
0x99: {  	s4 =	simm.s32 $_scs_section_size  }
0x9a: {  	s5 =	simm.s32 $_size__tile_overlayer_lowered;
	s6 =	simm.s32 $_tile_overlayer_lowered  }
0x9b: {  	s22 =	simm.s32 $0x1BFF;
	s21 =	sshll.u32 s6, $0x1;
	s3 =	sadd.s32 s4, s19  }
0x9c: {  	s7 =	simm.s32 $0x0;
	s20 =	sshll.u32 s5, $0x1;
	s5 =	sadd.s32 s21, s3  }
0x9d: {  	[timem:s7], [sflag:s22] =	dma.local [hbm:s5], s20  }
0x9e: {  	_ =	swait.ge [sflag:s22], s20  }
0x9f: {  	s4 =	ssub.s32 $0x0, s20;
	[sflag:s22] =	ssyncset.done $0x0  }
0xa0: {  	[sflag:s22] =	ssyncadd.s32 s4;
	_ =	sdelay $0x1  }
0xa1: {  	s23 =	simm.s32 $0x1B8B  }
0xa2: {  	_ =	swait.ge [sflag:s23], $0x1  }
0xa3: {  	[sflag:s23] =	ssyncset.done $0x0  }
0xa4: {  	s25 =	simm.s32 $0x1B8E;
	s24 =	sld [smem:$0x3FFE];
	[sflag:s23] =	ssyncadd.s32 $0xFFFFFFFF  }
0xa5: {  	s26 =	simm.s32 $execute0_lowered;
	[smem:$0x3FD2] =	sst s25  }
0xa6: {  	s5 =	sshll.u32 s26, $0x1;
	_ =	strace $0x80000046;
	[dreg:$0x1] =	wrdreg $0xFFFFFFFF  }
0xa7: {  	s28 =	simm.s32 $_size_execute0_lowered;
	s3 =	sadd.s32 s3, s5;
	[dreg:$0x0] =	wrdreg $0x0  }
0xa8: {  	s5 =	sshll.u32 s28, $0x1;
	[dreg:$0x2] =	wrdreg s3  }
0xa9: {  	[dreg:$0x3] =	wrdreg s5  }
0xaa: {  	[dreg:$0x4] =	wrdreg $0xC0  }
0xab: {  	_ =	task [dreg:s7], $0x5FFFF  }
0xac: {  	[dreg:$0x1] =	wrdreg $0xFFFFFFFF  }
0xad: {  	[dreg:$0x0] =	wrdreg $0x60  }
0xae: {  	[dreg:$0x2] =	wrdreg s2  }
0xaf: {  	[dreg:$0x3] =	wrdreg s24  }
0xb0: {  	[dreg:$0x4] =	wrdreg $0x1E6800  }
0xb1: {  	[dreg:$0x5] =	wrdreg $0x16E800  }
0xb2: {  	[dreg:$0x6] =	wrdreg $0x9  }
0xb3: {  	_ =	task.clear_ibuf [dreg:s7], $0x7FFFF;
	_ =	strace $0x90000046  }
0xb4: {  	s29 =	simm.s32 $0x9;
	_ =	strace $0x80000048  }
0xb5: {  	_ =	swait.ge [sflag:s29], $0x1  }
0xb6: {  	[sflag:s29] =	ssyncadd.s32 $0xFFFFFFFF  }
0xb7: {  	_ =	strace $0x90000048  }
0xb8: {  	_ =	sfence  }
0xb9: {  	s30 =	sld [smem:$0x0];
	_ =	sdelay $0x2  }
0xba: {  	s31 =	sshll.u32 s1, $0xD;
	s1 =	sshrl.u32 s1, $0x2  }
0xbb: {  	s3 =	sand.u32 $0x4000, s31;
	s1 =	sadd.s32 s1, s30  }
0xbc: {  	s0 =	sor.u32 s3, s0;
	s1 =	sshll.u32 s1, $0x11  }
0xbd: {  	s0 =	sor.u32 s1, s0  }
0xbe: {  	s0 =	sadd.s32 $0x8F2B, s0  }
0xbf: {  	[sflag:s0] =	ssyncadd.remote.s32 $0x1  }
0xc0: {  	_ =	sfence.sel $0xFFFF  }
0xc1: {  	[dreg:$0x0] =	wrdreg $0xFFFFFFFF;
	(pc) =	sbr.abs _section_cstart, $3  }
0xc2: {  	[dreg:$0x1] =	wrdreg $0xFFFFFFFF  }
0xc3: {  	_ =	task.clear_ibuf [dreg:s7], $0x2FFFF;
	_ =	strace $0x9FFFFFFF  }
0xc4: {  	(tm) =	ssettm $0x7FFFFFFF  }
0xc5: {  	_ =	shalt  }
tec
execute0_lowered:
.L_overlay_start_1:
0x0: {  	(tag) =	ssettag $0x1  }
0x1: {  	s0 =	srdreg.scid;
	s1 =	rddreg [dreg:$0x1]  }
0x2: {  	s2 =	stileid.u32;
	s4 =	rddreg [dreg:$0x3];
	s0 =	sand.u32 $0x1, s0  }
0x3: {  	s6 =	smul.u32 $0x500, s2;
	s26 =	sshrl.u32 s2, $0x3;
	s3 =	sshll.u32 s0, $0x4  }
0x4: {  	s7 =	sshll.u32 s0, $0x7;
	s0 =	ssub.s32 $0x2, s0;
	s5 =	sor.u32 s2, s3  }
0x5: {  	s3 =	simm.s32 $0x0;
	s6 =	sor.u32 s7, s6;
	s7 =	smul.u32 $0xF0000, s26  }
0x6: {  	s8 =	sshrl.u32 s0, $0x1;
	s5 =	smul.u32 $0x2710, s5;
	[smem:$0x7FF] =	sst s3  }
0x7: {  	s6 =	sshrl.u32 s6, $0x3;
	s0 =	ssub.s32 s0, s8;
	s8 =	sshll.u32 s2, $0x7  }
0x8: {  	_ =	strace $0x80000047;
	s7 =	sshrl.u32 s7, $0x2;
	s5 =	sshrl.u32 s5, $0x3  }
0x9: {  	s0 =	smax.u32 s0, $0x1;
	s7 =	sadd.s32 s7, s4;
	s5 =	sadd.s32 s5, s1  }
0xa: {  	[dreg:$0x19] =	wrdreg s0;
	s1 =	sadd.s32 s6, s1;
	s9 =	sadd.s32 $0x800, s5  }
0xb: {  	s6 =	sand.u32 $0x380, s8;
	s5 =	sadd.s32 $0xA440, s5;
	[dreg:$0x5] =	wrdreg s9  }
0xc: {  	s6 =	sadd.s32 s6, s7;
	[dreg:$0x6] =	wrdreg s5  }
0xd: {  	s23 =	sadd.s32 $0x14200, s1;
	[dreg:$0x7] =	wrdreg s6  }
0xe: {  	s10 =	smul.u32 $0x5000, s2;
	s24 =	sadd.s32 $0x14C00, s1;
	[dreg:$0x16] =	wrdreg s23  }
0xf: {  	s1 =	sadd.s32 $0x15600, s1;
	[dreg:$0x17] =	wrdreg s24  }
0x10: {  	s11 =	sshrl.u32 s10, $0x2;
	s7 =	sadd.s32 $0x14000, s6;
	[dreg:$0x18] =	wrdreg s1  }
0x11: {  	s6 =	sadd.s32 $0x28000, s6;
	s9 =	sadd.s32 s11, s4;
	[dreg:$0x8] =	wrdreg s7  }
0x12: {  	[dreg:$0x9] =	wrdreg s6;
	s4 =	sadd.s32 $0x14000, s9  }
0x13: {  	s12 =	sadd.s32 $0x28000, s9;
	[dreg:$0xa] =	wrdreg s4  }
0x14: {  	s13 =	sadd.s32 $0x80, s9;
	[dreg:$0xb] =	wrdreg s12  }
0x15: {  	s14 =	sadd.s32 $0x14080, s9;
	[dreg:$0xc] =	wrdreg s13  }
0x16: {  	s15 =	sadd.s32 $0x28080, s9;
	[dreg:$0xd] =	wrdreg s14  }
0x17: {  	s16 =	sadd.s32 $0x100, s9;
	[dreg:$0xe] =	wrdreg s15  }
0x18: {  	s17 =	sadd.s32 $0x14100, s9;
	[dreg:$0xf] =	wrdreg s16  }
0x19: {  	s18 =	sadd.s32 $0x28100, s9;
	[dreg:$0x10] =	wrdreg s17  }
0x1a: {  	s19 =	sadd.s32 $0x180, s9;
	[dreg:$0x11] =	wrdreg s18  }
0x1b: {  	s20 =	sadd.s32 $0x14180, s9;
	[dreg:$0x12] =	wrdreg s19  }
0x1c: {  	s21 =	sadd.s32 $0x28180, s9;
	[dreg:$0x13] =	wrdreg s20  }
0x1d: {  	s22 =	sadd.s32 $0x200, s9;
	[dreg:$0x14] =	wrdreg s21  }
0x1e: {  	s25 =	sadd.s32 $0x14200, s9;
	[dreg:$0x15] =	wrdreg s22  }
0x1f: {  	s26 =	sadd.s32 $0x28200, s9;
	[dreg:$0x1a] =	wrdreg s25  }
0x20: {  	s1 =	sadd.s32 $0x280, s9;
	[dreg:$0x1b] =	wrdreg s26  }
0x21: {  	p0 =	sne.s32 s2, $0x0;
	s2 =	sadd.s32 $0x14280, s9;
	[dreg:$0x1c] =	wrdreg s1  }
0x22: {  	s5 =	sadd.s32 $0x300, s9;
	[dreg:$0x1d] =	wrdreg s2  }
0x23: {  	s6 =	sadd.s32 $0x14300, s9;
	[dreg:$0x1f] =	wrdreg s5  }
0x24: {  	s7 =	sadd.s32 $0x28300, s9;
	[smem:$0x72A] =	sst s6  }
0x25: {  	s8 =	sadd.s32 $0x380, s9;
	[smem:$0x72B] =	sst s7  }
0x26: {  	s10 =	sadd.s32 $0x14380, s9;
	[smem:$0x72C] =	sst s8  }
0x27: {  	s11 =	sadd.s32 $0x28380, s9;
	[smem:$0x72D] =	sst s10  }
0x28: {  	s23 =	sadd.s32 $0x64180, s9;
	[smem:$0x72E] =	sst s11  }
0x29: {  	s24 =	sadd.s32 $0x3C200, s9;
	[smem:$0x73A] =	sst s23  }
0x2a: {  	s4 =	sadd.s32 $0x28280, s9;
	[smem:$0x73B] =	sst s24  }
0x2b: {  	s12 =	sadd.s32 $0x3C000, s9;
	[dreg:$0x1e] =	wrdreg s4  }
0x2c: {  	s13 =	sadd.s32 $0x50000, s9;
	[smem:$0x72F] =	sst s12  }
0x2d: {  	s14 =	sadd.s32 $0x64000, s9;
	[smem:$0x730] =	sst s13  }
0x2e: {  	s15 =	sadd.s32 $0x3C080, s9;
	[smem:$0x731] =	sst s14  }
0x2f: {  	s16 =	sadd.s32 $0x50080, s9;
	[smem:$0x732] =	sst s15  }
0x30: {  	s17 =	sadd.s32 $0x64080, s9;
	[smem:$0x733] =	sst s16  }
0x31: {  	s18 =	sadd.s32 $0x3C100, s9;
	[smem:$0x734] =	sst s17  }
0x32: {  	s19 =	sadd.s32 $0x50100, s9;
	[smem:$0x735] =	sst s18  }
0x33: {  	s20 =	sadd.s32 $0x64100, s9;
	[smem:$0x736] =	sst s19  }
0x34: {  	s21 =	sadd.s32 $0x3C180, s9;
	[smem:$0x737] =	sst s20  }
0x35: {  	s22 =	sadd.s32 $0x50180, s9;
	[smem:$0x738] =	sst s21  }
0x36: {  	s25 =	sadd.s32 $0x50200, s9;
	[smem:$0x739] =	sst s22  }
0x37: {  	s26 =	sadd.s32 $0x64200, s9;
	[smem:$0x73C] =	sst s25  }
0x38: {  	s1 =	sadd.s32 $0x3C280, s9;
	[smem:$0x73D] =	sst s26  }
0x39: {  	s2 =	sadd.s32 $0x50280, s9;
	[smem:$0x73E] =	sst s1  }
0x3a: {  	s5 =	sadd.s32 $0x3C300, s9;
	[smem:$0x73F] =	sst s2  }
0x3b: {  	s6 =	sadd.s32 $0x50300, s9;
	[smem:$0x741] =	sst s5  }
0x3c: {  	s7 =	sadd.s32 $0x64300, s9;
	[smem:$0x742] =	sst s6  }
0x3d: {  	s8 =	sadd.s32 $0x3C380, s9;
	[smem:$0x743] =	sst s7  }
0x3e: {  	s10 =	sadd.s32 $0x50380, s9;
	[smem:$0x744] =	sst s8  }
0x3f: {  	s11 =	sadd.s32 $0x64380, s9;
	[smem:$0x745] =	sst s10  }
0x40: {  	s23 =	sadd.s32 $0x29000, s9;
	[smem:$0x746] =	sst s11  }
0x41: {  	s24 =	sadd.s32 $0x480, s9;
	[smem:$0x752] =	sst s23  }
0x42: {  	s4 =	sadd.s32 $0x64280, s9;
	[smem:$0x753] =	sst s24  }
0x43: {  	s12 =	sadd.s32 $0x400, s9;
	[smem:$0x740] =	sst s4  }
0x44: {  	s13 =	sadd.s32 $0x800, s9;
	[smem:$0x747] =	sst s12  }
0x45: {  	s14 =	sadd.s32 $0xC00, s9;
	[smem:$0x748] =	sst s13  }
0x46: {  	s15 =	sadd.s32 $0x1000, s9;
	[smem:$0x749] =	sst s14  }
0x47: {  	s16 =	sadd.s32 $0x14400, s9;
	[smem:$0x74A] =	sst s15  }
0x48: {  	s17 =	sadd.s32 $0x14800, s9;
	[smem:$0x74B] =	sst s16  }
0x49: {  	s18 =	sadd.s32 $0x14C00, s9;
	[smem:$0x74C] =	sst s17  }
0x4a: {  	s19 =	sadd.s32 $0x15000, s9;
	[smem:$0x74D] =	sst s18  }
0x4b: {  	s20 =	sadd.s32 $0x28400, s9;
	[smem:$0x74E] =	sst s19  }
0x4c: {  	s21 =	sadd.s32 $0x28800, s9;
	[smem:$0x74F] =	sst s20  }
0x4d: {  	s22 =	sadd.s32 $0x28C00, s9;
	[smem:$0x750] =	sst s21  }
0x4e: {  	s25 =	sadd.s32 $0x880, s9;
	[smem:$0x751] =	sst s22  }
0x4f: {  	s26 =	sadd.s32 $0xC80, s9;
	[smem:$0x754] =	sst s25  }
0x50: {  	s1 =	sadd.s32 $0x1080, s9;
	[smem:$0x755] =	sst s26  }
0x51: {  	s2 =	sadd.s32 $0x14480, s9;
	[smem:$0x756] =	sst s1  }
0x52: {  	s5 =	sadd.s32 $0x14C80, s9;
	[smem:$0x757] =	sst s2  }
0x53: {  	s6 =	sadd.s32 $0x15080, s9;
	[smem:$0x759] =	sst s5  }
0x54: {  	s7 =	sadd.s32 $0x28480, s9;
	[smem:$0x75A] =	sst s6  }
0x55: {  	s8 =	sadd.s32 $0x28880, s9;
	[smem:$0x75B] =	sst s7  }
0x56: {  	s10 =	sadd.s32 $0x28C80, s9;
	[smem:$0x75C] =	sst s8  }
0x57: {  	s11 =	sadd.s32 $0x29080, s9;
	[smem:$0x75D] =	sst s10  }
0x58: {  	s23 =	sadd.s32 $0x29100, s9;
	[smem:$0x75E] =	sst s11  }
0x59: {  	s24 =	sadd.s32 $0x580, s9;
	[smem:$0x76A] =	sst s23  }
0x5a: {  	s4 =	sadd.s32 $0x14880, s9;
	[smem:$0x76B] =	sst s24  }
0x5b: {  	s12 =	sadd.s32 $0x500, s9;
	[smem:$0x758] =	sst s4  }
0x5c: {  	s13 =	sadd.s32 $0x900, s9;
	[smem:$0x75F] =	sst s12  }
0x5d: {  	s14 =	sadd.s32 $0xD00, s9;
	[smem:$0x760] =	sst s13  }
0x5e: {  	s15 =	sadd.s32 $0x1100, s9;
	[smem:$0x761] =	sst s14  }
0x5f: {  	s16 =	sadd.s32 $0x14500, s9;
	[smem:$0x762] =	sst s15  }
0x60: {  	s17 =	sadd.s32 $0x14900, s9;
	[smem:$0x763] =	sst s16  }
0x61: {  	s18 =	sadd.s32 $0x14D00, s9;
	[smem:$0x764] =	sst s17  }
0x62: {  	s19 =	sadd.s32 $0x15100, s9;
	[smem:$0x765] =	sst s18  }
0x63: {  	s20 =	sadd.s32 $0x28500, s9;
	[smem:$0x766] =	sst s19  }
0x64: {  	s21 =	sadd.s32 $0x28900, s9;
	[smem:$0x767] =	sst s20  }
0x65: {  	s22 =	sadd.s32 $0x28D00, s9;
	[smem:$0x768] =	sst s21  }
0x66: {  	s25 =	sadd.s32 $0x980, s9;
	[smem:$0x769] =	sst s22  }
0x67: {  	s26 =	sadd.s32 $0xD80, s9;
	[smem:$0x76C] =	sst s25  }
0x68: {  	s1 =	sadd.s32 $0x1180, s9;
	[smem:$0x76D] =	sst s26  }
0x69: {  	s2 =	sadd.s32 $0x14580, s9;
	[smem:$0x76E] =	sst s1  }
0x6a: {  	s5 =	sadd.s32 $0x14D80, s9;
	[smem:$0x76F] =	sst s2  }
0x6b: {  	s6 =	sadd.s32 $0x15180, s9;
	[smem:$0x771] =	sst s5  }
0x6c: {  	s7 =	sadd.s32 $0x28580, s9;
	[smem:$0x772] =	sst s6  }
0x6d: {  	s8 =	sadd.s32 $0x28980, s9;
	[smem:$0x773] =	sst s7  }
0x6e: {  	s10 =	sadd.s32 $0x28D80, s9;
	[smem:$0x774] =	sst s8  }
0x6f: {  	s11 =	sadd.s32 $0x29180, s9;
	[smem:$0x775] =	sst s10  }
0x70: {  	s23 =	sadd.s32 $0x29200, s9;
	[smem:$0x776] =	sst s11  }
0x71: {  	s24 =	sadd.s32 $0x680, s9;
	[smem:$0x782] =	sst s23  }
0x72: {  	s4 =	sadd.s32 $0x14980, s9;
	[smem:$0x783] =	sst s24  }
0x73: {  	s12 =	sadd.s32 $0x600, s9;
	[smem:$0x770] =	sst s4  }
0x74: {  	s13 =	sadd.s32 $0xA00, s9;
	[smem:$0x777] =	sst s12  }
0x75: {  	s14 =	sadd.s32 $0xE00, s9;
	[smem:$0x778] =	sst s13  }
0x76: {  	s15 =	sadd.s32 $0x1200, s9;
	[smem:$0x779] =	sst s14  }
0x77: {  	s16 =	sadd.s32 $0x14600, s9;
	[smem:$0x77A] =	sst s15  }
0x78: {  	s17 =	sadd.s32 $0x14A00, s9;
	[smem:$0x77B] =	sst s16  }
0x79: {  	s18 =	sadd.s32 $0x14E00, s9;
	[smem:$0x77C] =	sst s17  }
0x7a: {  	s19 =	sadd.s32 $0x15200, s9;
	[smem:$0x77D] =	sst s18  }
0x7b: {  	s20 =	sadd.s32 $0x28600, s9;
	[smem:$0x77E] =	sst s19  }
0x7c: {  	s21 =	sadd.s32 $0x28A00, s9;
	[smem:$0x77F] =	sst s20  }
0x7d: {  	s22 =	sadd.s32 $0x28E00, s9;
	[smem:$0x780] =	sst s21  }
0x7e: {  	s25 =	sadd.s32 $0xA80, s9;
	[smem:$0x781] =	sst s22  }
0x7f: {  	s26 =	sadd.s32 $0xE80, s9;
	[smem:$0x784] =	sst s25  }
0x80: {  	s1 =	sadd.s32 $0x1280, s9;
	[smem:$0x785] =	sst s26  }
0x81: {  	s2 =	sadd.s32 $0x14680, s9;
	[smem:$0x786] =	sst s1  }
0x82: {  	s5 =	sadd.s32 $0x14E80, s9;
	[smem:$0x787] =	sst s2  }
0x83: {  	s6 =	sadd.s32 $0x15280, s9;
	[smem:$0x789] =	sst s5  }
0x84: {  	s7 =	sadd.s32 $0x28680, s9;
	[smem:$0x78A] =	sst s6  }
0x85: {  	s8 =	sadd.s32 $0x28A80, s9;
	[smem:$0x78B] =	sst s7  }
0x86: {  	s10 =	sadd.s32 $0x28E80, s9;
	[smem:$0x78C] =	sst s8  }
0x87: {  	s11 =	sadd.s32 $0x29280, s9;
	[smem:$0x78D] =	sst s10  }
0x88: {  	s23 =	sadd.s32 $0x29300, s9;
	[smem:$0x78E] =	sst s11  }
0x89: {  	s24 =	sadd.s32 $0x780, s9;
	[smem:$0x79A] =	sst s23  }
0x8a: {  	s4 =	sadd.s32 $0x14A80, s9;
	[smem:$0x79B] =	sst s24  }
0x8b: {  	s12 =	sadd.s32 $0x700, s9;
	[smem:$0x788] =	sst s4  }
0x8c: {  	s13 =	sadd.s32 $0xB00, s9;
	[smem:$0x78F] =	sst s12  }
0x8d: {  	s14 =	sadd.s32 $0xF00, s9;
	[smem:$0x790] =	sst s13  }
0x8e: {  	s15 =	sadd.s32 $0x1300, s9;
	[smem:$0x791] =	sst s14  }
0x8f: {  	s16 =	sadd.s32 $0x14700, s9;
	[smem:$0x792] =	sst s15  }
0x90: {  	s17 =	sadd.s32 $0x14B00, s9;
	[smem:$0x793] =	sst s16  }
0x91: {  	s18 =	sadd.s32 $0x14F00, s9;
	[smem:$0x794] =	sst s17  }
0x92: {  	s19 =	sadd.s32 $0x15300, s9;
	[smem:$0x795] =	sst s18  }
0x93: {  	s20 =	sadd.s32 $0x28700, s9;
	[smem:$0x796] =	sst s19  }
0x94: {  	s21 =	sadd.s32 $0x28B00, s9;
	[smem:$0x797] =	sst s20  }
0x95: {  	s22 =	sadd.s32 $0x28F00, s9;
	[smem:$0x798] =	sst s21  }
0x96: {  	s25 =	sadd.s32 $0xB80, s9;
	[smem:$0x799] =	sst s22  }
0x97: {  	s26 =	sadd.s32 $0xF80, s9;
	[smem:$0x79C] =	sst s25  }
0x98: {  	s1 =	sadd.s32 $0x1380, s9;
	[smem:$0x79D] =	sst s26  }
0x99: {  	s2 =	sadd.s32 $0x14780, s9;
	[smem:$0x79E] =	sst s1  }
0x9a: {  	s5 =	sadd.s32 $0x14F80, s9;
	[smem:$0x79F] =	sst s2  }
0x9b: {  	s6 =	sadd.s32 $0x15380, s9;
	[smem:$0x7A1] =	sst s5  }
0x9c: {  	s7 =	sadd.s32 $0x28780, s9;
	[smem:$0x7A2] =	sst s6  }
0x9d: {  	s8 =	sadd.s32 $0x28B80, s9;
	[smem:$0x7A3] =	sst s7  }
0x9e: {  	s10 =	sadd.s32 $0x28F80, s9;
	[smem:$0x7A4] =	sst s8  }
0x9f: {  	s11 =	sadd.s32 $0x29380, s9;
	[smem:$0x7A5] =	sst s10  }
0xa0: {  	s23 =	sadd.s32 $0x65000, s9;
	[smem:$0x7A6] =	sst s11  }
0xa1: {  	s24 =	sadd.s32 $0x3C480, s9;
	[smem:$0x7B2] =	sst s23  }
0xa2: {  	s4 =	sadd.s32 $0x14B80, s9;
	[smem:$0x7B3] =	sst s24  }
0xa3: {  	s12 =	sadd.s32 $0x3C400, s9;
	[smem:$0x7A0] =	sst s4  }
0xa4: {  	s13 =	sadd.s32 $0x3C800, s9;
	[smem:$0x7A7] =	sst s12  }
0xa5: {  	s14 =	sadd.s32 $0x3CC00, s9;
	[smem:$0x7A8] =	sst s13  }
0xa6: {  	s15 =	sadd.s32 $0x3D000, s9;
	[smem:$0x7A9] =	sst s14  }
0xa7: {  	s16 =	sadd.s32 $0x50400, s9;
	[smem:$0x7AA] =	sst s15  }
0xa8: {  	s17 =	sadd.s32 $0x50800, s9;
	[smem:$0x7AB] =	sst s16  }
0xa9: {  	s18 =	sadd.s32 $0x50C00, s9;
	[smem:$0x7AC] =	sst s17  }
0xaa: {  	s19 =	sadd.s32 $0x51000, s9;
	[smem:$0x7AD] =	sst s18  }
0xab: {  	s20 =	sadd.s32 $0x64400, s9;
	[smem:$0x7AE] =	sst s19  }
0xac: {  	s21 =	sadd.s32 $0x64800, s9;
	[smem:$0x7AF] =	sst s20  }
0xad: {  	s22 =	sadd.s32 $0x64C00, s9;
	[smem:$0x7B0] =	sst s21  }
0xae: {  	s25 =	sadd.s32 $0x3C880, s9;
	[smem:$0x7B1] =	sst s22  }
0xaf: {  	s26 =	sadd.s32 $0x3CC80, s9;
	[smem:$0x7B4] =	sst s25  }
0xb0: {  	s1 =	sadd.s32 $0x3D080, s9;
	[smem:$0x7B5] =	sst s26  }
0xb1: {  	s2 =	sadd.s32 $0x50480, s9;
	[smem:$0x7B6] =	sst s1  }
0xb2: {  	s5 =	sadd.s32 $0x50C80, s9;
	[smem:$0x7B7] =	sst s2  }
0xb3: {  	s6 =	sadd.s32 $0x51080, s9;
	[smem:$0x7B9] =	sst s5  }
0xb4: {  	s7 =	sadd.s32 $0x64480, s9;
	[smem:$0x7BA] =	sst s6  }
0xb5: {  	s8 =	sadd.s32 $0x64880, s9;
	[smem:$0x7BB] =	sst s7  }
0xb6: {  	s10 =	sadd.s32 $0x64C80, s9;
	[smem:$0x7BC] =	sst s8  }
0xb7: {  	s11 =	sadd.s32 $0x65080, s9;
	[smem:$0x7BD] =	sst s10  }
0xb8: {  	s23 =	sadd.s32 $0x65100, s9;
	[smem:$0x7BE] =	sst s11  }
0xb9: {  	s24 =	sadd.s32 $0x3C580, s9;
	[smem:$0x7CA] =	sst s23  }
0xba: {  	s4 =	sadd.s32 $0x50880, s9;
	[smem:$0x7CB] =	sst s24  }
0xbb: {  	s12 =	sadd.s32 $0x3C500, s9;
	[smem:$0x7B8] =	sst s4  }
0xbc: {  	s13 =	sadd.s32 $0x3C900, s9;
	[smem:$0x7BF] =	sst s12  }
0xbd: {  	s14 =	sadd.s32 $0x3CD00, s9;
	[smem:$0x7C0] =	sst s13  }
0xbe: {  	s15 =	sadd.s32 $0x3D100, s9;
	[smem:$0x7C1] =	sst s14  }
0xbf: {  	s16 =	sadd.s32 $0x50500, s9;
	[smem:$0x7C2] =	sst s15  }
0xc0: {  	s17 =	sadd.s32 $0x50900, s9;
	[smem:$0x7C3] =	sst s16  }
0xc1: {  	s18 =	sadd.s32 $0x50D00, s9;
	[smem:$0x7C4] =	sst s17  }
0xc2: {  	s19 =	sadd.s32 $0x51100, s9;
	[smem:$0x7C5] =	sst s18  }
0xc3: {  	s20 =	sadd.s32 $0x64500, s9;
	[smem:$0x7C6] =	sst s19  }
0xc4: {  	s21 =	sadd.s32 $0x64900, s9;
	[smem:$0x7C7] =	sst s20  }
0xc5: {  	s22 =	sadd.s32 $0x64D00, s9;
	[smem:$0x7C8] =	sst s21  }
0xc6: {  	s25 =	sadd.s32 $0x3C980, s9;
	[smem:$0x7C9] =	sst s22  }
0xc7: {  	s26 =	sadd.s32 $0x3CD80, s9;
	[smem:$0x7CC] =	sst s25  }
0xc8: {  	s1 =	sadd.s32 $0x3D180, s9;
	[smem:$0x7CD] =	sst s26  }
0xc9: {  	s2 =	sadd.s32 $0x50580, s9;
	[smem:$0x7CE] =	sst s1  }
0xca: {  	s5 =	sadd.s32 $0x50D80, s9;
	[smem:$0x7CF] =	sst s2  }
0xcb: {  	s6 =	sadd.s32 $0x51180, s9;
	[smem:$0x7D1] =	sst s5  }
0xcc: {  	s7 =	sadd.s32 $0x64580, s9;
	[smem:$0x7D2] =	sst s6  }
0xcd: {  	s8 =	sadd.s32 $0x64980, s9;
	[smem:$0x7D3] =	sst s7  }
0xce: {  	s10 =	sadd.s32 $0x64D80, s9;
	[smem:$0x7D4] =	sst s8  }
0xcf: {  	s11 =	sadd.s32 $0x65180, s9;
	[smem:$0x7D5] =	sst s10  }
0xd0: {  	s23 =	sadd.s32 $0x65200, s9;
	[smem:$0x7D6] =	sst s11  }
0xd1: {  	s24 =	sadd.s32 $0x3C680, s9;
	[smem:$0x7E2] =	sst s23  }
0xd2: {  	s4 =	sadd.s32 $0x50980, s9;
	[smem:$0x7E3] =	sst s24  }
0xd3: {  	s12 =	sadd.s32 $0x3C600, s9;
	[smem:$0x7D0] =	sst s4  }
0xd4: {  	s13 =	sadd.s32 $0x3CA00, s9;
	[smem:$0x7D7] =	sst s12  }
0xd5: {  	s14 =	sadd.s32 $0x3CE00, s9;
	[smem:$0x7D8] =	sst s13  }
0xd6: {  	s15 =	sadd.s32 $0x3D200, s9;
	[smem:$0x7D9] =	sst s14  }
0xd7: {  	s16 =	sadd.s32 $0x50600, s9;
	[smem:$0x7DA] =	sst s15  }
0xd8: {  	s17 =	sadd.s32 $0x50A00, s9;
	[smem:$0x7DB] =	sst s16  }
0xd9: {  	s18 =	sadd.s32 $0x50E00, s9;
	[smem:$0x7DC] =	sst s17  }
0xda: {  	s19 =	sadd.s32 $0x51200, s9;
	[smem:$0x7DD] =	sst s18  }
0xdb: {  	s20 =	sadd.s32 $0x64600, s9;
	[smem:$0x7DE] =	sst s19  }
0xdc: {  	s21 =	sadd.s32 $0x64A00, s9;
	[smem:$0x7DF] =	sst s20  }
0xdd: {  	s22 =	sadd.s32 $0x64E00, s9;
	[smem:$0x7E0] =	sst s21  }
0xde: {  	s25 =	sadd.s32 $0x3CA80, s9;
	[smem:$0x7E1] =	sst s22  }
0xdf: {  	s26 =	sadd.s32 $0x3CE80, s9;
	[smem:$0x7E4] =	sst s25  }
0xe0: {  	s1 =	sadd.s32 $0x3D280, s9;
	[smem:$0x7E5] =	sst s26  }
0xe1: {  	s2 =	sadd.s32 $0x50680, s9;
	[smem:$0x7E6] =	sst s1  }
0xe2: {  	s5 =	sadd.s32 $0x50E80, s9;
	[smem:$0x7E7] =	sst s2  }
0xe3: {  	s6 =	sadd.s32 $0x51280, s9;
	[smem:$0x7E9] =	sst s5  }
0xe4: {  	s7 =	sadd.s32 $0x64680, s9;
	[smem:$0x7EA] =	sst s6  }
0xe5: {  	s8 =	sadd.s32 $0x64A80, s9;
	[smem:$0x7EB] =	sst s7  }
0xe6: {  	s10 =	sadd.s32 $0x64E80, s9;
	[smem:$0x7EC] =	sst s8  }
0xe7: {  	s11 =	sadd.s32 $0x65280, s9;
	[smem:$0x7ED] =	sst s10  }
0xe8: {  	s23 =	sadd.s32 $0x65300, s9;
	[smem:$0x7EE] =	sst s11  }
0xe9: {  	s24 =	sadd.s32 $0x3C780, s9;
	[smem:$0x7FA] =	sst s23  }
0xea: {  	v0 =	vimm.s32 $0xFFEDCBA9;
	s4 =	sadd.s32 $0x50A80, s9;
	[smem:$0x7FB] =	sst s24  }
0xeb: {  	v1 =	vimm.s32 $0x87654321;
	v2 =	vimm.s32 $0xEDCBA987;
	s12 =	sadd.s32 $0x3C700, s9;
	[smem:$0x7E8] =	sst s4  }
0xec: {  	v3 =	vimm.s32 $0x65432100;
	v7 =	vimm.s32 $0xBA987654;
	s13 =	sadd.s32 $0x3CB00, s9;
	[smem:$0x7EF] =	sst s12  }
0xed: {  	v0 =	vunpack.c.l.s4.s8 v0;
	v1 =	vunpack.c.l.s4.s8 v1;
	v2 =	vunpack.c.l.s4.s8 v2;
	s14 =	sadd.s32 $0x3CF00, s9;
	[smem:$0x7F0] =	sst s13  }
0xee: {  	v8 =	vimm.s32 $0x32100000;
	v9 =	vimm.s32 $0xE40000;
	v3 =	vunpack.c.l.s4.s8 v3;
	s15 =	sadd.s32 $0x3D300, s9;
	[smem:$0x7F1] =	sst s14  }
0xef: {  	v4 =	vunpack.c.0.s8.s32 v0;
	v5 =	vunpack.c.0.s8.s32 v1;
	v6 =	vunpack.c.0.s8.s32 v2;
	s16 =	sadd.s32 $0x50700, s9;
	[smem:$0x7F2] =	sst s15  }
0xf0: {  	vm0 =	vcmask $0x3F3C;
	vm1 =	vcmask $0x3F04;
	v3 =	vunpack.c.0.s8.s32 v3;
	s17 =	sadd.s32 $0x50B00, s9;
	[smem:$0x7F3] =	sst s16  }
0xf1: {  	s28 =	simm.s32 $0x7700;
	v4 =	vcombine.low v5, v4;
	v5 =	vand.u32 $0xF, v6;
	v6 =	vimm.s32 $0xDCBA9876;
	s18 =	sadd.s32 $0x50F00, s9;
	[smem:$0x7F4] =	sst s17  }
0xf2: {  	s29 =	simm.s32 $0x9F00;
	v3 =	vcombine.low v3, v5;
	v5 =	vimm.s32 $0x54321000;
	v6 =	vunpack.c.l.s4.s8 v6;
	s19 =	sadd.s32 $0x51300, s9;
	[smem:$0x7F5] =	sst s18  }
0xf3: {  	s30 =	simm.s32 $0xC700;
	vm2 =	vcmask $0x3F08;
	v7 =	vunpack.c.l.s4.s8 v7;
	v5 =	vunpack.c.l.s4.s8 v5;
	s20 =	sadd.s32 $0x64700, s9;
	[smem:$0x7F6] =	sst s19  }
0xf4: {  	s31 =	simm.s32 $0x80;
	v8 =	vunpack.c.l.s4.s8 v8;
	v9 =	vunpack.c.l.s2.s4 v9;
	v6 =	vunpack.c.0.s8.s32 v6;
	s21 =	sadd.s32 $0x64B00, s9;
	[smem:$0x7F7] =	sst s20  }
0xf5: {  	vm4 =	vcmask $0x3F30;
	v7 =	vunpack.c.0.s8.s32 v7;
	s0 =	simm.s32 $0x100;
	v5 =	vunpack.c.0.s8.s32 v5;
	s22 =	sadd.s32 $0x64F00, s9;
	[smem:$0x7F8] =	sst s21  }
0xf6: {  	v8 =	vunpack.c.0.s8.s32 v8;
	v9 =	vunpack.c.l.s4.s8 v9;
	v6 =	vand.u32 $0xF, v6;
	s25 =	sadd.s32 $0x3CB80, s9;
	s26 =	sadd.s32 $0x3CF80, s9;
	[smem:$0x7F9] =	sst s22  }
0xf7: {  	vm3 =	vcmask $0x3F10;
	v5 =	vcombine.low v5, v6;
	v6 =	vand.u32 $0xF, v7;
	s23 =	sadd.s32 $0x64F80, s9;
	s24 =	sadd.s32 $0x65380, s9;
	[smem:$0x7FC] =	sst s25  }
0xf8: {  	v9 =	vunpack.c.0.s8.s32 v9;
	v6 =	vcombine.low v8, v6;
	v8 =	vimm.s32 $0x7060504;
	s1 =	simm.s32 $0x400;
	s2 =	simm.s32 $0x0;
	[smem:$0x7FD] =	sst s26  }
0xf9: {  	v0 =	vimm.s32 $0x2710;
	v1 =	vimm.f32 $-3.000000010e+38;
	v8 =	vunpack.c.0.s8.s32 v8;
	s16 =	sadd.s32 $0x3D380, s9;
	s17 =	sadd.s32 $0x50780, s9;
	s18 =	sadd.s32 $0x50B80, s9  }
0xfa: {  	v2 =	vimm.s32 $0x2718;
	v4 =	vand.u32 $0xF, v4;
	v9 =	vand.u32 $0x3, v9;
	s19 =	sadd.s32 $0x50F80, s9;
	s20 =	sadd.s32 $0x51380, s9;
	s21 =	sadd.s32 $0x64780, s9  }
0xfb: {  	v7 =	vimm.f32 $0.0e+00;
	v8 =	vsel vm4, v8, v9;
	vm4 =	vcmask $0x3F20;
	s22 =	sadd.s32 $0x64B80, s9;
	s25 =	simm.s32 $0x2;
	s26 =	simm.s32 $0x1  }
.LBB2_1:
0xfc: {  	s7 =	rddreg [dreg:$0x2]  }
0xfd: {  	s5 =	simm.s32 @!p0 $0x1C02;
	s6 =	rddreg [dreg:$0x0];
	s4 =	sshrl.u32 @!p0 s7, $0x3  }
0xfe: {  	[spmem:s4], [sflag:s5] =	dma.local @!p0 [hbm:s6], $0x500  }
0xff: {  	s4 =	simm.s32 @!p0 $0x2  }
0x100: {  	_ =	swait.ge @!p0 [sflag:s4], $0x500  }
0x101: {  	[sflag:s4] =	ssyncset.done @!p0 $0x0  }
0x102: {  	s13 =	simm.s32 $0x2800;
	s12 =	rddreg [dreg:$0x5];
	[sflag:s4] =	ssyncadd.s32 @!p0 $0xFFFFFB00  }
0x103: {  	[tilespmem:s13], [sflag:$0x1] =	stream.linear.gather [hbm4b:s12+s3], $0x2710, $0x38;
	[tilespmem:$0x1E900] =	vst v63  }
0x104: {  	s15 =	simm.s32 $0x4F80;
	s14 =	rddreg [dreg:$0x6]  }
0x105: {  	[tilespmem:s15], [sflag:$0x1] =	stream.linear.gather [hbm4b:s14+s3], $0x2710, $0x38;
	[tilespmem:$0x1E900] =	vst v63  }
0x106: {  	[bflag:$0x0] =	sbarrier.arrive $0xFFFF  }
0x107: {  	[tilespmem:s3], [sflag:$0x2] =	stream.linear.gather [spmem:s7], $0x2800, $0x38;
	[tilespmem:$0x1E900] =	vst v63  }
0x108: {  	_ =	swait.ge [sflag:s25], $0x2800  }
0x109: {  	[sflag:s25] =	ssyncset.done $0x0  }
0x10a: {  	[sflag:s25] =	ssyncadd.s32 $0xFFFFD800  }
0x10b: {  	_ =	swait.ge [sflag:s26], $0x2710  }
0x10c: {  	[sflag:s26] =	ssyncset.done $0x0  }
0x10d: {  	[sflag:s26] =	ssyncadd.s32 $0xFFFFD8F0  }
0x10e: {  	_ =	swait.ge [sflag:s26], $0x2710  }
0x10f: {  	[sflag:s26] =	ssyncset.done $0x0  }
0x110: {  	[sflag:s26] =	ssyncadd.s32 $0xFFFFD8F0  }
0x111: {  	v9 =	vld.idx.msk [tilespmem:v0+s3+$0x0], $0xffff  }
0x112: {  	s5 =	simm.s32 $0x200;
	s4 =	simm.s32 $0x0;
	v10 =	vld.idx.msk [tilespmem:v2+s3+$0x0], $0xffff  }
.LBB2_2:
0x113: {  	p1 =	sne.s32 s5, $0x9E00;
	[tilespmem:s4+$0x7770] =	vst v1  }
0x114: {  	[tilespmem:s4+$0x7700] =	vst v1  }
0x115: {  	[tilespmem:s4+$0x7710] =	vst v1  }
.Ltmp0:
0x116: {  	[tilespmem:s4+$0x7720] =	vst v1;
	(pc) =	sbr.rel @p1 .LBB2_2-.Ltmp0, $4  }
0x117: {  	[tilespmem:s4+$0x7730] =	vst v1  }
0x118: {  	[tilespmem:s4+$0x7740] =	vst v1  }
0x119: {  	[tilespmem:s4+$0x7750] =	vst v1  }
0x11a: {  	[tilespmem:s4+$0x7760] =	vst v1;
	s4 =	sshra.s32 s5, $0x2;
	s5 =	sadd.s32 $0x200, s5  }
0x11b: {  	[tilespmem:s4+$0x7770] =	vst v1  }
0x11c: {  	[tilespmem:s4+$0x7700] =	vst v1  }
0x11d: {  	[tilespmem:s4+$0x7710] =	vst v1  }
.Ltmp1:
0x11e: {  	[tilespmem:s4+$0x7720] =	vst v1;
	(pc) =	sbr.rel .LBB2_4-.Ltmp1, $4  }
0x11f: {  	[tilespmem:s4+$0x7730] =	vst v1  }
0x120: {  	[tilespmem:s4+$0x7740] =	vst v1  }
0x121: {  	[tilespmem:s4+$0x7750] =	vst v1  }
0x122: {  	[tilespmem:s4+$0x7760] =	vst v1;
	s5 =	simm.s32 $0x0  }
.LBB2_6:
0x123: {  	_ =	sdelay $0x3  }
0x124: {  	v21 =	vld.idx.msk [tilespmem:v15+s28+$0x0], $0xffff;
	_ =	sdelay $0x4  }
0x125: {  	v19 =	vmax.f32 v21, v19  }
0x126: {  	[tilespmem:v15+s28+$0x0] =	vst.idx.msk vm6, v19  }
0x127: {  	v15 =	vld.idx.msk [tilespmem:v14+s28+$0x0], $0xffff;
	_ =	sdelay $0x4  }
0x128: {  	v15 =	vmax.f32 v15, v17  }
0x129: {  	[tilespmem:v14+s28+$0x0] =	vst.idx.msk vm7, v15  }
0x12a: {  	v14 =	vld.idx.msk [tilespmem:v12+s28+$0x0], $0xffff;
	_ =	sdelay $0x4  }
0x12b: {  	v14 =	vmax.f32 v14, v20  }
0x12c: {  	[tilespmem:v12+s28+$0x0] =	vst.idx.msk vm8, v14  }
0x12d: {  	v12 =	vld.idx.msk [tilespmem:v11+s28+$0x0], $0xffff;
	_ =	sdelay $0x4  }
0x12e: {  	v12 =	vmax.f32 v12, v18  }
0x12f: {  	[tilespmem:v11+s28+$0x0] =	vst.idx.msk vm9, v12  }
0x130: {  	s5 =	sadd.s32 $0x140, s5;
	v11 =	vld.idx.msk [tilespmem:v13+s28+$0x0], $0xffff  }
0x131: {  	p1 =	sne.s32 s5, $0x9C40  }
.Ltmp2:
0x132: {  	_ = 	snop;
	(pc) =	sbr.rel @!p1 .LBB2_7-.Ltmp2, $3  }
0x133: {  	_ =	sdelay $0x1  }
0x134: {  	v11 =	vmax.f32 v11, v16  }
0x135: {  	s4 =	simm.s32 $0x0;
	[tilespmem:v13+s28+$0x0] =	vst.idx.msk vm5, v11  }
.LBB2_4:
0x136: {  	s4 =	sshra.s32 s5, $0x2  }
0x137: {  	v11 =	vld [tilespmem:s4+$0x2800]  }
0x138: {  	v12 =	vld [tilespmem:s4+$0x2810]  }
0x139: {  	v13 =	vld [tilespmem:s4+$0x2820]  }
0x13a: {  	v14 =	vld [tilespmem:s4+$0x2830]  }
0x13b: {  	v16 =	vld [tilespmem:s4+$0x4F80]  }
0x13c: {  	v15 =	vld [tilespmem:s4+$0x2840]  }
0x13d: {  	v17 =	vld [tilespmem:s4+$0x4F90]  }
0x13e: {  	v18 =	vld [tilespmem:s4+$0x4FA0]  }
0x13f: {  	v19 =	vld [tilespmem:s4+$0x4FB0]  }
0x140: {  	v20 =	vld [tilespmem:s4+$0x4FC0];
	(xrf1) =	vsort.ascd.msk.u32 $0xffff, v16, v11;
	_ =	sdelay $0x1  }
0x141: {  	(xrf1) =	vsort.ascd.msk.u32 $0xffff, v17, v12  }
0x142: {  	(xrf1) =	vsort.ascd.msk.u32 $0xffff, v18, v13  }
0x143: {  	(xrf1) =	vsort.ascd.msk.u32 $0xffff, v19, v14  }
0x144: {  	(xrf1) =	vsort.ascd.msk.u32 $0xffff, v20, v15;
	_ =	sdelay $0x8  }
0x145: {  	v15, v16, _ =	vpop (xrf1)  }
0x146: {  	v13 =	vperm.xlane v15, v4  }
0x147: {  	v14, v17, _ =	vpop (xrf1)  }
0x148: {  	v12, v18, _ =	vpop (xrf1);
	v19 =	vperm.xlane v14, v4  }
0x149: {  	v11, v20, _ =	vpop (xrf1);
	vm5 =	vne.s32 v15, v13;
	v21 =	vperm.xlane v12, v4  }
0x14a: {  	vm6 =	vmor vm5, vm0;
	vm5 =	vne.s32 v14, v19;
	v19 =	vperm.xlane v11, v4;
	v13, v22, _ =	vpop (xrf1)  }
0x14b: {  	vm7 =	vmor vm5, vm0;
	vm5 =	vne.s32 v12, v21;
	v21 =	vperm.xlane v13, v4  }
0x14c: {  	vm8 =	vmor vm5, vm0;
	vm5 =	vne.s32 v11, v19;
	vm10 =	vmand vm6, vm7  }
0x14d: {  	vm9 =	vmor vm5, vm0;
	vm10 =	vmand vm10, vm8;
	vm5 =	vne.s32 v13, v21  }
0x14e: {  	vm10 =	vmand vm10, vm9;
	vm5 =	vmor vm5, vm0  }
0x14f: {  	vm10 =	vmand vm10, vm5  }
0x150: {  	v19 =	vsel vm10, $0x3F800000, v7  }
0x151: {  	(xrf0) =	vmin.scan.msk.f32 $0xffff, v19;
	_ =	sdelay $0x5  }
0x152: {  	v23, _, _ =	vpop (xrf0)  }
0x153: {  	(v2sf) =	vpush v23, $0xF  }
0x154: {  	v24 =	vld.idx.msk [tilespmem:v17+s3+$0x0], $0xffff  }
0x155: {  	v25 =	vld.idx.msk [tilespmem:v18+s3+$0x0], $0xffff  }
0x156: {  	v26 =	vld.idx.msk [tilespmem:v12+s3+$0x0], $0xffff  }
0x157: {  	v27 =	vld.idx.msk [tilespmem:v20+s3+$0x0], $0xffff  }
0x158: {  	v28 =	vld.idx.msk [tilespmem:v11+s3+$0x0], $0xffff  }
0x159: {  	v21 =	vld.idx.msk [tilespmem:v15+s3+$0x0], $0xffff  }
0x15a: {  	v30 =	vld.idx.msk [tilespmem:v13+s3+$0x0], $0xffff  }
0x15b: {  	v19 =	vld.idx.msk [tilespmem:v16+s3+$0x0], $0xffff  }
0x15c: {  	v23 =	vld.idx.msk [tilespmem:v14+s3+$0x0], $0xffff  }
0x15d: {  	v29 =	vld.idx.msk [tilespmem:v22+s3+$0x0], $0xffff  }
0x15e: {  	v58 =	vmul.f32 v26, v10;
	v59 =	vmul.f32 v27, v9  }
0x15f: {  	v60 =	vmul.f32 v28, v10;
	v21 =	vmul.f32 v21, v10;
	[tilespmem:s4+$0x2800] =	vst v16  }
0x160: {  	v61 =	vmul.f32 v30, v10;
	v19 =	vmul.f32 v19, v9;
	[tilespmem:s4+$0x2810] =	vst v17  }
0x161: {  	v62 =	vadd.f32 v60, v59;
	v16 =	vmul.f32 v24, v9;
	[tilespmem:s4+$0x4F80] =	vst v15;
	v23 =	vmul.f32 v23, v10  }
0x162: {  	v17 =	vmul.f32 v25, v9;
	v19 =	vadd.f32 v21, v19;
	v21 =	vmul.f32 v29, v9;
	[tilespmem:s4+$0x4F90] =	vst v14;
	s6 =	spop (v2sf)  }
0x163: {  	[tilespmem:s4+$0x4FA0] =	vst v12;
	v16 =	vadd.f32 v23, v16;
	p1 =	sgt.f32 s6, $0.0e+00  }
.Ltmp3:
0x164: {  	v26 =	vmul.f32 $2.000000030e-01, v62;
	[tilespmem:s4+$0x2820] =	vst v18;
	v21 =	vadd.f32 v61, v21;
	v23 =	vadd.f32 v58, v17;
	(pc) =	sbr.rel @p1 .LBB2_6-.Ltmp3, $4  }
0x165: {  	[tilespmem:s4+$0x2830] =	vst v20;
	v17 =	vmul.f32 $2.000000030e-01, v19;
	v18 =	vmul.f32 $2.000000030e-01, v16  }
0x166: {  	[tilespmem:s4+$0x4FB0] =	vst v11;
	v27 =	vmul.f32 $2.000000030e-01, v21;
	v63 =	vmul.f32 $2.000000030e-01, v23  }
0x167: {  	[tilespmem:s4+$0x4FC0] =	vst v13;
	v19 =	vmax.f32 v19, v17;
	v17 =	vmax.f32 v16, v18  }
0x168: {  	[tilespmem:s4+$0x2840] =	vst v22;
	v20 =	vmax.f32 v23, v63;
	v18 =	vmax.f32 v62, v26;
	v16 =	vmax.f32 v21, v27  }
0x169: {  	v21 =	vperm.xlane v15, v3  }
0x16a: {  	v22 =	vperm.xlane v19, v3  }
0x16b: {  	vm10 =	veq.s32 v21, v15  }
0x16c: {  	v21 =	vmax.f32 v19, v22;
	vm10 =	vmand vm10, vm1  }
0x16d: {  	v19 =	vsel vm10, v21, v19;
	v21 =	vperm.xlane v15, v5  }
0x16e: {  	v22 =	vperm.xlane v19, v5  }
0x16f: {  	vm10 =	veq.s32 v21, v15  }
0x170: {  	vm10 =	vmand vm10, vm2;
	v21 =	vmax.f32 v19, v22  }
0x171: {  	v22 =	vperm.xlane v15, v6;
	v19 =	vsel vm10, v21, v19  }
0x172: {  	v21 =	vperm.xlane v19, v6  }
0x173: {  	vm10 =	veq.s32 v22, v15;
	v22 =	vperm.xlane v14, v3  }
0x174: {  	v24 =	vperm.xlane v17, v3;
	vm10 =	vmand vm10, vm3;
	v21 =	vmax.f32 v19, v21  }
0x175: {  	v19 =	vsel vm10, v21, v19;
	vm10 =	veq.s32 v22, v14  }
0x176: {  	v23 =	vperm.xlane v15, v8;
	v21 =	vmax.f32 v17, v24;
	vm10 =	vmand vm10, vm1  }
0x177: {  	v61 =	vperm.xlane v20, v3;
	v17 =	vsel vm10, v21, v17;
	v21 =	vperm.xlane v14, v5  }
0x178: {  	v62 =	vperm.xlane v12, v6;
	vm11 =	veq.s32 v23, v15;
	v23 =	vperm.xlane v17, v5  }
0x179: {  	vm10 =	vmand vm11, vm4;
	vm11 =	veq.s32 v21, v14;
	v21 =	vperm.xlane v12, v3  }
0x17a: {  	v24 =	vmax.f32 v20, v61;
	vm11 =	vmand vm11, vm2;
	v23 =	vmax.f32 v17, v23  }
0x17b: {  	v17 =	vsel vm11, v23, v17;
	v23 =	vperm.xlane v14, v6;
	vm11 =	veq.s32 v21, v12  }
0x17c: {  	v22 =	vperm.xlane v19, v8;
	v21 =	vperm.xlane v17, v6;
	vm11 =	vmand vm11, vm1  }
0x17d: {  	vm12 =	veq.s32 v23, v14;
	v20 =	vsel vm11, v24, v20;
	v23 =	vperm.xlane v12, v5  }
0x17e: {  	vm11 =	vmand vm12, vm3;
	v21 =	vmax.f32 v17, v21;
	v24 =	vperm.xlane v20, v5  }
0x17f: {  	v22 =	vmax.f32 v19, v22;
	v17 =	vsel vm11, v21, v17;
	vm11 =	veq.s32 v23, v12  }
0x180: {  	v21 =	vperm.xlane v14, v8;
	vm11 =	vmand vm11, vm2;
	v23 =	vmax.f32 v20, v24  }
0x181: {  	v63 =	vperm.xlane v11, v3;
	v19 =	vsel vm10, v22, v19;
	v20 =	vsel vm11, v23, v20  }
0x182: {  	v22 =	vperm.xlane v17, v8;
	vm10 =	veq.s32 v21, v14;
	v21 =	vperm.xlane v20, v6  }
0x183: {  	vm11 =	veq.s32 v62, v12;
	v23 =	vperm.xlane v12, v8;
	vm10 =	vmand vm10, vm4  }
0x184: {  	v22 =	vmax.f32 v17, v22;
	vm11 =	vmand vm11, vm3;
	v21 =	vmax.f32 v20, v21  }
0x185: {  	v17 =	vsel vm10, v22, v17;
	v20 =	vsel vm11, v21, v20;
	v21 =	vperm.xlane v18, v3  }
0x186: {  	vm10 =	veq.s32 v23, v12;
	v22 =	vperm.xlane v13, v3;
	vm11 =	veq.s32 v63, v11  }
0x187: {  	v23 =	vperm.xlane v16, v3;
	vm11 =	vmand vm11, vm1;
	v21 =	vmax.f32 v18, v21  }
0x188: {  	v18 =	vsel vm11, v21, v18;
	v21 =	vperm.xlane v11, v5;
	vm11 =	veq.s32 v22, v13  }
0x189: {  	v23 =	vmax.f32 v16, v23;
	v22 =	vperm.xlane v18, v5;
	vm11 =	vmand vm11, vm1  }
0x18a: {  	vm12 =	veq.s32 v21, v11;
	v16 =	vsel vm11, v23, v16;
	v21 =	vperm.xlane v13, v5  }
0x18b: {  	vm11 =	vmand vm12, vm2;
	v22 =	vmax.f32 v18, v22;
	v23 =	vperm.xlane v16, v5  }
0x18c: {  	v18 =	vsel vm11, v22, v18;
	v22 =	vperm.xlane v11, v6;
	vm11 =	veq.s32 v21, v13  }
0x18d: {  	v21 =	vperm.xlane v18, v6;
	vm11 =	vmand vm11, vm2;
	v23 =	vmax.f32 v16, v23  }
0x18e: {  	vm12 =	veq.s32 v22, v11;
	v16 =	vsel vm11, v23, v16;
	v22 =	vperm.xlane v13, v6  }
0x18f: {  	vm11 =	vmand vm12, vm3;
	v21 =	vmax.f32 v18, v21;
	v23 =	vperm.xlane v16, v6  }
0x190: {  	v18 =	vsel vm11, v21, v18;
	v21 =	vperm.xlane v11, v8;
	vm11 =	veq.s32 v22, v13  }
0x191: {  	vm11 =	vmand vm11, vm3;
	v22 =	vmax.f32 v16, v23;
	v23 =	vperm.xlane v13, v8  }
.Ltmp4:
0x192: {  	vm12 =	veq.s32 v21, v11;
	v21 =	vperm.xlane v20, v8;
	v16 =	vsel vm11, v22, v16;
	(pc) =	sbr.rel .LBB2_6-.Ltmp4, $4  }
0x193: {  	v22 =	vperm.xlane v18, v8;
	vm11 =	veq.s32 v23, v13;
	v23 =	vperm.xlane v16, v8  }
0x194: {  	vm10 =	vmand vm10, vm4;
	vm12 =	vmand vm12, vm4;
	v21 =	vmax.f32 v20, v21  }
0x195: {  	v22 =	vmax.f32 v18, v22;
	vm11 =	vmand vm11, vm4;
	v23 =	vmax.f32 v16, v23  }
0x196: {  	v20 =	vsel vm10, v21, v20;
	v18 =	vsel vm12, v22, v18;
	v16 =	vsel vm11, v23, v16  }
.LBB2_7:
0x197: {  	s5 =	sshra.s32 s4, $0x2;
	s6 =	sadd.s32 $0x200, s4  }
.LBB2_8:
0x198: {  	p1 =	sne.s32 s6, $0x9E00;
	[tilespmem:s5+$0xC770] =	vst v7  }
0x199: {  	[tilespmem:s5+$0x9F00] =	vst v7  }
0x19a: {  	[tilespmem:s5+$0x9F10] =	vst v7  }
0x19b: {  	[tilespmem:s5+$0x9F20] =	vst v7  }
0x19c: {  	[tilespmem:s5+$0x9F30] =	vst v7  }
0x19d: {  	[tilespmem:s5+$0x9F40] =	vst v7  }
0x19e: {  	[tilespmem:s5+$0x9F50] =	vst v7  }
0x19f: {  	[tilespmem:s5+$0x9F60] =	vst v7  }
0x1a0: {  	[tilespmem:s5+$0x9F70] =	vst v7  }
0x1a1: {  	[tilespmem:s5+$0xC700] =	vst v7  }
0x1a2: {  	[tilespmem:s5+$0xC710] =	vst v7  }
.Ltmp5:
0x1a3: {  	[tilespmem:s5+$0xC720] =	vst v7;
	(pc) =	sbr.rel @p1 .LBB2_8-.Ltmp5, $4  }
0x1a4: {  	[tilespmem:s5+$0xC730] =	vst v7  }
0x1a5: {  	[tilespmem:s5+$0xC740] =	vst v7  }
0x1a6: {  	[tilespmem:s5+$0xC750] =	vst v7  }
0x1a7: {  	[tilespmem:s5+$0xC760] =	vst v7;
	s5 =	sshra.s32 s6, $0x2;
	s6 =	sadd.s32 $0x200, s6  }
0x1a8: {  	[tilespmem:s5+$0xC770] =	vst v7  }
0x1a9: {  	[tilespmem:s5+$0x9F00] =	vst v7  }
0x1aa: {  	[tilespmem:s5+$0x9F10] =	vst v7  }
0x1ab: {  	[tilespmem:s5+$0x9F20] =	vst v7  }
0x1ac: {  	[tilespmem:s5+$0x9F30] =	vst v7  }
0x1ad: {  	[tilespmem:s5+$0x9F40] =	vst v7  }
0x1ae: {  	[tilespmem:s5+$0x9F50] =	vst v7  }
0x1af: {  	[tilespmem:s5+$0x9F60] =	vst v7  }
0x1b0: {  	[tilespmem:s5+$0x9F70] =	vst v7  }
0x1b1: {  	[tilespmem:s5+$0xC700] =	vst v7  }
0x1b2: {  	[tilespmem:s5+$0xC710] =	vst v7  }
.Ltmp6:
0x1b3: {  	[tilespmem:s5+$0xC720] =	vst v7;
	(pc) =	sbr.rel .LBB2_10-.Ltmp6, $4  }
0x1b4: {  	[tilespmem:s5+$0xC730] =	vst v7  }
0x1b5: {  	[tilespmem:s5+$0xC740] =	vst v7  }
0x1b6: {  	[tilespmem:s5+$0xC750] =	vst v7  }
0x1b7: {  	[tilespmem:s5+$0xC760] =	vst v7  }
.LBB2_12:
0x1b8: {  	_ =	sdelay $0x4  }
0x1b9: {  	[tilespmem:v12+s29+$0x0] =	vst.idx.add.f32.msk vm5, v16  }
0x1ba: {  	[tilespmem:v12+s30+$0x0] =	vst.idx.add.f32.msk vm5, v24  }
0x1bb: {  	[tilespmem:v13+s29+$0x0] =	vst.idx.add.f32.msk vm6, v20  }
0x1bc: {  	s4 =	sadd.s32 $0x140, s4;
	[tilespmem:v13+s30+$0x0] =	vst.idx.add.f32.msk vm6, v21  }
0x1bd: {  	p1 =	sne.s32 s4, $0x9C40;
	[tilespmem:v14+s29+$0x0] =	vst.idx.add.f32.msk vm7, v17  }
.Ltmp7:
0x1be: {  	[tilespmem:v14+s30+$0x0] =	vst.idx.add.f32.msk vm7, v25;
	(pc) =	sbr.rel @!p1 .LBB2_13-.Ltmp7, $4  }
0x1bf: {  	[tilespmem:v15+s29+$0x0] =	vst.idx.add.f32.msk vm8, v22  }
0x1c0: {  	[tilespmem:v15+s30+$0x0] =	vst.idx.add.f32.msk vm8, v23  }
0x1c1: {  	[tilespmem:v11+s29+$0x0] =	vst.idx.add.f32.msk vm9, v18  }
0x1c2: {  	[tilespmem:v11+s30+$0x0] =	vst.idx.add.f32.msk vm9, v19  }
.LBB2_10:
0x1c3: {  	s5 =	sshra.s32 s4, $0x2  }
0x1c4: {  	v11 =	vld [tilespmem:s5+$0x2800];
	_ =	sdelay $0x1  }
0x1c5: {  	v12 =	vld [tilespmem:s5+$0x4F80]  }
0x1c6: {  	v13 =	vld [tilespmem:s5+$0x4F90]  }
0x1c7: {  	v17 =	vld [tilespmem:s5+$0x2810]  }
0x1c8: {  	v14 =	vld [tilespmem:s5+$0x4FA0]  }
0x1c9: {  	v19 =	vld [tilespmem:s5+$0x2820]  }
0x1ca: {  	v15 =	vld [tilespmem:s5+$0x4FB0]  }
0x1cb: {  	v18 =	vld.idx.msk [tilespmem:v11+s3+$0x0], $0xffff  }
0x1cc: {  	v11 =	vld [tilespmem:s5+$0x4FC0]  }
0x1cd: {  	v20 =	vld [tilespmem:s5+$0x2830];
	v21 =	vperm.xlane v12, v4  }
0x1ce: {  	v22 =	vld [tilespmem:s5+$0x2840];
	v24 =	vperm.xlane v13, v4  }
0x1cf: {  	vm5 =	vne.s32 v12, v21;
	v21 =	vld.idx.msk [tilespmem:v17+s3+$0x0], $0xffff;
	v17 =	vperm.xlane v14, v4  }
0x1d0: {  	vm6 =	vne.s32 v13, v24;
	v24 =	vperm.xlane v15, v4;
	vm5 =	vmor vm5, vm0  }
0x1d1: {  	vm6 =	vmor vm6, vm0;
	vm7 =	vne.s32 v14, v17;
	v17 =	vperm.xlane v11, v4  }
0x1d2: {  	v16 =	vld.idx.msk [tilespmem:v12+s3+$0x0], $0xffff;
	vm8 =	vne.s32 v15, v24;
	vm9 =	vmand vm5, vm6;
	vm7 =	vmor vm7, vm0  }
0x1d3: {  	v25 =	vld.idx.msk [tilespmem:v13+s3+$0x0], $0xffff;
	vm8 =	vmor vm8, vm0;
	vm11 =	vmand vm9, vm7;
	vm10 =	vne.s32 v11, v17  }
0x1d4: {  	v19 =	vld.idx.msk [tilespmem:v19+s3+$0x0], $0xffff;
	vm9 =	vmor vm10, vm0;
	vm10 =	vmand vm11, vm8  }
0x1d5: {  	v26 =	vld.idx.msk [tilespmem:v14+s3+$0x0], $0xffff;
	vm10 =	vmand vm10, vm9  }
0x1d6: {  	v28 =	vld.idx.msk [tilespmem:v22+s3+$0x0], $0xffff;
	v22 =	vsel vm10, $0x3F800000, v7  }
0x1d7: {  	v27 =	vld.idx.msk [tilespmem:v20+s3+$0x0], $0xffff;
	(xrf0) =	vmin.scan.msk.f32 $0xffff, v22  }
0x1d8: {  	v17 =	vld.idx.msk [tilespmem:v15+s3+$0x0], $0xffff  }
0x1d9: {  	v23 =	vmul.f32 v18, v9;
	v16 =	vmul.f32 v16, v10;
	v20 =	vld.idx.msk [tilespmem:v11+s3+$0x0], $0xffff  }
0x1da: {  	v24 =	vmul.f32 v21, v9;
	v25 =	vmul.f32 v25, v10  }
0x1db: {  	v29 =	vmul.f32 v19, v9;
	v26 =	vmul.f32 v26, v10;
	v16 =	vadd.f32 v16, v23;
	v22 =	vld.idx.msk [tilespmem:v12+s28+$0x0], $0xffff  }
0x1dc: {  	v30 =	vmul.f32 v27, v9;
	v31 =	vmul.f32 v28, v9  }
0x1dd: {  	v24 =	vadd.f32 v25, v24;
	v25 =	vld.idx.msk [tilespmem:v13+s28+$0x0], $0xffff;
	v23 =	vmul.f32 $2.000000030e-01, v16;
	v17 =	vmul.f32 v17, v10;
	v32, _, _ =	vpop (xrf0)  }
0x1de: {  	v61 =	vld.idx.msk [tilespmem:v14+s28+$0x0], $0xffff;
	v26 =	vadd.f32 v26, v29;
	v20 =	vmul.f32 v20, v10;
	(v2sf) =	vpush v32, $0xF  }
0x1df: {  	v62 =	vld.idx.msk [tilespmem:v15+s28+$0x0], $0xffff;
	v16 =	vmax.f32 v16, v23;
	v23 =	vmul.f32 $2.000000030e-01, v24;
	v17 =	vadd.f32 v17, v30  }
0x1e0: {  	v63 =	vld.idx.msk [tilespmem:v11+s28+$0x0], $0xffff;
	v20 =	vadd.f32 v20, v31;
	v16 =	vsub.f32 v16, v22;
	v22 =	vmul.f32 $2.000000030e-01, v26  }
0x1e1: {  	v23 =	vmax.f32 v24, v23;
	v24 =	vmul.f32 $2.000000030e-01, v17  }
0x1e2: {  	v23 =	vsub.f32 v23, v25;
	v25 =	vmul.f32 $2.000000030e-01, v20;
	v22 =	vmax.f32 v26, v22  }
0x1e3: {  	v17 =	vmax.f32 v17, v24;
	v16 =	vmul.f32 $1.442695020e+00, v16;
	v22 =	vsub.f32 v22, v61  }
0x1e4: {  	v23 =	vmul.f32 $1.442695020e+00, v23;
	v17 =	vsub.f32 v17, v62;
	v20 =	vmax.f32 v20, v25  }
0x1e5: {  	(erf) = vpow2.f32 v16;
	v20 =	vsub.f32 v20, v63;
	v16 =	vmul.f32 $1.442695020e+00, v22  }
0x1e6: {  	(erf) = vpow2.f32 v23;
	v17 =	vmul.f32 $1.442695020e+00, v17  }
0x1e7: {  	(erf) = vpow2.f32 v16;
	v16 =	vmul.f32 $1.442695020e+00, v20  }
0x1e8: {  	(erf) = vpow2.f32 v17  }
0x1e9: {  	(erf) = vpow2.f32 v16;
	_ =	sdelay $0x3  }
0x1ea: {  	s15 =	spop (v2sf)  }
0x1eb: {  	v16 =	vpop (erf);
	p1 =	sgt.f32 s15, $0.0e+00  }
.Ltmp8:
0x1ec: {  	v20 =	vpop (erf);
	(pc) =	sbr.rel @p1 .LBB2_12-.Ltmp8, $4  }
0x1ed: {  	v17 =	vpop (erf)  }
0x1ee: {  	v24 =	vmul.f32 v16, v18;
	v22 =	vpop (erf)  }
0x1ef: {  	v21 =	vmul.f32 v20, v21;
	v25 =	vmul.f32 v17, v19;
	v18 =	vpop (erf)  }
0x1f0: {  	v23 =	vmul.f32 v22, v27;
	v19 =	vmul.f32 v18, v28  }
0x1f1: {  	v26 =	vperm.xlane v12, v3;
	v27 =	vperm.xlane v16, v3;
	_ =	sdelay $0x1  }
0x1f2: {  	vm10 =	veq.s32 v26, v12;
	v26 =	vadd.f32 v27, v16;
	v27 =	vperm.xlane v24, v3  }
0x1f3: {  	vm10 =	vmand vm10, vm1  }
0x1f4: {  	v16 =	vsel vm10, v26, v16;
	v26 =	vadd.f32 v27, v24  }
0x1f5: {  	v27 =	vperm.xlane v12, v5;
	v28 =	vperm.xlane v16, v5  }
0x1f6: {  	v24 =	vsel vm10, v26, v24  }
0x1f7: {  	vm10 =	veq.s32 v27, v12;
	v26 =	vadd.f32 v28, v16;
	v27 =	vperm.xlane v24, v5  }
0x1f8: {  	v50 =	vperm.xlane v20, v3;
	vm10 =	vmand vm10, vm2  }
0x1f9: {  	v16 =	vsel vm10, v26, v16;
	v26 =	vadd.f32 v27, v24;
	v27 =	vperm.xlane v12, v6  }
0x1fa: {  	v29 =	vperm.xlane v12, v8;
	v49 =	vperm.xlane v16, v6  }
0x1fb: {  	v24 =	vsel vm10, v26, v24;
	vm10 =	veq.s32 v27, v12;
	v27 =	vperm.xlane v13, v3  }
0x1fc: {  	v51 =	vperm.xlane v21, v3;
	v53 =	vperm.xlane v13, v5;
	v26 =	vadd.f32 v49, v16  }
0x1fd: {  	v58 =	vperm.xlane v17, v3;
	vm10 =	vmand vm10, vm3;
	vm11 =	veq.s32 v27, v13  }
0x1fe: {  	v27 =	vadd.f32 v50, v20;
	v16 =	vsel vm10, v26, v16;
	v26 =	vperm.xlane v24, v6  }
0x1ff: {  	v61 =	vperm.xlane v25, v3;
	vm11 =	vmand vm11, vm1;
	v52 =	vperm.xlane v16, v8  }
0x200: {  	v20 =	vsel vm11, v27, v20;
	v27 =	vadd.f32 v51, v21;
	v26 =	vadd.f32 v26, v24  }
0x201: {  	v62 =	vperm.xlane v13, v8;
	v63 =	vperm.xlane v14, v5;
	vm12 =	veq.s32 v29, v12  }
0x202: {  	v21 =	vsel vm11, v27, v21;
	v24 =	vsel vm10, v26, v24;
	v26 =	vadd.f32 v52, v16  }
0x203: {  	v30 =	vperm.xlane v20, v5;
	vm10 =	vmand vm12, vm4;
	v55 =	vperm.xlane v21, v5  }
0x204: {  	v35 =	vperm.xlane v14, v6;
	v16 =	vsel vm10, v26, v16;
	v26 =	vperm.xlane v13, v6  }
0x205: {  	vm11 =	veq.s32 v53, v13;
	v27 =	vadd.f32 v30, v20;
	v56 =	vadd.f32 v55, v21  }
0x206: {  	vm11 =	vmand vm11, vm2;
	vm12 =	veq.s32 v26, v13;
	v26 =	vperm.xlane v14, v3  }
0x207: {  	v37 =	vperm.xlane v22, v3;
	v20 =	vsel vm11, v27, v20;
	v21 =	vsel vm11, v56, v21  }
0x208: {  	vm11 =	vmand vm12, vm3;
	vm12 =	veq.s32 v26, v14;
	v26 =	vadd.f32 v58, v17  }
0x209: {  	v38 =	vperm.xlane v14, v8;
	v41 =	vperm.xlane v15, v5;
	vm12 =	vmand vm12, vm1  }
0x20a: {  	v54 =	vperm.xlane v24, v8;
	v57 =	vperm.xlane v20, v6;
	v17 =	vsel vm12, v26, v17  }
0x20b: {  	v43 =	vperm.xlane v11, v3;
	v26 =	vadd.f32 v61, v25;
	v31 =	vperm.xlane v17, v5  }
0x20c: {  	v27 =	vadd.f32 v54, v24;
	v59 =	vadd.f32 v57, v20;
	v60 =	vperm.xlane v21, v6  }
0x20d: {  	v25 =	vsel vm12, v26, v25;
	vm12 =	veq.s32 v63, v14;
	v26 =	vadd.f32 v31, v17  }
0x20e: {  	v24 =	vsel vm10, v27, v24;
	vm12 =	vmand vm12, vm2;
	v33 =	vperm.xlane v25, v5  }
0x20f: {  	vm10 =	veq.s32 v35, v14;
	v29 =	vadd.f32 v60, v21;
	v17 =	vsel vm12, v26, v17  }
0x210: {  	v20 =	vsel vm11, v59, v20;
	v26 =	vadd.f32 v33, v25;
	v36 =	vperm.xlane v17, v6  }
0x211: {  	v32 =	vperm.xlane v20, v8;
	v21 =	vsel vm11, v29, v21;
	vm11 =	veq.s32 v62, v13  }
0x212: {  	v34 =	vperm.xlane v21, v8;
	v25 =	vsel vm12, v26, v25;
	v26 =	vadd.f32 v36, v17  }
0x213: {  	vm10 =	vmand vm10, vm3;
	vm11 =	vmand vm11, vm4;
	v29 =	vadd.f32 v32, v20  }
0x214: {  	v27 =	vadd.f32 v34, v21;
	v17 =	vsel vm10, v26, v17;
	v26 =	vperm.xlane v15, v3  }
0x215: {  	v44 =	vperm.xlane v18, v3;
	v45 =	vperm.xlane v19, v3;
	v20 =	vsel vm11, v29, v20  }
0x216: {  	v21 =	vsel vm11, v27, v21;
	vm11 =	veq.s32 v26, v15;
	v26 =	vadd.f32 v37, v22  }
0x217: {  	v48 =	vperm.xlane v15, v6;
	v40 =	vperm.xlane v23, v3;
	vm11 =	vmand vm11, vm1  }
0x218: {  	v46 =	vadd.f32 v44, v18;
	v47 =	vadd.f32 v45, v19;
	v22 =	vsel vm11, v26, v22  }
0x219: {  	vm12 =	veq.s32 v43, v11;
	v26 =	vadd.f32 v40, v23;
	v42 =	vperm.xlane v22, v5  }
0x21a: {  	v49 =	vperm.xlane v11, v5;
	v27 =	vperm.xlane v25, v6;
	vm12 =	vmand vm12, vm1  }
0x21b: {  	v23 =	vsel vm11, v26, v23;
	vm11 =	veq.s32 v41, v15;
	v26 =	vadd.f32 v42, v22  }
0x21c: {  	v18 =	vsel vm12, v46, v18;
	v19 =	vsel vm12, v47, v19;
	vm11 =	vmand vm11, vm2  }
0x21d: {  	v27 =	vadd.f32 v27, v25;
	v22 =	vsel vm11, v26, v22;
	v26 =	vperm.xlane v23, v5  }
0x21e: {  	vm12 =	veq.s32 v49, v11;
	v29 =	vperm.xlane v19, v5;
	v39 =	vperm.xlane v17, v8  }
0x21f: {  	vm12 =	vmand vm12, vm2;
	v25 =	vsel vm10, v27, v25;
	v26 =	vadd.f32 v26, v23  }
0x220: {  	vm10 =	veq.s32 v38, v14;
	v52 =	vadd.f32 v29, v19;
	v27 =	vadd.f32 v39, v17  }
0x221: {  	vm10 =	vmand vm10, vm4;
	v23 =	vsel vm11, v26, v23;
	v26 =	vperm.xlane v18, v5  }
0x222: {  	v57 =	vperm.xlane v15, v8;
	v19 =	vsel vm12, v52, v19;
	v17 =	vsel vm10, v27, v17  }
0x223: {  	v27 =	vperm.xlane v25, v8;
	v50 =	vperm.xlane v22, v6;
	v26 =	vadd.f32 v26, v18  }
0x224: {  	v56 =	vperm.xlane v19, v6;
	vm11 =	veq.s32 v48, v15;
	v51 =	vperm.xlane v23, v6  }
0x225: {  	v53 =	vadd.f32 v50, v22;
	vm11 =	vmand vm11, vm3;
	v18 =	vsel vm12, v26, v18  }
0x226: {  	v54 =	vadd.f32 v51, v23;
	v26 =	vperm.xlane v11, v6;
	v55 =	vperm.xlane v18, v6  }
0x227: {  	v27 =	vadd.f32 v27, v25;
	v58 =	vadd.f32 v56, v19;
	v22 =	vsel vm11, v53, v22  }
0x228: {  	v23 =	vsel vm11, v54, v23;
	vm11 =	veq.s32 v26, v11;
	v26 =	vadd.f32 v55, v18  }
0x229: {  	v59 =	vperm.xlane v22, v8;
	v60 =	vperm.xlane v23, v8;
	vm11 =	vmand vm11, vm3  }
0x22a: {  	v19 =	vsel vm11, v58, v19;
	v18 =	vsel vm11, v26, v18;
	v26 =	vperm.xlane v11, v8  }
.Ltmp9:
0x22b: {  	v63 =	vadd.f32 v60, v23;
	v62 =	vperm.xlane v19, v8;
	v61 =	vperm.xlane v18, v8;
	(pc) =	sbr.rel .LBB2_12-.Ltmp9, $4  }
0x22c: {  	vm11 =	veq.s32 v57, v15;
	vm12 =	veq.s32 v26, v11;
	v26 =	vadd.f32 v59, v22  }
0x22d: {  	vm11 =	vmand vm11, vm4;
	v29 =	vadd.f32 v62, v19;
	v28 =	vadd.f32 v61, v18  }
0x22e: {  	v25 =	vsel vm10, v27, v25;
	v23 =	vsel vm11, v63, v23;
	vm10 =	vmand vm12, vm4  }
0x22f: {  	v22 =	vsel vm11, v26, v22;
	v19 =	vsel vm10, v29, v19;
	v18 =	vsel vm10, v28, v18  }
.LBB2_13:
0x230: {  	s4 =	rddreg [dreg:$0x7]  }
0x231: {  	[spmem:s4] =	stream.strided.scatter [tilespmem:s28], [sflag:$0x1], $0x2800, s1, s31, $0x38;
	[tilespmem:$0x1E900] =	vst v63  }
0x232: {  	s12 =	rddreg [dreg:$0x8]  }
0x233: {  	[spmem:s12] =	stream.strided.scatter [tilespmem:s29], [sflag:$0x1], $0x2800, s1, s31, $0x38;
	[tilespmem:$0x1E900] =	vst v63  }
0x234: {  	s13 =	rddreg [dreg:$0x9]  }
0x235: {  	[spmem:s13] =	stream.strided.scatter [tilespmem:s30], [sflag:$0x1], $0x2800, s1, s31, $0x38;
	[tilespmem:$0x1E900] =	vst v63  }
0x236: {  	_ =	swait.ge [sflag:s26], $0x2800  }
0x237: {  	[sflag:s26] =	ssyncset.done $0x0  }
0x238: {  	[sflag:s26] =	ssyncadd.s32 $0xFFFFD800  }
0x239: {  	_ =	swait.ge [sflag:s26], $0x2800  }
0x23a: {  	[sflag:s26] =	ssyncset.done $0x0  }
0x23b: {  	[sflag:s26] =	ssyncadd.s32 $0xFFFFD800  }
0x23c: {  	_ =	swait.ge [sflag:s26], $0x2800  }
0x23d: {  	[sflag:s26] =	ssyncset.done $0x0  }
0x23e: {  	[sflag:s26] =	ssyncadd.s32 $0xFFFFD800  }
0x23f: {  	[bflag:$0x0] =	sbarrier.arrive $0xFFFF  }
0x240: {  	s14 =	simm.s32 $0xEF00;
	s15 =	sld [smem:$0x747]  }
0x241: {  	[tilespmem:s14], [sflag:$0x1] =	stream.linear.gather [spmem:s9], $0x80, $0x38;
	[tilespmem:$0x1E900] =	vst v63  }
0x242: {  	s5 =	simm.s32 $0xF300  }
0x243: {  	[tilespmem:s5], [sflag:$0x1] =	stream.linear.gather [spmem:s15], $0x80, $0x38;
	[tilespmem:$0x1E900] =	vst v63  }
0x244: {  	s5 =	sld [smem:$0x748];
	_ =	sdelay $0x1  }
0x245: {  	s6 =	simm.s32 $0xF700;
	s7 =	sld [smem:$0x749]  }
0x246: {  	[tilespmem:s6], [sflag:$0x1] =	stream.linear.gather [spmem:s5], $0x80, $0x38;
	[tilespmem:$0x1E900] =	vst v63  }
0x247: {  	s8 =	simm.s32 $0xFB00;
	s10 =	sld [smem:$0x74A]  }
0x248: {  	[tilespmem:s8], [sflag:$0x1] =	stream.linear.gather [spmem:s7], $0x80, $0x38;
	[tilespmem:$0x1E900] =	vst v63  }
0x249: {  	s11 =	simm.s32 $0xFF00;
	s12 =	rddreg [dreg:$0xa]  }
0x24a: {  	[tilespmem:s11], [sflag:$0x1] =	stream.linear.gather [spmem:s10], $0x80, $0x38;
	[tilespmem:$0x1E900] =	vst v63  }
0x24b: {  	s13 =	simm.s32 $0xEF80;
	s14 =	sld [smem:$0x74B]  }
0x24c: {  	[tilespmem:s13], [sflag:$0x1] =	stream.linear.gather [spmem:s12], $0x80, $0x38;
	[tilespmem:$0x1E900] =	vst v63  }
0x24d: {  	s15 =	simm.s32 $0xF380;
	s5 =	sld [smem:$0x74C]  }
0x24e: {  	[tilespmem:s15], [sflag:$0x1] =	stream.linear.gather [spmem:s14], $0x80, $0x38;
	[tilespmem:$0x1E900] =	vst v63  }
0x24f: {  	s6 =	simm.s32 $0xF780;
	s7 =	sld [smem:$0x74D]  }
0x250: {  	[tilespmem:s6], [sflag:$0x1] =	stream.linear.gather [spmem:s5], $0x80, $0x38;
	[tilespmem:$0x1E900] =	vst v63  }
0x251: {  	s8 =	simm.s32 $0xFB80;
	s10 =	sld [smem:$0x74E]  }
0x252: {  	[tilespmem:s8], [sflag:$0x1] =	stream.linear.gather [spmem:s7], $0x80, $0x38;
	[tilespmem:$0x1E900] =	vst v63  }
0x253: {  	s11 =	simm.s32 $0xFF80;
	s12 =	rddreg [dreg:$0xb]  }
0x254: {  	[tilespmem:s11], [sflag:$0x1] =	stream.linear.gather [spmem:s10], $0x80, $0x38;
	[tilespmem:$0x1E900] =	vst v63  }
0x255: {  	s13 =	simm.s32 $0xF000;
	s14 =	sld [smem:$0x74F]  }
0x256: {  	[tilespmem:s13], [sflag:$0x1] =	stream.linear.gather [spmem:s12], $0x80, $0x38;
	[tilespmem:$0x1E900] =	vst v63  }
0x257: {  	s15 =	simm.s32 $0xF400;
	s5 =	sld [smem:$0x750]  }
0x258: {  	[tilespmem:s15], [sflag:$0x1] =	stream.linear.gather [spmem:s14], $0x80, $0x38;
	[tilespmem:$0x1E900] =	vst v63  }
0x259: {  	s6 =	simm.s32 $0xF800;
	s7 =	sld [smem:$0x751]  }
0x25a: {  	[tilespmem:s6], [sflag:$0x1] =	stream.linear.gather [spmem:s5], $0x80, $0x38;
	[tilespmem:$0x1E900] =	vst v63  }
0x25b: {  	s8 =	simm.s32 $0xFC00;
	s10 =	sld [smem:$0x752]  }
0x25c: {  	[tilespmem:s8], [sflag:$0x1] =	stream.linear.gather [spmem:s7], $0x80, $0x38;
	[tilespmem:$0x1E900] =	vst v63  }
0x25d: {  	s11 =	simm.s32 $0x10000;
	s12 =	rddreg [dreg:$0xc]  }
0x25e: {  	[tilespmem:s11], [sflag:$0x1] =	stream.linear.gather [spmem:s10], $0x80, $0x38;
	[tilespmem:$0x1E900] =	vst v63  }
0x25f: {  	s13 =	simm.s32 $0xF080;
	s14 =	sld [smem:$0x753]  }
0x260: {  	[tilespmem:s13], [sflag:$0x1] =	stream.linear.gather [spmem:s12], $0x80, $0x38;
	[tilespmem:$0x1E900] =	vst v63  }
0x261: {  	s15 =	simm.s32 $0xF480;
	s5 =	sld [smem:$0x754]  }
0x262: {  	[tilespmem:s15], [sflag:$0x1] =	stream.linear.gather [spmem:s14], $0x80, $0x38;
	[tilespmem:$0x1E900] =	vst v63  }
0x263: {  	s6 =	simm.s32 $0xF880;
	s7 =	sld [smem:$0x755]  }
0x264: {  	[tilespmem:s6], [sflag:$0x1] =	stream.linear.gather [spmem:s5], $0x80, $0x38;
	[tilespmem:$0x1E900] =	vst v63  }
0x265: {  	s8 =	simm.s32 $0xFC80;
	s10 =	sld [smem:$0x756]  }
0x266: {  	[tilespmem:s8], [sflag:$0x1] =	stream.linear.gather [spmem:s7], $0x80, $0x38;
	[tilespmem:$0x1E900] =	vst v63  }
0x267: {  	s11 =	simm.s32 $0x10080;
	s12 =	rddreg [dreg:$0xd]  }
0x268: {  	[tilespmem:s11], [sflag:$0x1] =	stream.linear.gather [spmem:s10], $0x80, $0x38;
	[tilespmem:$0x1E900] =	vst v63  }
0x269: {  	s13 =	simm.s32 $0xF100;
	s14 =	sld [smem:$0x757]  }
0x26a: {  	[tilespmem:s13], [sflag:$0x1] =	stream.linear.gather [spmem:s12], $0x80, $0x38;
	[tilespmem:$0x1E900] =	vst v63  }
0x26b: {  	s15 =	simm.s32 $0xF500;
	s5 =	sld [smem:$0x758]  }
0x26c: {  	[tilespmem:s15], [sflag:$0x1] =	stream.linear.gather [spmem:s14], $0x80, $0x38;
	[tilespmem:$0x1E900] =	vst v63  }
0x26d: {  	s6 =	simm.s32 $0xF900;
	s7 =	sld [smem:$0x759]  }
0x26e: {  	[tilespmem:s6], [sflag:$0x1] =	stream.linear.gather [spmem:s5], $0x80, $0x38;
	[tilespmem:$0x1E900] =	vst v63  }
0x26f: {  	s8 =	simm.s32 $0xFD00;
	s10 =	sld [smem:$0x75A]  }
0x270: {  	[tilespmem:s8], [sflag:$0x1] =	stream.linear.gather [spmem:s7], $0x80, $0x38;
	[tilespmem:$0x1E900] =	vst v63  }
0x271: {  	s11 =	simm.s32 $0x10100;
	s12 =	rddreg [dreg:$0xe]  }
0x272: {  	[tilespmem:s11], [sflag:$0x1] =	stream.linear.gather [spmem:s10], $0x80, $0x38;
	[tilespmem:$0x1E900] =	vst v63  }
0x273: {  	s13 =	simm.s32 $0xF180;
	s14 =	sld [smem:$0x75B]  }
0x274: {  	[tilespmem:s13], [sflag:$0x1] =	stream.linear.gather [spmem:s12], $0x80, $0x38;
	[tilespmem:$0x1E900] =	vst v63  }
0x275: {  	s15 =	simm.s32 $0xF580;
	s5 =	sld [smem:$0x75C]  }
0x276: {  	[tilespmem:s15], [sflag:$0x1] =	stream.linear.gather [spmem:s14], $0x80, $0x38;
	[tilespmem:$0x1E900] =	vst v63  }
0x277: {  	s6 =	simm.s32 $0xF980;
	s7 =	sld [smem:$0x75D]  }
0x278: {  	[tilespmem:s6], [sflag:$0x1] =	stream.linear.gather [spmem:s5], $0x80, $0x38;
	[tilespmem:$0x1E900] =	vst v63  }
0x279: {  	s8 =	simm.s32 $0xFD80;
	s10 =	sld [smem:$0x75E]  }
0x27a: {  	[tilespmem:s8], [sflag:$0x1] =	stream.linear.gather [spmem:s7], $0x80, $0x38;
	[tilespmem:$0x1E900] =	vst v63  }
0x27b: {  	s11 =	simm.s32 $0x10180;
	s12 =	rddreg [dreg:$0xf]  }
0x27c: {  	[tilespmem:s11], [sflag:$0x1] =	stream.linear.gather [spmem:s10], $0x80, $0x38;
	[tilespmem:$0x1E900] =	vst v63  }
0x27d: {  	s13 =	simm.s32 $0xF200;
	s14 =	sld [smem:$0x75F]  }
0x27e: {  	[tilespmem:s13], [sflag:$0x1] =	stream.linear.gather [spmem:s12], $0x80, $0x38;
	[tilespmem:$0x1E900] =	vst v63  }
0x27f: {  	s15 =	simm.s32 $0xF600;
	s5 =	sld [smem:$0x760]  }
0x280: {  	[tilespmem:s15], [sflag:$0x1] =	stream.linear.gather [spmem:s14], $0x80, $0x38;
	[tilespmem:$0x1E900] =	vst v63  }
0x281: {  	s6 =	simm.s32 $0xFA00;
	s7 =	sld [smem:$0x761]  }
0x282: {  	[tilespmem:s6], [sflag:$0x1] =	stream.linear.gather [spmem:s5], $0x80, $0x38;
	[tilespmem:$0x1E900] =	vst v63  }
0x283: {  	s8 =	simm.s32 $0xFE00;
	s10 =	sld [smem:$0x762]  }
0x284: {  	[tilespmem:s8], [sflag:$0x1] =	stream.linear.gather [spmem:s7], $0x80, $0x38;
	[tilespmem:$0x1E900] =	vst v63  }
0x285: {  	s11 =	simm.s32 $0x10200;
	s12 =	rddreg [dreg:$0x10]  }
0x286: {  	[tilespmem:s11], [sflag:$0x1] =	stream.linear.gather [spmem:s10], $0x80, $0x38;
	[tilespmem:$0x1E900] =	vst v63  }
0x287: {  	s13 =	simm.s32 $0xF280;
	s14 =	sld [smem:$0x763]  }
0x288: {  	[tilespmem:s13], [sflag:$0x1] =	stream.linear.gather [spmem:s12], $0x80, $0x38;
	[tilespmem:$0x1E900] =	vst v63  }
0x289: {  	s15 =	simm.s32 $0xF680;
	s5 =	sld [smem:$0x764]  }
0x28a: {  	[tilespmem:s15], [sflag:$0x1] =	stream.linear.gather [spmem:s14], $0x80, $0x38;
	[tilespmem:$0x1E900] =	vst v63  }
0x28b: {  	s6 =	simm.s32 $0xFA80;
	s7 =	sld [smem:$0x765]  }
0x28c: {  	[tilespmem:s6], [sflag:$0x1] =	stream.linear.gather [spmem:s5], $0x80, $0x38;
	[tilespmem:$0x1E900] =	vst v63  }
0x28d: {  	s8 =	simm.s32 $0xFE80;
	s10 =	sld [smem:$0x766]  }
0x28e: {  	[tilespmem:s8], [sflag:$0x1] =	stream.linear.gather [spmem:s7], $0x80, $0x38;
	[tilespmem:$0x1E900] =	vst v63  }
0x28f: {  	s11 =	simm.s32 $0x10280;
	s12 =	rddreg [dreg:$0x11]  }
0x290: {  	[tilespmem:s11], [sflag:$0x1] =	stream.linear.gather [spmem:s10], $0x80, $0x38;
	[tilespmem:$0x1E900] =	vst v63  }
0x291: {  	s13 =	simm.s32 $0x10300;
	s14 =	sld [smem:$0x767]  }
0x292: {  	[tilespmem:s13], [sflag:$0x1] =	stream.linear.gather [spmem:s12], $0x80, $0x38;
	[tilespmem:$0x1E900] =	vst v63  }
0x293: {  	s15 =	simm.s32 $0x10700;
	s5 =	sld [smem:$0x768]  }
0x294: {  	[tilespmem:s15], [sflag:$0x1] =	stream.linear.gather [spmem:s14], $0x80, $0x38;
	[tilespmem:$0x1E900] =	vst v63  }
0x295: {  	s6 =	simm.s32 $0x10B00;
	s7 =	sld [smem:$0x769]  }
0x296: {  	[tilespmem:s6], [sflag:$0x1] =	stream.linear.gather [spmem:s5], $0x80, $0x38;
	[tilespmem:$0x1E900] =	vst v63  }
0x297: {  	s8 =	simm.s32 $0x10F00;
	s10 =	sld [smem:$0x76A]  }
0x298: {  	[tilespmem:s8], [sflag:$0x1] =	stream.linear.gather [spmem:s7], $0x80, $0x38;
	[tilespmem:$0x1E900] =	vst v63  }
0x299: {  	s11 =	simm.s32 $0x11300;
	s12 =	rddreg [dreg:$0x12]  }
0x29a: {  	[tilespmem:s11], [sflag:$0x1] =	stream.linear.gather [spmem:s10], $0x80, $0x38;
	[tilespmem:$0x1E900] =	vst v63  }
0x29b: {  	s13 =	simm.s32 $0x10380;
	s14 =	sld [smem:$0x76B]  }
0x29c: {  	[tilespmem:s13], [sflag:$0x1] =	stream.linear.gather [spmem:s12], $0x80, $0x38;
	[tilespmem:$0x1E900] =	vst v63  }
0x29d: {  	s15 =	simm.s32 $0x10780;
	s6 =	sld [smem:$0x76C]  }
0x29e: {  	[tilespmem:s15], [sflag:$0x1] =	stream.linear.gather [spmem:s14], $0x80, $0x38;
	[tilespmem:$0x1E900] =	vst v63  }
0x29f: {  	s7 =	simm.s32 $0x10B80;
	s8 =	sld [smem:$0x76D]  }
0x2a0: {  	[tilespmem:s7], [sflag:$0x1] =	stream.linear.gather [spmem:s6], $0x80, $0x38;
	[tilespmem:$0x1E900] =	vst v63  }
0x2a1: {  	s10 =	simm.s32 $0x10F80  }
0x2a2: {  	[tilespmem:s10], [sflag:$0x1] =	stream.linear.gather [spmem:s8], $0x80, $0x38;
	[tilespmem:$0x1E900] =	vst v63  }
0x2a3: {  	s4 =	sld [smem:$0x76E];
	_ =	sdelay $0x1  }
0x2a4: {  	s11 =	simm.s32 $0x11380;
	s12 =	rddreg [dreg:$0x13]  }
0x2a5: {  	[tilespmem:s11], [sflag:$0x1] =	stream.linear.gather [spmem:s4], $0x80, $0x38;
	[tilespmem:$0x1E900] =	vst v63  }
0x2a6: {  	s13 =	simm.s32 $0x10400;
	s14 =	sld [smem:$0x76F]  }
0x2a7: {  	[tilespmem:s13], [sflag:$0x1] =	stream.linear.gather [spmem:s12], $0x80, $0x38;
	[tilespmem:$0x1E900] =	vst v63  }
0x2a8: {  	s15 =	simm.s32 $0x10800;
	s5 =	sld [smem:$0x770]  }
0x2a9: {  	[tilespmem:s15], [sflag:$0x1] =	stream.linear.gather [spmem:s14], $0x80, $0x38;
	[tilespmem:$0x1E900] =	vst v63  }
0x2aa: {  	s6 =	simm.s32 $0x10C00;
	s7 =	sld [smem:$0x771]  }
0x2ab: {  	[tilespmem:s6], [sflag:$0x1] =	stream.linear.gather [spmem:s5], $0x80, $0x38;
	[tilespmem:$0x1E900] =	vst v63  }
0x2ac: {  	s8 =	simm.s32 $0x11000;
	s10 =	sld [smem:$0x772]  }
0x2ad: {  	[tilespmem:s8], [sflag:$0x1] =	stream.linear.gather [spmem:s7], $0x80, $0x38;
	[tilespmem:$0x1E900] =	vst v63  }
0x2ae: {  	s11 =	simm.s32 $0x11400;
	s12 =	rddreg [dreg:$0x14]  }
0x2af: {  	[tilespmem:s11], [sflag:$0x1] =	stream.linear.gather [spmem:s10], $0x80, $0x38;
	[tilespmem:$0x1E900] =	vst v63  }
0x2b0: {  	s13 =	simm.s32 $0x10480;
	s14 =	sld [smem:$0x773]  }
0x2b1: {  	[tilespmem:s13], [sflag:$0x1] =	stream.linear.gather [spmem:s12], $0x80, $0x38;
	[tilespmem:$0x1E900] =	vst v63  }
0x2b2: {  	s15 =	simm.s32 $0x10880;
	s5 =	sld [smem:$0x774]  }
0x2b3: {  	[tilespmem:s15], [sflag:$0x1] =	stream.linear.gather [spmem:s14], $0x80, $0x38;
	[tilespmem:$0x1E900] =	vst v63  }
0x2b4: {  	s6 =	simm.s32 $0x10C80;
	s7 =	sld [smem:$0x775]  }
0x2b5: {  	[tilespmem:s6], [sflag:$0x1] =	stream.linear.gather [spmem:s5], $0x80, $0x38;
	[tilespmem:$0x1E900] =	vst v63  }
0x2b6: {  	s8 =	simm.s32 $0x11080;
	s10 =	sld [smem:$0x776]  }
0x2b7: {  	[tilespmem:s8], [sflag:$0x1] =	stream.linear.gather [spmem:s7], $0x80, $0x38;
	[tilespmem:$0x1E900] =	vst v63  }
0x2b8: {  	s11 =	simm.s32 $0x11480;
	s12 =	rddreg [dreg:$0x15]  }
0x2b9: {  	[tilespmem:s11], [sflag:$0x1] =	stream.linear.gather [spmem:s10], $0x80, $0x38;
	[tilespmem:$0x1E900] =	vst v63  }
0x2ba: {  	s13 =	simm.s32 $0x10500;
	s14 =	sld [smem:$0x777]  }
0x2bb: {  	[tilespmem:s13], [sflag:$0x1] =	stream.linear.gather [spmem:s12], $0x80, $0x38;
	[tilespmem:$0x1E900] =	vst v63  }
0x2bc: {  	s15 =	simm.s32 $0x10900;
	s5 =	sld [smem:$0x778]  }
0x2bd: {  	[tilespmem:s15], [sflag:$0x1] =	stream.linear.gather [spmem:s14], $0x80, $0x38;
	[tilespmem:$0x1E900] =	vst v63  }
0x2be: {  	s6 =	simm.s32 $0x10D00;
	s7 =	sld [smem:$0x779]  }
0x2bf: {  	[tilespmem:s6], [sflag:$0x1] =	stream.linear.gather [spmem:s5], $0x80, $0x38;
	[tilespmem:$0x1E900] =	vst v63  }
0x2c0: {  	s8 =	simm.s32 $0x11100;
	s10 =	sld [smem:$0x77A]  }
0x2c1: {  	[tilespmem:s8], [sflag:$0x1] =	stream.linear.gather [spmem:s7], $0x80, $0x38;
	[tilespmem:$0x1E900] =	vst v63  }
0x2c2: {  	s11 =	simm.s32 $0x11500;
	s12 =	rddreg [dreg:$0x1a]  }
0x2c3: {  	[tilespmem:s11], [sflag:$0x1] =	stream.linear.gather [spmem:s10], $0x80, $0x38;
	[tilespmem:$0x1E900] =	vst v63  }
0x2c4: {  	s13 =	simm.s32 $0x10580;
	s14 =	sld [smem:$0x77B]  }
0x2c5: {  	[tilespmem:s13], [sflag:$0x1] =	stream.linear.gather [spmem:s12], $0x80, $0x38;
	[tilespmem:$0x1E900] =	vst v63  }
0x2c6: {  	s15 =	simm.s32 $0x10980;
	s5 =	sld [smem:$0x77C]  }
0x2c7: {  	[tilespmem:s15], [sflag:$0x1] =	stream.linear.gather [spmem:s14], $0x80, $0x38;
	[tilespmem:$0x1E900] =	vst v63  }
0x2c8: {  	s6 =	simm.s32 $0x10D80;
	s7 =	sld [smem:$0x77D]  }
0x2c9: {  	[tilespmem:s6], [sflag:$0x1] =	stream.linear.gather [spmem:s5], $0x80, $0x38;
	[tilespmem:$0x1E900] =	vst v63  }
0x2ca: {  	s8 =	simm.s32 $0x11180;
	s10 =	sld [smem:$0x77E]  }
0x2cb: {  	[tilespmem:s8], [sflag:$0x1] =	stream.linear.gather [spmem:s7], $0x80, $0x38;
	[tilespmem:$0x1E900] =	vst v63  }
0x2cc: {  	s11 =	simm.s32 $0x11580;
	s12 =	rddreg [dreg:$0x1b]  }
0x2cd: {  	[tilespmem:s11], [sflag:$0x1] =	stream.linear.gather [spmem:s10], $0x80, $0x38;
	[tilespmem:$0x1E900] =	vst v63  }
0x2ce: {  	s13 =	simm.s32 $0x10600;
	s14 =	sld [smem:$0x77F]  }
0x2cf: {  	[tilespmem:s13], [sflag:$0x1] =	stream.linear.gather [spmem:s12], $0x80, $0x38;
	[tilespmem:$0x1E900] =	vst v63  }
0x2d0: {  	s15 =	simm.s32 $0x10A00;
	s5 =	sld [smem:$0x780]  }
0x2d1: {  	[tilespmem:s15], [sflag:$0x1] =	stream.linear.gather [spmem:s14], $0x80, $0x38;
	[tilespmem:$0x1E900] =	vst v63  }
0x2d2: {  	s6 =	simm.s32 $0x10E00;
	s7 =	sld [smem:$0x781]  }
0x2d3: {  	[tilespmem:s6], [sflag:$0x1] =	stream.linear.gather [spmem:s5], $0x80, $0x38;
	[tilespmem:$0x1E900] =	vst v63  }
0x2d4: {  	s8 =	simm.s32 $0x11200;
	s10 =	sld [smem:$0x782]  }
0x2d5: {  	[tilespmem:s8], [sflag:$0x1] =	stream.linear.gather [spmem:s7], $0x80, $0x38;
	[tilespmem:$0x1E900] =	vst v63  }
0x2d6: {  	s11 =	simm.s32 $0x11600;
	s12 =	rddreg [dreg:$0x1c]  }
0x2d7: {  	[tilespmem:s11], [sflag:$0x1] =	stream.linear.gather [spmem:s10], $0x80, $0x38;
	[tilespmem:$0x1E900] =	vst v63  }
0x2d8: {  	s13 =	simm.s32 $0x10680;
	s14 =	sld [smem:$0x783]  }
0x2d9: {  	[tilespmem:s13], [sflag:$0x1] =	stream.linear.gather [spmem:s12], $0x80, $0x38;
	[tilespmem:$0x1E900] =	vst v63  }
0x2da: {  	s15 =	simm.s32 $0x10A80;
	s5 =	sld [smem:$0x784]  }
0x2db: {  	[tilespmem:s15], [sflag:$0x1] =	stream.linear.gather [spmem:s14], $0x80, $0x38;
	[tilespmem:$0x1E900] =	vst v63  }
0x2dc: {  	s6 =	simm.s32 $0x10E80;
	s7 =	sld [smem:$0x785]  }
0x2dd: {  	[tilespmem:s6], [sflag:$0x1] =	stream.linear.gather [spmem:s5], $0x80, $0x38;
	[tilespmem:$0x1E900] =	vst v63  }
0x2de: {  	s8 =	simm.s32 $0x11280;
	s10 =	sld [smem:$0x786]  }
0x2df: {  	[tilespmem:s8], [sflag:$0x1] =	stream.linear.gather [spmem:s7], $0x80, $0x38;
	[tilespmem:$0x1E900] =	vst v63  }
0x2e0: {  	s11 =	simm.s32 $0x11680;
	s12 =	rddreg [dreg:$0x1d]  }
0x2e1: {  	[tilespmem:s11], [sflag:$0x1] =	stream.linear.gather [spmem:s10], $0x80, $0x38;
	[tilespmem:$0x1E900] =	vst v63  }
0x2e2: {  	s13 =	simm.s32 $0x11700;
	s14 =	sld [smem:$0x787]  }
0x2e3: {  	[tilespmem:s13], [sflag:$0x1] =	stream.linear.gather [spmem:s12], $0x80, $0x38;
	[tilespmem:$0x1E900] =	vst v63  }
0x2e4: {  	s15 =	simm.s32 $0x11B00;
	s5 =	sld [smem:$0x788]  }
0x2e5: {  	[tilespmem:s15], [sflag:$0x1] =	stream.linear.gather [spmem:s14], $0x80, $0x38;
	[tilespmem:$0x1E900] =	vst v63  }
0x2e6: {  	s6 =	simm.s32 $0x11F00;
	s7 =	sld [smem:$0x789]  }
0x2e7: {  	[tilespmem:s6], [sflag:$0x1] =	stream.linear.gather [spmem:s5], $0x80, $0x38;
	[tilespmem:$0x1E900] =	vst v63  }
0x2e8: {  	s8 =	simm.s32 $0x12300;
	s10 =	sld [smem:$0x78A]  }
0x2e9: {  	[tilespmem:s8], [sflag:$0x1] =	stream.linear.gather [spmem:s7], $0x80, $0x38;
	[tilespmem:$0x1E900] =	vst v63  }
0x2ea: {  	s11 =	simm.s32 $0x12700;
	s12 =	rddreg [dreg:$0x1e]  }
0x2eb: {  	[tilespmem:s11], [sflag:$0x1] =	stream.linear.gather [spmem:s10], $0x80, $0x38;
	[tilespmem:$0x1E900] =	vst v63  }
0x2ec: {  	s13 =	simm.s32 $0x11780;
	s14 =	sld [smem:$0x78B]  }
0x2ed: {  	[tilespmem:s13], [sflag:$0x1] =	stream.linear.gather [spmem:s12], $0x80, $0x38;
	[tilespmem:$0x1E900] =	vst v63  }
0x2ee: {  	s15 =	simm.s32 $0x11B80;
	s5 =	sld [smem:$0x78C]  }
0x2ef: {  	[tilespmem:s15], [sflag:$0x1] =	stream.linear.gather [spmem:s14], $0x80, $0x38;
	[tilespmem:$0x1E900] =	vst v63  }
0x2f0: {  	s6 =	simm.s32 $0x11F80;
	s7 =	sld [smem:$0x78D]  }
0x2f1: {  	[tilespmem:s6], [sflag:$0x1] =	stream.linear.gather [spmem:s5], $0x80, $0x38;
	[tilespmem:$0x1E900] =	vst v63  }
0x2f2: {  	s8 =	simm.s32 $0x12380;
	s10 =	sld [smem:$0x78E]  }
0x2f3: {  	[tilespmem:s8], [sflag:$0x1] =	stream.linear.gather [spmem:s7], $0x80, $0x38;
	[tilespmem:$0x1E900] =	vst v63  }
0x2f4: {  	s11 =	simm.s32 $0x12780;
	s12 =	rddreg [dreg:$0x1f]  }
0x2f5: {  	[tilespmem:s11], [sflag:$0x1] =	stream.linear.gather [spmem:s10], $0x80, $0x38;
	[tilespmem:$0x1E900] =	vst v63  }
0x2f6: {  	s13 =	simm.s32 $0x11800;
	s14 =	sld [smem:$0x78F]  }
0x2f7: {  	[tilespmem:s13], [sflag:$0x1] =	stream.linear.gather [spmem:s12], $0x80, $0x38;
	[tilespmem:$0x1E900] =	vst v63  }
0x2f8: {  	s15 =	simm.s32 $0x11C00;
	s5 =	sld [smem:$0x790]  }
0x2f9: {  	[tilespmem:s15], [sflag:$0x1] =	stream.linear.gather [spmem:s14], $0x80, $0x38;
	[tilespmem:$0x1E900] =	vst v63  }
0x2fa: {  	s6 =	simm.s32 $0x12000;
	s7 =	sld [smem:$0x791]  }
0x2fb: {  	[tilespmem:s6], [sflag:$0x1] =	stream.linear.gather [spmem:s5], $0x80, $0x38;
	[tilespmem:$0x1E900] =	vst v63  }
0x2fc: {  	s8 =	simm.s32 $0x12400;
	s10 =	sld [smem:$0x792]  }
0x2fd: {  	[tilespmem:s8], [sflag:$0x1] =	stream.linear.gather [spmem:s7], $0x80, $0x38;
	[tilespmem:$0x1E900] =	vst v63  }
0x2fe: {  	s11 =	simm.s32 $0x12800;
	s12 =	sld [smem:$0x72A]  }
0x2ff: {  	[tilespmem:s11], [sflag:$0x1] =	stream.linear.gather [spmem:s10], $0x80, $0x38;
	[tilespmem:$0x1E900] =	vst v63  }
0x300: {  	s13 =	simm.s32 $0x11880;
	s14 =	sld [smem:$0x793]  }
0x301: {  	[tilespmem:s13], [sflag:$0x1] =	stream.linear.gather [spmem:s12], $0x80, $0x38;
	[tilespmem:$0x1E900] =	vst v63  }
0x302: {  	s15 =	simm.s32 $0x11C80;
	s5 =	sld [smem:$0x794]  }
0x303: {  	[tilespmem:s15], [sflag:$0x1] =	stream.linear.gather [spmem:s14], $0x80, $0x38;
	[tilespmem:$0x1E900] =	vst v63  }
0x304: {  	s6 =	simm.s32 $0x12080;
	s7 =	sld [smem:$0x795]  }
0x305: {  	[tilespmem:s6], [sflag:$0x1] =	stream.linear.gather [spmem:s5], $0x80, $0x38;
	[tilespmem:$0x1E900] =	vst v63  }
0x306: {  	s8 =	simm.s32 $0x12480;
	s10 =	sld [smem:$0x796]  }
0x307: {  	[tilespmem:s8], [sflag:$0x1] =	stream.linear.gather [spmem:s7], $0x80, $0x38;
	[tilespmem:$0x1E900] =	vst v63  }
0x308: {  	s11 =	simm.s32 $0x12880;
	s12 =	sld [smem:$0x72B]  }
0x309: {  	[tilespmem:s11], [sflag:$0x1] =	stream.linear.gather [spmem:s10], $0x80, $0x38;
	[tilespmem:$0x1E900] =	vst v63  }
0x30a: {  	s13 =	simm.s32 $0x11900;
	s14 =	sld [smem:$0x797]  }
0x30b: {  	[tilespmem:s13], [sflag:$0x1] =	stream.linear.gather [spmem:s12], $0x80, $0x38;
	[tilespmem:$0x1E900] =	vst v63  }
0x30c: {  	s15 =	simm.s32 $0x11D00;
	s5 =	sld [smem:$0x798]  }
0x30d: {  	[tilespmem:s15], [sflag:$0x1] =	stream.linear.gather [spmem:s14], $0x80, $0x38;
	[tilespmem:$0x1E900] =	vst v63  }
0x30e: {  	s6 =	simm.s32 $0x12100;
	s7 =	sld [smem:$0x799]  }
0x30f: {  	[tilespmem:s6], [sflag:$0x1] =	stream.linear.gather [spmem:s5], $0x80, $0x38;
	[tilespmem:$0x1E900] =	vst v63  }
0x310: {  	s8 =	simm.s32 $0x12500;
	s10 =	sld [smem:$0x79A]  }
0x311: {  	[tilespmem:s8], [sflag:$0x1] =	stream.linear.gather [spmem:s7], $0x80, $0x38;
	[tilespmem:$0x1E900] =	vst v63  }
0x312: {  	s11 =	simm.s32 $0x12900;
	s12 =	sld [smem:$0x72C]  }
0x313: {  	[tilespmem:s11], [sflag:$0x1] =	stream.linear.gather [spmem:s10], $0x80, $0x38;
	[tilespmem:$0x1E900] =	vst v63  }
0x314: {  	s13 =	simm.s32 $0x11980;
	s14 =	sld [smem:$0x79B]  }
0x315: {  	[tilespmem:s13], [sflag:$0x1] =	stream.linear.gather [spmem:s12], $0x80, $0x38;
	[tilespmem:$0x1E900] =	vst v63  }
0x316: {  	s15 =	simm.s32 $0x11D80;
	s5 =	sld [smem:$0x79C]  }
0x317: {  	[tilespmem:s15], [sflag:$0x1] =	stream.linear.gather [spmem:s14], $0x80, $0x38;
	[tilespmem:$0x1E900] =	vst v63  }
0x318: {  	s6 =	simm.s32 $0x12180;
	s7 =	sld [smem:$0x79D]  }
0x319: {  	[tilespmem:s6], [sflag:$0x1] =	stream.linear.gather [spmem:s5], $0x80, $0x38;
	[tilespmem:$0x1E900] =	vst v63  }
0x31a: {  	s8 =	simm.s32 $0x12580;
	s10 =	sld [smem:$0x79E]  }
0x31b: {  	[tilespmem:s8], [sflag:$0x1] =	stream.linear.gather [spmem:s7], $0x80, $0x38;
	[tilespmem:$0x1E900] =	vst v63  }
0x31c: {  	s11 =	simm.s32 $0x12980;
	s12 =	sld [smem:$0x72D]  }
0x31d: {  	[tilespmem:s11], [sflag:$0x1] =	stream.linear.gather [spmem:s10], $0x80, $0x38;
	[tilespmem:$0x1E900] =	vst v63  }
0x31e: {  	s13 =	simm.s32 $0x11A00;
	s14 =	sld [smem:$0x79F]  }
0x31f: {  	[tilespmem:s13], [sflag:$0x1] =	stream.linear.gather [spmem:s12], $0x80, $0x38;
	[tilespmem:$0x1E900] =	vst v63  }
0x320: {  	s15 =	simm.s32 $0x11E00;
	s5 =	sld [smem:$0x7A0]  }
0x321: {  	[tilespmem:s15], [sflag:$0x1] =	stream.linear.gather [spmem:s14], $0x80, $0x38;
	[tilespmem:$0x1E900] =	vst v63  }
0x322: {  	s6 =	simm.s32 $0x12200;
	s7 =	sld [smem:$0x7A1]  }
0x323: {  	[tilespmem:s6], [sflag:$0x1] =	stream.linear.gather [spmem:s5], $0x80, $0x38;
	[tilespmem:$0x1E900] =	vst v63  }
0x324: {  	s8 =	simm.s32 $0x12600;
	s10 =	sld [smem:$0x7A2]  }
0x325: {  	[tilespmem:s8], [sflag:$0x1] =	stream.linear.gather [spmem:s7], $0x80, $0x38;
	[tilespmem:$0x1E900] =	vst v63  }
0x326: {  	s11 =	simm.s32 $0x12A00;
	s12 =	sld [smem:$0x72E]  }
0x327: {  	[tilespmem:s11], [sflag:$0x1] =	stream.linear.gather [spmem:s10], $0x80, $0x38;
	[tilespmem:$0x1E900] =	vst v63  }
0x328: {  	s13 =	simm.s32 $0x11A80;
	s14 =	sld [smem:$0x7A3]  }
0x329: {  	[tilespmem:s13], [sflag:$0x1] =	stream.linear.gather [spmem:s12], $0x80, $0x38;
	[tilespmem:$0x1E900] =	vst v63  }
0x32a: {  	s15 =	simm.s32 $0x11E80;
	s5 =	sld [smem:$0x7A4]  }
0x32b: {  	[tilespmem:s15], [sflag:$0x1] =	stream.linear.gather [spmem:s14], $0x80, $0x38;
	[tilespmem:$0x1E900] =	vst v63  }
0x32c: {  	s6 =	simm.s32 $0x12280;
	s7 =	sld [smem:$0x7A5]  }
0x32d: {  	[tilespmem:s6], [sflag:$0x1] =	stream.linear.gather [spmem:s5], $0x80, $0x38;
	[tilespmem:$0x1E900] =	vst v63  }
0x32e: {  	s8 =	simm.s32 $0x12680;
	s10 =	sld [smem:$0x7A6]  }
0x32f: {  	[tilespmem:s8], [sflag:$0x1] =	stream.linear.gather [spmem:s7], $0x80, $0x38;
	[tilespmem:$0x1E900] =	vst v63  }
0x330: {  	s11 =	simm.s32 $0x12A80;
	s12 =	sld [smem:$0x72F]  }
0x331: {  	[tilespmem:s11], [sflag:$0x1] =	stream.linear.gather [spmem:s10], $0x80, $0x38;
	[tilespmem:$0x1E900] =	vst v63  }
0x332: {  	s13 =	simm.s32 $0x12B00;
	s14 =	sld [smem:$0x7A7]  }
0x333: {  	[tilespmem:s13], [sflag:$0x1] =	stream.linear.gather [spmem:s12], $0x80, $0x38;
	[tilespmem:$0x1E900] =	vst v63  }
0x334: {  	s15 =	simm.s32 $0x12F00;
	s5 =	sld [smem:$0x7A8]  }
0x335: {  	[tilespmem:s15], [sflag:$0x1] =	stream.linear.gather [spmem:s14], $0x80, $0x38;
	[tilespmem:$0x1E900] =	vst v63  }
0x336: {  	s6 =	simm.s32 $0x13300;
	s7 =	sld [smem:$0x7A9]  }
0x337: {  	[tilespmem:s6], [sflag:$0x1] =	stream.linear.gather [spmem:s5], $0x80, $0x38;
	[tilespmem:$0x1E900] =	vst v63  }
0x338: {  	s8 =	simm.s32 $0x13700;
	s10 =	sld [smem:$0x7AA]  }
0x339: {  	[tilespmem:s8], [sflag:$0x1] =	stream.linear.gather [spmem:s7], $0x80, $0x38;
	[tilespmem:$0x1E900] =	vst v63  }
0x33a: {  	s11 =	simm.s32 $0x13B00;
	s12 =	sld [smem:$0x730]  }
0x33b: {  	[tilespmem:s11], [sflag:$0x1] =	stream.linear.gather [spmem:s10], $0x80, $0x38;
	[tilespmem:$0x1E900] =	vst v63  }
0x33c: {  	s13 =	simm.s32 $0x12B80;
	s14 =	sld [smem:$0x7AB]  }
0x33d: {  	[tilespmem:s13], [sflag:$0x1] =	stream.linear.gather [spmem:s12], $0x80, $0x38;
	[tilespmem:$0x1E900] =	vst v63  }
0x33e: {  	s15 =	simm.s32 $0x12F80;
	s5 =	sld [smem:$0x7AC]  }
0x33f: {  	[tilespmem:s15], [sflag:$0x1] =	stream.linear.gather [spmem:s14], $0x80, $0x38;
	[tilespmem:$0x1E900] =	vst v63  }
0x340: {  	s6 =	simm.s32 $0x13380;
	s7 =	sld [smem:$0x7AD]  }
0x341: {  	[tilespmem:s6], [sflag:$0x1] =	stream.linear.gather [spmem:s5], $0x80, $0x38;
	[tilespmem:$0x1E900] =	vst v63  }
0x342: {  	s8 =	simm.s32 $0x13780;
	s10 =	sld [smem:$0x7AE]  }
0x343: {  	[tilespmem:s8], [sflag:$0x1] =	stream.linear.gather [spmem:s7], $0x80, $0x38;
	[tilespmem:$0x1E900] =	vst v63  }
0x344: {  	s11 =	simm.s32 $0x13B80;
	s12 =	sld [smem:$0x731]  }
0x345: {  	[tilespmem:s11], [sflag:$0x1] =	stream.linear.gather [spmem:s10], $0x80, $0x38;
	[tilespmem:$0x1E900] =	vst v63  }
0x346: {  	s13 =	simm.s32 $0x12C00;
	s14 =	sld [smem:$0x7AF]  }
0x347: {  	[tilespmem:s13], [sflag:$0x1] =	stream.linear.gather [spmem:s12], $0x80, $0x38;
	[tilespmem:$0x1E900] =	vst v63  }
0x348: {  	s15 =	simm.s32 $0x13000;
	s5 =	sld [smem:$0x7B0]  }
0x349: {  	[tilespmem:s15], [sflag:$0x1] =	stream.linear.gather [spmem:s14], $0x80, $0x38;
	[tilespmem:$0x1E900] =	vst v63  }
0x34a: {  	s6 =	simm.s32 $0x13400;
	s7 =	sld [smem:$0x7B1]  }
0x34b: {  	[tilespmem:s6], [sflag:$0x1] =	stream.linear.gather [spmem:s5], $0x80, $0x38;
	[tilespmem:$0x1E900] =	vst v63  }
0x34c: {  	s8 =	simm.s32 $0x13800;
	s10 =	sld [smem:$0x7B2]  }
0x34d: {  	[tilespmem:s8], [sflag:$0x1] =	stream.linear.gather [spmem:s7], $0x80, $0x38;
	[tilespmem:$0x1E900] =	vst v63  }
0x34e: {  	s11 =	simm.s32 $0x13C00;
	s12 =	sld [smem:$0x732]  }
0x34f: {  	[tilespmem:s11], [sflag:$0x1] =	stream.linear.gather [spmem:s10], $0x80, $0x38;
	[tilespmem:$0x1E900] =	vst v63  }
0x350: {  	s13 =	simm.s32 $0x12C80;
	s14 =	sld [smem:$0x7B3]  }
0x351: {  	[tilespmem:s13], [sflag:$0x1] =	stream.linear.gather [spmem:s12], $0x80, $0x38;
	[tilespmem:$0x1E900] =	vst v63  }
0x352: {  	s15 =	simm.s32 $0x13080;
	s5 =	sld [smem:$0x7B4]  }
0x353: {  	[tilespmem:s15], [sflag:$0x1] =	stream.linear.gather [spmem:s14], $0x80, $0x38;
	[tilespmem:$0x1E900] =	vst v63  }
0x354: {  	s6 =	simm.s32 $0x13480;
	s7 =	sld [smem:$0x7B5]  }
0x355: {  	[tilespmem:s6], [sflag:$0x1] =	stream.linear.gather [spmem:s5], $0x80, $0x38;
	[tilespmem:$0x1E900] =	vst v63  }
0x356: {  	s8 =	simm.s32 $0x13880;
	s10 =	sld [smem:$0x7B6]  }
0x357: {  	[tilespmem:s8], [sflag:$0x1] =	stream.linear.gather [spmem:s7], $0x80, $0x38;
	[tilespmem:$0x1E900] =	vst v63  }
0x358: {  	s11 =	simm.s32 $0x13C80;
	s12 =	sld [smem:$0x733]  }
0x359: {  	[tilespmem:s11], [sflag:$0x1] =	stream.linear.gather [spmem:s10], $0x80, $0x38;
	[tilespmem:$0x1E900] =	vst v63  }
0x35a: {  	s13 =	simm.s32 $0x12D00;
	s14 =	sld [smem:$0x7B7]  }
0x35b: {  	[tilespmem:s13], [sflag:$0x1] =	stream.linear.gather [spmem:s12], $0x80, $0x38;
	[tilespmem:$0x1E900] =	vst v63  }
0x35c: {  	s15 =	simm.s32 $0x13100;
	s5 =	sld [smem:$0x7B8]  }
0x35d: {  	[tilespmem:s15], [sflag:$0x1] =	stream.linear.gather [spmem:s14], $0x80, $0x38;
	[tilespmem:$0x1E900] =	vst v63  }
0x35e: {  	s6 =	simm.s32 $0x13500;
	s7 =	sld [smem:$0x7B9]  }
0x35f: {  	[tilespmem:s6], [sflag:$0x1] =	stream.linear.gather [spmem:s5], $0x80, $0x38;
	[tilespmem:$0x1E900] =	vst v63  }
0x360: {  	s8 =	simm.s32 $0x13900;
	s10 =	sld [smem:$0x7BA]  }
0x361: {  	[tilespmem:s8], [sflag:$0x1] =	stream.linear.gather [spmem:s7], $0x80, $0x38;
	[tilespmem:$0x1E900] =	vst v63  }
0x362: {  	s11 =	simm.s32 $0x13D00;
	s12 =	sld [smem:$0x734]  }
0x363: {  	[tilespmem:s11], [sflag:$0x1] =	stream.linear.gather [spmem:s10], $0x80, $0x38;
	[tilespmem:$0x1E900] =	vst v63  }
0x364: {  	s13 =	simm.s32 $0x12D80;
	s14 =	sld [smem:$0x7BB]  }
0x365: {  	[tilespmem:s13], [sflag:$0x1] =	stream.linear.gather [spmem:s12], $0x80, $0x38;
	[tilespmem:$0x1E900] =	vst v63  }
0x366: {  	s15 =	simm.s32 $0x13180;
	s5 =	sld [smem:$0x7BC]  }
0x367: {  	[tilespmem:s15], [sflag:$0x1] =	stream.linear.gather [spmem:s14], $0x80, $0x38;
	[tilespmem:$0x1E900] =	vst v63  }
0x368: {  	s6 =	simm.s32 $0x13580;
	s7 =	sld [smem:$0x7BD]  }
0x369: {  	[tilespmem:s6], [sflag:$0x1] =	stream.linear.gather [spmem:s5], $0x80, $0x38;
	[tilespmem:$0x1E900] =	vst v63  }
0x36a: {  	s8 =	simm.s32 $0x13980;
	s10 =	sld [smem:$0x7BE]  }
0x36b: {  	[tilespmem:s8], [sflag:$0x1] =	stream.linear.gather [spmem:s7], $0x80, $0x38;
	[tilespmem:$0x1E900] =	vst v63  }
0x36c: {  	s11 =	simm.s32 $0x13D80;
	s12 =	sld [smem:$0x735]  }
0x36d: {  	[tilespmem:s11], [sflag:$0x1] =	stream.linear.gather [spmem:s10], $0x80, $0x38;
	[tilespmem:$0x1E900] =	vst v63  }
0x36e: {  	s13 =	simm.s32 $0x12E00;
	s14 =	sld [smem:$0x7BF]  }
0x36f: {  	[tilespmem:s13], [sflag:$0x1] =	stream.linear.gather [spmem:s12], $0x80, $0x38;
	[tilespmem:$0x1E900] =	vst v63  }
0x370: {  	s15 =	simm.s32 $0x13200;
	s5 =	sld [smem:$0x7C0]  }
0x371: {  	[tilespmem:s15], [sflag:$0x1] =	stream.linear.gather [spmem:s14], $0x80, $0x38;
	[tilespmem:$0x1E900] =	vst v63  }
0x372: {  	s6 =	simm.s32 $0x13600;
	s7 =	sld [smem:$0x7C1]  }
0x373: {  	[tilespmem:s6], [sflag:$0x1] =	stream.linear.gather [spmem:s5], $0x80, $0x38;
	[tilespmem:$0x1E900] =	vst v63  }
0x374: {  	s8 =	simm.s32 $0x13A00;
	s10 =	sld [smem:$0x7C2]  }
0x375: {  	[tilespmem:s8], [sflag:$0x1] =	stream.linear.gather [spmem:s7], $0x80, $0x38;
	[tilespmem:$0x1E900] =	vst v63  }
0x376: {  	s11 =	simm.s32 $0x13E00;
	s12 =	sld [smem:$0x736]  }
0x377: {  	[tilespmem:s11], [sflag:$0x1] =	stream.linear.gather [spmem:s10], $0x80, $0x38;
	[tilespmem:$0x1E900] =	vst v63  }
0x378: {  	s13 =	simm.s32 $0x12E80;
	s14 =	sld [smem:$0x7C3]  }
0x379: {  	[tilespmem:s13], [sflag:$0x1] =	stream.linear.gather [spmem:s12], $0x80, $0x38;
	[tilespmem:$0x1E900] =	vst v63  }
0x37a: {  	s15 =	simm.s32 $0x13280;
	s5 =	sld [smem:$0x7C4]  }
0x37b: {  	[tilespmem:s15], [sflag:$0x1] =	stream.linear.gather [spmem:s14], $0x80, $0x38;
	[tilespmem:$0x1E900] =	vst v63  }
0x37c: {  	s6 =	simm.s32 $0x13680;
	s7 =	sld [smem:$0x7C5]  }
0x37d: {  	[tilespmem:s6], [sflag:$0x1] =	stream.linear.gather [spmem:s5], $0x80, $0x38;
	[tilespmem:$0x1E900] =	vst v63  }
0x37e: {  	s8 =	simm.s32 $0x13A80;
	s10 =	sld [smem:$0x7C6]  }
0x37f: {  	[tilespmem:s8], [sflag:$0x1] =	stream.linear.gather [spmem:s7], $0x80, $0x38;
	[tilespmem:$0x1E900] =	vst v63  }
0x380: {  	s11 =	simm.s32 $0x13E80;
	s12 =	sld [smem:$0x737]  }
0x381: {  	[tilespmem:s11], [sflag:$0x1] =	stream.linear.gather [spmem:s10], $0x80, $0x38;
	[tilespmem:$0x1E900] =	vst v63  }
0x382: {  	s13 =	simm.s32 $0x13F00;
	s14 =	sld [smem:$0x7C7]  }
0x383: {  	[tilespmem:s13], [sflag:$0x1] =	stream.linear.gather [spmem:s12], $0x80, $0x38;
	[tilespmem:$0x1E900] =	vst v63  }
0x384: {  	s15 =	simm.s32 $0x14300;
	s5 =	sld [smem:$0x7C8]  }
0x385: {  	[tilespmem:s15], [sflag:$0x1] =	stream.linear.gather [spmem:s14], $0x80, $0x38;
	[tilespmem:$0x1E900] =	vst v63  }
0x386: {  	s6 =	simm.s32 $0x14700;
	s7 =	sld [smem:$0x7C9]  }
0x387: {  	[tilespmem:s6], [sflag:$0x1] =	stream.linear.gather [spmem:s5], $0x80, $0x38;
	[tilespmem:$0x1E900] =	vst v63  }
0x388: {  	s8 =	simm.s32 $0x14B00;
	s10 =	sld [smem:$0x7CA]  }
0x389: {  	[tilespmem:s8], [sflag:$0x1] =	stream.linear.gather [spmem:s7], $0x80, $0x38;
	[tilespmem:$0x1E900] =	vst v63  }
0x38a: {  	s11 =	simm.s32 $0x14F00;
	s12 =	sld [smem:$0x738]  }
0x38b: {  	[tilespmem:s11], [sflag:$0x1] =	stream.linear.gather [spmem:s10], $0x80, $0x38;
	[tilespmem:$0x1E900] =	vst v63  }
0x38c: {  	s13 =	simm.s32 $0x13F80;
	s14 =	sld [smem:$0x7CB]  }
0x38d: {  	[tilespmem:s13], [sflag:$0x1] =	stream.linear.gather [spmem:s12], $0x80, $0x38;
	[tilespmem:$0x1E900] =	vst v63  }
0x38e: {  	s15 =	simm.s32 $0x14380;
	s5 =	sld [smem:$0x7CC]  }
0x38f: {  	[tilespmem:s15], [sflag:$0x1] =	stream.linear.gather [spmem:s14], $0x80, $0x38;
	[tilespmem:$0x1E900] =	vst v63  }
0x390: {  	s6 =	simm.s32 $0x14780;
	s7 =	sld [smem:$0x7CD]  }
0x391: {  	[tilespmem:s6], [sflag:$0x1] =	stream.linear.gather [spmem:s5], $0x80, $0x38;
	[tilespmem:$0x1E900] =	vst v63  }
0x392: {  	s8 =	simm.s32 $0x14B80;
	s10 =	sld [smem:$0x7CE]  }
0x393: {  	[tilespmem:s8], [sflag:$0x1] =	stream.linear.gather [spmem:s7], $0x80, $0x38;
	[tilespmem:$0x1E900] =	vst v63  }
0x394: {  	s11 =	simm.s32 $0x14F80;
	s12 =	sld [smem:$0x739]  }
0x395: {  	[tilespmem:s11], [sflag:$0x1] =	stream.linear.gather [spmem:s10], $0x80, $0x38;
	[tilespmem:$0x1E900] =	vst v63  }
0x396: {  	s13 =	simm.s32 $0x14000;
	s14 =	sld [smem:$0x7CF]  }
0x397: {  	[tilespmem:s13], [sflag:$0x1] =	stream.linear.gather [spmem:s12], $0x80, $0x38;
	[tilespmem:$0x1E900] =	vst v63  }
0x398: {  	s15 =	simm.s32 $0x14400;
	s5 =	sld [smem:$0x7D0]  }
0x399: {  	[tilespmem:s15], [sflag:$0x1] =	stream.linear.gather [spmem:s14], $0x80, $0x38;
	[tilespmem:$0x1E900] =	vst v63  }
0x39a: {  	s6 =	simm.s32 $0x14800;
	s7 =	sld [smem:$0x7D1]  }
0x39b: {  	[tilespmem:s6], [sflag:$0x1] =	stream.linear.gather [spmem:s5], $0x80, $0x38;
	[tilespmem:$0x1E900] =	vst v63  }
0x39c: {  	s8 =	simm.s32 $0x14C00;
	s10 =	sld [smem:$0x7D2]  }
0x39d: {  	[tilespmem:s8], [sflag:$0x1] =	stream.linear.gather [spmem:s7], $0x80, $0x38;
	[tilespmem:$0x1E900] =	vst v63  }
0x39e: {  	s11 =	simm.s32 $0x15000;
	s12 =	sld [smem:$0x73A]  }
0x39f: {  	[tilespmem:s11], [sflag:$0x1] =	stream.linear.gather [spmem:s10], $0x80, $0x38;
	[tilespmem:$0x1E900] =	vst v63  }
0x3a0: {  	s13 =	simm.s32 $0x14080;
	s14 =	sld [smem:$0x7D3]  }
0x3a1: {  	[tilespmem:s13], [sflag:$0x1] =	stream.linear.gather [spmem:s12], $0x80, $0x38;
	[tilespmem:$0x1E900] =	vst v63  }
0x3a2: {  	s15 =	simm.s32 $0x14480;
	s5 =	sld [smem:$0x7D4]  }
0x3a3: {  	[tilespmem:s15], [sflag:$0x1] =	stream.linear.gather [spmem:s14], $0x80, $0x38;
	[tilespmem:$0x1E900] =	vst v63  }
0x3a4: {  	s6 =	simm.s32 $0x14880;
	s7 =	sld [smem:$0x7D5]  }
0x3a5: {  	[tilespmem:s6], [sflag:$0x1] =	stream.linear.gather [spmem:s5], $0x80, $0x38;
	[tilespmem:$0x1E900] =	vst v63  }
0x3a6: {  	s8 =	simm.s32 $0x14C80;
	s10 =	sld [smem:$0x7D6]  }
0x3a7: {  	[tilespmem:s8], [sflag:$0x1] =	stream.linear.gather [spmem:s7], $0x80, $0x38;
	[tilespmem:$0x1E900] =	vst v63  }
0x3a8: {  	s11 =	simm.s32 $0x15080;
	s12 =	sld [smem:$0x73B]  }
0x3a9: {  	[tilespmem:s11], [sflag:$0x1] =	stream.linear.gather [spmem:s10], $0x80, $0x38;
	[tilespmem:$0x1E900] =	vst v63  }
0x3aa: {  	s13 =	simm.s32 $0x14100;
	s14 =	sld [smem:$0x7D7]  }
0x3ab: {  	[tilespmem:s13], [sflag:$0x1] =	stream.linear.gather [spmem:s12], $0x80, $0x38;
	[tilespmem:$0x1E900] =	vst v63  }
0x3ac: {  	s15 =	simm.s32 $0x14500;
	s5 =	sld [smem:$0x7D8]  }
0x3ad: {  	[tilespmem:s15], [sflag:$0x1] =	stream.linear.gather [spmem:s14], $0x80, $0x38;
	[tilespmem:$0x1E900] =	vst v63  }
0x3ae: {  	s6 =	simm.s32 $0x14900;
	s7 =	sld [smem:$0x7D9]  }
0x3af: {  	[tilespmem:s6], [sflag:$0x1] =	stream.linear.gather [spmem:s5], $0x80, $0x38;
	[tilespmem:$0x1E900] =	vst v63  }
0x3b0: {  	s8 =	simm.s32 $0x14D00;
	s10 =	sld [smem:$0x7DA]  }
0x3b1: {  	[tilespmem:s8], [sflag:$0x1] =	stream.linear.gather [spmem:s7], $0x80, $0x38;
	[tilespmem:$0x1E900] =	vst v63  }
0x3b2: {  	s11 =	simm.s32 $0x15100;
	s12 =	sld [smem:$0x73C]  }
0x3b3: {  	[tilespmem:s11], [sflag:$0x1] =	stream.linear.gather [spmem:s10], $0x80, $0x38;
	[tilespmem:$0x1E900] =	vst v63  }
0x3b4: {  	s13 =	simm.s32 $0x14180;
	s14 =	sld [smem:$0x7DB]  }
0x3b5: {  	[tilespmem:s13], [sflag:$0x1] =	stream.linear.gather [spmem:s12], $0x80, $0x38;
	[tilespmem:$0x1E900] =	vst v63  }
0x3b6: {  	s15 =	simm.s32 $0x14580;
	s5 =	sld [smem:$0x7DC]  }
0x3b7: {  	[tilespmem:s15], [sflag:$0x1] =	stream.linear.gather [spmem:s14], $0x80, $0x38;
	[tilespmem:$0x1E900] =	vst v63  }
0x3b8: {  	s6 =	simm.s32 $0x14980;
	s7 =	sld [smem:$0x7DD]  }
0x3b9: {  	[tilespmem:s6], [sflag:$0x1] =	stream.linear.gather [spmem:s5], $0x80, $0x38;
	[tilespmem:$0x1E900] =	vst v63  }
0x3ba: {  	s8 =	simm.s32 $0x14D80;
	s10 =	sld [smem:$0x7DE]  }
0x3bb: {  	[tilespmem:s8], [sflag:$0x1] =	stream.linear.gather [spmem:s7], $0x80, $0x38;
	[tilespmem:$0x1E900] =	vst v63  }
0x3bc: {  	s11 =	simm.s32 $0x15180;
	s12 =	sld [smem:$0x73D]  }
0x3bd: {  	[tilespmem:s11], [sflag:$0x1] =	stream.linear.gather [spmem:s10], $0x80, $0x38;
	[tilespmem:$0x1E900] =	vst v63  }
0x3be: {  	s13 =	simm.s32 $0x14200;
	s14 =	sld [smem:$0x7DF]  }
0x3bf: {  	[tilespmem:s13], [sflag:$0x1] =	stream.linear.gather [spmem:s12], $0x80, $0x38;
	[tilespmem:$0x1E900] =	vst v63  }
0x3c0: {  	s15 =	simm.s32 $0x14600;
	s5 =	sld [smem:$0x7E0]  }
0x3c1: {  	[tilespmem:s15], [sflag:$0x1] =	stream.linear.gather [spmem:s14], $0x80, $0x38;
	[tilespmem:$0x1E900] =	vst v63  }
0x3c2: {  	s6 =	simm.s32 $0x14A00;
	s7 =	sld [smem:$0x7E1]  }
0x3c3: {  	[tilespmem:s6], [sflag:$0x1] =	stream.linear.gather [spmem:s5], $0x80, $0x38;
	[tilespmem:$0x1E900] =	vst v63  }
0x3c4: {  	s8 =	simm.s32 $0x14E00;
	s10 =	sld [smem:$0x7E2]  }
0x3c5: {  	[tilespmem:s8], [sflag:$0x1] =	stream.linear.gather [spmem:s7], $0x80, $0x38;
	[tilespmem:$0x1E900] =	vst v63  }
0x3c6: {  	s11 =	simm.s32 $0x15200;
	s12 =	sld [smem:$0x73E]  }
0x3c7: {  	[tilespmem:s11], [sflag:$0x1] =	stream.linear.gather [spmem:s10], $0x80, $0x38;
	[tilespmem:$0x1E900] =	vst v63  }
0x3c8: {  	s13 =	simm.s32 $0x14280;
	s14 =	sld [smem:$0x7E3]  }
0x3c9: {  	[tilespmem:s13], [sflag:$0x1] =	stream.linear.gather [spmem:s12], $0x80, $0x38;
	[tilespmem:$0x1E900] =	vst v63  }
0x3ca: {  	s15 =	simm.s32 $0x14680;
	s5 =	sld [smem:$0x7E4]  }
0x3cb: {  	[tilespmem:s15], [sflag:$0x1] =	stream.linear.gather [spmem:s14], $0x80, $0x38;
	[tilespmem:$0x1E900] =	vst v63  }
0x3cc: {  	s6 =	simm.s32 $0x14A80;
	s7 =	sld [smem:$0x7E5]  }
0x3cd: {  	[tilespmem:s6], [sflag:$0x1] =	stream.linear.gather [spmem:s5], $0x80, $0x38;
	[tilespmem:$0x1E900] =	vst v63  }
0x3ce: {  	s8 =	simm.s32 $0x14E80;
	s10 =	sld [smem:$0x7E6]  }
0x3cf: {  	[tilespmem:s8], [sflag:$0x1] =	stream.linear.gather [spmem:s7], $0x80, $0x38;
	[tilespmem:$0x1E900] =	vst v63  }
0x3d0: {  	s11 =	simm.s32 $0x15280;
	s12 =	sld [smem:$0x73F]  }
0x3d1: {  	[tilespmem:s11], [sflag:$0x1] =	stream.linear.gather [spmem:s10], $0x80, $0x38;
	[tilespmem:$0x1E900] =	vst v63  }
0x3d2: {  	s13 =	simm.s32 $0x15300;
	s14 =	sld [smem:$0x7E7]  }
0x3d3: {  	[tilespmem:s13], [sflag:$0x1] =	stream.linear.gather [spmem:s12], $0x80, $0x38;
	[tilespmem:$0x1E900] =	vst v63  }
0x3d4: {  	s15 =	simm.s32 $0x15700;
	s5 =	sld [smem:$0x7E8]  }
0x3d5: {  	[tilespmem:s15], [sflag:$0x1] =	stream.linear.gather [spmem:s14], $0x80, $0x38;
	[tilespmem:$0x1E900] =	vst v63  }
0x3d6: {  	s6 =	simm.s32 $0x15B00;
	s7 =	sld [smem:$0x7E9]  }
0x3d7: {  	[tilespmem:s6], [sflag:$0x1] =	stream.linear.gather [spmem:s5], $0x80, $0x38;
	[tilespmem:$0x1E900] =	vst v63  }
0x3d8: {  	s8 =	simm.s32 $0x15F00;
	s10 =	sld [smem:$0x7EA]  }
0x3d9: {  	[tilespmem:s8], [sflag:$0x1] =	stream.linear.gather [spmem:s7], $0x80, $0x38;
	[tilespmem:$0x1E900] =	vst v63  }
0x3da: {  	s11 =	simm.s32 $0x16300;
	s12 =	sld [smem:$0x740]  }
0x3db: {  	[tilespmem:s11], [sflag:$0x1] =	stream.linear.gather [spmem:s10], $0x80, $0x38;
	[tilespmem:$0x1E900] =	vst v63  }
0x3dc: {  	s13 =	simm.s32 $0x15380;
	s14 =	sld [smem:$0x7EB]  }
0x3dd: {  	[tilespmem:s13], [sflag:$0x1] =	stream.linear.gather [spmem:s12], $0x80, $0x38;
	[tilespmem:$0x1E900] =	vst v63  }
0x3de: {  	s15 =	simm.s32 $0x15780;
	s5 =	sld [smem:$0x7EC]  }
0x3df: {  	[tilespmem:s15], [sflag:$0x1] =	stream.linear.gather [spmem:s14], $0x80, $0x38;
	[tilespmem:$0x1E900] =	vst v63  }
0x3e0: {  	s6 =	simm.s32 $0x15B80;
	s7 =	sld [smem:$0x7ED]  }
0x3e1: {  	[tilespmem:s6], [sflag:$0x1] =	stream.linear.gather [spmem:s5], $0x80, $0x38;
	[tilespmem:$0x1E900] =	vst v63  }
0x3e2: {  	s8 =	simm.s32 $0x15F80;
	s10 =	sld [smem:$0x7EE]  }
0x3e3: {  	[tilespmem:s8], [sflag:$0x1] =	stream.linear.gather [spmem:s7], $0x80, $0x38;
	[tilespmem:$0x1E900] =	vst v63  }
0x3e4: {  	s11 =	simm.s32 $0x16380;
	s12 =	sld [smem:$0x741]  }
0x3e5: {  	[tilespmem:s11], [sflag:$0x1] =	stream.linear.gather [spmem:s10], $0x80, $0x38;
	[tilespmem:$0x1E900] =	vst v63  }
0x3e6: {  	s13 =	simm.s32 $0x15400;
	s14 =	sld [smem:$0x7EF]  }
0x3e7: {  	[tilespmem:s13], [sflag:$0x1] =	stream.linear.gather [spmem:s12], $0x80, $0x38;
	[tilespmem:$0x1E900] =	vst v63  }
0x3e8: {  	s15 =	simm.s32 $0x15800;
	s5 =	sld [smem:$0x7F0]  }
0x3e9: {  	[tilespmem:s15], [sflag:$0x1] =	stream.linear.gather [spmem:s14], $0x80, $0x38;
	[tilespmem:$0x1E900] =	vst v63  }
0x3ea: {  	s6 =	simm.s32 $0x15C00;
	s7 =	sld [smem:$0x7F1]  }
0x3eb: {  	[tilespmem:s6], [sflag:$0x1] =	stream.linear.gather [spmem:s5], $0x80, $0x38;
	[tilespmem:$0x1E900] =	vst v63  }
0x3ec: {  	s8 =	simm.s32 $0x16000;
	s10 =	sld [smem:$0x7F2]  }
0x3ed: {  	[tilespmem:s8], [sflag:$0x1] =	stream.linear.gather [spmem:s7], $0x80, $0x38;
	[tilespmem:$0x1E900] =	vst v63  }
0x3ee: {  	s11 =	simm.s32 $0x16400;
	s12 =	sld [smem:$0x742]  }
0x3ef: {  	[tilespmem:s11], [sflag:$0x1] =	stream.linear.gather [spmem:s10], $0x80, $0x38;
	[tilespmem:$0x1E900] =	vst v63  }
0x3f0: {  	s13 =	simm.s32 $0x15480;
	s14 =	sld [smem:$0x7F3]  }
0x3f1: {  	[tilespmem:s13], [sflag:$0x1] =	stream.linear.gather [spmem:s12], $0x80, $0x38;
	[tilespmem:$0x1E900] =	vst v63  }
0x3f2: {  	s15 =	simm.s32 $0x15880;
	s5 =	sld [smem:$0x7F4]  }
0x3f3: {  	[tilespmem:s15], [sflag:$0x1] =	stream.linear.gather [spmem:s14], $0x80, $0x38;
	[tilespmem:$0x1E900] =	vst v63  }
0x3f4: {  	s6 =	simm.s32 $0x15C80;
	s7 =	sld [smem:$0x7F5]  }
0x3f5: {  	[tilespmem:s6], [sflag:$0x1] =	stream.linear.gather [spmem:s5], $0x80, $0x38;
	[tilespmem:$0x1E900] =	vst v63  }
0x3f6: {  	s8 =	simm.s32 $0x16080;
	s10 =	sld [smem:$0x7F6]  }
0x3f7: {  	[tilespmem:s8], [sflag:$0x1] =	stream.linear.gather [spmem:s7], $0x80, $0x38;
	[tilespmem:$0x1E900] =	vst v63  }
0x3f8: {  	s11 =	simm.s32 $0x16480;
	s12 =	sld [smem:$0x743]  }
0x3f9: {  	[tilespmem:s11], [sflag:$0x1] =	stream.linear.gather [spmem:s10], $0x80, $0x38;
	[tilespmem:$0x1E900] =	vst v63  }
0x3fa: {  	s13 =	simm.s32 $0x15500;
	s14 =	sld [smem:$0x7F7]  }
0x3fb: {  	[tilespmem:s13], [sflag:$0x1] =	stream.linear.gather [spmem:s12], $0x80, $0x38;
	[tilespmem:$0x1E900] =	vst v63  }
0x3fc: {  	s15 =	simm.s32 $0x15900;
	s5 =	sld [smem:$0x7F8]  }
0x3fd: {  	[tilespmem:s15], [sflag:$0x1] =	stream.linear.gather [spmem:s14], $0x80, $0x38;
	[tilespmem:$0x1E900] =	vst v63  }
0x3fe: {  	s6 =	simm.s32 $0x15D00;
	s7 =	sld [smem:$0x7F9]  }
0x3ff: {  	[tilespmem:s6], [sflag:$0x1] =	stream.linear.gather [spmem:s5], $0x80, $0x38;
	[tilespmem:$0x1E900] =	vst v63  }
0x400: {  	s8 =	simm.s32 $0x16100;
	s10 =	sld [smem:$0x7FA]  }
0x401: {  	[tilespmem:s8], [sflag:$0x1] =	stream.linear.gather [spmem:s7], $0x80, $0x38;
	[tilespmem:$0x1E900] =	vst v63  }
0x402: {  	s11 =	simm.s32 $0x16500;
	s12 =	sld [smem:$0x744]  }
0x403: {  	[tilespmem:s11], [sflag:$0x1] =	stream.linear.gather [spmem:s10], $0x80, $0x38;
	[tilespmem:$0x1E900] =	vst v63  }
0x404: {  	s13 =	simm.s32 $0x15580;
	s14 =	sld [smem:$0x7FB]  }
0x405: {  	[tilespmem:s13], [sflag:$0x1] =	stream.linear.gather [spmem:s12], $0x80, $0x38;
	[tilespmem:$0x1E900] =	vst v63  }
0x406: {  	s15 =	simm.s32 $0x15980;
	s6 =	sld [smem:$0x7FC]  }
0x407: {  	[tilespmem:s15], [sflag:$0x1] =	stream.linear.gather [spmem:s14], $0x80, $0x38;
	[tilespmem:$0x1E900] =	vst v63  }
0x408: {  	s7 =	simm.s32 $0x15D80;
	s8 =	sld [smem:$0x7FD]  }
0x409: {  	[tilespmem:s7], [sflag:$0x1] =	stream.linear.gather [spmem:s6], $0x80, $0x38;
	[tilespmem:$0x1E900] =	vst v63  }
0x40a: {  	s10 =	simm.s32 $0x16180  }
0x40b: {  	[tilespmem:s10], [sflag:$0x1] =	stream.linear.gather [spmem:s8], $0x80, $0x38;
	[tilespmem:$0x1E900] =	vst v63  }
0x40c: {  	s11 =	simm.s32 $0x16580;
	s12 =	sld [smem:$0x745]  }
0x40d: {  	[tilespmem:s11], [sflag:$0x1] =	stream.linear.gather [spmem:s16], $0x80, $0x38;
	[tilespmem:$0x1E900] =	vst v63  }
0x40e: {  	s13 =	simm.s32 $0x15600  }
0x40f: {  	[tilespmem:s13], [sflag:$0x1] =	stream.linear.gather [spmem:s12], $0x80, $0x38;
	[tilespmem:$0x1E900] =	vst v63  }
0x410: {  	s14 =	simm.s32 $0x15A00  }
0x411: {  	[tilespmem:s14], [sflag:$0x1] =	stream.linear.gather [spmem:s17], $0x80, $0x38;
	[tilespmem:$0x1E900] =	vst v63  }
0x412: {  	s15 =	simm.s32 $0x15E00  }
0x413: {  	[tilespmem:s15], [sflag:$0x1] =	stream.linear.gather [spmem:s18], $0x80, $0x38;
	[tilespmem:$0x1E900] =	vst v63  }
0x414: {  	s5 =	simm.s32 $0x16200  }
0x415: {  	[tilespmem:s5], [sflag:$0x1] =	stream.linear.gather [spmem:s19], $0x80, $0x38;
	[tilespmem:$0x1E900] =	vst v63  }
0x416: {  	s6 =	simm.s32 $0x16600;
	s7 =	sld [smem:$0x746]  }
0x417: {  	[tilespmem:s6], [sflag:$0x1] =	stream.linear.gather [spmem:s20], $0x80, $0x38;
	[tilespmem:$0x1E900] =	vst v63  }
0x418: {  	s8 =	simm.s32 $0x15680  }
0x419: {  	[tilespmem:s8], [sflag:$0x1] =	stream.linear.gather [spmem:s7], $0x80, $0x38;
	[tilespmem:$0x1E900] =	vst v63  }
0x41a: {  	s10 =	simm.s32 $0x15A80  }
0x41b: {  	[tilespmem:s10], [sflag:$0x1] =	stream.linear.gather [spmem:s21], $0x80, $0x38;
	[tilespmem:$0x1E900] =	vst v63  }
0x41c: {  	s11 =	simm.s32 $0x15E80  }
0x41d: {  	[tilespmem:s11], [sflag:$0x1] =	stream.linear.gather [spmem:s22], $0x80, $0x38;
	[tilespmem:$0x1E900] =	vst v63  }
0x41e: {  	s12 =	simm.s32 $0x16280  }
0x41f: {  	[tilespmem:s12], [sflag:$0x1] =	stream.linear.gather [spmem:s23], $0x80, $0x38;
	[tilespmem:$0x1E900] =	vst v63  }
0x420: {  	s13 =	simm.s32 $0x16680  }
0x421: {  	[tilespmem:s13], [sflag:$0x1] =	stream.linear.gather [spmem:s24], $0x80, $0x38;
	[tilespmem:$0x1E900] =	vst v63  }
0x422: {  	_ =	swait.ge [sflag:s26], $0x280  }
0x423: {  	[sflag:s26] =	ssyncset.done $0x0  }
0x424: {  	[sflag:s26] =	ssyncadd.s32 $0xFFFFFD80  }
0x425: {  	_ =	swait.ge [sflag:s26], $0x280  }
0x426: {  	[sflag:s26] =	ssyncset.done $0x0  }
0x427: {  	[sflag:s26] =	ssyncadd.s32 $0xFFFFFD80  }
0x428: {  	_ =	swait.ge [sflag:s26], $0x280  }
0x429: {  	[sflag:s26] =	ssyncset.done $0x0  }
0x42a: {  	[sflag:s26] =	ssyncadd.s32 $0xFFFFFD80  }
0x42b: {  	_ =	swait.ge [sflag:s26], $0x280  }
0x42c: {  	[sflag:s26] =	ssyncset.done $0x0  }
0x42d: {  	[sflag:s26] =	ssyncadd.s32 $0xFFFFFD80  }
0x42e: {  	_ =	swait.ge [sflag:s26], $0x280  }
0x42f: {  	[sflag:s26] =	ssyncset.done $0x0  }
0x430: {  	[sflag:s26] =	ssyncadd.s32 $0xFFFFFD80  }
0x431: {  	_ =	swait.ge [sflag:s26], $0x280  }
0x432: {  	[sflag:s26] =	ssyncset.done $0x0  }
0x433: {  	[sflag:s26] =	ssyncadd.s32 $0xFFFFFD80  }
0x434: {  	_ =	swait.ge [sflag:s26], $0x280  }
0x435: {  	[sflag:s26] =	ssyncset.done $0x0  }
0x436: {  	[sflag:s26] =	ssyncadd.s32 $0xFFFFFD80  }
0x437: {  	_ =	swait.ge [sflag:s26], $0x280  }
0x438: {  	[sflag:s26] =	ssyncset.done $0x0  }
0x439: {  	[sflag:s26] =	ssyncadd.s32 $0xFFFFFD80  }
0x43a: {  	_ =	swait.ge [sflag:s26], $0x280  }
0x43b: {  	[sflag:s26] =	ssyncset.done $0x0  }
0x43c: {  	[sflag:s26] =	ssyncadd.s32 $0xFFFFFD80  }
0x43d: {  	_ =	swait.ge [sflag:s26], $0x280  }
0x43e: {  	[sflag:s26] =	ssyncset.done $0x0  }
0x43f: {  	[sflag:s26] =	ssyncadd.s32 $0xFFFFFD80  }
0x440: {  	_ =	swait.ge [sflag:s26], $0x280  }
0x441: {  	[sflag:s26] =	ssyncset.done $0x0  }
0x442: {  	[sflag:s26] =	ssyncadd.s32 $0xFFFFFD80  }
0x443: {  	_ =	swait.ge [sflag:s26], $0x280  }
0x444: {  	[sflag:s26] =	ssyncset.done $0x0  }
0x445: {  	[sflag:s26] =	ssyncadd.s32 $0xFFFFFD80  }
0x446: {  	_ =	swait.ge [sflag:s26], $0x280  }
0x447: {  	[sflag:s26] =	ssyncset.done $0x0  }
0x448: {  	[sflag:s26] =	ssyncadd.s32 $0xFFFFFD80  }
0x449: {  	_ =	swait.ge [sflag:s26], $0x280  }
0x44a: {  	[sflag:s26] =	ssyncset.done $0x0  }
0x44b: {  	[sflag:s26] =	ssyncadd.s32 $0xFFFFFD80  }
0x44c: {  	_ =	swait.ge [sflag:s26], $0x280  }
0x44d: {  	[sflag:s26] =	ssyncset.done $0x0  }
0x44e: {  	[sflag:s26] =	ssyncadd.s32 $0xFFFFFD80  }
0x44f: {  	_ =	swait.ge [sflag:s26], $0x280  }
0x450: {  	[sflag:s26] =	ssyncset.done $0x0  }
0x451: {  	[sflag:s26] =	ssyncadd.s32 $0xFFFFFD80  }
0x452: {  	_ =	swait.ge [sflag:s26], $0x280  }
0x453: {  	[sflag:s26] =	ssyncset.done $0x0  }
0x454: {  	[sflag:s26] =	ssyncadd.s32 $0xFFFFFD80  }
0x455: {  	_ =	swait.ge [sflag:s26], $0x280  }
0x456: {  	[sflag:s26] =	ssyncset.done $0x0  }
0x457: {  	[sflag:s26] =	ssyncadd.s32 $0xFFFFFD80  }
0x458: {  	_ =	swait.ge [sflag:s26], $0x280  }
0x459: {  	[sflag:s26] =	ssyncset.done $0x0  }
0x45a: {  	[sflag:s26] =	ssyncadd.s32 $0xFFFFFD80  }
0x45b: {  	_ =	swait.ge [sflag:s26], $0x280  }
0x45c: {  	[sflag:s26] =	ssyncset.done $0x0  }
0x45d: {  	[sflag:s26] =	ssyncadd.s32 $0xFFFFFD80  }
0x45e: {  	_ =	swait.ge [sflag:s26], $0x280  }
0x45f: {  	[sflag:s26] =	ssyncset.done $0x0  }
0x460: {  	[sflag:s26] =	ssyncadd.s32 $0xFFFFFD80  }
0x461: {  	_ =	swait.ge [sflag:s26], $0x280  }
0x462: {  	[sflag:s26] =	ssyncset.done $0x0  }
0x463: {  	[sflag:s26] =	ssyncadd.s32 $0xFFFFFD80  }
0x464: {  	_ =	swait.ge [sflag:s26], $0x280  }
0x465: {  	[sflag:s26] =	ssyncset.done $0x0  }
0x466: {  	[sflag:s26] =	ssyncadd.s32 $0xFFFFFD80  }
0x467: {  	_ =	swait.ge [sflag:s26], $0x280  }
0x468: {  	[sflag:s26] =	ssyncset.done $0x0  }
0x469: {  	[sflag:s26] =	ssyncadd.s32 $0xFFFFFD80  }
0x46a: {  	_ =	swait.ge [sflag:s26], $0x280  }
0x46b: {  	[sflag:s26] =	ssyncset.done $0x0  }
0x46c: {  	[sflag:s26] =	ssyncadd.s32 $0xFFFFFD80  }
0x46d: {  	_ =	swait.ge [sflag:s26], $0x280  }
0x46e: {  	[sflag:s26] =	ssyncset.done $0x0  }
0x46f: {  	[sflag:s26] =	ssyncadd.s32 $0xFFFFFD80  }
0x470: {  	_ =	swait.ge [sflag:s26], $0x280  }
0x471: {  	[sflag:s26] =	ssyncset.done $0x0  }
0x472: {  	[sflag:s26] =	ssyncadd.s32 $0xFFFFFD80  }
0x473: {  	_ =	swait.ge [sflag:s26], $0x280  }
0x474: {  	[sflag:s26] =	ssyncset.done $0x0  }
0x475: {  	[sflag:s26] =	ssyncadd.s32 $0xFFFFFD80  }
0x476: {  	_ =	swait.ge [sflag:s26], $0x280  }
0x477: {  	[sflag:s26] =	ssyncset.done $0x0  }
0x478: {  	[sflag:s26] =	ssyncadd.s32 $0xFFFFFD80  }
0x479: {  	_ =	swait.ge [sflag:s26], $0x280  }
0x47a: {  	[sflag:s26] =	ssyncset.done $0x0  }
0x47b: {  	[sflag:s26] =	ssyncadd.s32 $0xFFFFFD80  }
0x47c: {  	_ =	swait.ge [sflag:s26], $0x280  }
0x47d: {  	[sflag:s26] =	ssyncset.done $0x0  }
0x47e: {  	[sflag:s26] =	ssyncadd.s32 $0xFFFFFD80  }
0x47f: {  	_ =	swait.ge [sflag:s26], $0x280  }
0x480: {  	[sflag:s26] =	ssyncset.done $0x0  }
0x481: {  	[sflag:s26] =	ssyncadd.s32 $0xFFFFFD80  }
0x482: {  	_ =	swait.ge [sflag:s26], $0x280  }
0x483: {  	[sflag:s26] =	ssyncset.done $0x0  }
0x484: {  	[sflag:s26] =	ssyncadd.s32 $0xFFFFFD80  }
0x485: {  	_ =	swait.ge [sflag:s26], $0x280  }
0x486: {  	[sflag:s26] =	ssyncset.done $0x0  }
0x487: {  	[sflag:s26] =	ssyncadd.s32 $0xFFFFFD80  }
0x488: {  	_ =	swait.ge [sflag:s26], $0x280  }
0x489: {  	[sflag:s26] =	ssyncset.done $0x0  }
0x48a: {  	[sflag:s26] =	ssyncadd.s32 $0xFFFFFD80  }
0x48b: {  	_ =	swait.ge [sflag:s26], $0x280  }
0x48c: {  	[sflag:s26] =	ssyncset.done $0x0  }
0x48d: {  	[sflag:s26] =	ssyncadd.s32 $0xFFFFFD80  }
0x48e: {  	_ =	swait.ge [sflag:s26], $0x280  }
0x48f: {  	[sflag:s26] =	ssyncset.done $0x0  }
0x490: {  	[sflag:s26] =	ssyncadd.s32 $0xFFFFFD80  }
0x491: {  	_ =	swait.ge [sflag:s26], $0x280  }
0x492: {  	[sflag:s26] =	ssyncset.done $0x0  }
0x493: {  	[sflag:s26] =	ssyncadd.s32 $0xFFFFFD80  }
0x494: {  	_ =	swait.ge [sflag:s26], $0x280  }
0x495: {  	[sflag:s26] =	ssyncset.done $0x0  }
0x496: {  	[sflag:s26] =	ssyncadd.s32 $0xFFFFFD80  }
0x497: {  	_ =	swait.ge [sflag:s26], $0x280  }
0x498: {  	[sflag:s26] =	ssyncset.done $0x0  }
0x499: {  	[sflag:s26] =	ssyncadd.s32 $0xFFFFFD80  }
0x49a: {  	_ =	swait.ge [sflag:s26], $0x280  }
0x49b: {  	[sflag:s26] =	ssyncset.done $0x0  }
0x49c: {  	[sflag:s26] =	ssyncadd.s32 $0xFFFFFD80  }
0x49d: {  	_ =	swait.ge [sflag:s26], $0x280  }
0x49e: {  	[sflag:s26] =	ssyncset.done $0x0  }
0x49f: {  	[sflag:s26] =	ssyncadd.s32 $0xFFFFFD80  }
0x4a0: {  	_ =	swait.ge [sflag:s26], $0x280  }
0x4a1: {  	[sflag:s26] =	ssyncset.done $0x0  }
0x4a2: {  	[sflag:s26] =	ssyncadd.s32 $0xFFFFFD80  }
0x4a3: {  	_ =	swait.ge [sflag:s26], $0x280  }
0x4a4: {  	[sflag:s26] =	ssyncset.done $0x0  }
0x4a5: {  	[sflag:s26] =	ssyncadd.s32 $0xFFFFFD80  }
0x4a6: {  	_ =	swait.ge [sflag:s26], $0x280  }
0x4a7: {  	[sflag:s26] =	ssyncset.done $0x0  }
0x4a8: {  	[sflag:s26] =	ssyncadd.s32 $0xFFFFFD80  }
0x4a9: {  	_ =	swait.ge [sflag:s26], $0x280  }
0x4aa: {  	[sflag:s26] =	ssyncset.done $0x0  }
0x4ab: {  	[sflag:s26] =	ssyncadd.s32 $0xFFFFFD80  }
0x4ac: {  	_ =	swait.ge [sflag:s26], $0x280  }
0x4ad: {  	[sflag:s26] =	ssyncset.done $0x0  }
0x4ae: {  	[sflag:s26] =	ssyncadd.s32 $0xFFFFFD80  }
0x4af: {  	s10 =	simm.s32 $0x0;
	_ =	swait.ge [sflag:s26], $0x280  }
0x4b0: {  	s14 =	sand.u32 $0x70, s10;
	s15 =	sand.u32 $0x1C00, s10;
	[sflag:s26] =	ssyncset.done $0x0  }
0x4b1: {  	s4 =	sor.u32 s14, s15;
	[sflag:s26] =	ssyncadd.s32 $0xFFFFFD80  }
0x4b2: {  	v10 =	vld [tilespmem:s4+$0xF080]  }
0x4b3: {  	v11 =	vld [tilespmem:s4+$0xEF00]  }
0x4b4: {  	v12 =	vld [tilespmem:s4+$0xF200]  }
0x4b5: {  	v16 =	vld [tilespmem:s4+$0x10380]  }
0x4b6: {  	v17 =	vld [tilespmem:s4+$0x10500]  }
0x4b7: {  	v18 =	vld [tilespmem:s4+$0x10680]  }
0x4b8: {  	v19 =	vld [tilespmem:s4+$0x11800];
	v9 =	vmax.f32 v11, v10  }
0x4b9: {  	v20 =	vld [tilespmem:s4+$0x11980];
	v9 =	vmax.f32 v9, v12  }
0x4ba: {  	v21 =	vld [tilespmem:s4+$0x12B00];
	v9 =	vmax.f32 v9, v16  }
0x4bb: {  	v22 =	vld [tilespmem:s4+$0x12C80];
	v9 =	vmax.f32 v9, v17  }
0x4bc: {  	v23 =	vld [tilespmem:s4+$0x12E00];
	v9 =	vmax.f32 v9, v18  }
0x4bd: {  	v24 =	vld [tilespmem:s4+$0x13F80];
	v9 =	vmax.f32 v9, v19  }
0x4be: {  	v25 =	vld [tilespmem:s4+$0x14100];
	v9 =	vmax.f32 v9, v20  }
0x4bf: {  	v15 =	vld [tilespmem:s4+$0x14280];
	v9 =	vmax.f32 v9, v21  }
0x4c0: {  	v14 =	vld [tilespmem:s4+$0x15400];
	v9 =	vmax.f32 v9, v22  }
0x4c1: {  	v13 =	vld [tilespmem:s4+$0x15580];
	v9 =	vmax.f32 v9, v23  }
0x4c2: {  	v9 =	vmax.f32 v9, v24  }
0x4c3: {  	v9 =	vmax.f32 v9, v25  }
0x4c4: {  	v9 =	vmax.f32 v9, v15  }
0x4c5: {  	v9 =	vmax.f32 v9, v14  }
0x4c6: {  	v9 =	vmax.f32 v9, v13  }
0x4c7: {  	v11 =	vsub.f32 v11, v9  }
0x4c8: {  	v10 =	vsub.f32 v10, v9;
	v12 =	vsub.f32 v12, v9  }
0x4c9: {  	v16 =	vsub.f32 v16, v9;
	v17 =	vsub.f32 v17, v9;
	v11 =	vmul.f32 $1.442695020e+00, v11  }
0x4ca: {  	v18 =	vsub.f32 v18, v9;
	v10 =	vmul.f32 $1.442695020e+00, v10;
	v26 =	vmul.f32 $1.442695020e+00, v12  }
0x4cb: {  	v16 =	vmul.f32 $1.442695020e+00, v16;
	v27 =	vmul.f32 $1.442695020e+00, v17  }
0x4cc: {  	v12 =	vld [tilespmem:s4+$0x10600];
	v17 =	vsub.f32 v19, v9;
	v28 =	vmul.f32 $1.442695020e+00, v18;
	(erf) = vpow2.f32 v11  }
0x4cd: {  	v18 =	vsub.f32 v20, v9;
	v19 =	vsub.f32 v21, v9;
	v21 =	vld [tilespmem:s4+$0xEF80];
	(erf) = vpow2.f32 v10  }
0x4ce: {  	v11 =	vld [tilespmem:s4+$0x11700];
	v29 =	vmul.f32 $1.442695020e+00, v17;
	(erf) = vpow2.f32 v26  }
0x4cf: {  	v17 =	vld [tilespmem:s4+$0xF180];
	v20 =	vmul.f32 $1.442695020e+00, v18;
	v18 =	vsub.f32 v22, v9;
	(erf) = vpow2.f32 v16  }
0x4d0: {  	s5 =	simm.s32 $0x16C00;
	v19 =	vmul.f32 $1.442695020e+00, v19;
	v22 =	vsub.f32 v23, v9;
	v23 =	vld [tilespmem:s4+$0xF000];
	(erf) = vpow2.f32 v27  }
0x4d1: {  	s7 =	simm.s32 $0x16700;
	s8 =	simm.s32 $0x16980;
	s11 =	simm.s32 $0x16700;
	v25 =	vsub.f32 v25, v9;
	v10 =	vld [tilespmem:s4+$0x11780];
	v18 =	vmul.f32 $1.442695020e+00, v18;
	(erf) = vpow2.f32 v28  }
0x4d2: {  	s14 =	simm.s32 $0x16C10;
	s12 =	simm.s32 $0x16980;
	s13 =	simm.s32 $0x10;
	v22 =	vmul.f32 $1.442695020e+00, v22;
	v16 =	vsub.f32 v24, v9;
	v24 =	vld [tilespmem:s4+$0xF100];
	(erf) = vpow2.f32 v29  }
.LBB2_14:
0x4d3: {  	v15 =	vsub.f32 v15, v9;
	v14 =	vsub.f32 v14, v9;
	s10 =	sadd.s32 $0x80, s10;
	s11 =	sadd.s32 $0x10, s11;
	s12 =	sadd.s32 $0x10, s12;
	(erf) = vpow2.f32 v20  }
0x4d4: {  	p1 =	sne.s32 s13, $0x270;
	v13 =	vsub.f32 v13, v9;
	s6 =	smov.u32 s13;
	s13 =	sadd.s32 $0x10, s13;
	v20 =	vld [tilespmem:s4+$0xF280];
	v25 =	vmul.f32 $1.442695020e+00, v25;
	(erf) = vpow2.f32 v19  }
0x4d5: {  	v19 =	vld [tilespmem:s4+$0x10300];
	v15 =	vmul.f32 $1.442695020e+00, v15;
	v26 =	vpop (erf);
	(erf) = vpow2.f32 v22  }
0x4d6: {  	v21 =	vmul.f32 v26, v21;
	v22 =	vmul.f32 v26, v23;
	v23 =	vld [tilespmem:s4+$0x10400];
	v26 =	vpop (erf)  }
0x4d7: {  	s6 =	sand.u32 $0x70, s6;
	s15 =	sand.u32 $0x1C00, s10;
	v24 =	vmul.f32 v26, v24;
	v27 =	vld [tilespmem:s4+$0x10480];
	v28 =	vpop (erf);
	(erf) = vpow2.f32 v25  }
0x4d8: {  	s6 =	sor.u32 s6, s15;
	v17 =	vmul.f32 v26, v17;
	v30 =	vadd.f32 $0.0e+00, v21;
	v22 =	vadd.f32 $0.0e+00, v22;
	v25 =	vld [tilespmem:s4+$0x10580];
	v26 =	vpop (erf)  }
0x4d9: {  	v20 =	vmul.f32 v20, v28;
	v29 =	vpop (erf);
	(erf) = vpow2.f32 v18  }
0x4da: {  	v18 =	vadd.f32 v30, v24;
	v17 =	vadd.f32 v22, v17;
	v19 =	vmul.f32 v19, v28;
	v21 =	vpop (erf)  }
0x4db: {  	v12 =	vmul.f32 v12, v29;
	v22 =	vmul.f32 v23, v26;
	v23 =	vpop (erf)  }
0x4dc: {  	v18 =	vadd.f32 v18, v20;
	v17 =	vadd.f32 v19, v17;
	v19 =	vmul.f32 v27, v26;
	v20 =	vld [tilespmem:s4+$0x11880];
	v24 =	vpop (erf)  }
0x4dd: {  	v11 =	vmul.f32 v11, v21;
	v25 =	vmul.f32 v25, v29;
	v26 =	vld [tilespmem:s4+$0x11900];
	v27 =	vpop (erf)  }
0x4de: {  	v10 =	vmul.f32 v10, v21;
	v28 =	vadd.f32 v22, v18;
	v17 =	vadd.f32 v19, v17;
	v19 =	vld [tilespmem:s4+$0x11A00];
	v21 =	vpop (erf)  }
0x4df: {  	v29 =	vmul.f32 $1.442695020e+00, v16;
	v22 =	vld [tilespmem:s4+$0x11A80];
	(erf) = vpow2.f32 v15  }
0x4e0: {  	v14 =	vmul.f32 $1.442695020e+00, v14;
	v15 =	vadd.f32 v25, v28;
	v12 =	vadd.f32 v12, v17;
	v17 =	vld [tilespmem:s4+$0x12B80];
	v18 =	vpop (erf)  }
0x4e1: {  	v20 =	vmul.f32 v20, v23;
	v25 =	vld [tilespmem:s4+$0x12C00];
	(erf) = vpow2.f32 v29  }
0x4e2: {  	v11 =	vadd.f32 v11, v15;
	v10 =	vadd.f32 v10, v12;
	v12 =	vmul.f32 v26, v23;
	v15 =	vld [tilespmem:s4+$0x12D00];
	v16 =	vpop (erf)  }
0x4e3: {  	v19 =	vmul.f32 v19, v24;
	v23 =	vld [tilespmem:s4+$0x12D80];
	(erf) = vpow2.f32 v14  }
0x4e4: {  	v11 =	vadd.f32 v20, v11;
	v10 =	vadd.f32 v12, v10;
	v12 =	vmul.f32 v22, v24;
	v14 =	vld [tilespmem:s4+$0x12E80]  }
0x4e5: {  	v13 =	vmul.f32 $1.442695020e+00, v13;
	v17 =	vmul.f32 v17, v27;
	v20 =	vld [tilespmem:s4+$0x13F00]  }
0x4e6: {  	v11 =	vadd.f32 v19, v11;
	v10 =	vadd.f32 v12, v10;
	v12 =	vmul.f32 v25, v27;
	v19 =	vld [tilespmem:s4+$0x14000]  }
0x4e7: {  	v15 =	vmul.f32 v15, v16;
	v22 =	vld [tilespmem:s4+$0x14080];
	(erf) = vpow2.f32 v13  }
0x4e8: {  	v11 =	vadd.f32 v17, v11;
	v10 =	vadd.f32 v12, v10;
	v12 =	vmul.f32 v23, v16;
	v13 =	vld [tilespmem:s4+$0x14180];
	v16 =	vpop (erf)  }
0x4e9: {  	v14 =	vmul.f32 v14, v21;
	v17 =	vld [tilespmem:s4+$0x14200]  }
0x4ea: {  	v11 =	vadd.f32 v15, v11;
	v10 =	vadd.f32 v12, v10;
	v12 =	vmul.f32 v20, v21;
	v15 =	vld [tilespmem:s4+$0x15300];
	v20 =	vpop (erf)  }
0x4eb: {  	v19 =	vmul.f32 v19, v20;
	v21 =	vld [tilespmem:s4+$0x15380]  }
0x4ec: {  	v11 =	vadd.f32 v14, v11;
	v10 =	vadd.f32 v12, v10;
	v12 =	vmul.f32 v22, v20;
	v14 =	vld [tilespmem:s4+$0x15480];
	v20 =	vpop (erf)  }
0x4ed: {  	v23 =	vmul.f32 v13, v18;
	v22 =	vld [tilespmem:s4+$0x15500]  }
0x4ee: {  	v11 =	vadd.f32 v19, v11;
	v10 =	vadd.f32 v12, v10;
	v12 =	vmul.f32 v17, v18;
	v17 =	vld [tilespmem:s4+$0x15600]  }
0x4ef: {  	v15 =	vmul.f32 v15, v16;
	v18 =	vld [tilespmem:s4+$0x15680];
	s4 =	smov.u32 s6  }
0x4f0: {  	v11 =	vadd.f32 v23, v11;
	v10 =	vadd.f32 v12, v10;
	v12 =	vmul.f32 v21, v16;
	v13 =	vpop (erf)  }
0x4f1: {  	v14 =	vmul.f32 v14, v20  }
0x4f2: {  	v11 =	vadd.f32 v15, v11;
	v10 =	vadd.f32 v12, v10;
	v12 =	vmul.f32 v22, v20  }
0x4f3: {  	v15 =	vmul.f32 v17, v13  }
0x4f4: {  	v11 =	vadd.f32 v14, v11;
	v10 =	vadd.f32 v12, v10;
	v12 =	vmul.f32 v18, v13;
	_ =	sdelay $0x1  }
0x4f5: {  	v11 =	vadd.f32 v15, v11;
	v10 =	vadd.f32 v12, v10;
	[tilespmem:s7+$0x0] =	vst v9;
	s7 =	smov.u32 s11;
	_ =	sdelay $0x1  }
0x4f6: {  	[tilespmem:s8+$0x0] =	vst v11;
	s8 =	smov.u32 s12  }
0x4f7: {  	[tilespmem:s5+$0x0] =	vst v10;
	s5 =	smov.u32 s14  }
0x4f8: {  	v16 =	vld [tilespmem:s4+$0x10680]  }
0x4f9: {  	v18 =	vld [tilespmem:s4+$0x10500]  }
0x4fa: {  	v19 =	vld [tilespmem:s4+$0x10380]  }
0x4fb: {  	v20 =	vld [tilespmem:s4+$0xF200]  }
0x4fc: {  	v21 =	vld [tilespmem:s4+$0xF080]  }
0x4fd: {  	v22 =	vld [tilespmem:s4+$0xEF00]  }
0x4fe: {  	v12 =	vld [tilespmem:s4+$0x10600]  }
0x4ff: {  	v11 =	vld [tilespmem:s4+$0x11700]  }
0x500: {  	v10 =	vld [tilespmem:s4+$0x11780]  }
0x501: {  	v23 =	vld [tilespmem:s4+$0x11800]  }
0x502: {  	v9 =	vmax.f32 v22, v21;
	v24 =	vld [tilespmem:s4+$0x12B00]  }
0x503: {  	v9 =	vmax.f32 v9, v20;
	v25 =	vld [tilespmem:s4+$0x11980]  }
0x504: {  	v9 =	vmax.f32 v9, v19;
	v26 =	vld [tilespmem:s4+$0x12C80]  }
0x505: {  	v9 =	vmax.f32 v9, v18;
	v27 =	vld [tilespmem:s4+$0x12E00]  }
0x506: {  	v9 =	vmax.f32 v9, v16;
	v28 =	vld [tilespmem:s4+$0x13F80]  }
0x507: {  	v9 =	vmax.f32 v9, v23;
	v29 =	vld [tilespmem:s4+$0x14100]  }
0x508: {  	v9 =	vmax.f32 v9, v25;
	v15 =	vld [tilespmem:s4+$0x14280]  }
0x509: {  	v9 =	vmax.f32 v9, v24;
	v14 =	vld [tilespmem:s4+$0x15400]  }
0x50a: {  	v9 =	vmax.f32 v9, v26;
	v13 =	vld [tilespmem:s4+$0x15580]  }
0x50b: {  	v9 =	vmax.f32 v9, v27;
	v17 =	vld [tilespmem:s4+$0xF180]  }
0x50c: {  	v9 =	vmax.f32 v9, v28  }
0x50d: {  	v9 =	vmax.f32 v9, v29  }
0x50e: {  	v9 =	vmax.f32 v9, v15  }
0x50f: {  	v9 =	vmax.f32 v9, v14  }
0x510: {  	v9 =	vmax.f32 v9, v13  }
0x511: {  	v22 =	vsub.f32 v22, v9;
	v21 =	vsub.f32 v21, v9  }
0x512: {  	v20 =	vsub.f32 v20, v9;
	v19 =	vsub.f32 v19, v9  }
0x513: {  	v18 =	vsub.f32 v18, v9;
	v22 =	vmul.f32 $1.442695020e+00, v22;
	v21 =	vmul.f32 $1.442695020e+00, v21  }
0x514: {  	v16 =	vsub.f32 v16, v9;
	v20 =	vmul.f32 $1.442695020e+00, v20;
	v19 =	vmul.f32 $1.442695020e+00, v19  }
0x515: {  	v23 =	vsub.f32 v23, v9;
	v18 =	vmul.f32 $1.442695020e+00, v18;
	(erf) = vpow2.f32 v22  }
0x516: {  	v22 =	vmul.f32 $1.442695020e+00, v16;
	v16 =	vsub.f32 v25, v9;
	(erf) = vpow2.f32 v21  }
.Ltmp10:
0x517: {  	v30 =	vmul.f32 $1.442695020e+00, v23;
	v23 =	vsub.f32 v24, v9;
	(erf) = vpow2.f32 v20;
	(pc) =	sbr.rel @p1 .LBB2_14-.Ltmp10, $4  }
0x518: {  	v20 =	vmul.f32 $1.442695020e+00, v16;
	v16 =	vsub.f32 v26, v9;
	(erf) = vpow2.f32 v19  }
0x519: {  	v25 =	vsub.f32 v27, v9;
	v19 =	vmul.f32 $1.442695020e+00, v23;
	v21 =	vld [tilespmem:s4+$0xEF80];
	(erf) = vpow2.f32 v18  }
0x51a: {  	v18 =	vmul.f32 $1.442695020e+00, v16;
	v16 =	vsub.f32 v28, v9;
	v23 =	vld [tilespmem:s4+$0xF000];
	(erf) = vpow2.f32 v22  }
0x51b: {  	s14 =	sadd.s32 $0x10, s14;
	v22 =	vmul.f32 $1.442695020e+00, v25;
	v25 =	vsub.f32 v29, v9;
	v24 =	vld [tilespmem:s4+$0xF100];
	(erf) = vpow2.f32 v30  }
0x51c: {  	_ =	sdelay $0x1  }
0x51d: {  	v27 =	vld [tilespmem:s4+$0xF280];
	v26 =	vpop (erf)  }
0x51e: {  	v28 =	vld [tilespmem:s4+$0x10300];
	v21 =	vmul.f32 v26, v21  }
0x51f: {  	v50 =	vld [tilespmem:s4+$0x10400];
	v29 =	vpop (erf);
	v23 =	vmul.f32 v26, v23  }
0x520: {  	v51 =	vld [tilespmem:s4+$0x10480];
	v15 =	vsub.f32 v15, v9;
	v24 =	vmul.f32 v29, v24;
	v21 =	vadd.f32 $0.0e+00, v21  }
0x521: {  	v53 =	vld [tilespmem:s4+$0x10580];
	v25 =	vmul.f32 $1.442695020e+00, v25;
	v17 =	vmul.f32 v29, v17;
	v52 =	vpop (erf);
	v23 =	vadd.f32 $0.0e+00, v23  }
0x522: {  	(erf) = vpow2.f32 v20;
	v27 =	vmul.f32 v27, v52;
	v21 =	vadd.f32 v21, v24  }
0x523: {  	(erf) = vpow2.f32 v19;
	v54 =	vpop (erf);
	v55 =	vmul.f32 v28, v52;
	v17 =	vadd.f32 v23, v17  }
0x524: {  	(erf) = vpow2.f32 v22;
	v56 =	vmul.f32 v50, v54;
	v21 =	vadd.f32 v21, v27  }
0x525: {  	v58 =	vld [tilespmem:s4+$0x11880];
	(erf) = vpow2.f32 v25;
	v57 =	vpop (erf);
	v19 =	vmul.f32 v51, v54;
	v17 =	vadd.f32 v55, v17  }
0x526: {  	v60 =	vld [tilespmem:s4+$0x11900];
	(erf) = vpow2.f32 v18;
	v59 =	vmul.f32 v53, v57;
	v21 =	vadd.f32 v56, v21  }
0x527: {  	v62 =	vld [tilespmem:s4+$0x11A00];
	v15 =	vmul.f32 $1.442695020e+00, v15;
	v61 =	vpop (erf);
	v12 =	vmul.f32 v12, v57;
	v17 =	vadd.f32 v19, v17  }
0x528: {  	v63 =	vld [tilespmem:s4+$0x11A80];
	v16 =	vmul.f32 $1.442695020e+00, v16;
	v11 =	vmul.f32 v11, v61;
	v18 =	vadd.f32 v59, v21  }
0x529: {  	v26 =	vpop (erf);
	v10 =	vmul.f32 v10, v61;
	(erf) = vpow2.f32 v15;
	v27 =	vld [tilespmem:s4+$0x12B80];
	v12 =	vadd.f32 v12, v17  }
0x52a: {  	v29 =	vld [tilespmem:s4+$0x12C00];
	v28 =	vmul.f32 v58, v26;
	(erf) = vpow2.f32 v16;
	v11 =	vadd.f32 v11, v18  }
0x52b: {  	v32 =	vld [tilespmem:s4+$0x12D00];
	v31 =	vmul.f32 v60, v26;
	v30 =	vpop (erf);
	v10 =	vadd.f32 v10, v12  }
0x52c: {  	v14 =	vsub.f32 v14, v9;
	v34 =	vld [tilespmem:s4+$0x12D80];
	v33 =	vpop (erf);
	v19 =	vmul.f32 v62, v30;
	v11 =	vadd.f32 v28, v11  }
0x52d: {  	v37 =	vld [tilespmem:s4+$0x12E80];
	v13 =	vsub.f32 v13, v9;
	v36 =	vmul.f32 v63, v30;
	v35 =	vpop (erf);
	v10 =	vadd.f32 v31, v10  }
0x52e: {  	v39 =	vld [tilespmem:s4+$0x13F00];
	v14 =	vmul.f32 $1.442695020e+00, v14;
	v15 =	vmul.f32 v27, v33;
	v38 =	vpop (erf);
	v11 =	vadd.f32 v19, v11  }
0x52f: {  	v42 =	vld [tilespmem:s4+$0x14000];
	v13 =	vmul.f32 $1.442695020e+00, v13;
	v41 =	vmul.f32 v29, v33;
	v40 =	vpop (erf);
	v10 =	vadd.f32 v36, v10  }
0x530: {  	v43 =	vld [tilespmem:s4+$0x14080];
	(erf) = vpow2.f32 v14;
	v18 =	vmul.f32 v32, v40;
	v11 =	vadd.f32 v15, v11  }
0x531: {  	v45 =	vld [tilespmem:s4+$0x14180];
	v44 =	vmul.f32 v34, v40;
	v10 =	vadd.f32 v41, v10  }
0x532: {  	v47 =	vld [tilespmem:s4+$0x14200];
	v16 =	vmul.f32 v37, v35;
	(erf) = vpow2.f32 v13;
	v46 =	vpop (erf);
	v11 =	vadd.f32 v18, v11  }
0x533: {  	v49 =	vld [tilespmem:s4+$0x15300];
	v48 =	vmul.f32 v39, v35;
	v50 =	vpop (erf);
	v10 =	vadd.f32 v44, v10  }
0x534: {  	v51 =	vld [tilespmem:s4+$0x15380];
	v14 =	vmul.f32 v42, v50;
	v11 =	vadd.f32 v16, v11  }
0x535: {  	v53 =	vld [tilespmem:s4+$0x15480];
	v52 =	vmul.f32 v43, v50;
	v10 =	vadd.f32 v48, v10  }
0x536: {  	v54 =	vld [tilespmem:s4+$0x15500];
	v15 =	vmul.f32 v45, v38;
	v11 =	vadd.f32 v14, v11  }
0x537: {  	v56 =	vld [tilespmem:s4+$0x15600];
	v55 =	vmul.f32 v47, v38;
	v10 =	vadd.f32 v52, v10  }
0x538: {  	v57 =	vld [tilespmem:s4+$0x15680];
	v17 =	vmul.f32 v49, v46;
	v11 =	vadd.f32 v15, v11  }
0x539: {  	v59 =	vmul.f32 v51, v46;
	v58 =	vpop (erf);
	v10 =	vadd.f32 v55, v10  }
0x53a: {  	v60 =	vmul.f32 v53, v58;
	v11 =	vadd.f32 v17, v11  }
0x53b: {  	v62 =	vmul.f32 v54, v58;
	v61 =	vpop (erf);
	v10 =	vadd.f32 v59, v10  }
0x53c: {  	v14 =	vmul.f32 v56, v61;
	v11 =	vadd.f32 v60, v11  }
0x53d: {  	v63 =	vmul.f32 v57, v61;
	v10 =	vadd.f32 v62, v10  }
0x53e: {  	v11 =	vadd.f32 v14, v11  }
0x53f: {  	[tilespmem:s7+$0x0] =	vst v9;
	v10 =	vadd.f32 v63, v10  }
0x540: {  	[tilespmem:s8+$0x0] =	vst v11  }
0x541: {  	s10 =	simm.s32 $0x16700;
	s8 =	rddreg [dreg:$0x16];
	[tilespmem:s5+$0x0] =	vst v10  }
0x542: {  	[hbm4b:s8+s31] =	stream.strided.scatter [tilespmem:s10], [sflag:$0x1], $0x280, s0, s31, $0x38;
	[tilespmem:$0x1E900] =	vst v63  }
0x543: {  	s11 =	rddreg [dreg:$0x17];
	s12 =	simm.s32 $0x16980  }
0x544: {  	[hbm4b:s11+s31] =	stream.strided.scatter [tilespmem:s12], [sflag:$0x1], $0x280, s0, s31, $0x38;
	[tilespmem:$0x1E900] =	vst v63  }
0x545: {  	s13 =	rddreg [dreg:$0x18];
	s14 =	simm.s32 $0x16C00  }
0x546: {  	[hbm4b:s13+s31] =	stream.strided.scatter [tilespmem:s14], [sflag:$0x1], $0x280, s0, s31, $0x38;
	[tilespmem:$0x1E900] =	vst v63  }
0x547: {  	_ =	swait.ge [sflag:s26], $0x280  }
0x548: {  	[sflag:s26] =	ssyncset.done $0x0  }
0x549: {  	[sflag:s26] =	ssyncadd.s32 $0xFFFFFD80  }
0x54a: {  	_ =	swait.ge [sflag:s26], $0x280  }
0x54b: {  	[sflag:s26] =	ssyncset.done $0x0  }
0x54c: {  	[sflag:s26] =	ssyncadd.s32 $0xFFFFFD80  }
0x54d: {  	_ =	swait.ge [sflag:s26], $0x280  }
0x54e: {  	s2 =	sadd.s32 $0x1, s2;
	s15 =	rddreg [dreg:$0x19]  }
0x54f: {  	p1 =	sne.s32 s2, s15  }
.Ltmp11:
0x550: {  	_ = 	snop;
	(pc) =	sbr.rel @p1 .LBB2_1-.Ltmp11, $3  }
0x551: {  	_ =	sdelay $0x1  }
0x552: {  	[sflag:s26] =	ssyncset.done $0x0  }
0x553: {  	[sflag:s26] =	ssyncadd.s32 $0xFFFFFD80  }
0x554: {  	_ =	sfence.sel $0x180000  }
0x555: {  	[bflag:$0x0] =	sbarrier.arrive $0xFFFF  }
0x556: {  	_ =	strace $0x90000047  }
0x557: {  	[bflag:$0x2] =	sbarrier.arrive $0xFFFF  }
0x558: {  	s0 =	rddreg [dreg:$0x4]  }
0x559: {  	s0 =	sadd.s32 @!p0 $0x100000, s0  }
0x55a: {  	[sflag:s0] =	ssyncadd.tile.s32 @!p0 $0x1;
	_ =	shalt  }
.Lfunc_end2:
_tile_overlayer_lowered:
.L_overlay_start_2:
0x55b: {  	(tag) =	ssettag $0x2  }
0x55c: {  	s0 =	rddreg [dreg:$0x0];
	s2 =	stileid.u32  }
0x55d: {  	s1 =	rddreg [dreg:$0x1];
	p0 =	sne.s32 s2, $0x0  }
0x55e: {  	s3 =	rddreg [dreg:$0x2];
	[bflag:$0x3] =	sbarrier.arrive $0xFFFF;
	s2 =	simm.s32 @!p0 $0x1C02  }
0x55f: {  	[timem:s3], [sflag:s2] =	dma.local @!p0 [hbm:s0], s1  }
0x560: {  	s0 =	simm.s32 @!p0 $0x2  }
0x561: {  	_ =	swait.ge @!p0 [sflag:s0], s1  }
0x562: {  	s1 =	ssub.s32 @!p0 $0x0, s1;
	[sflag:s0] =	ssyncset.done @!p0 $0x0  }
0x563: {  	[sflag:s0] =	ssyncadd.s32 @!p0 s1  }
0x564: {  	[bflag:$0x3] =	sbarrier.arrive $0xFFFF  }
0x565: {  	_ =	shalt  }

</sc_bundles>
